<compile_context>
chip_gen: v7x
topology: tpu7x:2x2x1
jax: 0.10.2.dev20260603
libtpu: 0.0.44.dev20260713+nightly
codegen_flags: <defaults>
</compile_context>

<pallas_src>
import functools

import jax
import jax.numpy as jnp
from jax import lax
from jax.experimental import pallas as pl
from jax.experimental.pallas import tpu as pltpu
from jax.experimental.pallas import tpu_sc as plsc

NC = 2
NS = 16
L = 16
NW = NC * NS

IDX_CHUNK = 128
PACK = 4
TCOLS = 8192


def _cdiv(a, b):
    return -(-a // b)


@functools.lru_cache(maxsize=None)
def _build_tc_relayout(N: int, D: int):
    ROWS = TCOLS // PACK
    nsteps = _cdiv(N, TCOLS)

    def body(u_in, i_in, u_out, i_out):
        for src, dst in ((u_in, u_out), (i_in, i_out)):
            for k in range(PACK):
                y = src[:, pl.ds(k * ROWS, ROWS)].T
                dst[:, pl.ds(k * D, D)] = y

    in_spec = pl.BlockSpec((D, TCOLS), lambda i: (0, i))
    out_spec = pl.BlockSpec((ROWS, PACK * D), lambda i: (i, 0))
    out_ty = jax.ShapeDtypeStruct((nsteps * ROWS, PACK * D), jnp.float32)
    return pl.pallas_call(
        body,
        grid=(nsteps,),
        in_specs=[in_spec, in_spec],
        out_specs=[out_spec, out_spec],
        out_shape=[out_ty, out_ty],
        compiler_params=pltpu.CompilerParams(
            vmem_limit_bytes=100 * 1024 * 1024),
    )


@functools.lru_cache(maxsize=None)
def _build_sc_kernel(B: int, N: int, D: int):
    assert B % (NW * L) == 0 and D * PACK == 128
    BPW = B // NW
    NIDX = BPW // IDX_CHUNK

    mesh = plsc.VectorSubcoreMesh(core_axis_name="c", subcore_axis_name="s")

    @functools.partial(
        pl.kernel,
        out_type=jax.ShapeDtypeStruct((B // IDX_CHUNK, IDX_CHUNK),
                                      jnp.float32),
        mesh=mesh,
        scratch_types=[
            pltpu.VMEM((NIDX, IDX_CHUNK), jnp.int32),
            pltpu.VMEM((NIDX, IDX_CHUNK), jnp.int32),
            pltpu.VMEM((NIDX, IDX_CHUNK), jnp.int32),
            pltpu.VMEM((NIDX, IDX_CHUNK), jnp.int32),
            pltpu.VMEM((NIDX, IDX_CHUNK), jnp.int32),
            pltpu.VMEM((NIDX, IDX_CHUNK), jnp.int32),
            pltpu.VMEM((IDX_CHUNK, PACK * 32), jnp.float32),
            pltpu.VMEM((IDX_CHUNK, PACK * 32), jnp.float32),
            pltpu.VMEM((IDX_CHUNK, 128), jnp.float32),
            pltpu.VMEM((IDX_CHUNK, 128), jnp.float32),
            pltpu.VMEM((L * L,), jnp.float32),
            pltpu.VMEM((NIDX, IDX_CHUNK), jnp.float32),
            pltpu.SemaphoreType.DMA,
        ],
        compiler_params=pltpu.CompilerParams(needs_layout_passes=False),
    )
    def sc_kernel(uidx_hbm, iidx_hbm, uf_hbm, if_hbm, ub_hbm, ib_hbm,
                  out_hbm, uidx_v, iidx_v, ublk_v, iblk_v, ubb_v, ibb_v,
                  uslab_v, islab_v, ubs_v, ibs_v, prod_v, out_v, sem):
        wid = lax.axis_index("s") * NC + lax.axis_index("c")

        pltpu.sync_copy(uidx_hbm.at[pl.ds(wid * NIDX, NIDX)], uidx_v)
        pltpu.sync_copy(iidx_hbm.at[pl.ds(wid * NIDX, NIDX)], iidx_v)

        iota = lax.iota(jnp.int32, L)

        def blk_body(i, carry):
            j = i // (IDX_CHUNK // L)
            off = (i % (IDX_CHUNK // L)) * L
            s = pl.ds(off, L)
            u = uidx_v[j, s]
            it = iidx_v[j, s]
            rows = TCOLS // PACK
            sb = TCOLS.bit_length() - 1
            ublk_v[j, s] = (u >> sb) * rows + (u & (rows - 1))
            iblk_v[j, s] = (it >> sb) * rows + (it & (rows - 1))
            ubb_v[j, s] = u >> 7
            ibb_v[j, s] = it >> 7
            return carry
        lax.fori_loop(0, BPW // L, blk_body, 0)

        nh = D // L

        for c in range(NIDX):
            copies = [
                pltpu.make_async_copy(uf_hbm.at[ublk_v.at[c]], uslab_v, sem),
                pltpu.make_async_copy(if_hbm.at[iblk_v.at[c]], islab_v, sem),
                pltpu.make_async_copy(ub_hbm.at[ubb_v.at[c]], ubs_v, sem),
                pltpu.make_async_copy(ib_hbm.at[ibb_v.at[c]], ibs_v, sem),
            ]
            for cp in copies:
                cp.start()
            for cp in copies:
                cp.wait()

            def comp_body(e16, carry, c=c):
                ebase = e16 * L
                uvec = uidx_v[c, pl.ds(ebase, L)]
                ivec = iidx_v[c, pl.ds(ebase, L)]
                rb = (TCOLS // PACK).bit_length() - 1
                uoff = ((uvec >> rb) & (PACK - 1)) * D
                ioff = ((ivec >> rb) & (PACK - 1)) * D
                ubcol = uvec & 127
                ibcol = ivec & 127
                for l in range(L):
                    e = ebase + l
                    uo = uoff[l]
                    io = ioff[l]
                    t = (uslab_v[e, pl.ds(uo, L)]
                         * islab_v[e, pl.ds(io, L)])
                    for h in range(1, nh):
                        t += (uslab_v[e, pl.ds(uo + h * L, L)]
                              * islab_v[e, pl.ds(io + h * L, L)])
                    uc = ubcol[l]
                    ic = ibcol[l]
                    ubv = ubs_v[e, pl.ds(uc & 0x70, L)]
                    ibv = ibs_v[e, pl.ds(ic & 0x70, L)]
                    t = t + jnp.where(iota == (uc & 15), ubv, 0.0)
                    t = t + jnp.where(iota == (ic & 15), ibv, 0.0)
                    plsc.store_scatter(prod_v, [iota * L + l], t)
                acc = prod_v[pl.ds(0, L)]
                for d in range(1, L):
                    acc += prod_v[pl.ds(d * L, L)]
                out_v[c, pl.ds(ebase, L)] = acc
                return carry
            lax.fori_loop(0, IDX_CHUNK // L, comp_body, 0)

        pltpu.sync_copy(out_v, out_hbm.at[pl.ds(wid * NIDX, NIDX)])

    return sc_kernel


def kernel(user_item_tuple, user_factors, item_factors, user_biases,
           item_biases):
    uit = user_item_tuple.astype(jnp.int32)
    B = uit.shape[0]
    N, D = user_factors.shape
    u_idx = uit[:, 0].reshape(B // IDX_CHUNK, IDX_CHUNK)
    i_idx = uit[:, 1].reshape(B // IDX_CHUNK, IDX_CHUNK)
    ufr, ifr = _build_tc_relayout(N, D)(user_factors.T, item_factors.T)
    npad = (-N) % 128
    ubr = jnp.pad(user_biases, ((0, npad), (0, 0))).reshape(-1, 128)
    ibr = jnp.pad(item_biases, ((0, npad), (0, 0))).reshape(-1, 128)
    out2 = _build_sc_kernel(B, N, D)(u_idx, i_idx, ufr, ifr, ubr, ibr)
    return out2.reshape(B)

# --- scband reference (transcript-rebuilt; emitter-appended) ---
"""Pipeline reference for scband-biased-matrix-factorization-13176959664553 (READ-ONLY COPY).

The authoritative reference and input builder live on the scoring server;
editing this copy changes nothing except your own understanding.
"""

import jax, jax.numpy as jnp
import numpy as np

N_USERS = 1000000
N_ITEMS = 1000000
N_FACTORS = 32
BATCH = 16384


def _lecun_normal(key, shape):
    fan_in = shape[-1] if len(shape) > 1 else shape[0]
    std = 1.0 / np.sqrt(fan_in)
    return jax.random.normal(key, shape, dtype=jnp.float32) * std


def setup_inputs(seed: int = 0) -> dict:
    key = jax.random.key(seed)
    k_idx, k_uf, k_if, k_ub, k_ib = jax.random.split(key, 5)
    user_item_tuple = jax.random.randint(k_idx, (BATCH, 2), 0, min(N_USERS, N_ITEMS))
    user_factors = _lecun_normal(k_uf, (N_USERS, N_FACTORS))
    item_factors = _lecun_normal(k_if, (N_ITEMS, N_FACTORS))
    user_biases = _lecun_normal(k_ub, (N_USERS, 1))
    item_biases = _lecun_normal(k_ib, (N_ITEMS, 1))
    return {
        "user_item_tuple": user_item_tuple,
        "user_factors": user_factors,
        "item_factors": item_factors,
        "user_biases": user_biases,
        "item_biases": item_biases,
    }


def reference(user_item_tuple, user_factors, item_factors, user_biases, item_biases):
    user = user_item_tuple[:, 0]
    item = user_item_tuple[:, 1]
    pred = jnp.take(user_biases, user, axis=0)[:, 0] + jnp.take(item_biases, item, axis=0)[:, 0]
    pred = pred + (jnp.take(user_factors, user, axis=0) * jnp.take(item_factors, item, axis=0)).sum(1)
    return pred

if __name__ == "__main__":
    import jax
    _d = setup_inputs()
    print(jax.jit(kernel)(*tuple(_d.values())))

</pallas_src>

<mosaic_0001>
#map = affine_map<(d0, d1) -> (0, 0)>
module attributes {stable_mosaic.version = 14 : i64} {
  func.func @sc_kernel(%arg0: i32, %arg1: i32, %arg2: memref<128x128xi32, #tpu.memory_space<hbm>>, %arg3: memref<128x128xi32, #tpu.memory_space<hbm>>, %arg4: memref<251904x128xf32, #tpu.memory_space<hbm>>, %arg5: memref<251904x128xf32, #tpu.memory_space<hbm>>, %arg6: memref<7813x128xf32, #tpu.memory_space<hbm>>, %arg7: memref<7813x128xf32, #tpu.memory_space<hbm>>, %arg8: memref<128x128xf32, #tpu.memory_space<hbm>>, %arg9: memref<4x128xi32, #tpu.memory_space<vmem>>, %arg10: memref<4x128xi32, #tpu.memory_space<vmem>>, %arg11: memref<4x128xi32, #tpu.memory_space<vmem>>, %arg12: memref<4x128xi32, #tpu.memory_space<vmem>>, %arg13: memref<4x128xi32, #tpu.memory_space<vmem>>, %arg14: memref<4x128xi32, #tpu.memory_space<vmem>>, %arg15: memref<128x128xf32, #tpu.memory_space<vmem>>, %arg16: memref<128x128xf32, #tpu.memory_space<vmem>>, %arg17: memref<128x128xf32, #tpu.memory_space<vmem>>, %arg18: memref<128x128xf32, #tpu.memory_space<vmem>>, %arg19: memref<256xf32, #tpu.memory_space<vmem>>, %arg20: memref<4x128xf32, #tpu.memory_space<vmem>>, %arg21: memref<!tpu.dma_semaphore, #tpu.memory_space<semaphore_mem>>) attributes {dimension_semantics = [#tpu.dimension_semantics<core_parallel>, #tpu.dimension_semantics<subcore_parallel>], iteration_bounds = array<i64: 2, 16>, scalar_prefetch = 0 : i64, scratch_operands = 13 : i64, tpu.core_type = #tpu.core_type<sc_vector_subcore>, window_params = [{transform_indices = #map}, {transform_indices = #map}, {transform_indices = #map}, {transform_indices = #map}, {transform_indices = #map}, {transform_indices = #map}, {transform_indices = #map}]} {
    %mul3A = arith.constant 2 : i32
    %mul3A_0 = arith.muli %arg1, %mul3A : i32
    %add3A = arith.addi %mul3A_0, %arg0 : i32
    %mul3A_1 = arith.constant 4 : i32
    %mul3A_2 = arith.muli %add3A, %mul3A_1 : i32
    "tpu.region"() ({
      %run_scoped3A = tpu.sem_alloc : memref<!tpu.dma_semaphore, #tpu.memory_space<semaphore_mem>>
      %dma_start3A_258 = arith.constant 0 : i32
      %dma_start3A_259 = tpu.memref_slice %arg2[%mul3A_2, %dma_start3A_258] : memref<128x128xi32, #tpu.memory_space<hbm>> -> memref<4x128xi32, #tpu.memory_space<hbm>>
      %dma_start3A_260 = arith.constant 0 : i32
      %dma_start3A_261 = tpu.memref_slice %arg2[%mul3A_2, %dma_start3A_260] : memref<128x128xi32, #tpu.memory_space<hbm>> -> memref<4x128xi32, #tpu.memory_space<hbm>>
      tpu.enqueue_dma source(%dma_start3A_261 : memref<4x128xi32, #tpu.memory_space<hbm>>) target(%arg9 : memref<4x128xi32, #tpu.memory_space<vmem>>) target_semaphore(%run_scoped3A : memref<!tpu.dma_semaphore, #tpu.memory_space<semaphore_mem>>)
      %dma_wait3A_262 = arith.constant 0 : i32
      %dma_wait3A_263 = tpu.memref_slice %arg2[%mul3A_2, %dma_wait3A_262] : memref<128x128xi32, #tpu.memory_space<hbm>> -> memref<4x128xi32, #tpu.memory_space<hbm>>
      %dma_wait3A_264 = arith.constant 0 : i32
      %dma_wait3A_265 = tpu.memref_slice %arg2[%mul3A_2, %dma_wait3A_264] : memref<128x128xi32, #tpu.memory_space<hbm>> -> memref<4x128xi32, #tpu.memory_space<hbm>>
      tpu.wait_dma2 semaphore(%run_scoped3A : memref<!tpu.dma_semaphore, #tpu.memory_space<semaphore_mem>>) src(%dma_wait3A_265 : memref<4x128xi32, #tpu.memory_space<hbm>>) dst(%arg9 : memref<4x128xi32, #tpu.memory_space<vmem>>)
      tpu.yield
    }) : () -> ()
    %mul3A_3 = arith.constant 4 : i32
    %mul3A_4 = arith.muli %add3A, %mul3A_3 : i32
    "tpu.region"() ({
      %run_scoped3A = tpu.sem_alloc : memref<!tpu.dma_semaphore, #tpu.memory_space<semaphore_mem>>
      %dma_start3A_258 = arith.constant 0 : i32
      %dma_start3A_259 = tpu.memref_slice %arg3[%mul3A_4, %dma_start3A_258] : memref<128x128xi32, #tpu.memory_space<hbm>> -> memref<4x128xi32, #tpu.memory_space<hbm>>
      %dma_start3A_260 = arith.constant 0 : i32
      %dma_start3A_261 = tpu.memref_slice %arg3[%mul3A_4, %dma_start3A_260] : memref<128x128xi32, #tpu.memory_space<hbm>> -> memref<4x128xi32, #tpu.memory_space<hbm>>
      tpu.enqueue_dma source(%dma_start3A_261 : memref<4x128xi32, #tpu.memory_space<hbm>>) target(%arg10 : memref<4x128xi32, #tpu.memory_space<vmem>>) target_semaphore(%run_scoped3A : memref<!tpu.dma_semaphore, #tpu.memory_space<semaphore_mem>>)
      %dma_wait3A_262 = arith.constant 0 : i32
      %dma_wait3A_263 = tpu.memref_slice %arg3[%mul3A_4, %dma_wait3A_262] : memref<128x128xi32, #tpu.memory_space<hbm>> -> memref<4x128xi32, #tpu.memory_space<hbm>>
      %dma_wait3A_264 = arith.constant 0 : i32
      %dma_wait3A_265 = tpu.memref_slice %arg3[%mul3A_4, %dma_wait3A_264] : memref<128x128xi32, #tpu.memory_space<hbm>> -> memref<4x128xi32, #tpu.memory_space<hbm>>
      tpu.wait_dma2 semaphore(%run_scoped3A : memref<!tpu.dma_semaphore, #tpu.memory_space<semaphore_mem>>) src(%dma_wait3A_265 : memref<4x128xi32, #tpu.memory_space<hbm>>) dst(%arg10 : memref<4x128xi32, #tpu.memory_space<vmem>>)
      tpu.yield
    }) : () -> ()
    %iota3A = tpu.iota {dimensions = array<i32: 0>} : vector<16xi32>
    %scan3A = arith.constant 0 : i32
    %scan3A_5 = arith.constant 0 : i32
    %scan3A_6 = arith.constant 32 : i32
    %scan3A_7 = arith.addi %scan3A_5, %scan3A_6 : i32
    %scan3A_8 = arith.constant 1 : i32
    scf.for %scan3A_258 = %scan3A_5 to %scan3A_7 step %scan3A_8  : i32 {
      %jit3A = arith.constant 8 : i32
      %div3A = arith.divsi %scan3A_258, %jit3A : i32
      %sign3A = arith.constant 0 : i32
      %sign3A_259 = arith.cmpi sgt, %scan3A_258, %sign3A : i32
      %sign3A_260 = arith.extui %sign3A_259 : i1 to i32
      %sign3A_261 = arith.constant 0 : i32
      %sign3A_262 = arith.cmpi slt, %scan3A_258, %sign3A_261 : i32
      %sign3A_263 = arith.extui %sign3A_262 : i1 to i32
      %sign3A_264 = arith.subi %sign3A_260, %sign3A_263 : i32
      %sign3A_265 = arith.constant 0 : i32
      %sign3A_266 = arith.cmpi sgt, %jit3A, %sign3A_265 : i32
      %sign3A_267 = arith.extui %sign3A_266 : i1 to i32
      %sign3A_268 = arith.constant 0 : i32
      %sign3A_269 = arith.cmpi slt, %jit3A, %sign3A_268 : i32
      %sign3A_270 = arith.extui %sign3A_269 : i1 to i32
      %sign3A_271 = arith.subi %sign3A_267, %sign3A_270 : i32
      %ne3A = arith.cmpi ne, %sign3A_264, %sign3A_271 : i32
      %rem3A = arith.remsi %scan3A_258, %jit3A : i32
      %ne3A_272 = arith.constant 0 : i32
      %ne3A_273 = arith.cmpi ne, %rem3A, %ne3A_272 : i32
      %and3A = arith.andi %ne3A, %ne3A_273 : i1
      %sub3A = arith.constant 1 : i32
      %sub3A_274 = arith.subi %div3A, %sub3A : i32
      %select_n3A = arith.select %and3A, %sub3A_274, %div3A : i32
      %jit3A_275 = arith.constant 8 : i32
      %eq3A = arith.constant 0 : i32
      %eq3A_276 = arith.cmpi eq, %jit3A_275, %eq3A : i32
      %jit3A_277 = arith.constant 1 : i32
      %select_n3A_278 = arith.select %eq3A_276, %jit3A_277, %jit3A_275 : i32
      %rem3A_279 = arith.remsi %scan3A_258, %select_n3A_278 : i32
      %ne3A_280 = arith.constant 0 : i32
      %ne3A_281 = arith.cmpi ne, %rem3A_279, %ne3A_280 : i32
      %lt3A = arith.constant 0 : i32
      %lt3A_282 = arith.cmpi slt, %rem3A_279, %lt3A : i32
      %lt3A_283 = arith.constant 0 : i32
      %lt3A_284 = arith.cmpi slt, %select_n3A_278, %lt3A_283 : i32
      %ne3A_285 = arith.xori %lt3A_282, %lt3A_284 : i1
      %and3A_286 = arith.andi %ne3A_285, %ne3A_281 : i1
      %add3A_287 = arith.addi %rem3A_279, %select_n3A_278 : i32
      %select_n3A_288 = arith.select %and3A_286, %add3A_287, %rem3A_279 : i32
      %mul3A_289 = arith.constant 16 : i32
      %mul3A_290 = arith.muli %select_n3A_288, %mul3A_289 : i32
      %get3A = arith.index_cast %select_n3A : i32 to index
      %get3A_291 = arith.index_cast %mul3A_290 : i32 to index
      %get3A_292 = tpu.vector_load %arg9[%get3A, %get3A_291] {strides = array<i32>} : memref<4x128xi32, #tpu.memory_space<vmem>>, vector<16xi32>,
      %get3A_293 = arith.index_cast %select_n3A : i32 to index
      %get3A_294 = arith.index_cast %mul3A_290 : i32 to index
      %get3A_295 = tpu.vector_load %arg10[%get3A_293, %get3A_294] {strides = array<i32>} : memref<4x128xi32, #tpu.memory_space<vmem>>, vector<16xi32>,
      %shift_right_arithmetic3A = arith.constant 13 : i32
      %shift_right_arithmetic3A_296 = vector.broadcast %shift_right_arithmetic3A : i32 to vector<16xi32>
      %shift_right_arithmetic3A_297 = arith.shrsi %get3A_292, %shift_right_arithmetic3A_296 : vector<16xi32>
      %mul3A_298 = arith.constant 2048 : i32
      %mul3A_299 = vector.broadcast %mul3A_298 : i32 to vector<16xi32>
      %mul3A_300 = arith.muli %shift_right_arithmetic3A_297, %mul3A_299 : vector<16xi32>
      %and3A_301 = arith.constant 2047 : i32
      %and3A_302 = vector.broadcast %and3A_301 : i32 to vector<16xi32>
      %and3A_303 = arith.andi %get3A_292, %and3A_302 : vector<16xi32>
      %add3A_304 = arith.addi %mul3A_300, %and3A_303 : vector<16xi32>
      %swap3A = arith.index_cast %select_n3A : i32 to index
      %swap3A_305 = arith.index_cast %mul3A_290 : i32 to index
      %swap3A_306 = tpu.vector_load %arg11[%swap3A, %swap3A_305] {strides = array<i32>} : memref<4x128xi32, #tpu.memory_space<vmem>>, vector<16xi32>,
      tpu.vector_store %arg11[%swap3A, %swap3A_305], %add3A_304 {strides = array<i32>} : memref<4x128xi32, #tpu.memory_space<vmem>>, vector<16xi32>,
      %shift_right_arithmetic3A_307 = arith.constant 13 : i32
      %shift_right_arithmetic3A_308 = vector.broadcast %shift_right_arithmetic3A_307 : i32 to vector<16xi32>
      %shift_right_arithmetic3A_309 = arith.shrsi %get3A_295, %shift_right_arithmetic3A_308 : vector<16xi32>
      %mul3A_310 = arith.constant 2048 : i32
      %mul3A_311 = vector.broadcast %mul3A_310 : i32 to vector<16xi32>
      %mul3A_312 = arith.muli %shift_right_arithmetic3A_309, %mul3A_311 : vector<16xi32>
      %and3A_313 = arith.constant 2047 : i32
      %and3A_314 = vector.broadcast %and3A_313 : i32 to vector<16xi32>
      %and3A_315 = arith.andi %get3A_295, %and3A_314 : vector<16xi32>
      %add3A_316 = arith.addi %mul3A_312, %and3A_315 : vector<16xi32>
      %swap3A_317 = arith.index_cast %select_n3A : i32 to index
      %swap3A_318 = arith.index_cast %mul3A_290 : i32 to index
      %swap3A_319 = tpu.vector_load %arg12[%swap3A_317, %swap3A_318] {strides = array<i32>} : memref<4x128xi32, #tpu.memory_space<vmem>>, vector<16xi32>,
      tpu.vector_store %arg12[%swap3A_317, %swap3A_318], %add3A_316 {strides = array<i32>} : memref<4x128xi32, #tpu.memory_space<vmem>>, vector<16xi32>,
      %shift_right_arithmetic3A_320 = arith.constant 7 : i32
      %shift_right_arithmetic3A_321 = vector.broadcast %shift_right_arithmetic3A_320 : i32 to vector<16xi32>
      %shift_right_arithmetic3A_322 = arith.shrsi %get3A_292, %shift_right_arithmetic3A_321 : vector<16xi32>
      %swap3A_323 = arith.index_cast %select_n3A : i32 to index
      %swap3A_324 = arith.index_cast %mul3A_290 : i32 to index
      %swap3A_325 = tpu.vector_load %arg13[%swap3A_323, %swap3A_324] {strides = array<i32>} : memref<4x128xi32, #tpu.memory_space<vmem>>, vector<16xi32>,
      tpu.vector_store %arg13[%swap3A_323, %swap3A_324], %shift_right_arithmetic3A_322 {strides = array<i32>} : memref<4x128xi32, #tpu.memory_space<vmem>>, vector<16xi32>,
      %shift_right_arithmetic3A_326 = arith.constant 7 : i32
      %shift_right_arithmetic3A_327 = vector.broadcast %shift_right_arithmetic3A_326 : i32 to vector<16xi32>
      %shift_right_arithmetic3A_328 = arith.shrsi %get3A_295, %shift_right_arithmetic3A_327 : vector<16xi32>
      %swap3A_329 = arith.index_cast %select_n3A : i32 to index
      %swap3A_330 = arith.index_cast %mul3A_290 : i32 to index
      %swap3A_331 = tpu.vector_load %arg14[%swap3A_329, %swap3A_330] {strides = array<i32>} : memref<4x128xi32, #tpu.memory_space<vmem>>, vector<16xi32>,
      tpu.vector_store %arg14[%swap3A_329, %swap3A_330], %shift_right_arithmetic3A_328 {strides = array<i32>} : memref<4x128xi32, #tpu.memory_space<vmem>>, vector<16xi32>,
    }
    %scan3A_9 = arith.constant 32 : i32
    %dma_start3A = arith.constant 0 : i32
    %dma_start3A_10 = arith.constant 0 : i32
    %dma_start3A_11 = tpu.memref_slice %arg11[%dma_start3A, %dma_start3A_10] : memref<4x128xi32, #tpu.memory_space<vmem>> -> memref<1x128xi32, #tpu.memory_space<vmem>>
    %dma_start3A_12 = tpu.memref_squeeze %dma_start3A_11 : memref<1x128xi32, #tpu.memory_space<vmem>> -> memref<128xi32, #tpu.memory_space<vmem>>
    %dma_start3A_13 = arith.constant 0 : i32
    %dma_start3A_14 = arith.constant 0 : i32
    %dma_start3A_15 = tpu.memref_slice %arg4[%dma_start3A_13, %dma_start3A_14] : memref<251904x128xf32, #tpu.memory_space<hbm>> -> memref<251904x128xf32, #tpu.memory_space<hbm>>
    tpu.enqueue_indirect_dma source(%dma_start3A_15 : memref<251904x128xf32, #tpu.memory_space<hbm>>) target(%arg15 : memref<128x128xf32, #tpu.memory_space<vmem>>) offsets(%dma_start3A_12 : memref<128xi32, #tpu.memory_space<vmem>>) semaphore(%arg21 : memref<!tpu.dma_semaphore, #tpu.memory_space<semaphore_mem>>)
    %dma_start3A_16 = arith.constant 0 : i32
    %dma_start3A_17 = arith.constant 0 : i32
    %dma_start3A_18 = tpu.memref_slice %arg12[%dma_start3A_16, %dma_start3A_17] : memref<4x128xi32, #tpu.memory_space<vmem>> -> memref<1x128xi32, #tpu.memory_space<vmem>>
    %dma_start3A_19 = tpu.memref_squeeze %dma_start3A_18 : memref<1x128xi32, #tpu.memory_space<vmem>> -> memref<128xi32, #tpu.memory_space<vmem>>
    %dma_start3A_20 = arith.constant 0 : i32
    %dma_start3A_21 = arith.constant 0 : i32
    %dma_start3A_22 = tpu.memref_slice %arg5[%dma_start3A_20, %dma_start3A_21] : memref<251904x128xf32, #tpu.memory_space<hbm>> -> memref<251904x128xf32, #tpu.memory_space<hbm>>
    tpu.enqueue_indirect_dma source(%dma_start3A_22 : memref<251904x128xf32, #tpu.memory_space<hbm>>) target(%arg16 : memref<128x128xf32, #tpu.memory_space<vmem>>) offsets(%dma_start3A_19 : memref<128xi32, #tpu.memory_space<vmem>>) semaphore(%arg21 : memref<!tpu.dma_semaphore, #tpu.memory_space<semaphore_mem>>)
    %dma_start3A_23 = arith.constant 0 : i32
    %dma_start3A_24 = arith.constant 0 : i32
    %dma_start3A_25 = tpu.memref_slice %arg13[%dma_start3A_23, %dma_start3A_24] : memref<4x128xi32, #tpu.memory_space<vmem>> -> memref<1x128xi32, #tpu.memory_space<vmem>>
    %dma_start3A_26 = tpu.memref_squeeze %dma_start3A_25 : memref<1x128xi32, #tpu.memory_space<vmem>> -> memref<128xi32, #tpu.memory_space<vmem>>
    %dma_start3A_27 = arith.constant 0 : i32
    %dma_start3A_28 = arith.constant 0 : i32
    %dma_start3A_29 = tpu.memref_slice %arg6[%dma_start3A_27, %dma_start3A_28] : memref<7813x128xf32, #tpu.memory_space<hbm>> -> memref<7813x128xf32, #tpu.memory_space<hbm>>
    tpu.enqueue_indirect_dma source(%dma_start3A_29 : memref<7813x128xf32, #tpu.memory_space<hbm>>) target(%arg17 : memref<128x128xf32, #tpu.memory_space<vmem>>) offsets(%dma_start3A_26 : memref<128xi32, #tpu.memory_space<vmem>>) semaphore(%arg21 : memref<!tpu.dma_semaphore, #tpu.memory_space<semaphore_mem>>)
    %dma_start3A_30 = arith.constant 0 : i32
    %dma_start3A_31 = arith.constant 0 : i32
    %dma_start3A_32 = tpu.memref_slice %arg14[%dma_start3A_30, %dma_start3A_31] : memref<4x128xi32, #tpu.memory_space<vmem>> -> memref<1x128xi32, #tpu.memory_space<vmem>>
    %dma_start3A_33 = tpu.memref_squeeze %dma_start3A_32 : memref<1x128xi32, #tpu.memory_space<vmem>> -> memref<128xi32, #tpu.memory_space<vmem>>
    %dma_start3A_34 = arith.constant 0 : i32
    %dma_start3A_35 = arith.constant 0 : i32
    %dma_start3A_36 = tpu.memref_slice %arg7[%dma_start3A_34, %dma_start3A_35] : memref<7813x128xf32, #tpu.memory_space<hbm>> -> memref<7813x128xf32, #tpu.memory_space<hbm>>
    tpu.enqueue_indirect_dma source(%dma_start3A_36 : memref<7813x128xf32, #tpu.memory_space<hbm>>) target(%arg18 : memref<128x128xf32, #tpu.memory_space<vmem>>) offsets(%dma_start3A_33 : memref<128xi32, #tpu.memory_space<vmem>>) semaphore(%arg21 : memref<!tpu.dma_semaphore, #tpu.memory_space<semaphore_mem>>)
    %dma_wait3A = arith.constant 0 : i32
    %dma_wait3A_37 = arith.constant 0 : i32
    %dma_wait3A_38 = tpu.memref_slice %arg11[%dma_wait3A, %dma_wait3A_37] : memref<4x128xi32, #tpu.memory_space<vmem>> -> memref<1x128xi32, #tpu.memory_space<vmem>>
    %dma_wait3A_39 = tpu.memref_squeeze %dma_wait3A_38 : memref<1x128xi32, #tpu.memory_space<vmem>> -> memref<128xi32, #tpu.memory_space<vmem>>
    %dma_wait3A_40 = arith.constant 0 : i32
    %dma_wait3A_41 = arith.constant 0 : i32
    %dma_wait3A_42 = tpu.memref_slice %arg4[%dma_wait3A_40, %dma_wait3A_41] : memref<251904x128xf32, #tpu.memory_space<hbm>> -> memref<251904x128xf32, #tpu.memory_space<hbm>>
    tpu.wait_indirect_dma semaphore(%arg21 : memref<!tpu.dma_semaphore, #tpu.memory_space<semaphore_mem>>) src(%dma_wait3A_42 : memref<251904x128xf32, #tpu.memory_space<hbm>>) dst(%arg15 : memref<128x128xf32, #tpu.memory_space<vmem>>)
    %dma_wait3A_43 = arith.constant 0 : i32
    %dma_wait3A_44 = arith.constant 0 : i32
    %dma_wait3A_45 = tpu.memref_slice %arg12[%dma_wait3A_43, %dma_wait3A_44] : memref<4x128xi32, #tpu.memory_space<vmem>> -> memref<1x128xi32, #tpu.memory_space<vmem>>
    %dma_wait3A_46 = tpu.memref_squeeze %dma_wait3A_45 : memref<1x128xi32, #tpu.memory_space<vmem>> -> memref<128xi32, #tpu.memory_space<vmem>>
    %dma_wait3A_47 = arith.constant 0 : i32
    %dma_wait3A_48 = arith.constant 0 : i32
    %dma_wait3A_49 = tpu.memref_slice %arg5[%dma_wait3A_47, %dma_wait3A_48] : memref<251904x128xf32, #tpu.memory_space<hbm>> -> memref<251904x128xf32, #tpu.memory_space<hbm>>
    tpu.wait_indirect_dma semaphore(%arg21 : memref<!tpu.dma_semaphore, #tpu.memory_space<semaphore_mem>>) src(%dma_wait3A_49 : memref<251904x128xf32, #tpu.memory_space<hbm>>) dst(%arg16 : memref<128x128xf32, #tpu.memory_space<vmem>>)
    %dma_wait3A_50 = arith.constant 0 : i32
    %dma_wait3A_51 = arith.constant 0 : i32
    %dma_wait3A_52 = tpu.memref_slice %arg13[%dma_wait3A_50, %dma_wait3A_51] : memref<4x128xi32, #tpu.memory_space<vmem>> -> memref<1x128xi32, #tpu.memory_space<vmem>>
    %dma_wait3A_53 = tpu.memref_squeeze %dma_wait3A_52 : memref<1x128xi32, #tpu.memory_space<vmem>> -> memref<128xi32, #tpu.memory_space<vmem>>
    %dma_wait3A_54 = arith.constant 0 : i32
    %dma_wait3A_55 = arith.constant 0 : i32
    %dma_wait3A_56 = tpu.memref_slice %arg6[%dma_wait3A_54, %dma_wait3A_55] : memref<7813x128xf32, #tpu.memory_space<hbm>> -> memref<7813x128xf32, #tpu.memory_space<hbm>>
    tpu.wait_indirect_dma semaphore(%arg21 : memref<!tpu.dma_semaphore, #tpu.memory_space<semaphore_mem>>) src(%dma_wait3A_56 : memref<7813x128xf32, #tpu.memory_space<hbm>>) dst(%arg17 : memref<128x128xf32, #tpu.memory_space<vmem>>)
    %dma_wait3A_57 = arith.constant 0 : i32
    %dma_wait3A_58 = arith.constant 0 : i32
    %dma_wait3A_59 = tpu.memref_slice %arg14[%dma_wait3A_57, %dma_wait3A_58] : memref<4x128xi32, #tpu.memory_space<vmem>> -> memref<1x128xi32, #tpu.memory_space<vmem>>
    %dma_wait3A_60 = tpu.memref_squeeze %dma_wait3A_59 : memref<1x128xi32, #tpu.memory_space<vmem>> -> memref<128xi32, #tpu.memory_space<vmem>>
    %dma_wait3A_61 = arith.constant 0 : i32
    %dma_wait3A_62 = arith.constant 0 : i32
    %dma_wait3A_63 = tpu.memref_slice %arg7[%dma_wait3A_61, %dma_wait3A_62] : memref<7813x128xf32, #tpu.memory_space<hbm>> -> memref<7813x128xf32, #tpu.memory_space<hbm>>
    tpu.wait_indirect_dma semaphore(%arg21 : memref<!tpu.dma_semaphore, #tpu.memory_space<semaphore_mem>>) src(%dma_wait3A_63 : memref<7813x128xf32, #tpu.memory_space<hbm>>) dst(%arg18 : memref<128x128xf32, #tpu.memory_space<vmem>>)
    %scan3A_64 = arith.constant 0 : i32
    %scan3A_65 = arith.constant 0 : i32
    %scan3A_66 = arith.constant 8 : i32
    %scan3A_67 = arith.addi %scan3A_65, %scan3A_66 : i32
    %scan3A_68 = arith.constant 1 : i32
    scf.for %scan3A_258 = %scan3A_65 to %scan3A_67 step %scan3A_68  : i32 {
      %mul3A_259 = arith.constant 16 : i32
      %mul3A_260 = arith.muli %scan3A_258, %mul3A_259 : i32
      %get3A = arith.constant 0 : i32
      %get3A_261 = arith.index_cast %get3A : i32 to index
      %get3A_262 = arith.index_cast %mul3A_260 : i32 to index
      %get3A_263 = tpu.vector_load %arg9[%get3A_261, %get3A_262] {strides = array<i32>} : memref<4x128xi32, #tpu.memory_space<vmem>>, vector<16xi32>,
      %get3A_264 = arith.constant 0 : i32
      %get3A_265 = arith.index_cast %get3A_264 : i32 to index
      %get3A_266 = arith.index_cast %mul3A_260 : i32 to index
      %get3A_267 = tpu.vector_load %arg10[%get3A_265, %get3A_266] {strides = array<i32>} : memref<4x128xi32, #tpu.memory_space<vmem>>, vector<16xi32>,
      %shift_right_arithmetic3A = arith.constant 11 : i32
      %shift_right_arithmetic3A_268 = vector.broadcast %shift_right_arithmetic3A : i32 to vector<16xi32>
      %shift_right_arithmetic3A_269 = arith.shrsi %get3A_263, %shift_right_arithmetic3A_268 : vector<16xi32>
      %and3A = arith.constant 3 : i32
      %and3A_270 = vector.broadcast %and3A : i32 to vector<16xi32>
      %and3A_271 = arith.andi %shift_right_arithmetic3A_269, %and3A_270 : vector<16xi32>
      %mul3A_272 = arith.constant 32 : i32
      %mul3A_273 = vector.broadcast %mul3A_272 : i32 to vector<16xi32>
      %mul3A_274 = arith.muli %and3A_271, %mul3A_273 : vector<16xi32>
      %shift_right_arithmetic3A_275 = arith.constant 11 : i32
      %shift_right_arithmetic3A_276 = vector.broadcast %shift_right_arithmetic3A_275 : i32 to vector<16xi32>
      %shift_right_arithmetic3A_277 = arith.shrsi %get3A_267, %shift_right_arithmetic3A_276 : vector<16xi32>
      %and3A_278 = arith.constant 3 : i32
      %and3A_279 = vector.broadcast %and3A_278 : i32 to vector<16xi32>
      %and3A_280 = arith.andi %shift_right_arithmetic3A_277, %and3A_279 : vector<16xi32>
      %mul3A_281 = arith.constant 32 : i32
      %mul3A_282 = vector.broadcast %mul3A_281 : i32 to vector<16xi32>
      %mul3A_283 = arith.muli %and3A_280, %mul3A_282 : vector<16xi32>
      %and3A_284 = arith.constant 127 : i32
      %and3A_285 = vector.broadcast %and3A_284 : i32 to vector<16xi32>
      %and3A_286 = arith.andi %get3A_263, %and3A_285 : vector<16xi32>
      %and3A_287 = arith.constant 127 : i32
      %and3A_288 = vector.broadcast %and3A_287 : i32 to vector<16xi32>
      %and3A_289 = arith.andi %get3A_267, %and3A_288 : vector<16xi32>
      %add3A_290 = arith.constant 0 : i32
      %add3A_291 = arith.addi %mul3A_260, %add3A_290 : i32
      %slice3A = vector.extract_strided_slice %mul3A_274 {offsets = [0], sizes = [1], strides = [1]} : vector<16xi32> to vector<1xi32>
      %squeeze3A = vector.extract %slice3A[0] : i32 from vector<1xi32>
      %slice3A_292 = vector.extract_strided_slice %mul3A_283 {offsets = [0], sizes = [1], strides = [1]} : vector<16xi32> to vector<1xi32>
      %squeeze3A_293 = vector.extract %slice3A_292[0] : i32 from vector<1xi32>
      %get3A_294 = arith.index_cast %add3A_291 : i32 to index
      %get3A_295 = arith.index_cast %squeeze3A : i32 to index
      %get3A_296 = tpu.vector_load %arg15[%get3A_294, %get3A_295] {strides = array<i32>} : memref<128x128xf32, #tpu.memory_space<vmem>>, vector<16xf32>,
      %get3A_297 = arith.index_cast %add3A_291 : i32 to index
      %get3A_298 = arith.index_cast %squeeze3A_293 : i32 to index
      %get3A_299 = tpu.vector_load %arg16[%get3A_297, %get3A_298] {strides = array<i32>} : memref<128x128xf32, #tpu.memory_space<vmem>>, vector<16xf32>,
      %mul3A_300 = arith.mulf %get3A_296, %get3A_299 : vector<16xf32>
      %add3A_301 = arith.constant 16 : i32
      %add3A_302 = arith.addi %squeeze3A, %add3A_301 : i32
      %get3A_303 = arith.index_cast %add3A_291 : i32 to index
      %get3A_304 = arith.index_cast %add3A_302 : i32 to index
      %get3A_305 = tpu.vector_load %arg15[%get3A_303, %get3A_304] {strides = array<i32>} : memref<128x128xf32, #tpu.memory_space<vmem>>, vector<16xf32>,
      %add3A_306 = arith.constant 16 : i32
      %add3A_307 = arith.addi %squeeze3A_293, %add3A_306 : i32
      %get3A_308 = arith.index_cast %add3A_291 : i32 to index
      %get3A_309 = arith.index_cast %add3A_307 : i32 to index
      %get3A_310 = tpu.vector_load %arg16[%get3A_308, %get3A_309] {strides = array<i32>} : memref<128x128xf32, #tpu.memory_space<vmem>>, vector<16xf32>,
      %mul3A_311 = arith.mulf %get3A_305, %get3A_310 : vector<16xf32>
      %add3A_312 = arith.addf %mul3A_300, %mul3A_311 : vector<16xf32>
      %slice3A_313 = vector.extract_strided_slice %and3A_286 {offsets = [0], sizes = [1], strides = [1]} : vector<16xi32> to vector<1xi32>
      %squeeze3A_314 = vector.extract %slice3A_313[0] : i32 from vector<1xi32>
      %slice3A_315 = vector.extract_strided_slice %and3A_289 {offsets = [0], sizes = [1], strides = [1]} : vector<16xi32> to vector<1xi32>
      %squeeze3A_316 = vector.extract %slice3A_315[0] : i32 from vector<1xi32>
      %and3A_317 = arith.constant 112 : i32
      %and3A_318 = arith.andi %squeeze3A_314, %and3A_317 : i32
      %get3A_319 = arith.index_cast %add3A_291 : i32 to index
      %get3A_320 = arith.index_cast %and3A_318 : i32 to index
      %get3A_321 = tpu.vector_load %arg17[%get3A_319, %get3A_320] {strides = array<i32>} : memref<128x128xf32, #tpu.memory_space<vmem>>, vector<16xf32>,
      %and3A_322 = arith.constant 112 : i32
      %and3A_323 = arith.andi %squeeze3A_316, %and3A_322 : i32
      %get3A_324 = arith.index_cast %add3A_291 : i32 to index
      %get3A_325 = arith.index_cast %and3A_323 : i32 to index
      %get3A_326 = tpu.vector_load %arg18[%get3A_324, %get3A_325] {strides = array<i32>} : memref<128x128xf32, #tpu.memory_space<vmem>>, vector<16xf32>,
      %and3A_327 = arith.constant 15 : i32
      %and3A_328 = arith.andi %squeeze3A_314, %and3A_327 : i32
      %eq3A = vector.broadcast %and3A_328 : i32 to vector<16xi32>
      %eq3A_329 = arith.cmpi eq, %iota3A, %eq3A : vector<16xi32>
      %jit3A = arith.constant 0.000000e+00 : f32
      %broadcast_in_dim3A = vector.broadcast %jit3A : f32 to vector<16xf32>
      %select_n3A = arith.select %eq3A_329, %get3A_321, %broadcast_in_dim3A : vector<16xi1>, vector<16xf32>
      %add3A_330 = arith.addf %add3A_312, %select_n3A : vector<16xf32>
      %and3A_331 = arith.constant 15 : i32
      %and3A_332 = arith.andi %squeeze3A_316, %and3A_331 : i32
      %eq3A_333 = vector.broadcast %and3A_332 : i32 to vector<16xi32>
      %eq3A_334 = arith.cmpi eq, %iota3A, %eq3A_333 : vector<16xi32>
      %jit3A_335 = arith.constant 0.000000e+00 : f32
      %broadcast_in_dim3A_336 = vector.broadcast %jit3A_335 : f32 to vector<16xf32>
      %select_n3A_337 = arith.select %eq3A_334, %get3A_326, %broadcast_in_dim3A_336 : vector<16xi1>, vector<16xf32>
      %add3A_338 = arith.addf %add3A_330, %select_n3A_337 : vector<16xf32>
      %mul3A_339 = arith.constant 16 : i32
      %mul3A_340 = vector.broadcast %mul3A_339 : i32 to vector<16xi32>
      %mul3A_341 = arith.muli %iota3A, %mul3A_340 : vector<16xi32>
      %add3A_342 = arith.constant 0 : i32
      %add3A_343 = vector.broadcast %add3A_342 : i32 to vector<16xi32>
      %add3A_344 = arith.addi %mul3A_341, %add3A_343 : vector<16xi32>
      tpu.vector_store_idx %arg19[%add3A_344], %add3A_338 : memref<256xf32, #tpu.memory_space<vmem>>[vector<16xi32>], vector<16xf32>,
      %add3A_345 = arith.constant 1 : i32
      %add3A_346 = arith.addi %mul3A_260, %add3A_345 : i32
      %slice3A_347 = vector.extract_strided_slice %mul3A_274 {offsets = [1], sizes = [1], strides = [1]} : vector<16xi32> to vector<1xi32>
      %squeeze3A_348 = vector.extract %slice3A_347[0] : i32 from vector<1xi32>
      %slice3A_349 = vector.extract_strided_slice %mul3A_283 {offsets = [1], sizes = [1], strides = [1]} : vector<16xi32> to vector<1xi32>
      %squeeze3A_350 = vector.extract %slice3A_349[0] : i32 from vector<1xi32>
      %get3A_351 = arith.index_cast %add3A_346 : i32 to index
      %get3A_352 = arith.index_cast %squeeze3A_348 : i32 to index
      %get3A_353 = tpu.vector_load %arg15[%get3A_351, %get3A_352] {strides = array<i32>} : memref<128x128xf32, #tpu.memory_space<vmem>>, vector<16xf32>,
      %get3A_354 = arith.index_cast %add3A_346 : i32 to index
      %get3A_355 = arith.index_cast %squeeze3A_350 : i32 to index
      %get3A_356 = tpu.vector_load %arg16[%get3A_354, %get3A_355] {strides = array<i32>} : memref<128x128xf32, #tpu.memory_space<vmem>>, vector<16xf32>,
      %mul3A_357 = arith.mulf %get3A_353, %get3A_356 : vector<16xf32>
      %add3A_358 = arith.constant 16 : i32
      %add3A_359 = arith.addi %squeeze3A_348, %add3A_358 : i32
      %get3A_360 = arith.index_cast %add3A_346 : i32 to index
      %get3A_361 = arith.index_cast %add3A_359 : i32 to index
      %get3A_362 = tpu.vector_load %arg15[%get3A_360, %get3A_361] {strides = array<i32>} : memref<128x128xf32, #tpu.memory_space<vmem>>, vector<16xf32>,
      %add3A_363 = arith.constant 16 : i32
      %add3A_364 = arith.addi %squeeze3A_350, %add3A_363 : i32
      %get3A_365 = arith.index_cast %add3A_346 : i32 to index
      %get3A_366 = arith.index_cast %add3A_364 : i32 to index
      %get3A_367 = tpu.vector_load %arg16[%get3A_365, %get3A_366] {strides = array<i32>} : memref<128x128xf32, #tpu.memory_space<vmem>>, vector<16xf32>,
      %mul3A_368 = arith.mulf %get3A_362, %get3A_367 : vector<16xf32>
      %add3A_369 = arith.addf %mul3A_357, %mul3A_368 : vector<16xf32>
      %slice3A_370 = vector.extract_strided_slice %and3A_286 {offsets = [1], sizes = [1], strides = [1]} : vector<16xi32> to vector<1xi32>
      %squeeze3A_371 = vector.extract %slice3A_370[0] : i32 from vector<1xi32>
      %slice3A_372 = vector.extract_strided_slice %and3A_289 {offsets = [1], sizes = [1], strides = [1]} : vector<16xi32> to vector<1xi32>
      %squeeze3A_373 = vector.extract %slice3A_372[0] : i32 from vector<1xi32>
      %and3A_374 = arith.constant 112 : i32
      %and3A_375 = arith.andi %squeeze3A_371, %and3A_374 : i32
      %get3A_376 = arith.index_cast %add3A_346 : i32 to index
      %get3A_377 = arith.index_cast %and3A_375 : i32 to index
      %get3A_378 = tpu.vector_load %arg17[%get3A_376, %get3A_377] {strides = array<i32>} : memref<128x128xf32, #tpu.memory_space<vmem>>, vector<16xf32>,
      %and3A_379 = arith.constant 112 : i32
      %and3A_380 = arith.andi %squeeze3A_373, %and3A_379 : i32
      %get3A_381 = arith.index_cast %add3A_346 : i32 to index
      %get3A_382 = arith.index_cast %and3A_380 : i32 to index
      %get3A_383 = tpu.vector_load %arg18[%get3A_381, %get3A_382] {strides = array<i32>} : memref<128x128xf32, #tpu.memory_space<vmem>>, vector<16xf32>,
      %and3A_384 = arith.constant 15 : i32
      %and3A_385 = arith.andi %squeeze3A_371, %and3A_384 : i32
      %eq3A_386 = vector.broadcast %and3A_385 : i32 to vector<16xi32>
      %eq3A_387 = arith.cmpi eq, %iota3A, %eq3A_386 : vector<16xi32>
      %jit3A_388 = arith.constant 0.000000e+00 : f32
      %broadcast_in_dim3A_389 = vector.broadcast %jit3A_388 : f32 to vector<16xf32>
      %select_n3A_390 = arith.select %eq3A_387, %get3A_378, %broadcast_in_dim3A_389 : vector<16xi1>, vector<16xf32>
      %add3A_391 = arith.addf %add3A_369, %select_n3A_390 : vector<16xf32>
      %and3A_392 = arith.constant 15 : i32
      %and3A_393 = arith.andi %squeeze3A_373, %and3A_392 : i32
      %eq3A_394 = vector.broadcast %and3A_393 : i32 to vector<16xi32>
      %eq3A_395 = arith.cmpi eq, %iota3A, %eq3A_394 : vector<16xi32>
      %jit3A_396 = arith.constant 0.000000e+00 : f32
      %broadcast_in_dim3A_397 = vector.broadcast %jit3A_396 : f32 to vector<16xf32>
      %select_n3A_398 = arith.select %eq3A_395, %get3A_383, %broadcast_in_dim3A_397 : vector<16xi1>, vector<16xf32>
      %add3A_399 = arith.addf %add3A_391, %select_n3A_398 : vector<16xf32>
      %mul3A_400 = arith.constant 16 : i32
      %mul3A_401 = vector.broadcast %mul3A_400 : i32 to vector<16xi32>
      %mul3A_402 = arith.muli %iota3A, %mul3A_401 : vector<16xi32>
      %add3A_403 = arith.constant 1 : i32
      %add3A_404 = vector.broadcast %add3A_403 : i32 to vector<16xi32>
      %add3A_405 = arith.addi %mul3A_402, %add3A_404 : vector<16xi32>
      tpu.vector_store_idx %arg19[%add3A_405], %add3A_399 : memref<256xf32, #tpu.memory_space<vmem>>[vector<16xi32>], vector<16xf32>,
      %add3A_406 = arith.constant 2 : i32
      %add3A_407 = arith.addi %mul3A_260, %add3A_406 : i32
      %slice3A_408 = vector.extract_strided_slice %mul3A_274 {offsets = [2], sizes = [1], strides = [1]} : vector<16xi32> to vector<1xi32>
      %squeeze3A_409 = vector.extract %slice3A_408[0] : i32 from vector<1xi32>
      %slice3A_410 = vector.extract_strided_slice %mul3A_283 {offsets = [2], sizes = [1], strides = [1]} : vector<16xi32> to vector<1xi32>
      %squeeze3A_411 = vector.extract %slice3A_410[0] : i32 from vector<1xi32>
      %get3A_412 = arith.index_cast %add3A_407 : i32 to index
      %get3A_413 = arith.index_cast %squeeze3A_409 : i32 to index
      %get3A_414 = tpu.vector_load %arg15[%get3A_412, %get3A_413] {strides = array<i32>} : memref<128x128xf32, #tpu.memory_space<vmem>>, vector<16xf32>,
      %get3A_415 = arith.index_cast %add3A_407 : i32 to index
      %get3A_416 = arith.index_cast %squeeze3A_411 : i32 to index
      %get3A_417 = tpu.vector_load %arg16[%get3A_415, %get3A_416] {strides = array<i32>} : memref<128x128xf32, #tpu.memory_space<vmem>>, vector<16xf32>,
      %mul3A_418 = arith.mulf %get3A_414, %get3A_417 : vector<16xf32>
      %add3A_419 = arith.constant 16 : i32
      %add3A_420 = arith.addi %squeeze3A_409, %add3A_419 : i32
      %get3A_421 = arith.index_cast %add3A_407 : i32 to index
      %get3A_422 = arith.index_cast %add3A_420 : i32 to index
      %get3A_423 = tpu.vector_load %arg15[%get3A_421, %get3A_422] {strides = array<i32>} : memref<128x128xf32, #tpu.memory_space<vmem>>, vector<16xf32>,
      %add3A_424 = arith.constant 16 : i32
      %add3A_425 = arith.addi %squeeze3A_411, %add3A_424 : i32
      %get3A_426 = arith.index_cast %add3A_407 : i32 to index
      %get3A_427 = arith.index_cast %add3A_425 : i32 to index
      %get3A_428 = tpu.vector_load %arg16[%get3A_426, %get3A_427] {strides = array<i32>} : memref<128x128xf32, #tpu.memory_space<vmem>>, vector<16xf32>,
      %mul3A_429 = arith.mulf %get3A_423, %get3A_428 : vector<16xf32>
      %add3A_430 = arith.addf %mul3A_418, %mul3A_429 : vector<16xf32>
      %slice3A_431 = vector.extract_strided_slice %and3A_286 {offsets = [2], sizes = [1], strides = [1]} : vector<16xi32> to vector<1xi32>
      %squeeze3A_432 = vector.extract %slice3A_431[0] : i32 from vector<1xi32>
      %slice3A_433 = vector.extract_strided_slice %and3A_289 {offsets = [2], sizes = [1], strides = [1]} : vector<16xi32> to vector<1xi32>
      %squeeze3A_434 = vector.extract %slice3A_433[0] : i32 from vector<1xi32>
      %and3A_435 = arith.constant 112 : i32
      %and3A_436 = arith.andi %squeeze3A_432, %and3A_435 : i32
      %get3A_437 = arith.index_cast %add3A_407 : i32 to index
      %get3A_438 = arith.index_cast %and3A_436 : i32 to index
      %get3A_439 = tpu.vector_load %arg17[%get3A_437, %get3A_438] {strides = array<i32>} : memref<128x128xf32, #tpu.memory_space<vmem>>, vector<16xf32>,
      %and3A_440 = arith.constant 112 : i32
      %and3A_441 = arith.andi %squeeze3A_434, %and3A_440 : i32
      %get3A_442 = arith.index_cast %add3A_407 : i32 to index
      %get3A_443 = arith.index_cast %and3A_441 : i32 to index
      %get3A_444 = tpu.vector_load %arg18[%get3A_442, %get3A_443] {strides = array<i32>} : memref<128x128xf32, #tpu.memory_space<vmem>>, vector<16xf32>,
      %and3A_445 = arith.constant 15 : i32
      %and3A_446 = arith.andi %squeeze3A_432, %and3A_445 : i32
      %eq3A_447 = vector.broadcast %and3A_446 : i32 to vector<16xi32>
      %eq3A_448 = arith.cmpi eq, %iota3A, %eq3A_447 : vector<16xi32>
      %jit3A_449 = arith.constant 0.000000e+00 : f32
      %broadcast_in_dim3A_450 = vector.broadcast %jit3A_449 : f32 to vector<16xf32>
      %select_n3A_451 = arith.select %eq3A_448, %get3A_439, %broadcast_in_dim3A_450 : vector<16xi1>, vector<16xf32>
      %add3A_452 = arith.addf %add3A_430, %select_n3A_451 : vector<16xf32>
      %and3A_453 = arith.constant 15 : i32
      %and3A_454 = arith.andi %squeeze3A_434, %and3A_453 : i32
      %eq3A_455 = vector.broadcast %and3A_454 : i32 to vector<16xi32>
      %eq3A_456 = arith.cmpi eq, %iota3A, %eq3A_455 : vector<16xi32>
      %jit3A_457 = arith.constant 0.000000e+00 : f32
      %broadcast_in_dim3A_458 = vector.broadcast %jit3A_457 : f32 to vector<16xf32>
      %select_n3A_459 = arith.select %eq3A_456, %get3A_444, %broadcast_in_dim3A_458 : vector<16xi1>, vector<16xf32>
      %add3A_460 = arith.addf %add3A_452, %select_n3A_459 : vector<16xf32>
      %mul3A_461 = arith.constant 16 : i32
      %mul3A_462 = vector.broadcast %mul3A_461 : i32 to vector<16xi32>
      %mul3A_463 = arith.muli %iota3A, %mul3A_462 : vector<16xi32>
      %add3A_464 = arith.constant 2 : i32
      %add3A_465 = vector.broadcast %add3A_464 : i32 to vector<16xi32>
      %add3A_466 = arith.addi %mul3A_463, %add3A_465 : vector<16xi32>
      tpu.vector_store_idx %arg19[%add3A_466], %add3A_460 : memref<256xf32, #tpu.memory_space<vmem>>[vector<16xi32>], vector<16xf32>,
      %add3A_467 = arith.constant 3 : i32
      %add3A_468 = arith.addi %mul3A_260, %add3A_467 : i32
      %slice3A_469 = vector.extract_strided_slice %mul3A_274 {offsets = [3], sizes = [1], strides = [1]} : vector<16xi32> to vector<1xi32>
      %squeeze3A_470 = vector.extract %slice3A_469[0] : i32 from vector<1xi32>
      %slice3A_471 = vector.extract_strided_slice %mul3A_283 {offsets = [3], sizes = [1], strides = [1]} : vector<16xi32> to vector<1xi32>
      %squeeze3A_472 = vector.extract %slice3A_471[0] : i32 from vector<1xi32>
      %get3A_473 = arith.index_cast %add3A_468 : i32 to index
      %get3A_474 = arith.index_cast %squeeze3A_470 : i32 to index
      %get3A_475 = tpu.vector_load %arg15[%get3A_473, %get3A_474] {strides = array<i32>} : memref<128x128xf32, #tpu.memory_space<vmem>>, vector<16xf32>,
      %get3A_476 = arith.index_cast %add3A_468 : i32 to index
      %get3A_477 = arith.index_cast %squeeze3A_472 : i32 to index
      %get3A_478 = tpu.vector_load %arg16[%get3A_476, %get3A_477] {strides = array<i32>} : memref<128x128xf32, #tpu.memory_space<vmem>>, vector<16xf32>,
      %mul3A_479 = arith.mulf %get3A_475, %get3A_478 : vector<16xf32>
      %add3A_480 = arith.constant 16 : i32
      %add3A_481 = arith.addi %squeeze3A_470, %add3A_480 : i32
      %get3A_482 = arith.index_cast %add3A_468 : i32 to index
      %get3A_483 = arith.index_cast %add3A_481 : i32 to index
      %get3A_484 = tpu.vector_load %arg15[%get3A_482, %get3A_483] {strides = array<i32>} : memref<128x128xf32, #tpu.memory_space<vmem>>, vector<16xf32>,
      %add3A_485 = arith.constant 16 : i32
      %add3A_486 = arith.addi %squeeze3A_472, %add3A_485 : i32
      %get3A_487 = arith.index_cast %add3A_468 : i32 to index
      %get3A_488 = arith.index_cast %add3A_486 : i32 to index
      %get3A_489 = tpu.vector_load %arg16[%get3A_487, %get3A_488] {strides = array<i32>} : memref<128x128xf32, #tpu.memory_space<vmem>>, vector<16xf32>,
      %mul3A_490 = arith.mulf %get3A_484, %get3A_489 : vector<16xf32>
      %add3A_491 = arith.addf %mul3A_479, %mul3A_490 : vector<16xf32>
      %slice3A_492 = vector.extract_strided_slice %and3A_286 {offsets = [3], sizes = [1], strides = [1]} : vector<16xi32> to vector<1xi32>
      %squeeze3A_493 = vector.extract %slice3A_492[0] : i32 from vector<1xi32>
      %slice3A_494 = vector.extract_strided_slice %and3A_289 {offsets = [3], sizes = [1], strides = [1]} : vector<16xi32> to vector<1xi32>
      %squeeze3A_495 = vector.extract %slice3A_494[0] : i32 from vector<1xi32>
      %and3A_496 = arith.constant 112 : i32
      %and3A_497 = arith.andi %squeeze3A_493, %and3A_496 : i32
      %get3A_498 = arith.index_cast %add3A_468 : i32 to index
      %get3A_499 = arith.index_cast %and3A_497 : i32 to index
      %get3A_500 = tpu.vector_load %arg17[%get3A_498, %get3A_499] {strides = array<i32>} : memref<128x128xf32, #tpu.memory_space<vmem>>, vector<16xf32>,
      %and3A_501 = arith.constant 112 : i32
      %and3A_502 = arith.andi %squeeze3A_495, %and3A_501 : i32
      %get3A_503 = arith.index_cast %add3A_468 : i32 to index
      %get3A_504 = arith.index_cast %and3A_502 : i32 to index
      %get3A_505 = tpu.vector_load %arg18[%get3A_503, %get3A_504] {strides = array<i32>} : memref<128x128xf32, #tpu.memory_space<vmem>>, vector<16xf32>,
      %and3A_506 = arith.constant 15 : i32
      %and3A_507 = arith.andi %squeeze3A_493, %and3A_506 : i32
      %eq3A_508 = vector.broadcast %and3A_507 : i32 to vector<16xi32>
      %eq3A_509 = arith.cmpi eq, %iota3A, %eq3A_508 : vector<16xi32>
      %jit3A_510 = arith.constant 0.000000e+00 : f32
      %broadcast_in_dim3A_511 = vector.broadcast %jit3A_510 : f32 to vector<16xf32>
      %select_n3A_512 = arith.select %eq3A_509, %get3A_500, %broadcast_in_dim3A_511 : vector<16xi1>, vector<16xf32>
      %add3A_513 = arith.addf %add3A_491, %select_n3A_512 : vector<16xf32>
      %and3A_514 = arith.constant 15 : i32
      %and3A_515 = arith.andi %squeeze3A_495, %and3A_514 : i32
      %eq3A_516 = vector.broadcast %and3A_515 : i32 to vector<16xi32>
      %eq3A_517 = arith.cmpi eq, %iota3A, %eq3A_516 : vector<16xi32>
      %jit3A_518 = arith.constant 0.000000e+00 : f32
      %broadcast_in_dim3A_519 = vector.broadcast %jit3A_518 : f32 to vector<16xf32>
      %select_n3A_520 = arith.select %eq3A_517, %get3A_505, %broadcast_in_dim3A_519 : vector<16xi1>, vector<16xf32>
      %add3A_521 = arith.addf %add3A_513, %select_n3A_520 : vector<16xf32>
      %mul3A_522 = arith.constant 16 : i32
      %mul3A_523 = vector.broadcast %mul3A_522 : i32 to vector<16xi32>
      %mul3A_524 = arith.muli %iota3A, %mul3A_523 : vector<16xi32>
      %add3A_525 = arith.constant 3 : i32
      %add3A_526 = vector.broadcast %add3A_525 : i32 to vector<16xi32>
      %add3A_527 = arith.addi %mul3A_524, %add3A_526 : vector<16xi32>
      tpu.vector_store_idx %arg19[%add3A_527], %add3A_521 : memref<256xf32, #tpu.memory_space<vmem>>[vector<16xi32>], vector<16xf32>,
      %add3A_528 = arith.constant 4 : i32
      %add3A_529 = arith.addi %mul3A_260, %add3A_528 : i32
      %slice3A_530 = vector.extract_strided_slice %mul3A_274 {offsets = [4], sizes = [1], strides = [1]} : vector<16xi32> to vector<1xi32>
      %squeeze3A_531 = vector.extract %slice3A_530[0] : i32 from vector<1xi32>
      %slice3A_532 = vector.extract_strided_slice %mul3A_283 {offsets = [4], sizes = [1], strides = [1]} : vector<16xi32> to vector<1xi32>
      %squeeze3A_533 = vector.extract %slice3A_532[0] : i32 from vector<1xi32>
      %get3A_534 = arith.index_cast %add3A_529 : i32 to index
      %get3A_535 = arith.index_cast %squeeze3A_531 : i32 to index
      %get3A_536 = tpu.vector_load %arg15[%get3A_534, %get3A_535] {strides = array<i32>} : memref<128x128xf32, #tpu.memory_space<vmem>>, vector<16xf32>,
      %get3A_537 = arith.index_cast %add3A_529 : i32 to index
      %get3A_538 = arith.index_cast %squeeze3A_533 : i32 to index
      %get3A_539 = tpu.vector_load %arg16[%get3A_537, %get3A_538] {strides = array<i32>} : memref<128x128xf32, #tpu.memory_space<vmem>>, vector<16xf32>,
      %mul3A_540 = arith.mulf %get3A_536, %get3A_539 : vector<16xf32>
      %add3A_541 = arith.constant 16 : i32
      %add3A_542 = arith.addi %squeeze3A_531, %add3A_541 : i32
      %get3A_543 = arith.index_cast %add3A_529 : i32 to index
      %get3A_544 = arith.index_cast %add3A_542 : i32 to index
      %get3A_545 = tpu.vector_load %arg15[%get3A_543, %get3A_544] {strides = array<i32>} : memref<128x128xf32, #tpu.memory_space<vmem>>, vector<16xf32>,
      %add3A_546 = arith.constant 16 : i32
      %add3A_547 = arith.addi %squeeze3A_533, %add3A_546 : i32
      %get3A_548 = arith.index_cast %add3A_529 : i32 to index
      %get3A_549 = arith.index_cast %add3A_547 : i32 to index
      %get3A_550 = tpu.vector_load %arg16[%get3A_548, %get3A_549] {strides = array<i32>} : memref<128x128xf32, #tpu.memory_space<vmem>>, vector<16xf32>,
      %mul3A_551 = arith.mulf %get3A_545, %get3A_550 : vector<16xf32>
      %add3A_552 = arith.addf %mul3A_540, %mul3A_551 : vector<16xf32>
      %slice3A_553 = vector.extract_strided_slice %and3A_286 {offsets = [4], sizes = [1], strides = [1]} : vector<16xi32> to vector<1xi32>
      %squeeze3A_554 = vector.extract %slice3A_553[0] : i32 from vector<1xi32>
      %slice3A_555 = vector.extract_strided_slice %and3A_289 {offsets = [4], sizes = [1], strides = [1]} : vector<16xi32> to vector<1xi32>
      %squeeze3A_556 = vector.extract %slice3A_555[0] : i32 from vector<1xi32>
      %and3A_557 = arith.constant 112 : i32
      %and3A_558 = arith.andi %squeeze3A_554, %and3A_557 : i32
      %get3A_559 = arith.index_cast %add3A_529 : i32 to index
      %get3A_560 = arith.index_cast %and3A_558 : i32 to index
      %get3A_561 = tpu.vector_load %arg17[%get3A_559, %get3A_560] {strides = array<i32>} : memref<128x128xf32, #tpu.memory_space<vmem>>, vector<16xf32>,
      %and3A_562 = arith.constant 112 : i32
      %and3A_563 = arith.andi %squeeze3A_556, %and3A_562 : i32
      %get3A_564 = arith.index_cast %add3A_529 : i32 to index
      %get3A_565 = arith.index_cast %and3A_563 : i32 to index
      %get3A_566 = tpu.vector_load %arg18[%get3A_564, %get3A_565] {strides = array<i32>} : memref<128x128xf32, #tpu.memory_space<vmem>>, vector<16xf32>,
      %and3A_567 = arith.constant 15 : i32
      %and3A_568 = arith.andi %squeeze3A_554, %and3A_567 : i32
      %eq3A_569 = vector.broadcast %and3A_568 : i32 to vector<16xi32>
      %eq3A_570 = arith.cmpi eq, %iota3A, %eq3A_569 : vector<16xi32>
      %jit3A_571 = arith.constant 0.000000e+00 : f32
      %broadcast_in_dim3A_572 = vector.broadcast %jit3A_571 : f32 to vector<16xf32>
      %select_n3A_573 = arith.select %eq3A_570, %get3A_561, %broadcast_in_dim3A_572 : vector<16xi1>, vector<16xf32>
      %add3A_574 = arith.addf %add3A_552, %select_n3A_573 : vector<16xf32>
      %and3A_575 = arith.constant 15 : i32
      %and3A_576 = arith.andi %squeeze3A_556, %and3A_575 : i32
      %eq3A_577 = vector.broadcast %and3A_576 : i32 to vector<16xi32>
      %eq3A_578 = arith.cmpi eq, %iota3A, %eq3A_577 : vector<16xi32>
      %jit3A_579 = arith.constant 0.000000e+00 : f32
      %broadcast_in_dim3A_580 = vector.broadcast %jit3A_579 : f32 to vector<16xf32>
      %select_n3A_581 = arith.select %eq3A_578, %get3A_566, %broadcast_in_dim3A_580 : vector<16xi1>, vector<16xf32>
      %add3A_582 = arith.addf %add3A_574, %select_n3A_581 : vector<16xf32>
      %mul3A_583 = arith.constant 16 : i32
      %mul3A_584 = vector.broadcast %mul3A_583 : i32 to vector<16xi32>
      %mul3A_585 = arith.muli %iota3A, %mul3A_584 : vector<16xi32>
      %add3A_586 = arith.constant 4 : i32
      %add3A_587 = vector.broadcast %add3A_586 : i32 to vector<16xi32>
      %add3A_588 = arith.addi %mul3A_585, %add3A_587 : vector<16xi32>
      tpu.vector_store_idx %arg19[%add3A_588], %add3A_582 : memref<256xf32, #tpu.memory_space<vmem>>[vector<16xi32>], vector<16xf32>,
      %add3A_589 = arith.constant 5 : i32
      %add3A_590 = arith.addi %mul3A_260, %add3A_589 : i32
      %slice3A_591 = vector.extract_strided_slice %mul3A_274 {offsets = [5], sizes = [1], strides = [1]} : vector<16xi32> to vector<1xi32>
      %squeeze3A_592 = vector.extract %slice3A_591[0] : i32 from vector<1xi32>
      %slice3A_593 = vector.extract_strided_slice %mul3A_283 {offsets = [5], sizes = [1], strides = [1]} : vector<16xi32> to vector<1xi32>
      %squeeze3A_594 = vector.extract %slice3A_593[0] : i32 from vector<1xi32>
      %get3A_595 = arith.index_cast %add3A_590 : i32 to index
      %get3A_596 = arith.index_cast %squeeze3A_592 : i32 to index
      %get3A_597 = tpu.vector_load %arg15[%get3A_595, %get3A_596] {strides = array<i32>} : memref<128x128xf32, #tpu.memory_space<vmem>>, vector<16xf32>,
      %get3A_598 = arith.index_cast %add3A_590 : i32 to index
      %get3A_599 = arith.index_cast %squeeze3A_594 : i32 to index
      %get3A_600 = tpu.vector_load %arg16[%get3A_598, %get3A_599] {strides = array<i32>} : memref<128x128xf32, #tpu.memory_space<vmem>>, vector<16xf32>,
      %mul3A_601 = arith.mulf %get3A_597, %get3A_600 : vector<16xf32>
      %add3A_602 = arith.constant 16 : i32
      %add3A_603 = arith.addi %squeeze3A_592, %add3A_602 : i32
      %get3A_604 = arith.index_cast %add3A_590 : i32 to index
      %get3A_605 = arith.index_cast %add3A_603 : i32 to index
      %get3A_606 = tpu.vector_load %arg15[%get3A_604, %get3A_605] {strides = array<i32>} : memref<128x128xf32, #tpu.memory_space<vmem>>, vector<16xf32>,
      %add3A_607 = arith.constant 16 : i32
      %add3A_608 = arith.addi %squeeze3A_594, %add3A_607 : i32
      %get3A_609 = arith.index_cast %add3A_590 : i32 to index
      %get3A_610 = arith.index_cast %add3A_608 : i32 to index
      %get3A_611 = tpu.vector_load %arg16[%get3A_609, %get3A_610] {strides = array<i32>} : memref<128x128xf32, #tpu.memory_space<vmem>>, vector<16xf32>,
      %mul3A_612 = arith.mulf %get3A_606, %get3A_611 : vector<16xf32>
      %add3A_613 = arith.addf %mul3A_601, %mul3A_612 : vector<16xf32>
      %slice3A_614 = vector.extract_strided_slice %and3A_286 {offsets = [5], sizes = [1], strides = [1]} : vector<16xi32> to vector<1xi32>
      %squeeze3A_615 = vector.extract %slice3A_614[0] : i32 from vector<1xi32>
      %slice3A_616 = vector.extract_strided_slice %and3A_289 {offsets = [5], sizes = [1], strides = [1]} : vector<16xi32> to vector<1xi32>
      %squeeze3A_617 = vector.extract %slice3A_616[0] : i32 from vector<1xi32>
      %and3A_618 = arith.constant 112 : i32
      %and3A_619 = arith.andi %squeeze3A_615, %and3A_618 : i32
      %get3A_620 = arith.index_cast %add3A_590 : i32 to index
      %get3A_621 = arith.index_cast %and3A_619 : i32 to index
      %get3A_622 = tpu.vector_load %arg17[%get3A_620, %get3A_621] {strides = array<i32>} : memref<128x128xf32, #tpu.memory_space<vmem>>, vector<16xf32>,
      %and3A_623 = arith.constant 112 : i32
      %and3A_624 = arith.andi %squeeze3A_617, %and3A_623 : i32
      %get3A_625 = arith.index_cast %add3A_590 : i32 to index
      %get3A_626 = arith.index_cast %and3A_624 : i32 to index
      %get3A_627 = tpu.vector_load %arg18[%get3A_625, %get3A_626] {strides = array<i32>} : memref<128x128xf32, #tpu.memory_space<vmem>>, vector<16xf32>,
      %and3A_628 = arith.constant 15 : i32
      %and3A_629 = arith.andi %squeeze3A_615, %and3A_628 : i32
      %eq3A_630 = vector.broadcast %and3A_629 : i32 to vector<16xi32>
      %eq3A_631 = arith.cmpi eq, %iota3A, %eq3A_630 : vector<16xi32>
      %jit3A_632 = arith.constant 0.000000e+00 : f32
      %broadcast_in_dim3A_633 = vector.broadcast %jit3A_632 : f32 to vector<16xf32>
      %select_n3A_634 = arith.select %eq3A_631, %get3A_622, %broadcast_in_dim3A_633 : vector<16xi1>, vector<16xf32>
      %add3A_635 = arith.addf %add3A_613, %select_n3A_634 : vector<16xf32>
      %and3A_636 = arith.constant 15 : i32
      %and3A_637 = arith.andi %squeeze3A_617, %and3A_636 : i32
      %eq3A_638 = vector.broadcast %and3A_637 : i32 to vector<16xi32>
      %eq3A_639 = arith.cmpi eq, %iota3A, %eq3A_638 : vector<16xi32>
      %jit3A_640 = arith.constant 0.000000e+00 : f32
      %broadcast_in_dim3A_641 = vector.broadcast %jit3A_640 : f32 to vector<16xf32>
      %select_n3A_642 = arith.select %eq3A_639, %get3A_627, %broadcast_in_dim3A_641 : vector<16xi1>, vector<16xf32>
      %add3A_643 = arith.addf %add3A_635, %select_n3A_642 : vector<16xf32>
      %mul3A_644 = arith.constant 16 : i32
      %mul3A_645 = vector.broadcast %mul3A_644 : i32 to vector<16xi32>
      %mul3A_646 = arith.muli %iota3A, %mul3A_645 : vector<16xi32>
      %add3A_647 = arith.constant 5 : i32
      %add3A_648 = vector.broadcast %add3A_647 : i32 to vector<16xi32>
      %add3A_649 = arith.addi %mul3A_646, %add3A_648 : vector<16xi32>
      tpu.vector_store_idx %arg19[%add3A_649], %add3A_643 : memref<256xf32, #tpu.memory_space<vmem>>[vector<16xi32>], vector<16xf32>,
      %add3A_650 = arith.constant 6 : i32
      %add3A_651 = arith.addi %mul3A_260, %add3A_650 : i32
      %slice3A_652 = vector.extract_strided_slice %mul3A_274 {offsets = [6], sizes = [1], strides = [1]} : vector<16xi32> to vector<1xi32>
      %squeeze3A_653 = vector.extract %slice3A_652[0] : i32 from vector<1xi32>
      %slice3A_654 = vector.extract_strided_slice %mul3A_283 {offsets = [6], sizes = [1], strides = [1]} : vector<16xi32> to vector<1xi32>
      %squeeze3A_655 = vector.extract %slice3A_654[0] : i32 from vector<1xi32>
      %get3A_656 = arith.index_cast %add3A_651 : i32 to index
      %get3A_657 = arith.index_cast %squeeze3A_653 : i32 to index
      %get3A_658 = tpu.vector_load %arg15[%get3A_656, %get3A_657] {strides = array<i32>} : memref<128x128xf32, #tpu.memory_space<vmem>>, vector<16xf32>,
      %get3A_659 = arith.index_cast %add3A_651 : i32 to index
      %get3A_660 = arith.index_cast %squeeze3A_655 : i32 to index
      %get3A_661 = tpu.vector_load %arg16[%get3A_659, %get3A_660] {strides = array<i32>} : memref<128x128xf32, #tpu.memory_space<vmem>>, vector<16xf32>,
      %mul3A_662 = arith.mulf %get3A_658, %get3A_661 : vector<16xf32>
      %add3A_663 = arith.constant 16 : i32
      %add3A_664 = arith.addi %squeeze3A_653, %add3A_663 : i32
      %get3A_665 = arith.index_cast %add3A_651 : i32 to index
      %get3A_666 = arith.index_cast %add3A_664 : i32 to index
      %get3A_667 = tpu.vector_load %arg15[%get3A_665, %get3A_666] {strides = array<i32>} : memref<128x128xf32, #tpu.memory_space<vmem>>, vector<16xf32>,
      %add3A_668 = arith.constant 16 : i32
      %add3A_669 = arith.addi %squeeze3A_655, %add3A_668 : i32
      %get3A_670 = arith.index_cast %add3A_651 : i32 to index
      %get3A_671 = arith.index_cast %add3A_669 : i32 to index
      %get3A_672 = tpu.vector_load %arg16[%get3A_670, %get3A_671] {strides = array<i32>} : memref<128x128xf32, #tpu.memory_space<vmem>>, vector<16xf32>,
      %mul3A_673 = arith.mulf %get3A_667, %get3A_672 : vector<16xf32>
      %add3A_674 = arith.addf %mul3A_662, %mul3A_673 : vector<16xf32>
      %slice3A_675 = vector.extract_strided_slice %and3A_286 {offsets = [6], sizes = [1], strides = [1]} : vector<16xi32> to vector<1xi32>
      %squeeze3A_676 = vector.extract %slice3A_675[0] : i32 from vector<1xi32>
      %slice3A_677 = vector.extract_strided_slice %and3A_289 {offsets = [6], sizes = [1], strides = [1]} : vector<16xi32> to vector<1xi32>
      %squeeze3A_678 = vector.extract %slice3A_677[0] : i32 from vector<1xi32>
      %and3A_679 = arith.constant 112 : i32
      %and3A_680 = arith.andi %squeeze3A_676, %and3A_679 : i32
      %get3A_681 = arith.index_cast %add3A_651 : i32 to index
      %get3A_682 = arith.index_cast %and3A_680 : i32 to index
      %get3A_683 = tpu.vector_load %arg17[%get3A_681, %get3A_682] {strides = array<i32>} : memref<128x128xf32, #tpu.memory_space<vmem>>, vector<16xf32>,
      %and3A_684 = arith.constant 112 : i32
      %and3A_685 = arith.andi %squeeze3A_678, %and3A_684 : i32
      %get3A_686 = arith.index_cast %add3A_651 : i32 to index
      %get3A_687 = arith.index_cast %and3A_685 : i32 to index
      %get3A_688 = tpu.vector_load %arg18[%get3A_686, %get3A_687] {strides = array<i32>} : memref<128x128xf32, #tpu.memory_space<vmem>>, vector<16xf32>,
      %and3A_689 = arith.constant 15 : i32
      %and3A_690 = arith.andi %squeeze3A_676, %and3A_689 : i32
      %eq3A_691 = vector.broadcast %and3A_690 : i32 to vector<16xi32>
      %eq3A_692 = arith.cmpi eq, %iota3A, %eq3A_691 : vector<16xi32>
      %jit3A_693 = arith.constant 0.000000e+00 : f32
      %broadcast_in_dim3A_694 = vector.broadcast %jit3A_693 : f32 to vector<16xf32>
      %select_n3A_695 = arith.select %eq3A_692, %get3A_683, %broadcast_in_dim3A_694 : vector<16xi1>, vector<16xf32>
      %add3A_696 = arith.addf %add3A_674, %select_n3A_695 : vector<16xf32>
      %and3A_697 = arith.constant 15 : i32
      %and3A_698 = arith.andi %squeeze3A_678, %and3A_697 : i32
      %eq3A_699 = vector.broadcast %and3A_698 : i32 to vector<16xi32>
      %eq3A_700 = arith.cmpi eq, %iota3A, %eq3A_699 : vector<16xi32>
      %jit3A_701 = arith.constant 0.000000e+00 : f32
      %broadcast_in_dim3A_702 = vector.broadcast %jit3A_701 : f32 to vector<16xf32>
      %select_n3A_703 = arith.select %eq3A_700, %get3A_688, %broadcast_in_dim3A_702 : vector<16xi1>, vector<16xf32>
      %add3A_704 = arith.addf %add3A_696, %select_n3A_703 : vector<16xf32>
      %mul3A_705 = arith.constant 16 : i32
      %mul3A_706 = vector.broadcast %mul3A_705 : i32 to vector<16xi32>
      %mul3A_707 = arith.muli %iota3A, %mul3A_706 : vector<16xi32>
      %add3A_708 = arith.constant 6 : i32
      %add3A_709 = vector.broadcast %add3A_708 : i32 to vector<16xi32>
      %add3A_710 = arith.addi %mul3A_707, %add3A_709 : vector<16xi32>
      tpu.vector_store_idx %arg19[%add3A_710], %add3A_704 : memref<256xf32, #tpu.memory_space<vmem>>[vector<16xi32>], vector<16xf32>,
      %add3A_711 = arith.constant 7 : i32
      %add3A_712 = arith.addi %mul3A_260, %add3A_711 : i32
      %slice3A_713 = vector.extract_strided_slice %mul3A_274 {offsets = [7], sizes = [1], strides = [1]} : vector<16xi32> to vector<1xi32>
      %squeeze3A_714 = vector.extract %slice3A_713[0] : i32 from vector<1xi32>
      %slice3A_715 = vector.extract_strided_slice %mul3A_283 {offsets = [7], sizes = [1], strides = [1]} : vector<16xi32> to vector<1xi32>
      %squeeze3A_716 = vector.extract %slice3A_715[0] : i32 from vector<1xi32>
      %get3A_717 = arith.index_cast %add3A_712 : i32 to index
      %get3A_718 = arith.index_cast %squeeze3A_714 : i32 to index
      %get3A_719 = tpu.vector_load %arg15[%get3A_717, %get3A_718] {strides = array<i32>} : memref<128x128xf32, #tpu.memory_space<vmem>>, vector<16xf32>,
      %get3A_720 = arith.index_cast %add3A_712 : i32 to index
      %get3A_721 = arith.index_cast %squeeze3A_716 : i32 to index
      %get3A_722 = tpu.vector_load %arg16[%get3A_720, %get3A_721] {strides = array<i32>} : memref<128x128xf32, #tpu.memory_space<vmem>>, vector<16xf32>,
      %mul3A_723 = arith.mulf %get3A_719, %get3A_722 : vector<16xf32>
      %add3A_724 = arith.constant 16 : i32
      %add3A_725 = arith.addi %squeeze3A_714, %add3A_724 : i32
      %get3A_726 = arith.index_cast %add3A_712 : i32 to index
      %get3A_727 = arith.index_cast %add3A_725 : i32 to index
      %get3A_728 = tpu.vector_load %arg15[%get3A_726, %get3A_727] {strides = array<i32>} : memref<128x128xf32, #tpu.memory_space<vmem>>, vector<16xf32>,
      %add3A_729 = arith.constant 16 : i32
      %add3A_730 = arith.addi %squeeze3A_716, %add3A_729 : i32
      %get3A_731 = arith.index_cast %add3A_712 : i32 to index
      %get3A_732 = arith.index_cast %add3A_730 : i32 to index
      %get3A_733 = tpu.vector_load %arg16[%get3A_731, %get3A_732] {strides = array<i32>} : memref<128x128xf32, #tpu.memory_space<vmem>>, vector<16xf32>,
      %mul3A_734 = arith.mulf %get3A_728, %get3A_733 : vector<16xf32>
      %add3A_735 = arith.addf %mul3A_723, %mul3A_734 : vector<16xf32>
      %slice3A_736 = vector.extract_strided_slice %and3A_286 {offsets = [7], sizes = [1], strides = [1]} : vector<16xi32> to vector<1xi32>
      %squeeze3A_737 = vector.extract %slice3A_736[0] : i32 from vector<1xi32>
      %slice3A_738 = vector.extract_strided_slice %and3A_289 {offsets = [7], sizes = [1], strides = [1]} : vector<16xi32> to vector<1xi32>
      %squeeze3A_739 = vector.extract %slice3A_738[0] : i32 from vector<1xi32>
      %and3A_740 = arith.constant 112 : i32
      %and3A_741 = arith.andi %squeeze3A_737, %and3A_740 : i32
      %get3A_742 = arith.index_cast %add3A_712 : i32 to index
      %get3A_743 = arith.index_cast %and3A_741 : i32 to index
      %get3A_744 = tpu.vector_load %arg17[%get3A_742, %get3A_743] {strides = array<i32>} : memref<128x128xf32, #tpu.memory_space<vmem>>, vector<16xf32>,
      %and3A_745 = arith.constant 112 : i32
      %and3A_746 = arith.andi %squeeze3A_739, %and3A_745 : i32
      %get3A_747 = arith.index_cast %add3A_712 : i32 to index
      %get3A_748 = arith.index_cast %and3A_746 : i32 to index
      %get3A_749 = tpu.vector_load %arg18[%get3A_747, %get3A_748] {strides = array<i32>} : memref<128x128xf32, #tpu.memory_space<vmem>>, vector<16xf32>,
      %and3A_750 = arith.constant 15 : i32
      %and3A_751 = arith.andi %squeeze3A_737, %and3A_750 : i32
      %eq3A_752 = vector.broadcast %and3A_751 : i32 to vector<16xi32>
      %eq3A_753 = arith.cmpi eq, %iota3A, %eq3A_752 : vector<16xi32>
      %jit3A_754 = arith.constant 0.000000e+00 : f32
      %broadcast_in_dim3A_755 = vector.broadcast %jit3A_754 : f32 to vector<16xf32>
      %select_n3A_756 = arith.select %eq3A_753, %get3A_744, %broadcast_in_dim3A_755 : vector<16xi1>, vector<16xf32>
      %add3A_757 = arith.addf %add3A_735, %select_n3A_756 : vector<16xf32>
      %and3A_758 = arith.constant 15 : i32
      %and3A_759 = arith.andi %squeeze3A_739, %and3A_758 : i32
      %eq3A_760 = vector.broadcast %and3A_759 : i32 to vector<16xi32>
      %eq3A_761 = arith.cmpi eq, %iota3A, %eq3A_760 : vector<16xi32>
      %jit3A_762 = arith.constant 0.000000e+00 : f32
      %broadcast_in_dim3A_763 = vector.broadcast %jit3A_762 : f32 to vector<16xf32>
      %select_n3A_764 = arith.select %eq3A_761, %get3A_749, %broadcast_in_dim3A_763 : vector<16xi1>, vector<16xf32>
      %add3A_765 = arith.addf %add3A_757, %select_n3A_764 : vector<16xf32>
      %mul3A_766 = arith.constant 16 : i32
      %mul3A_767 = vector.broadcast %mul3A_766 : i32 to vector<16xi32>
      %mul3A_768 = arith.muli %iota3A, %mul3A_767 : vector<16xi32>
      %add3A_769 = arith.constant 7 : i32
      %add3A_770 = vector.broadcast %add3A_769 : i32 to vector<16xi32>
      %add3A_771 = arith.addi %mul3A_768, %add3A_770 : vector<16xi32>
      tpu.vector_store_idx %arg19[%add3A_771], %add3A_765 : memref<256xf32, #tpu.memory_space<vmem>>[vector<16xi32>], vector<16xf32>,
      %add3A_772 = arith.constant 8 : i32
      %add3A_773 = arith.addi %mul3A_260, %add3A_772 : i32
      %slice3A_774 = vector.extract_strided_slice %mul3A_274 {offsets = [8], sizes = [1], strides = [1]} : vector<16xi32> to vector<1xi32>
      %squeeze3A_775 = vector.extract %slice3A_774[0] : i32 from vector<1xi32>
      %slice3A_776 = vector.extract_strided_slice %mul3A_283 {offsets = [8], sizes = [1], strides = [1]} : vector<16xi32> to vector<1xi32>
      %squeeze3A_777 = vector.extract %slice3A_776[0] : i32 from vector<1xi32>
      %get3A_778 = arith.index_cast %add3A_773 : i32 to index
      %get3A_779 = arith.index_cast %squeeze3A_775 : i32 to index
      %get3A_780 = tpu.vector_load %arg15[%get3A_778, %get3A_779] {strides = array<i32>} : memref<128x128xf32, #tpu.memory_space<vmem>>, vector<16xf32>,
      %get3A_781 = arith.index_cast %add3A_773 : i32 to index
      %get3A_782 = arith.index_cast %squeeze3A_777 : i32 to index
      %get3A_783 = tpu.vector_load %arg16[%get3A_781, %get3A_782] {strides = array<i32>} : memref<128x128xf32, #tpu.memory_space<vmem>>, vector<16xf32>,
      %mul3A_784 = arith.mulf %get3A_780, %get3A_783 : vector<16xf32>
      %add3A_785 = arith.constant 16 : i32
      %add3A_786 = arith.addi %squeeze3A_775, %add3A_785 : i32
      %get3A_787 = arith.index_cast %add3A_773 : i32 to index
      %get3A_788 = arith.index_cast %add3A_786 : i32 to index
      %get3A_789 = tpu.vector_load %arg15[%get3A_787, %get3A_788] {strides = array<i32>} : memref<128x128xf32, #tpu.memory_space<vmem>>, vector<16xf32>,
      %add3A_790 = arith.constant 16 : i32
      %add3A_791 = arith.addi %squeeze3A_777, %add3A_790 : i32
      %get3A_792 = arith.index_cast %add3A_773 : i32 to index
      %get3A_793 = arith.index_cast %add3A_791 : i32 to index
      %get3A_794 = tpu.vector_load %arg16[%get3A_792, %get3A_793] {strides = array<i32>} : memref<128x128xf32, #tpu.memory_space<vmem>>, vector<16xf32>,
      %mul3A_795 = arith.mulf %get3A_789, %get3A_794 : vector<16xf32>
      %add3A_796 = arith.addf %mul3A_784, %mul3A_795 : vector<16xf32>
      %slice3A_797 = vector.extract_strided_slice %and3A_286 {offsets = [8], sizes = [1], strides = [1]} : vector<16xi32> to vector<1xi32>
      %squeeze3A_798 = vector.extract %slice3A_797[0] : i32 from vector<1xi32>
      %slice3A_799 = vector.extract_strided_slice %and3A_289 {offsets = [8], sizes = [1], strides = [1]} : vector<16xi32> to vector<1xi32>
      %squeeze3A_800 = vector.extract %slice3A_799[0] : i32 from vector<1xi32>
      %and3A_801 = arith.constant 112 : i32
      %and3A_802 = arith.andi %squeeze3A_798, %and3A_801 : i32
      %get3A_803 = arith.index_cast %add3A_773 : i32 to index
      %get3A_804 = arith.index_cast %and3A_802 : i32 to index
      %get3A_805 = tpu.vector_load %arg17[%get3A_803, %get3A_804] {strides = array<i32>} : memref<128x128xf32, #tpu.memory_space<vmem>>, vector<16xf32>,
      %and3A_806 = arith.constant 112 : i32
      %and3A_807 = arith.andi %squeeze3A_800, %and3A_806 : i32
      %get3A_808 = arith.index_cast %add3A_773 : i32 to index
      %get3A_809 = arith.index_cast %and3A_807 : i32 to index
      %get3A_810 = tpu.vector_load %arg18[%get3A_808, %get3A_809] {strides = array<i32>} : memref<128x128xf32, #tpu.memory_space<vmem>>, vector<16xf32>,
      %and3A_811 = arith.constant 15 : i32
      %and3A_812 = arith.andi %squeeze3A_798, %and3A_811 : i32
      %eq3A_813 = vector.broadcast %and3A_812 : i32 to vector<16xi32>
      %eq3A_814 = arith.cmpi eq, %iota3A, %eq3A_813 : vector<16xi32>
      %jit3A_815 = arith.constant 0.000000e+00 : f32
      %broadcast_in_dim3A_816 = vector.broadcast %jit3A_815 : f32 to vector<16xf32>
      %select_n3A_817 = arith.select %eq3A_814, %get3A_805, %broadcast_in_dim3A_816 : vector<16xi1>, vector<16xf32>
      %add3A_818 = arith.addf %add3A_796, %select_n3A_817 : vector<16xf32>
      %and3A_819 = arith.constant 15 : i32
      %and3A_820 = arith.andi %squeeze3A_800, %and3A_819 : i32
      %eq3A_821 = vector.broadcast %and3A_820 : i32 to vector<16xi32>
      %eq3A_822 = arith.cmpi eq, %iota3A, %eq3A_821 : vector<16xi32>
      %jit3A_823 = arith.constant 0.000000e+00 : f32
      %broadcast_in_dim3A_824 = vector.broadcast %jit3A_823 : f32 to vector<16xf32>
      %select_n3A_825 = arith.select %eq3A_822, %get3A_810, %broadcast_in_dim3A_824 : vector<16xi1>, vector<16xf32>
      %add3A_826 = arith.addf %add3A_818, %select_n3A_825 : vector<16xf32>
      %mul3A_827 = arith.constant 16 : i32
      %mul3A_828 = vector.broadcast %mul3A_827 : i32 to vector<16xi32>
      %mul3A_829 = arith.muli %iota3A, %mul3A_828 : vector<16xi32>
      %add3A_830 = arith.constant 8 : i32
      %add3A_831 = vector.broadcast %add3A_830 : i32 to vector<16xi32>
      %add3A_832 = arith.addi %mul3A_829, %add3A_831 : vector<16xi32>
      tpu.vector_store_idx %arg19[%add3A_832], %add3A_826 : memref<256xf32, #tpu.memory_space<vmem>>[vector<16xi32>], vector<16xf32>,
      %add3A_833 = arith.constant 9 : i32
      %add3A_834 = arith.addi %mul3A_260, %add3A_833 : i32
      %slice3A_835 = vector.extract_strided_slice %mul3A_274 {offsets = [9], sizes = [1], strides = [1]} : vector<16xi32> to vector<1xi32>
      %squeeze3A_836 = vector.extract %slice3A_835[0] : i32 from vector<1xi32>
      %slice3A_837 = vector.extract_strided_slice %mul3A_283 {offsets = [9], sizes = [1], strides = [1]} : vector<16xi32> to vector<1xi32>
      %squeeze3A_838 = vector.extract %slice3A_837[0] : i32 from vector<1xi32>
      %get3A_839 = arith.index_cast %add3A_834 : i32 to index
      %get3A_840 = arith.index_cast %squeeze3A_836 : i32 to index
      %get3A_841 = tpu.vector_load %arg15[%get3A_839, %get3A_840] {strides = array<i32>} : memref<128x128xf32, #tpu.memory_space<vmem>>, vector<16xf32>,
      %get3A_842 = arith.index_cast %add3A_834 : i32 to index
      %get3A_843 = arith.index_cast %squeeze3A_838 : i32 to index
      %get3A_844 = tpu.vector_load %arg16[%get3A_842, %get3A_843] {strides = array<i32>} : memref<128x128xf32, #tpu.memory_space<vmem>>, vector<16xf32>,
      %mul3A_845 = arith.mulf %get3A_841, %get3A_844 : vector<16xf32>
      %add3A_846 = arith.constant 16 : i32
      %add3A_847 = arith.addi %squeeze3A_836, %add3A_846 : i32
      %get3A_848 = arith.index_cast %add3A_834 : i32 to index
      %get3A_849 = arith.index_cast %add3A_847 : i32 to index
      %get3A_850 = tpu.vector_load %arg15[%get3A_848, %get3A_849] {strides = array<i32>} : memref<128x128xf32, #tpu.memory_space<vmem>>, vector<16xf32>,
      %add3A_851 = arith.constant 16 : i32
      %add3A_852 = arith.addi %squeeze3A_838, %add3A_851 : i32
      %get3A_853 = arith.index_cast %add3A_834 : i32 to index
      %get3A_854 = arith.index_cast %add3A_852 : i32 to index
      %get3A_855 = tpu.vector_load %arg16[%get3A_853, %get3A_854] {strides = array<i32>} : memref<128x128xf32, #tpu.memory_space<vmem>>, vector<16xf32>,
      %mul3A_856 = arith.mulf %get3A_850, %get3A_855 : vector<16xf32>
      %add3A_857 = arith.addf %mul3A_845, %mul3A_856 : vector<16xf32>
      %slice3A_858 = vector.extract_strided_slice %and3A_286 {offsets = [9], sizes = [1], strides = [1]} : vector<16xi32> to vector<1xi32>
      %squeeze3A_859 = vector.extract %slice3A_858[0] : i32 from vector<1xi32>
      %slice3A_860 = vector.extract_strided_slice %and3A_289 {offsets = [9], sizes = [1], strides = [1]} : vector<16xi32> to vector<1xi32>
      %squeeze3A_861 = vector.extract %slice3A_860[0] : i32 from vector<1xi32>
      %and3A_862 = arith.constant 112 : i32
      %and3A_863 = arith.andi %squeeze3A_859, %and3A_862 : i32
      %get3A_864 = arith.index_cast %add3A_834 : i32 to index
      %get3A_865 = arith.index_cast %and3A_863 : i32 to index
      %get3A_866 = tpu.vector_load %arg17[%get3A_864, %get3A_865] {strides = array<i32>} : memref<128x128xf32, #tpu.memory_space<vmem>>, vector<16xf32>,
      %and3A_867 = arith.constant 112 : i32
      %and3A_868 = arith.andi %squeeze3A_861, %and3A_867 : i32
      %get3A_869 = arith.index_cast %add3A_834 : i32 to index
      %get3A_870 = arith.index_cast %and3A_868 : i32 to index
      %get3A_871 = tpu.vector_load %arg18[%get3A_869, %get3A_870] {strides = array<i32>} : memref<128x128xf32, #tpu.memory_space<vmem>>, vector<16xf32>,
      %and3A_872 = arith.constant 15 : i32
      %and3A_873 = arith.andi %squeeze3A_859, %and3A_872 : i32
      %eq3A_874 = vector.broadcast %and3A_873 : i32 to vector<16xi32>
      %eq3A_875 = arith.cmpi eq, %iota3A, %eq3A_874 : vector<16xi32>
      %jit3A_876 = arith.constant 0.000000e+00 : f32
      %broadcast_in_dim3A_877 = vector.broadcast %jit3A_876 : f32 to vector<16xf32>
      %select_n3A_878 = arith.select %eq3A_875, %get3A_866, %broadcast_in_dim3A_877 : vector<16xi1>, vector<16xf32>
      %add3A_879 = arith.addf %add3A_857, %select_n3A_878 : vector<16xf32>
      %and3A_880 = arith.constant 15 : i32
      %and3A_881 = arith.andi %squeeze3A_861, %and3A_880 : i32
      %eq3A_882 = vector.broadcast %and3A_881 : i32 to vector<16xi32>
      %eq3A_883 = arith.cmpi eq, %iota3A, %eq3A_882 : vector<16xi32>
      %jit3A_884 = arith.constant 0.000000e+00 : f32
      %broadcast_in_dim3A_885 = vector.broadcast %jit3A_884 : f32 to vector<16xf32>
      %select_n3A_886 = arith.select %eq3A_883, %get3A_871, %broadcast_in_dim3A_885 : vector<16xi1>, vector<16xf32>
      %add3A_887 = arith.addf %add3A_879, %select_n3A_886 : vector<16xf32>
      %mul3A_888 = arith.constant 16 : i32
      %mul3A_889 = vector.broadcast %mul3A_888 : i32 to vector<16xi32>
      %mul3A_890 = arith.muli %iota3A, %mul3A_889 : vector<16xi32>
      %add3A_891 = arith.constant 9 : i32
      %add3A_892 = vector.broadcast %add3A_891 : i32 to vector<16xi32>
      %add3A_893 = arith.addi %mul3A_890, %add3A_892 : vector<16xi32>
      tpu.vector_store_idx %arg19[%add3A_893], %add3A_887 : memref<256xf32, #tpu.memory_space<vmem>>[vector<16xi32>], vector<16xf32>,
      %add3A_894 = arith.constant 10 : i32
      %add3A_895 = arith.addi %mul3A_260, %add3A_894 : i32
      %slice3A_896 = vector.extract_strided_slice %mul3A_274 {offsets = [10], sizes = [1], strides = [1]} : vector<16xi32> to vector<1xi32>
      %squeeze3A_897 = vector.extract %slice3A_896[0] : i32 from vector<1xi32>
      %slice3A_898 = vector.extract_strided_slice %mul3A_283 {offsets = [10], sizes = [1], strides = [1]} : vector<16xi32> to vector<1xi32>
      %squeeze3A_899 = vector.extract %slice3A_898[0] : i32 from vector<1xi32>
      %get3A_900 = arith.index_cast %add3A_895 : i32 to index
      %get3A_901 = arith.index_cast %squeeze3A_897 : i32 to index
      %get3A_902 = tpu.vector_load %arg15[%get3A_900, %get3A_901] {strides = array<i32>} : memref<128x128xf32, #tpu.memory_space<vmem>>, vector<16xf32>,
      %get3A_903 = arith.index_cast %add3A_895 : i32 to index
      %get3A_904 = arith.index_cast %squeeze3A_899 : i32 to index
      %get3A_905 = tpu.vector_load %arg16[%get3A_903, %get3A_904] {strides = array<i32>} : memref<128x128xf32, #tpu.memory_space<vmem>>, vector<16xf32>,
      %mul3A_906 = arith.mulf %get3A_902, %get3A_905 : vector<16xf32>
      %add3A_907 = arith.constant 16 : i32
      %add3A_908 = arith.addi %squeeze3A_897, %add3A_907 : i32
      %get3A_909 = arith.index_cast %add3A_895 : i32 to index
      %get3A_910 = arith.index_cast %add3A_908 : i32 to index
      %get3A_911 = tpu.vector_load %arg15[%get3A_909, %get3A_910] {strides = array<i32>} : memref<128x128xf32, #tpu.memory_space<vmem>>, vector<16xf32>,
      %add3A_912 = arith.constant 16 : i32
      %add3A_913 = arith.addi %squeeze3A_899, %add3A_912 : i32
      %get3A_914 = arith.index_cast %add3A_895 : i32 to index
      %get3A_915 = arith.index_cast %add3A_913 : i32 to index
      %get3A_916 = tpu.vector_load %arg16[%get3A_914, %get3A_915] {strides = array<i32>} : memref<128x128xf32, #tpu.memory_space<vmem>>, vector<16xf32>,
      %mul3A_917 = arith.mulf %get3A_911, %get3A_916 : vector<16xf32>
      %add3A_918 = arith.addf %mul3A_906, %mul3A_917 : vector<16xf32>
      %slice3A_919 = vector.extract_strided_slice %and3A_286 {offsets = [10], sizes = [1], strides = [1]} : vector<16xi32> to vector<1xi32>
      %squeeze3A_920 = vector.extract %slice3A_919[0] : i32 from vector<1xi32>
      %slice3A_921 = vector.extract_strided_slice %and3A_289 {offsets = [10], sizes = [1], strides = [1]} : vector<16xi32> to vector<1xi32>
      %squeeze3A_922 = vector.extract %slice3A_921[0] : i32 from vector<1xi32>
      %and3A_923 = arith.constant 112 : i32
      %and3A_924 = arith.andi %squeeze3A_920, %and3A_923 : i32
      %get3A_925 = arith.index_cast %add3A_895 : i32 to index
      %get3A_926 = arith.index_cast %and3A_924 : i32 to index
      %get3A_927 = tpu.vector_load %arg17[%get3A_925, %get3A_926] {strides = array<i32>} : memref<128x128xf32, #tpu.memory_space<vmem>>, vector<16xf32>,
      %and3A_928 = arith.constant 112 : i32
      %and3A_929 = arith.andi %squeeze3A_922, %and3A_928 : i32
      %get3A_930 = arith.index_cast %add3A_895 : i32 to index
      %get3A_931 = arith.index_cast %and3A_929 : i32 to index
      %get3A_932 = tpu.vector_load %arg18[%get3A_930, %get3A_931] {strides = array<i32>} : memref<128x128xf32, #tpu.memory_space<vmem>>, vector<16xf32>,
      %and3A_933 = arith.constant 15 : i32
      %and3A_934 = arith.andi %squeeze3A_920, %and3A_933 : i32
      %eq3A_935 = vector.broadcast %and3A_934 : i32 to vector<16xi32>
      %eq3A_936 = arith.cmpi eq, %iota3A, %eq3A_935 : vector<16xi32>
      %jit3A_937 = arith.constant 0.000000e+00 : f32
      %broadcast_in_dim3A_938 = vector.broadcast %jit3A_937 : f32 to vector<16xf32>
      %select_n3A_939 = arith.select %eq3A_936, %get3A_927, %broadcast_in_dim3A_938 : vector<16xi1>, vector<16xf32>
      %add3A_940 = arith.addf %add3A_918, %select_n3A_939 : vector<16xf32>
      %and3A_941 = arith.constant 15 : i32
      %and3A_942 = arith.andi %squeeze3A_922, %and3A_941 : i32
      %eq3A_943 = vector.broadcast %and3A_942 : i32 to vector<16xi32>
      %eq3A_944 = arith.cmpi eq, %iota3A, %eq3A_943 : vector<16xi32>
      %jit3A_945 = arith.constant 0.000000e+00 : f32
      %broadcast_in_dim3A_946 = vector.broadcast %jit3A_945 : f32 to vector<16xf32>
      %select_n3A_947 = arith.select %eq3A_944, %get3A_932, %broadcast_in_dim3A_946 : vector<16xi1>, vector<16xf32>
      %add3A_948 = arith.addf %add3A_940, %select_n3A_947 : vector<16xf32>
      %mul3A_949 = arith.constant 16 : i32
      %mul3A_950 = vector.broadcast %mul3A_949 : i32 to vector<16xi32>
      %mul3A_951 = arith.muli %iota3A, %mul3A_950 : vector<16xi32>
      %add3A_952 = arith.constant 10 : i32
      %add3A_953 = vector.broadcast %add3A_952 : i32 to vector<16xi32>
      %add3A_954 = arith.addi %mul3A_951, %add3A_953 : vector<16xi32>
      tpu.vector_store_idx %arg19[%add3A_954], %add3A_948 : memref<256xf32, #tpu.memory_space<vmem>>[vector<16xi32>], vector<16xf32>,
      %add3A_955 = arith.constant 11 : i32
      %add3A_956 = arith.addi %mul3A_260, %add3A_955 : i32
      %slice3A_957 = vector.extract_strided_slice %mul3A_274 {offsets = [11], sizes = [1], strides = [1]} : vector<16xi32> to vector<1xi32>
      %squeeze3A_958 = vector.extract %slice3A_957[0] : i32 from vector<1xi32>
      %slice3A_959 = vector.extract_strided_slice %mul3A_283 {offsets = [11], sizes = [1], strides = [1]} : vector<16xi32> to vector<1xi32>
      %squeeze3A_960 = vector.extract %slice3A_959[0] : i32 from vector<1xi32>
      %get3A_961 = arith.index_cast %add3A_956 : i32 to index
      %get3A_962 = arith.index_cast %squeeze3A_958 : i32 to index
      %get3A_963 = tpu.vector_load %arg15[%get3A_961, %get3A_962] {strides = array<i32>} : memref<128x128xf32, #tpu.memory_space<vmem>>, vector<16xf32>,
      %get3A_964 = arith.index_cast %add3A_956 : i32 to index
      %get3A_965 = arith.index_cast %squeeze3A_960 : i32 to index
      %get3A_966 = tpu.vector_load %arg16[%get3A_964, %get3A_965] {strides = array<i32>} : memref<128x128xf32, #tpu.memory_space<vmem>>, vector<16xf32>,
      %mul3A_967 = arith.mulf %get3A_963, %get3A_966 : vector<16xf32>
      %add3A_968 = arith.constant 16 : i32
      %add3A_969 = arith.addi %squeeze3A_958, %add3A_968 : i32
      %get3A_970 = arith.index_cast %add3A_956 : i32 to index
      %get3A_971 = arith.index_cast %add3A_969 : i32 to index
      %get3A_972 = tpu.vector_load %arg15[%get3A_970, %get3A_971] {strides = array<i32>} : memref<128x128xf32, #tpu.memory_space<vmem>>, vector<16xf32>,
      %add3A_973 = arith.constant 16 : i32
      %add3A_974 = arith.addi %squeeze3A_960, %add3A_973 : i32
      %get3A_975 = arith.index_cast %add3A_956 : i32 to index
      %get3A_976 = arith.index_cast %add3A_974 : i32 to index
      %get3A_977 = tpu.vector_load %arg16[%get3A_975, %get3A_976] {strides = array<i32>} : memref<128x128xf32, #tpu.memory_space<vmem>>, vector<16xf32>,
      %mul3A_978 = arith.mulf %get3A_972, %get3A_977 : vector<16xf32>
      %add3A_979 = arith.addf %mul3A_967, %mul3A_978 : vector<16xf32>
      %slice3A_980 = vector.extract_strided_slice %and3A_286 {offsets = [11], sizes = [1], strides = [1]} : vector<16xi32> to vector<1xi32>
      %squeeze3A_981 = vector.extract %slice3A_980[0] : i32 from vector<1xi32>
      %slice3A_982 = vector.extract_strided_slice %and3A_289 {offsets = [11], sizes = [1], strides = [1]} : vector<16xi32> to vector<1xi32>
      %squeeze3A_983 = vector.extract %slice3A_982[0] : i32 from vector<1xi32>
      %and3A_984 = arith.constant 112 : i32
      %and3A_985 = arith.andi %squeeze3A_981, %and3A_984 : i32
      %get3A_986 = arith.index_cast %add3A_956 : i32 to index
      %get3A_987 = arith.index_cast %and3A_985 : i32 to index
      %get3A_988 = tpu.vector_load %arg17[%get3A_986, %get3A_987] {strides = array<i32>} : memref<128x128xf32, #tpu.memory_space<vmem>>, vector<16xf32>,
      %and3A_989 = arith.constant 112 : i32
      %and3A_990 = arith.andi %squeeze3A_983, %and3A_989 : i32
      %get3A_991 = arith.index_cast %add3A_956 : i32 to index
      %get3A_992 = arith.index_cast %and3A_990 : i32 to index
      %get3A_993 = tpu.vector_load %arg18[%get3A_991, %get3A_992] {strides = array<i32>} : memref<128x128xf32, #tpu.memory_space<vmem>>, vector<16xf32>,
      %and3A_994 = arith.constant 15 : i32
      %and3A_995 = arith.andi %squeeze3A_981, %and3A_994 : i32
      %eq3A_996 = vector.broadcast %and3A_995 : i32 to vector<16xi32>
      %eq3A_997 = arith.cmpi eq, %iota3A, %eq3A_996 : vector<16xi32>
      %jit3A_998 = arith.constant 0.000000e+00 : f32
      %broadcast_in_dim3A_999 = vector.broadcast %jit3A_998 : f32 to vector<16xf32>
      %select_n3A_1000 = arith.select %eq3A_997, %get3A_988, %broadcast_in_dim3A_999 : vector<16xi1>, vector<16xf32>
      %add3A_1001 = arith.addf %add3A_979, %select_n3A_1000 : vector<16xf32>
      %and3A_1002 = arith.constant 15 : i32
      %and3A_1003 = arith.andi %squeeze3A_983, %and3A_1002 : i32
      %eq3A_1004 = vector.broadcast %and3A_1003 : i32 to vector<16xi32>
      %eq3A_1005 = arith.cmpi eq, %iota3A, %eq3A_1004 : vector<16xi32>
      %jit3A_1006 = arith.constant 0.000000e+00 : f32
      %broadcast_in_dim3A_1007 = vector.broadcast %jit3A_1006 : f32 to vector<16xf32>
      %select_n3A_1008 = arith.select %eq3A_1005, %get3A_993, %broadcast_in_dim3A_1007 : vector<16xi1>, vector<16xf32>
      %add3A_1009 = arith.addf %add3A_1001, %select_n3A_1008 : vector<16xf32>
      %mul3A_1010 = arith.constant 16 : i32
      %mul3A_1011 = vector.broadcast %mul3A_1010 : i32 to vector<16xi32>
      %mul3A_1012 = arith.muli %iota3A, %mul3A_1011 : vector<16xi32>
      %add3A_1013 = arith.constant 11 : i32
      %add3A_1014 = vector.broadcast %add3A_1013 : i32 to vector<16xi32>
      %add3A_1015 = arith.addi %mul3A_1012, %add3A_1014 : vector<16xi32>
      tpu.vector_store_idx %arg19[%add3A_1015], %add3A_1009 : memref<256xf32, #tpu.memory_space<vmem>>[vector<16xi32>], vector<16xf32>,
      %add3A_1016 = arith.constant 12 : i32
      %add3A_1017 = arith.addi %mul3A_260, %add3A_1016 : i32
      %slice3A_1018 = vector.extract_strided_slice %mul3A_274 {offsets = [12], sizes = [1], strides = [1]} : vector<16xi32> to vector<1xi32>
      %squeeze3A_1019 = vector.extract %slice3A_1018[0] : i32 from vector<1xi32>
      %slice3A_1020 = vector.extract_strided_slice %mul3A_283 {offsets = [12], sizes = [1], strides = [1]} : vector<16xi32> to vector<1xi32>
      %squeeze3A_1021 = vector.extract %slice3A_1020[0] : i32 from vector<1xi32>
      %get3A_1022 = arith.index_cast %add3A_1017 : i32 to index
      %get3A_1023 = arith.index_cast %squeeze3A_1019 : i32 to index
      %get3A_1024 = tpu.vector_load %arg15[%get3A_1022, %get3A_1023] {strides = array<i32>} : memref<128x128xf32, #tpu.memory_space<vmem>>, vector<16xf32>,
      %get3A_1025 = arith.index_cast %add3A_1017 : i32 to index
      %get3A_1026 = arith.index_cast %squeeze3A_1021 : i32 to index
      %get3A_1027 = tpu.vector_load %arg16[%get3A_1025, %get3A_1026] {strides = array<i32>} : memref<128x128xf32, #tpu.memory_space<vmem>>, vector<16xf32>,
      %mul3A_1028 = arith.mulf %get3A_1024, %get3A_1027 : vector<16xf32>
      %add3A_1029 = arith.constant 16 : i32
      %add3A_1030 = arith.addi %squeeze3A_1019, %add3A_1029 : i32
      %get3A_1031 = arith.index_cast %add3A_1017 : i32 to index
      %get3A_1032 = arith.index_cast %add3A_1030 : i32 to index
      %get3A_1033 = tpu.vector_load %arg15[%get3A_1031, %get3A_1032] {strides = array<i32>} : memref<128x128xf32, #tpu.memory_space<vmem>>, vector<16xf32>,
      %add3A_1034 = arith.constant 16 : i32
      %add3A_1035 = arith.addi %squeeze3A_1021, %add3A_1034 : i32
      %get3A_1036 = arith.index_cast %add3A_1017 : i32 to index
      %get3A_1037 = arith.index_cast %add3A_1035 : i32 to index
      %get3A_1038 = tpu.vector_load %arg16[%get3A_1036, %get3A_1037] {strides = array<i32>} : memref<128x128xf32, #tpu.memory_space<vmem>>, vector<16xf32>,
      %mul3A_1039 = arith.mulf %get3A_1033, %get3A_1038 : vector<16xf32>
      %add3A_1040 = arith.addf %mul3A_1028, %mul3A_1039 : vector<16xf32>
      %slice3A_1041 = vector.extract_strided_slice %and3A_286 {offsets = [12], sizes = [1], strides = [1]} : vector<16xi32> to vector<1xi32>
      %squeeze3A_1042 = vector.extract %slice3A_1041[0] : i32 from vector<1xi32>
      %slice3A_1043 = vector.extract_strided_slice %and3A_289 {offsets = [12], sizes = [1], strides = [1]} : vector<16xi32> to vector<1xi32>
      %squeeze3A_1044 = vector.extract %slice3A_1043[0] : i32 from vector<1xi32>
      %and3A_1045 = arith.constant 112 : i32
      %and3A_1046 = arith.andi %squeeze3A_1042, %and3A_1045 : i32
      %get3A_1047 = arith.index_cast %add3A_1017 : i32 to index
      %get3A_1048 = arith.index_cast %and3A_1046 : i32 to index
      %get3A_1049 = tpu.vector_load %arg17[%get3A_1047, %get3A_1048] {strides = array<i32>} : memref<128x128xf32, #tpu.memory_space<vmem>>, vector<16xf32>,
      %and3A_1050 = arith.constant 112 : i32
      %and3A_1051 = arith.andi %squeeze3A_1044, %and3A_1050 : i32
      %get3A_1052 = arith.index_cast %add3A_1017 : i32 to index
      %get3A_1053 = arith.index_cast %and3A_1051 : i32 to index
      %get3A_1054 = tpu.vector_load %arg18[%get3A_1052, %get3A_1053] {strides = array<i32>} : memref<128x128xf32, #tpu.memory_space<vmem>>, vector<16xf32>,
      %and3A_1055 = arith.constant 15 : i32
      %and3A_1056 = arith.andi %squeeze3A_1042, %and3A_1055 : i32
      %eq3A_1057 = vector.broadcast %and3A_1056 : i32 to vector<16xi32>
      %eq3A_1058 = arith.cmpi eq, %iota3A, %eq3A_1057 : vector<16xi32>
      %jit3A_1059 = arith.constant 0.000000e+00 : f32
      %broadcast_in_dim3A_1060 = vector.broadcast %jit3A_1059 : f32 to vector<16xf32>
      %select_n3A_1061 = arith.select %eq3A_1058, %get3A_1049, %broadcast_in_dim3A_1060 : vector<16xi1>, vector<16xf32>
      %add3A_1062 = arith.addf %add3A_1040, %select_n3A_1061 : vector<16xf32>
      %and3A_1063 = arith.constant 15 : i32
      %and3A_1064 = arith.andi %squeeze3A_1044, %and3A_1063 : i32
      %eq3A_1065 = vector.broadcast %and3A_1064 : i32 to vector<16xi32>
      %eq3A_1066 = arith.cmpi eq, %iota3A, %eq3A_1065 : vector<16xi32>
      %jit3A_1067 = arith.constant 0.000000e+00 : f32
      %broadcast_in_dim3A_1068 = vector.broadcast %jit3A_1067 : f32 to vector<16xf32>
      %select_n3A_1069 = arith.select %eq3A_1066, %get3A_1054, %broadcast_in_dim3A_1068 : vector<16xi1>, vector<16xf32>
      %add3A_1070 = arith.addf %add3A_1062, %select_n3A_1069 : vector<16xf32>
      %mul3A_1071 = arith.constant 16 : i32
      %mul3A_1072 = vector.broadcast %mul3A_1071 : i32 to vector<16xi32>
      %mul3A_1073 = arith.muli %iota3A, %mul3A_1072 : vector<16xi32>
      %add3A_1074 = arith.constant 12 : i32
      %add3A_1075 = vector.broadcast %add3A_1074 : i32 to vector<16xi32>
      %add3A_1076 = arith.addi %mul3A_1073, %add3A_1075 : vector<16xi32>
      tpu.vector_store_idx %arg19[%add3A_1076], %add3A_1070 : memref<256xf32, #tpu.memory_space<vmem>>[vector<16xi32>], vector<16xf32>,
      %add3A_1077 = arith.constant 13 : i32
      %add3A_1078 = arith.addi %mul3A_260, %add3A_1077 : i32
      %slice3A_1079 = vector.extract_strided_slice %mul3A_274 {offsets = [13], sizes = [1], strides = [1]} : vector<16xi32> to vector<1xi32>
      %squeeze3A_1080 = vector.extract %slice3A_1079[0] : i32 from vector<1xi32>
      %slice3A_1081 = vector.extract_strided_slice %mul3A_283 {offsets = [13], sizes = [1], strides = [1]} : vector<16xi32> to vector<1xi32>
      %squeeze3A_1082 = vector.extract %slice3A_1081[0] : i32 from vector<1xi32>
      %get3A_1083 = arith.index_cast %add3A_1078 : i32 to index
      %get3A_1084 = arith.index_cast %squeeze3A_1080 : i32 to index
      %get3A_1085 = tpu.vector_load %arg15[%get3A_1083, %get3A_1084] {strides = array<i32>} : memref<128x128xf32, #tpu.memory_space<vmem>>, vector<16xf32>,
      %get3A_1086 = arith.index_cast %add3A_1078 : i32 to index
      %get3A_1087 = arith.index_cast %squeeze3A_1082 : i32 to index
      %get3A_1088 = tpu.vector_load %arg16[%get3A_1086, %get3A_1087] {strides = array<i32>} : memref<128x128xf32, #tpu.memory_space<vmem>>, vector<16xf32>,
      %mul3A_1089 = arith.mulf %get3A_1085, %get3A_1088 : vector<16xf32>
      %add3A_1090 = arith.constant 16 : i32
      %add3A_1091 = arith.addi %squeeze3A_1080, %add3A_1090 : i32
      %get3A_1092 = arith.index_cast %add3A_1078 : i32 to index
      %get3A_1093 = arith.index_cast %add3A_1091 : i32 to index
      %get3A_1094 = tpu.vector_load %arg15[%get3A_1092, %get3A_1093] {strides = array<i32>} : memref<128x128xf32, #tpu.memory_space<vmem>>, vector<16xf32>,
      %add3A_1095 = arith.constant 16 : i32
      %add3A_1096 = arith.addi %squeeze3A_1082, %add3A_1095 : i32
      %get3A_1097 = arith.index_cast %add3A_1078 : i32 to index
      %get3A_1098 = arith.index_cast %add3A_1096 : i32 to index
      %get3A_1099 = tpu.vector_load %arg16[%get3A_1097, %get3A_1098] {strides = array<i32>} : memref<128x128xf32, #tpu.memory_space<vmem>>, vector<16xf32>,
      %mul3A_1100 = arith.mulf %get3A_1094, %get3A_1099 : vector<16xf32>
      %add3A_1101 = arith.addf %mul3A_1089, %mul3A_1100 : vector<16xf32>
      %slice3A_1102 = vector.extract_strided_slice %and3A_286 {offsets = [13], sizes = [1], strides = [1]} : vector<16xi32> to vector<1xi32>
      %squeeze3A_1103 = vector.extract %slice3A_1102[0] : i32 from vector<1xi32>
      %slice3A_1104 = vector.extract_strided_slice %and3A_289 {offsets = [13], sizes = [1], strides = [1]} : vector<16xi32> to vector<1xi32>
      %squeeze3A_1105 = vector.extract %slice3A_1104[0] : i32 from vector<1xi32>
      %and3A_1106 = arith.constant 112 : i32
      %and3A_1107 = arith.andi %squeeze3A_1103, %and3A_1106 : i32
      %get3A_1108 = arith.index_cast %add3A_1078 : i32 to index
      %get3A_1109 = arith.index_cast %and3A_1107 : i32 to index
      %get3A_1110 = tpu.vector_load %arg17[%get3A_1108, %get3A_1109] {strides = array<i32>} : memref<128x128xf32, #tpu.memory_space<vmem>>, vector<16xf32>,
      %and3A_1111 = arith.constant 112 : i32
      %and3A_1112 = arith.andi %squeeze3A_1105, %and3A_1111 : i32
      %get3A_1113 = arith.index_cast %add3A_1078 : i32 to index
      %get3A_1114 = arith.index_cast %and3A_1112 : i32 to index
      %get3A_1115 = tpu.vector_load %arg18[%get3A_1113, %get3A_1114] {strides = array<i32>} : memref<128x128xf32, #tpu.memory_space<vmem>>, vector<16xf32>,
      %and3A_1116 = arith.constant 15 : i32
      %and3A_1117 = arith.andi %squeeze3A_1103, %and3A_1116 : i32
      %eq3A_1118 = vector.broadcast %and3A_1117 : i32 to vector<16xi32>
      %eq3A_1119 = arith.cmpi eq, %iota3A, %eq3A_1118 : vector<16xi32>
      %jit3A_1120 = arith.constant 0.000000e+00 : f32
      %broadcast_in_dim3A_1121 = vector.broadcast %jit3A_1120 : f32 to vector<16xf32>
      %select_n3A_1122 = arith.select %eq3A_1119, %get3A_1110, %broadcast_in_dim3A_1121 : vector<16xi1>, vector<16xf32>
      %add3A_1123 = arith.addf %add3A_1101, %select_n3A_1122 : vector<16xf32>
      %and3A_1124 = arith.constant 15 : i32
      %and3A_1125 = arith.andi %squeeze3A_1105, %and3A_1124 : i32
      %eq3A_1126 = vector.broadcast %and3A_1125 : i32 to vector<16xi32>
      %eq3A_1127 = arith.cmpi eq, %iota3A, %eq3A_1126 : vector<16xi32>
      %jit3A_1128 = arith.constant 0.000000e+00 : f32
      %broadcast_in_dim3A_1129 = vector.broadcast %jit3A_1128 : f32 to vector<16xf32>
      %select_n3A_1130 = arith.select %eq3A_1127, %get3A_1115, %broadcast_in_dim3A_1129 : vector<16xi1>, vector<16xf32>
      %add3A_1131 = arith.addf %add3A_1123, %select_n3A_1130 : vector<16xf32>
      %mul3A_1132 = arith.constant 16 : i32
      %mul3A_1133 = vector.broadcast %mul3A_1132 : i32 to vector<16xi32>
      %mul3A_1134 = arith.muli %iota3A, %mul3A_1133 : vector<16xi32>
      %add3A_1135 = arith.constant 13 : i32
      %add3A_1136 = vector.broadcast %add3A_1135 : i32 to vector<16xi32>
      %add3A_1137 = arith.addi %mul3A_1134, %add3A_1136 : vector<16xi32>
      tpu.vector_store_idx %arg19[%add3A_1137], %add3A_1131 : memref<256xf32, #tpu.memory_space<vmem>>[vector<16xi32>], vector<16xf32>,
      %add3A_1138 = arith.constant 14 : i32
      %add3A_1139 = arith.addi %mul3A_260, %add3A_1138 : i32
      %slice3A_1140 = vector.extract_strided_slice %mul3A_274 {offsets = [14], sizes = [1], strides = [1]} : vector<16xi32> to vector<1xi32>
      %squeeze3A_1141 = vector.extract %slice3A_1140[0] : i32 from vector<1xi32>
      %slice3A_1142 = vector.extract_strided_slice %mul3A_283 {offsets = [14], sizes = [1], strides = [1]} : vector<16xi32> to vector<1xi32>
      %squeeze3A_1143 = vector.extract %slice3A_1142[0] : i32 from vector<1xi32>
      %get3A_1144 = arith.index_cast %add3A_1139 : i32 to index
      %get3A_1145 = arith.index_cast %squeeze3A_1141 : i32 to index
      %get3A_1146 = tpu.vector_load %arg15[%get3A_1144, %get3A_1145] {strides = array<i32>} : memref<128x128xf32, #tpu.memory_space<vmem>>, vector<16xf32>,
      %get3A_1147 = arith.index_cast %add3A_1139 : i32 to index
      %get3A_1148 = arith.index_cast %squeeze3A_1143 : i32 to index
      %get3A_1149 = tpu.vector_load %arg16[%get3A_1147, %get3A_1148] {strides = array<i32>} : memref<128x128xf32, #tpu.memory_space<vmem>>, vector<16xf32>,
      %mul3A_1150 = arith.mulf %get3A_1146, %get3A_1149 : vector<16xf32>
      %add3A_1151 = arith.constant 16 : i32
      %add3A_1152 = arith.addi %squeeze3A_1141, %add3A_1151 : i32
      %get3A_1153 = arith.index_cast %add3A_1139 : i32 to index
      %get3A_1154 = arith.index_cast %add3A_1152 : i32 to index
      %get3A_1155 = tpu.vector_load %arg15[%get3A_1153, %get3A_1154] {strides = array<i32>} : memref<128x128xf32, #tpu.memory_space<vmem>>, vector<16xf32>,
      %add3A_1156 = arith.constant 16 : i32
      %add3A_1157 = arith.addi %squeeze3A_1143, %add3A_1156 : i32
      %get3A_1158 = arith.index_cast %add3A_1139 : i32 to index
      %get3A_1159 = arith.index_cast %add3A_1157 : i32 to index
      %get3A_1160 = tpu.vector_load %arg16[%get3A_1158, %get3A_1159] {strides = array<i32>} : memref<128x128xf32, #tpu.memory_space<vmem>>, vector<16xf32>,
      %mul3A_1161 = arith.mulf %get3A_1155, %get3A_1160 : vector<16xf32>
      %add3A_1162 = arith.addf %mul3A_1150, %mul3A_1161 : vector<16xf32>
      %slice3A_1163 = vector.extract_strided_slice %and3A_286 {offsets = [14], sizes = [1], strides = [1]} : vector<16xi32> to vector<1xi32>
      %squeeze3A_1164 = vector.extract %slice3A_1163[0] : i32 from vector<1xi32>
      %slice3A_1165 = vector.extract_strided_slice %and3A_289 {offsets = [14], sizes = [1], strides = [1]} : vector<16xi32> to vector<1xi32>
      %squeeze3A_1166 = vector.extract %slice3A_1165[0] : i32 from vector<1xi32>
      %and3A_1167 = arith.constant 112 : i32
      %and3A_1168 = arith.andi %squeeze3A_1164, %and3A_1167 : i32
      %get3A_1169 = arith.index_cast %add3A_1139 : i32 to index
      %get3A_1170 = arith.index_cast %and3A_1168 : i32 to index
      %get3A_1171 = tpu.vector_load %arg17[%get3A_1169, %get3A_1170] {strides = array<i32>} : memref<128x128xf32, #tpu.memory_space<vmem>>, vector<16xf32>,
      %and3A_1172 = arith.constant 112 : i32
      %and3A_1173 = arith.andi %squeeze3A_1166, %and3A_1172 : i32
      %get3A_1174 = arith.index_cast %add3A_1139 : i32 to index
      %get3A_1175 = arith.index_cast %and3A_1173 : i32 to index
      %get3A_1176 = tpu.vector_load %arg18[%get3A_1174, %get3A_1175] {strides = array<i32>} : memref<128x128xf32, #tpu.memory_space<vmem>>, vector<16xf32>,
      %and3A_1177 = arith.constant 15 : i32
      %and3A_1178 = arith.andi %squeeze3A_1164, %and3A_1177 : i32
      %eq3A_1179 = vector.broadcast %and3A_1178 : i32 to vector<16xi32>
      %eq3A_1180 = arith.cmpi eq, %iota3A, %eq3A_1179 : vector<16xi32>
      %jit3A_1181 = arith.constant 0.000000e+00 : f32
      %broadcast_in_dim3A_1182 = vector.broadcast %jit3A_1181 : f32 to vector<16xf32>
      %select_n3A_1183 = arith.select %eq3A_1180, %get3A_1171, %broadcast_in_dim3A_1182 : vector<16xi1>, vector<16xf32>
      %add3A_1184 = arith.addf %add3A_1162, %select_n3A_1183 : vector<16xf32>
      %and3A_1185 = arith.constant 15 : i32
      %and3A_1186 = arith.andi %squeeze3A_1166, %and3A_1185 : i32
      %eq3A_1187 = vector.broadcast %and3A_1186 : i32 to vector<16xi32>
      %eq3A_1188 = arith.cmpi eq, %iota3A, %eq3A_1187 : vector<16xi32>
      %jit3A_1189 = arith.constant 0.000000e+00 : f32
      %broadcast_in_dim3A_1190 = vector.broadcast %jit3A_1189 : f32 to vector<16xf32>
      %select_n3A_1191 = arith.select %eq3A_1188, %get3A_1176, %broadcast_in_dim3A_1190 : vector<16xi1>, vector<16xf32>
      %add3A_1192 = arith.addf %add3A_1184, %select_n3A_1191 : vector<16xf32>
      %mul3A_1193 = arith.constant 16 : i32
      %mul3A_1194 = vector.broadcast %mul3A_1193 : i32 to vector<16xi32>
      %mul3A_1195 = arith.muli %iota3A, %mul3A_1194 : vector<16xi32>
      %add3A_1196 = arith.constant 14 : i32
      %add3A_1197 = vector.broadcast %add3A_1196 : i32 to vector<16xi32>
      %add3A_1198 = arith.addi %mul3A_1195, %add3A_1197 : vector<16xi32>
      tpu.vector_store_idx %arg19[%add3A_1198], %add3A_1192 : memref<256xf32, #tpu.memory_space<vmem>>[vector<16xi32>], vector<16xf32>,
      %add3A_1199 = arith.constant 15 : i32
      %add3A_1200 = arith.addi %mul3A_260, %add3A_1199 : i32
      %slice3A_1201 = vector.extract_strided_slice %mul3A_274 {offsets = [15], sizes = [1], strides = [1]} : vector<16xi32> to vector<1xi32>
      %squeeze3A_1202 = vector.extract %slice3A_1201[0] : i32 from vector<1xi32>
      %slice3A_1203 = vector.extract_strided_slice %mul3A_283 {offsets = [15], sizes = [1], strides = [1]} : vector<16xi32> to vector<1xi32>
      %squeeze3A_1204 = vector.extract %slice3A_1203[0] : i32 from vector<1xi32>
      %get3A_1205 = arith.index_cast %add3A_1200 : i32 to index
      %get3A_1206 = arith.index_cast %squeeze3A_1202 : i32 to index
      %get3A_1207 = tpu.vector_load %arg15[%get3A_1205, %get3A_1206] {strides = array<i32>} : memref<128x128xf32, #tpu.memory_space<vmem>>, vector<16xf32>,
      %get3A_1208 = arith.index_cast %add3A_1200 : i32 to index
      %get3A_1209 = arith.index_cast %squeeze3A_1204 : i32 to index
      %get3A_1210 = tpu.vector_load %arg16[%get3A_1208, %get3A_1209] {strides = array<i32>} : memref<128x128xf32, #tpu.memory_space<vmem>>, vector<16xf32>,
      %mul3A_1211 = arith.mulf %get3A_1207, %get3A_1210 : vector<16xf32>
      %add3A_1212 = arith.constant 16 : i32
      %add3A_1213 = arith.addi %squeeze3A_1202, %add3A_1212 : i32
      %get3A_1214 = arith.index_cast %add3A_1200 : i32 to index
      %get3A_1215 = arith.index_cast %add3A_1213 : i32 to index
      %get3A_1216 = tpu.vector_load %arg15[%get3A_1214, %get3A_1215] {strides = array<i32>} : memref<128x128xf32, #tpu.memory_space<vmem>>, vector<16xf32>,
      %add3A_1217 = arith.constant 16 : i32
      %add3A_1218 = arith.addi %squeeze3A_1204, %add3A_1217 : i32
      %get3A_1219 = arith.index_cast %add3A_1200 : i32 to index
      %get3A_1220 = arith.index_cast %add3A_1218 : i32 to index
      %get3A_1221 = tpu.vector_load %arg16[%get3A_1219, %get3A_1220] {strides = array<i32>} : memref<128x128xf32, #tpu.memory_space<vmem>>, vector<16xf32>,
      %mul3A_1222 = arith.mulf %get3A_1216, %get3A_1221 : vector<16xf32>
      %add3A_1223 = arith.addf %mul3A_1211, %mul3A_1222 : vector<16xf32>
      %slice3A_1224 = vector.extract_strided_slice %and3A_286 {offsets = [15], sizes = [1], strides = [1]} : vector<16xi32> to vector<1xi32>
      %squeeze3A_1225 = vector.extract %slice3A_1224[0] : i32 from vector<1xi32>
      %slice3A_1226 = vector.extract_strided_slice %and3A_289 {offsets = [15], sizes = [1], strides = [1]} : vector<16xi32> to vector<1xi32>
      %squeeze3A_1227 = vector.extract %slice3A_1226[0] : i32 from vector<1xi32>
      %and3A_1228 = arith.constant 112 : i32
      %and3A_1229 = arith.andi %squeeze3A_1225, %and3A_1228 : i32
      %get3A_1230 = arith.index_cast %add3A_1200 : i32 to index
      %get3A_1231 = arith.index_cast %and3A_1229 : i32 to index
      %get3A_1232 = tpu.vector_load %arg17[%get3A_1230, %get3A_1231] {strides = array<i32>} : memref<128x128xf32, #tpu.memory_space<vmem>>, vector<16xf32>,
      %and3A_1233 = arith.constant 112 : i32
      %and3A_1234 = arith.andi %squeeze3A_1227, %and3A_1233 : i32
      %get3A_1235 = arith.index_cast %add3A_1200 : i32 to index
      %get3A_1236 = arith.index_cast %and3A_1234 : i32 to index
      %get3A_1237 = tpu.vector_load %arg18[%get3A_1235, %get3A_1236] {strides = array<i32>} : memref<128x128xf32, #tpu.memory_space<vmem>>, vector<16xf32>,
      %and3A_1238 = arith.constant 15 : i32
      %and3A_1239 = arith.andi %squeeze3A_1225, %and3A_1238 : i32
      %eq3A_1240 = vector.broadcast %and3A_1239 : i32 to vector<16xi32>
      %eq3A_1241 = arith.cmpi eq, %iota3A, %eq3A_1240 : vector<16xi32>
      %jit3A_1242 = arith.constant 0.000000e+00 : f32
      %broadcast_in_dim3A_1243 = vector.broadcast %jit3A_1242 : f32 to vector<16xf32>
      %select_n3A_1244 = arith.select %eq3A_1241, %get3A_1232, %broadcast_in_dim3A_1243 : vector<16xi1>, vector<16xf32>
      %add3A_1245 = arith.addf %add3A_1223, %select_n3A_1244 : vector<16xf32>
      %and3A_1246 = arith.constant 15 : i32
      %and3A_1247 = arith.andi %squeeze3A_1227, %and3A_1246 : i32
      %eq3A_1248 = vector.broadcast %and3A_1247 : i32 to vector<16xi32>
      %eq3A_1249 = arith.cmpi eq, %iota3A, %eq3A_1248 : vector<16xi32>
      %jit3A_1250 = arith.constant 0.000000e+00 : f32
      %broadcast_in_dim3A_1251 = vector.broadcast %jit3A_1250 : f32 to vector<16xf32>
      %select_n3A_1252 = arith.select %eq3A_1249, %get3A_1237, %broadcast_in_dim3A_1251 : vector<16xi1>, vector<16xf32>
      %add3A_1253 = arith.addf %add3A_1245, %select_n3A_1252 : vector<16xf32>
      %mul3A_1254 = arith.constant 16 : i32
      %mul3A_1255 = vector.broadcast %mul3A_1254 : i32 to vector<16xi32>
      %mul3A_1256 = arith.muli %iota3A, %mul3A_1255 : vector<16xi32>
      %add3A_1257 = arith.constant 15 : i32
      %add3A_1258 = vector.broadcast %add3A_1257 : i32 to vector<16xi32>
      %add3A_1259 = arith.addi %mul3A_1256, %add3A_1258 : vector<16xi32>
      tpu.vector_store_idx %arg19[%add3A_1259], %add3A_1253 : memref<256xf32, #tpu.memory_space<vmem>>[vector<16xi32>], vector<16xf32>,
      %get3A_1260 = arith.constant 0 : index
      %get3A_1261 = tpu.vector_load %arg19[%get3A_1260] {strides = array<i32>} : memref<256xf32, #tpu.memory_space<vmem>>, vector<16xf32>,
      %get3A_1262 = arith.constant 16 : index
      %get3A_1263 = tpu.vector_load %arg19[%get3A_1262] {strides = array<i32>} : memref<256xf32, #tpu.memory_space<vmem>>, vector<16xf32>,
      %add3A_1264 = arith.addf %get3A_1261, %get3A_1263 : vector<16xf32>
      %get3A_1265 = arith.constant 32 : index
      %get3A_1266 = tpu.vector_load %arg19[%get3A_1265] {strides = array<i32>} : memref<256xf32, #tpu.memory_space<vmem>>, vector<16xf32>,
      %add3A_1267 = arith.addf %add3A_1264, %get3A_1266 : vector<16xf32>
      %get3A_1268 = arith.constant 48 : index
      %get3A_1269 = tpu.vector_load %arg19[%get3A_1268] {strides = array<i32>} : memref<256xf32, #tpu.memory_space<vmem>>, vector<16xf32>,
      %add3A_1270 = arith.addf %add3A_1267, %get3A_1269 : vector<16xf32>
      %get3A_1271 = arith.constant 64 : index
      %get3A_1272 = tpu.vector_load %arg19[%get3A_1271] {strides = array<i32>} : memref<256xf32, #tpu.memory_space<vmem>>, vector<16xf32>,
      %add3A_1273 = arith.addf %add3A_1270, %get3A_1272 : vector<16xf32>
      %get3A_1274 = arith.constant 80 : index
      %get3A_1275 = tpu.vector_load %arg19[%get3A_1274] {strides = array<i32>} : memref<256xf32, #tpu.memory_space<vmem>>, vector<16xf32>,
      %add3A_1276 = arith.addf %add3A_1273, %get3A_1275 : vector<16xf32>
      %get3A_1277 = arith.constant 96 : index
      %get3A_1278 = tpu.vector_load %arg19[%get3A_1277] {strides = array<i32>} : memref<256xf32, #tpu.memory_space<vmem>>, vector<16xf32>,
      %add3A_1279 = arith.addf %add3A_1276, %get3A_1278 : vector<16xf32>
      %get3A_1280 = arith.constant 112 : index
      %get3A_1281 = tpu.vector_load %arg19[%get3A_1280] {strides = array<i32>} : memref<256xf32, #tpu.memory_space<vmem>>, vector<16xf32>,
      %add3A_1282 = arith.addf %add3A_1279, %get3A_1281 : vector<16xf32>
      %get3A_1283 = arith.constant 128 : index
      %get3A_1284 = tpu.vector_load %arg19[%get3A_1283] {strides = array<i32>} : memref<256xf32, #tpu.memory_space<vmem>>, vector<16xf32>,
      %add3A_1285 = arith.addf %add3A_1282, %get3A_1284 : vector<16xf32>
      %get3A_1286 = arith.constant 144 : index
      %get3A_1287 = tpu.vector_load %arg19[%get3A_1286] {strides = array<i32>} : memref<256xf32, #tpu.memory_space<vmem>>, vector<16xf32>,
      %add3A_1288 = arith.addf %add3A_1285, %get3A_1287 : vector<16xf32>
      %get3A_1289 = arith.constant 160 : index
      %get3A_1290 = tpu.vector_load %arg19[%get3A_1289] {strides = array<i32>} : memref<256xf32, #tpu.memory_space<vmem>>, vector<16xf32>,
      %add3A_1291 = arith.addf %add3A_1288, %get3A_1290 : vector<16xf32>
      %get3A_1292 = arith.constant 176 : index
      %get3A_1293 = tpu.vector_load %arg19[%get3A_1292] {strides = array<i32>} : memref<256xf32, #tpu.memory_space<vmem>>, vector<16xf32>,
      %add3A_1294 = arith.addf %add3A_1291, %get3A_1293 : vector<16xf32>
      %get3A_1295 = arith.constant 192 : index
      %get3A_1296 = tpu.vector_load %arg19[%get3A_1295] {strides = array<i32>} : memref<256xf32, #tpu.memory_space<vmem>>, vector<16xf32>,
      %add3A_1297 = arith.addf %add3A_1294, %get3A_1296 : vector<16xf32>
      %get3A_1298 = arith.constant 208 : index
      %get3A_1299 = tpu.vector_load %arg19[%get3A_1298] {strides = array<i32>} : memref<256xf32, #tpu.memory_space<vmem>>, vector<16xf32>,
      %add3A_1300 = arith.addf %add3A_1297, %get3A_1299 : vector<16xf32>
      %get3A_1301 = arith.constant 224 : index
      %get3A_1302 = tpu.vector_load %arg19[%get3A_1301] {strides = array<i32>} : memref<256xf32, #tpu.memory_space<vmem>>, vector<16xf32>,
      %add3A_1303 = arith.addf %add3A_1300, %get3A_1302 : vector<16xf32>
      %get3A_1304 = arith.constant 240 : index
      %get3A_1305 = tpu.vector_load %arg19[%get3A_1304] {strides = array<i32>} : memref<256xf32, #tpu.memory_space<vmem>>, vector<16xf32>,
      %add3A_1306 = arith.addf %add3A_1303, %get3A_1305 : vector<16xf32>
      %swap3A = arith.constant 0 : i32
      %swap3A_1307 = arith.index_cast %swap3A : i32 to index
      %swap3A_1308 = arith.index_cast %mul3A_260 : i32 to index
      %swap3A_1309 = tpu.vector_load %arg20[%swap3A_1307, %swap3A_1308] {strides = array<i32>} : memref<4x128xf32, #tpu.memory_space<vmem>>, vector<16xf32>,
      tpu.vector_store %arg20[%swap3A_1307, %swap3A_1308], %add3A_1306 {strides = array<i32>} : memref<4x128xf32, #tpu.memory_space<vmem>>, vector<16xf32>,
    }
    %scan3A_69 = arith.constant 8 : i32
    %dma_start3A_70 = arith.constant 1 : i32
    %dma_start3A_71 = arith.constant 0 : i32
    %dma_start3A_72 = tpu.memref_slice %arg11[%dma_start3A_70, %dma_start3A_71] : memref<4x128xi32, #tpu.memory_space<vmem>> -> memref<1x128xi32, #tpu.memory_space<vmem>>
    %dma_start3A_73 = tpu.memref_squeeze %dma_start3A_72 : memref<1x128xi32, #tpu.memory_space<vmem>> -> memref<128xi32, #tpu.memory_space<vmem>>
    %dma_start3A_74 = arith.constant 0 : i32
    %dma_start3A_75 = arith.constant 0 : i32
    %dma_start3A_76 = tpu.memref_slice %arg4[%dma_start3A_74, %dma_start3A_75] : memref<251904x128xf32, #tpu.memory_space<hbm>> -> memref<251904x128xf32, #tpu.memory_space<hbm>>
    tpu.enqueue_indirect_dma source(%dma_start3A_76 : memref<251904x128xf32, #tpu.memory_space<hbm>>) target(%arg15 : memref<128x128xf32, #tpu.memory_space<vmem>>) offsets(%dma_start3A_73 : memref<128xi32, #tpu.memory_space<vmem>>) semaphore(%arg21 : memref<!tpu.dma_semaphore, #tpu.memory_space<semaphore_mem>>)
    %dma_start3A_77 = arith.constant 1 : i32
    %dma_start3A_78 = arith.constant 0 : i32
    %dma_start3A_79 = tpu.memref_slice %arg12[%dma_start3A_77, %dma_start3A_78] : memref<4x128xi32, #tpu.memory_space<vmem>> -> memref<1x128xi32, #tpu.memory_space<vmem>>
    %dma_start3A_80 = tpu.memref_squeeze %dma_start3A_79 : memref<1x128xi32, #tpu.memory_space<vmem>> -> memref<128xi32, #tpu.memory_space<vmem>>
    %dma_start3A_81 = arith.constant 0 : i32
    %dma_start3A_82 = arith.constant 0 : i32
    %dma_start3A_83 = tpu.memref_slice %arg5[%dma_start3A_81, %dma_start3A_82] : memref<251904x128xf32, #tpu.memory_space<hbm>> -> memref<251904x128xf32, #tpu.memory_space<hbm>>
    tpu.enqueue_indirect_dma source(%dma_start3A_83 : memref<251904x128xf32, #tpu.memory_space<hbm>>) target(%arg16 : memref<128x128xf32, #tpu.memory_space<vmem>>) offsets(%dma_start3A_80 : memref<128xi32, #tpu.memory_space<vmem>>) semaphore(%arg21 : memref<!tpu.dma_semaphore, #tpu.memory_space<semaphore_mem>>)
    %dma_start3A_84 = arith.constant 1 : i32
    %dma_start3A_85 = arith.constant 0 : i32
    %dma_start3A_86 = tpu.memref_slice %arg13[%dma_start3A_84, %dma_start3A_85] : memref<4x128xi32, #tpu.memory_space<vmem>> -> memref<1x128xi32, #tpu.memory_space<vmem>>
    %dma_start3A_87 = tpu.memref_squeeze %dma_start3A_86 : memref<1x128xi32, #tpu.memory_space<vmem>> -> memref<128xi32, #tpu.memory_space<vmem>>
    %dma_start3A_88 = arith.constant 0 : i32
    %dma_start3A_89 = arith.constant 0 : i32
    %dma_start3A_90 = tpu.memref_slice %arg6[%dma_start3A_88, %dma_start3A_89] : memref<7813x128xf32, #tpu.memory_space<hbm>> -> memref<7813x128xf32, #tpu.memory_space<hbm>>
    tpu.enqueue_indirect_dma source(%dma_start3A_90 : memref<7813x128xf32, #tpu.memory_space<hbm>>) target(%arg17 : memref<128x128xf32, #tpu.memory_space<vmem>>) offsets(%dma_start3A_87 : memref<128xi32, #tpu.memory_space<vmem>>) semaphore(%arg21 : memref<!tpu.dma_semaphore, #tpu.memory_space<semaphore_mem>>)
    %dma_start3A_91 = arith.constant 1 : i32
    %dma_start3A_92 = arith.constant 0 : i32
    %dma_start3A_93 = tpu.memref_slice %arg14[%dma_start3A_91, %dma_start3A_92] : memref<4x128xi32, #tpu.memory_space<vmem>> -> memref<1x128xi32, #tpu.memory_space<vmem>>
    %dma_start3A_94 = tpu.memref_squeeze %dma_start3A_93 : memref<1x128xi32, #tpu.memory_space<vmem>> -> memref<128xi32, #tpu.memory_space<vmem>>
    %dma_start3A_95 = arith.constant 0 : i32
    %dma_start3A_96 = arith.constant 0 : i32
    %dma_start3A_97 = tpu.memref_slice %arg7[%dma_start3A_95, %dma_start3A_96] : memref<7813x128xf32, #tpu.memory_space<hbm>> -> memref<7813x128xf32, #tpu.memory_space<hbm>>
    tpu.enqueue_indirect_dma source(%dma_start3A_97 : memref<7813x128xf32, #tpu.memory_space<hbm>>) target(%arg18 : memref<128x128xf32, #tpu.memory_space<vmem>>) offsets(%dma_start3A_94 : memref<128xi32, #tpu.memory_space<vmem>>) semaphore(%arg21 : memref<!tpu.dma_semaphore, #tpu.memory_space<semaphore_mem>>)
    %dma_wait3A_98 = arith.constant 1 : i32
    %dma_wait3A_99 = arith.constant 0 : i32
    %dma_wait3A_100 = tpu.memref_slice %arg11[%dma_wait3A_98, %dma_wait3A_99] : memref<4x128xi32, #tpu.memory_space<vmem>> -> memref<1x128xi32, #tpu.memory_space<vmem>>
    %dma_wait3A_101 = tpu.memref_squeeze %dma_wait3A_100 : memref<1x128xi32, #tpu.memory_space<vmem>> -> memref<128xi32, #tpu.memory_space<vmem>>
    %dma_wait3A_102 = arith.constant 0 : i32
    %dma_wait3A_103 = arith.constant 0 : i32
    %dma_wait3A_104 = tpu.memref_slice %arg4[%dma_wait3A_102, %dma_wait3A_103] : memref<251904x128xf32, #tpu.memory_space<hbm>> -> memref<251904x128xf32, #tpu.memory_space<hbm>>
    tpu.wait_indirect_dma semaphore(%arg21 : memref<!tpu.dma_semaphore, #tpu.memory_space<semaphore_mem>>) src(%dma_wait3A_104 : memref<251904x128xf32, #tpu.memory_space<hbm>>) dst(%arg15 : memref<128x128xf32, #tpu.memory_space<vmem>>)
    %dma_wait3A_105 = arith.constant 1 : i32
    %dma_wait3A_106 = arith.constant 0 : i32
    %dma_wait3A_107 = tpu.memref_slice %arg12[%dma_wait3A_105, %dma_wait3A_106] : memref<4x128xi32, #tpu.memory_space<vmem>> -> memref<1x128xi32, #tpu.memory_space<vmem>>
    %dma_wait3A_108 = tpu.memref_squeeze %dma_wait3A_107 : memref<1x128xi32, #tpu.memory_space<vmem>> -> memref<128xi32, #tpu.memory_space<vmem>>
    %dma_wait3A_109 = arith.constant 0 : i32
    %dma_wait3A_110 = arith.constant 0 : i32
    %dma_wait3A_111 = tpu.memref_slice %arg5[%dma_wait3A_109, %dma_wait3A_110] : memref<251904x128xf32, #tpu.memory_space<hbm>> -> memref<251904x128xf32, #tpu.memory_space<hbm>>
    tpu.wait_indirect_dma semaphore(%arg21 : memref<!tpu.dma_semaphore, #tpu.memory_space<semaphore_mem>>) src(%dma_wait3A_111 : memref<251904x128xf32, #tpu.memory_space<hbm>>) dst(%arg16 : memref<128x128xf32, #tpu.memory_space<vmem>>)
    %dma_wait3A_112 = arith.constant 1 : i32
    %dma_wait3A_113 = arith.constant 0 : i32
    %dma_wait3A_114 = tpu.memref_slice %arg13[%dma_wait3A_112, %dma_wait3A_113] : memref<4x128xi32, #tpu.memory_space<vmem>> -> memref<1x128xi32, #tpu.memory_space<vmem>>
    %dma_wait3A_115 = tpu.memref_squeeze %dma_wait3A_114 : memref<1x128xi32, #tpu.memory_space<vmem>> -> memref<128xi32, #tpu.memory_space<vmem>>
    %dma_wait3A_116 = arith.constant 0 : i32
    %dma_wait3A_117 = arith.constant 0 : i32
    %dma_wait3A_118 = tpu.memref_slice %arg6[%dma_wait3A_116, %dma_wait3A_117] : memref<7813x128xf32, #tpu.memory_space<hbm>> -> memref<7813x128xf32, #tpu.memory_space<hbm>>
    tpu.wait_indirect_dma semaphore(%arg21 : memref<!tpu.dma_semaphore, #tpu.memory_space<semaphore_mem>>) src(%dma_wait3A_118 : memref<7813x128xf32, #tpu.memory_space<hbm>>) dst(%arg17 : memref<128x128xf32, #tpu.memory_space<vmem>>)
    %dma_wait3A_119 = arith.constant 1 : i32
    %dma_wait3A_120 = arith.constant 0 : i32
    %dma_wait3A_121 = tpu.memref_slice %arg14[%dma_wait3A_119, %dma_wait3A_120] : memref<4x128xi32, #tpu.memory_space<vmem>> -> memref<1x128xi32, #tpu.memory_space<vmem>>
    %dma_wait3A_122 = tpu.memref_squeeze %dma_wait3A_121 : memref<1x128xi32, #tpu.memory_space<vmem>> -> memref<128xi32, #tpu.memory_space<vmem>>
    %dma_wait3A_123 = arith.constant 0 : i32
    %dma_wait3A_124 = arith.constant 0 : i32
    %dma_wait3A_125 = tpu.memref_slice %arg7[%dma_wait3A_123, %dma_wait3A_124] : memref<7813x128xf32, #tpu.memory_space<hbm>> -> memref<7813x128xf32, #tpu.memory_space<hbm>>
    tpu.wait_indirect_dma semaphore(%arg21 : memref<!tpu.dma_semaphore, #tpu.memory_space<semaphore_mem>>) src(%dma_wait3A_125 : memref<7813x128xf32, #tpu.memory_space<hbm>>) dst(%arg18 : memref<128x128xf32, #tpu.memory_space<vmem>>)
    %scan3A_126 = arith.constant 0 : i32
    %scan3A_127 = arith.constant 0 : i32
    %scan3A_128 = arith.constant 8 : i32
    %scan3A_129 = arith.addi %scan3A_127, %scan3A_128 : i32
    %scan3A_130 = arith.constant 1 : i32
    scf.for %scan3A_258 = %scan3A_127 to %scan3A_129 step %scan3A_130  : i32 {
      %mul3A_259 = arith.constant 16 : i32
      %mul3A_260 = arith.muli %scan3A_258, %mul3A_259 : i32
      %get3A = arith.constant 1 : i32
      %get3A_261 = arith.index_cast %get3A : i32 to index
      %get3A_262 = arith.index_cast %mul3A_260 : i32 to index
      %get3A_263 = tpu.vector_load %arg9[%get3A_261, %get3A_262] {strides = array<i32>} : memref<4x128xi32, #tpu.memory_space<vmem>>, vector<16xi32>,
      %get3A_264 = arith.constant 1 : i32
      %get3A_265 = arith.index_cast %get3A_264 : i32 to index
      %get3A_266 = arith.index_cast %mul3A_260 : i32 to index
      %get3A_267 = tpu.vector_load %arg10[%get3A_265, %get3A_266] {strides = array<i32>} : memref<4x128xi32, #tpu.memory_space<vmem>>, vector<16xi32>,
      %shift_right_arithmetic3A = arith.constant 11 : i32
      %shift_right_arithmetic3A_268 = vector.broadcast %shift_right_arithmetic3A : i32 to vector<16xi32>
      %shift_right_arithmetic3A_269 = arith.shrsi %get3A_263, %shift_right_arithmetic3A_268 : vector<16xi32>
      %and3A = arith.constant 3 : i32
      %and3A_270 = vector.broadcast %and3A : i32 to vector<16xi32>
      %and3A_271 = arith.andi %shift_right_arithmetic3A_269, %and3A_270 : vector<16xi32>
      %mul3A_272 = arith.constant 32 : i32
      %mul3A_273 = vector.broadcast %mul3A_272 : i32 to vector<16xi32>
      %mul3A_274 = arith.muli %and3A_271, %mul3A_273 : vector<16xi32>
      %shift_right_arithmetic3A_275 = arith.constant 11 : i32
      %shift_right_arithmetic3A_276 = vector.broadcast %shift_right_arithmetic3A_275 : i32 to vector<16xi32>
      %shift_right_arithmetic3A_277 = arith.shrsi %get3A_267, %shift_right_arithmetic3A_276 : vector<16xi32>
      %and3A_278 = arith.constant 3 : i32
      %and3A_279 = vector.broadcast %and3A_278 : i32 to vector<16xi32>
      %and3A_280 = arith.andi %shift_right_arithmetic3A_277, %and3A_279 : vector<16xi32>
      %mul3A_281 = arith.constant 32 : i32
      %mul3A_282 = vector.broadcast %mul3A_281 : i32 to vector<16xi32>
      %mul3A_283 = arith.muli %and3A_280, %mul3A_282 : vector<16xi32>
      %and3A_284 = arith.constant 127 : i32
      %and3A_285 = vector.broadcast %and3A_284 : i32 to vector<16xi32>
      %and3A_286 = arith.andi %get3A_263, %and3A_285 : vector<16xi32>
      %and3A_287 = arith.constant 127 : i32
      %and3A_288 = vector.broadcast %and3A_287 : i32 to vector<16xi32>
      %and3A_289 = arith.andi %get3A_267, %and3A_288 : vector<16xi32>
      %add3A_290 = arith.constant 0 : i32
      %add3A_291 = arith.addi %mul3A_260, %add3A_290 : i32
      %slice3A = vector.extract_strided_slice %mul3A_274 {offsets = [0], sizes = [1], strides = [1]} : vector<16xi32> to vector<1xi32>
      %squeeze3A = vector.extract %slice3A[0] : i32 from vector<1xi32>
      %slice3A_292 = vector.extract_strided_slice %mul3A_283 {offsets = [0], sizes = [1], strides = [1]} : vector<16xi32> to vector<1xi32>
      %squeeze3A_293 = vector.extract %slice3A_292[0] : i32 from vector<1xi32>
      %get3A_294 = arith.index_cast %add3A_291 : i32 to index
      %get3A_295 = arith.index_cast %squeeze3A : i32 to index
      %get3A_296 = tpu.vector_load %arg15[%get3A_294, %get3A_295] {strides = array<i32>} : memref<128x128xf32, #tpu.memory_space<vmem>>, vector<16xf32>,
      %get3A_297 = arith.index_cast %add3A_291 : i32 to index
      %get3A_298 = arith.index_cast %squeeze3A_293 : i32 to index
      %get3A_299 = tpu.vector_load %arg16[%get3A_297, %get3A_298] {strides = array<i32>} : memref<128x128xf32, #tpu.memory_space<vmem>>, vector<16xf32>,
      %mul3A_300 = arith.mulf %get3A_296, %get3A_299 : vector<16xf32>
      %add3A_301 = arith.constant 16 : i32
      %add3A_302 = arith.addi %squeeze3A, %add3A_301 : i32
      %get3A_303 = arith.index_cast %add3A_291 : i32 to index
      %get3A_304 = arith.index_cast %add3A_302 : i32 to index
      %get3A_305 = tpu.vector_load %arg15[%get3A_303, %get3A_304] {strides = array<i32>} : memref<128x128xf32, #tpu.memory_space<vmem>>, vector<16xf32>,
      %add3A_306 = arith.constant 16 : i32
      %add3A_307 = arith.addi %squeeze3A_293, %add3A_306 : i32
      %get3A_308 = arith.index_cast %add3A_291 : i32 to index
      %get3A_309 = arith.index_cast %add3A_307 : i32 to index
      %get3A_310 = tpu.vector_load %arg16[%get3A_308, %get3A_309] {strides = array<i32>} : memref<128x128xf32, #tpu.memory_space<vmem>>, vector<16xf32>,
      %mul3A_311 = arith.mulf %get3A_305, %get3A_310 : vector<16xf32>
      %add3A_312 = arith.addf %mul3A_300, %mul3A_311 : vector<16xf32>
      %slice3A_313 = vector.extract_strided_slice %and3A_286 {offsets = [0], sizes = [1], strides = [1]} : vector<16xi32> to vector<1xi32>
      %squeeze3A_314 = vector.extract %slice3A_313[0] : i32 from vector<1xi32>
      %slice3A_315 = vector.extract_strided_slice %and3A_289 {offsets = [0], sizes = [1], strides = [1]} : vector<16xi32> to vector<1xi32>
      %squeeze3A_316 = vector.extract %slice3A_315[0] : i32 from vector<1xi32>
      %and3A_317 = arith.constant 112 : i32
      %and3A_318 = arith.andi %squeeze3A_314, %and3A_317 : i32
      %get3A_319 = arith.index_cast %add3A_291 : i32 to index
      %get3A_320 = arith.index_cast %and3A_318 : i32 to index
      %get3A_321 = tpu.vector_load %arg17[%get3A_319, %get3A_320] {strides = array<i32>} : memref<128x128xf32, #tpu.memory_space<vmem>>, vector<16xf32>,
      %and3A_322 = arith.constant 112 : i32
      %and3A_323 = arith.andi %squeeze3A_316, %and3A_322 : i32
      %get3A_324 = arith.index_cast %add3A_291 : i32 to index
      %get3A_325 = arith.index_cast %and3A_323 : i32 to index
      %get3A_326 = tpu.vector_load %arg18[%get3A_324, %get3A_325] {strides = array<i32>} : memref<128x128xf32, #tpu.memory_space<vmem>>, vector<16xf32>,
      %and3A_327 = arith.constant 15 : i32
      %and3A_328 = arith.andi %squeeze3A_314, %and3A_327 : i32
      %eq3A = vector.broadcast %and3A_328 : i32 to vector<16xi32>
      %eq3A_329 = arith.cmpi eq, %iota3A, %eq3A : vector<16xi32>
      %jit3A = arith.constant 0.000000e+00 : f32
      %broadcast_in_dim3A = vector.broadcast %jit3A : f32 to vector<16xf32>
      %select_n3A = arith.select %eq3A_329, %get3A_321, %broadcast_in_dim3A : vector<16xi1>, vector<16xf32>
      %add3A_330 = arith.addf %add3A_312, %select_n3A : vector<16xf32>
      %and3A_331 = arith.constant 15 : i32
      %and3A_332 = arith.andi %squeeze3A_316, %and3A_331 : i32
      %eq3A_333 = vector.broadcast %and3A_332 : i32 to vector<16xi32>
      %eq3A_334 = arith.cmpi eq, %iota3A, %eq3A_333 : vector<16xi32>
      %jit3A_335 = arith.constant 0.000000e+00 : f32
      %broadcast_in_dim3A_336 = vector.broadcast %jit3A_335 : f32 to vector<16xf32>
      %select_n3A_337 = arith.select %eq3A_334, %get3A_326, %broadcast_in_dim3A_336 : vector<16xi1>, vector<16xf32>
      %add3A_338 = arith.addf %add3A_330, %select_n3A_337 : vector<16xf32>
      %mul3A_339 = arith.constant 16 : i32
      %mul3A_340 = vector.broadcast %mul3A_339 : i32 to vector<16xi32>
      %mul3A_341 = arith.muli %iota3A, %mul3A_340 : vector<16xi32>
      %add3A_342 = arith.constant 0 : i32
      %add3A_343 = vector.broadcast %add3A_342 : i32 to vector<16xi32>
      %add3A_344 = arith.addi %mul3A_341, %add3A_343 : vector<16xi32>
      tpu.vector_store_idx %arg19[%add3A_344], %add3A_338 : memref<256xf32, #tpu.memory_space<vmem>>[vector<16xi32>], vector<16xf32>,
      %add3A_345 = arith.constant 1 : i32
      %add3A_346 = arith.addi %mul3A_260, %add3A_345 : i32
      %slice3A_347 = vector.extract_strided_slice %mul3A_274 {offsets = [1], sizes = [1], strides = [1]} : vector<16xi32> to vector<1xi32>
      %squeeze3A_348 = vector.extract %slice3A_347[0] : i32 from vector<1xi32>
      %slice3A_349 = vector.extract_strided_slice %mul3A_283 {offsets = [1], sizes = [1], strides = [1]} : vector<16xi32> to vector<1xi32>
      %squeeze3A_350 = vector.extract %slice3A_349[0] : i32 from vector<1xi32>
      %get3A_351 = arith.index_cast %add3A_346 : i32 to index
      %get3A_352 = arith.index_cast %squeeze3A_348 : i32 to index
      %get3A_353 = tpu.vector_load %arg15[%get3A_351, %get3A_352] {strides = array<i32>} : memref<128x128xf32, #tpu.memory_space<vmem>>, vector<16xf32>,
      %get3A_354 = arith.index_cast %add3A_346 : i32 to index
      %get3A_355 = arith.index_cast %squeeze3A_350 : i32 to index
      %get3A_356 = tpu.vector_load %arg16[%get3A_354, %get3A_355] {strides = array<i32>} : memref<128x128xf32, #tpu.memory_space<vmem>>, vector<16xf32>,
      %mul3A_357 = arith.mulf %get3A_353, %get3A_356 : vector<16xf32>
      %add3A_358 = arith.constant 16 : i32
      %add3A_359 = arith.addi %squeeze3A_348, %add3A_358 : i32
      %get3A_360 = arith.index_cast %add3A_346 : i32 to index
      %get3A_361 = arith.index_cast %add3A_359 : i32 to index
      %get3A_362 = tpu.vector_load %arg15[%get3A_360, %get3A_361] {strides = array<i32>} : memref<128x128xf32, #tpu.memory_space<vmem>>, vector<16xf32>,
      %add3A_363 = arith.constant 16 : i32
      %add3A_364 = arith.addi %squeeze3A_350, %add3A_363 : i32
      %get3A_365 = arith.index_cast %add3A_346 : i32 to index
      %get3A_366 = arith.index_cast %add3A_364 : i32 to index
      %get3A_367 = tpu.vector_load %arg16[%get3A_365, %get3A_366] {strides = array<i32>} : memref<128x128xf32, #tpu.memory_space<vmem>>, vector<16xf32>,
      %mul3A_368 = arith.mulf %get3A_362, %get3A_367 : vector<16xf32>
      %add3A_369 = arith.addf %mul3A_357, %mul3A_368 : vector<16xf32>
      %slice3A_370 = vector.extract_strided_slice %and3A_286 {offsets = [1], sizes = [1], strides = [1]} : vector<16xi32> to vector<1xi32>
      %squeeze3A_371 = vector.extract %slice3A_370[0] : i32 from vector<1xi32>
      %slice3A_372 = vector.extract_strided_slice %and3A_289 {offsets = [1], sizes = [1], strides = [1]} : vector<16xi32> to vector<1xi32>
      %squeeze3A_373 = vector.extract %slice3A_372[0] : i32 from vector<1xi32>
      %and3A_374 = arith.constant 112 : i32
      %and3A_375 = arith.andi %squeeze3A_371, %and3A_374 : i32
      %get3A_376 = arith.index_cast %add3A_346 : i32 to index
      %get3A_377 = arith.index_cast %and3A_375 : i32 to index
      %get3A_378 = tpu.vector_load %arg17[%get3A_376, %get3A_377] {strides = array<i32>} : memref<128x128xf32, #tpu.memory_space<vmem>>, vector<16xf32>,
      %and3A_379 = arith.constant 112 : i32
      %and3A_380 = arith.andi %squeeze3A_373, %and3A_379 : i32
      %get3A_381 = arith.index_cast %add3A_346 : i32 to index
      %get3A_382 = arith.index_cast %and3A_380 : i32 to index
      %get3A_383 = tpu.vector_load %arg18[%get3A_381, %get3A_382] {strides = array<i32>} : memref<128x128xf32, #tpu.memory_space<vmem>>, vector<16xf32>,
      %and3A_384 = arith.constant 15 : i32
      %and3A_385 = arith.andi %squeeze3A_371, %and3A_384 : i32
      %eq3A_386 = vector.broadcast %and3A_385 : i32 to vector<16xi32>
      %eq3A_387 = arith.cmpi eq, %iota3A, %eq3A_386 : vector<16xi32>
      %jit3A_388 = arith.constant 0.000000e+00 : f32
      %broadcast_in_dim3A_389 = vector.broadcast %jit3A_388 : f32 to vector<16xf32>
      %select_n3A_390 = arith.select %eq3A_387, %get3A_378, %broadcast_in_dim3A_389 : vector<16xi1>, vector<16xf32>
      %add3A_391 = arith.addf %add3A_369, %select_n3A_390 : vector<16xf32>
      %and3A_392 = arith.constant 15 : i32
      %and3A_393 = arith.andi %squeeze3A_373, %and3A_392 : i32
      %eq3A_394 = vector.broadcast %and3A_393 : i32 to vector<16xi32>
      %eq3A_395 = arith.cmpi eq, %iota3A, %eq3A_394 : vector<16xi32>
      %jit3A_396 = arith.constant 0.000000e+00 : f32
      %broadcast_in_dim3A_397 = vector.broadcast %jit3A_396 : f32 to vector<16xf32>
      %select_n3A_398 = arith.select %eq3A_395, %get3A_383, %broadcast_in_dim3A_397 : vector<16xi1>, vector<16xf32>
      %add3A_399 = arith.addf %add3A_391, %select_n3A_398 : vector<16xf32>
      %mul3A_400 = arith.constant 16 : i32
      %mul3A_401 = vector.broadcast %mul3A_400 : i32 to vector<16xi32>
      %mul3A_402 = arith.muli %iota3A, %mul3A_401 : vector<16xi32>
      %add3A_403 = arith.constant 1 : i32
      %add3A_404 = vector.broadcast %add3A_403 : i32 to vector<16xi32>
      %add3A_405 = arith.addi %mul3A_402, %add3A_404 : vector<16xi32>
      tpu.vector_store_idx %arg19[%add3A_405], %add3A_399 : memref<256xf32, #tpu.memory_space<vmem>>[vector<16xi32>], vector<16xf32>,
      %add3A_406 = arith.constant 2 : i32
      %add3A_407 = arith.addi %mul3A_260, %add3A_406 : i32
      %slice3A_408 = vector.extract_strided_slice %mul3A_274 {offsets = [2], sizes = [1], strides = [1]} : vector<16xi32> to vector<1xi32>
      %squeeze3A_409 = vector.extract %slice3A_408[0] : i32 from vector<1xi32>
      %slice3A_410 = vector.extract_strided_slice %mul3A_283 {offsets = [2], sizes = [1], strides = [1]} : vector<16xi32> to vector<1xi32>
      %squeeze3A_411 = vector.extract %slice3A_410[0] : i32 from vector<1xi32>
      %get3A_412 = arith.index_cast %add3A_407 : i32 to index
      %get3A_413 = arith.index_cast %squeeze3A_409 : i32 to index
      %get3A_414 = tpu.vector_load %arg15[%get3A_412, %get3A_413] {strides = array<i32>} : memref<128x128xf32, #tpu.memory_space<vmem>>, vector<16xf32>,
      %get3A_415 = arith.index_cast %add3A_407 : i32 to index
      %get3A_416 = arith.index_cast %squeeze3A_411 : i32 to index
      %get3A_417 = tpu.vector_load %arg16[%get3A_415, %get3A_416] {strides = array<i32>} : memref<128x128xf32, #tpu.memory_space<vmem>>, vector<16xf32>,
      %mul3A_418 = arith.mulf %get3A_414, %get3A_417 : vector<16xf32>
      %add3A_419 = arith.constant 16 : i32
      %add3A_420 = arith.addi %squeeze3A_409, %add3A_419 : i32
      %get3A_421 = arith.index_cast %add3A_407 : i32 to index
      %get3A_422 = arith.index_cast %add3A_420 : i32 to index
      %get3A_423 = tpu.vector_load %arg15[%get3A_421, %get3A_422] {strides = array<i32>} : memref<128x128xf32, #tpu.memory_space<vmem>>, vector<16xf32>,
      %add3A_424 = arith.constant 16 : i32
      %add3A_425 = arith.addi %squeeze3A_411, %add3A_424 : i32
      %get3A_426 = arith.index_cast %add3A_407 : i32 to index
      %get3A_427 = arith.index_cast %add3A_425 : i32 to index
      %get3A_428 = tpu.vector_load %arg16[%get3A_426, %get3A_427] {strides = array<i32>} : memref<128x128xf32, #tpu.memory_space<vmem>>, vector<16xf32>,
      %mul3A_429 = arith.mulf %get3A_423, %get3A_428 : vector<16xf32>
      %add3A_430 = arith.addf %mul3A_418, %mul3A_429 : vector<16xf32>
      %slice3A_431 = vector.extract_strided_slice %and3A_286 {offsets = [2], sizes = [1], strides = [1]} : vector<16xi32> to vector<1xi32>
      %squeeze3A_432 = vector.extract %slice3A_431[0] : i32 from vector<1xi32>
      %slice3A_433 = vector.extract_strided_slice %and3A_289 {offsets = [2], sizes = [1], strides = [1]} : vector<16xi32> to vector<1xi32>
      %squeeze3A_434 = vector.extract %slice3A_433[0] : i32 from vector<1xi32>
      %and3A_435 = arith.constant 112 : i32
      %and3A_436 = arith.andi %squeeze3A_432, %and3A_435 : i32
      %get3A_437 = arith.index_cast %add3A_407 : i32 to index
      %get3A_438 = arith.index_cast %and3A_436 : i32 to index
      %get3A_439 = tpu.vector_load %arg17[%get3A_437, %get3A_438] {strides = array<i32>} : memref<128x128xf32, #tpu.memory_space<vmem>>, vector<16xf32>,
      %and3A_440 = arith.constant 112 : i32
      %and3A_441 = arith.andi %squeeze3A_434, %and3A_440 : i32
      %get3A_442 = arith.index_cast %add3A_407 : i32 to index
      %get3A_443 = arith.index_cast %and3A_441 : i32 to index
      %get3A_444 = tpu.vector_load %arg18[%get3A_442, %get3A_443] {strides = array<i32>} : memref<128x128xf32, #tpu.memory_space<vmem>>, vector<16xf32>,
      %and3A_445 = arith.constant 15 : i32
      %and3A_446 = arith.andi %squeeze3A_432, %and3A_445 : i32
      %eq3A_447 = vector.broadcast %and3A_446 : i32 to vector<16xi32>
      %eq3A_448 = arith.cmpi eq, %iota3A, %eq3A_447 : vector<16xi32>
      %jit3A_449 = arith.constant 0.000000e+00 : f32
      %broadcast_in_dim3A_450 = vector.broadcast %jit3A_449 : f32 to vector<16xf32>
      %select_n3A_451 = arith.select %eq3A_448, %get3A_439, %broadcast_in_dim3A_450 : vector<16xi1>, vector<16xf32>
      %add3A_452 = arith.addf %add3A_430, %select_n3A_451 : vector<16xf32>
      %and3A_453 = arith.constant 15 : i32
      %and3A_454 = arith.andi %squeeze3A_434, %and3A_453 : i32
      %eq3A_455 = vector.broadcast %and3A_454 : i32 to vector<16xi32>
      %eq3A_456 = arith.cmpi eq, %iota3A, %eq3A_455 : vector<16xi32>
      %jit3A_457 = arith.constant 0.000000e+00 : f32
      %broadcast_in_dim3A_458 = vector.broadcast %jit3A_457 : f32 to vector<16xf32>
      %select_n3A_459 = arith.select %eq3A_456, %get3A_444, %broadcast_in_dim3A_458 : vector<16xi1>, vector<16xf32>
      %add3A_460 = arith.addf %add3A_452, %select_n3A_459 : vector<16xf32>
      %mul3A_461 = arith.constant 16 : i32
      %mul3A_462 = vector.broadcast %mul3A_461 : i32 to vector<16xi32>
      %mul3A_463 = arith.muli %iota3A, %mul3A_462 : vector<16xi32>
      %add3A_464 = arith.constant 2 : i32
      %add3A_465 = vector.broadcast %add3A_464 : i32 to vector<16xi32>
      %add3A_466 = arith.addi %mul3A_463, %add3A_465 : vector<16xi32>
      tpu.vector_store_idx %arg19[%add3A_466], %add3A_460 : memref<256xf32, #tpu.memory_space<vmem>>[vector<16xi32>], vector<16xf32>,
      %add3A_467 = arith.constant 3 : i32
      %add3A_468 = arith.addi %mul3A_260, %add3A_467 : i32
      %slice3A_469 = vector.extract_strided_slice %mul3A_274 {offsets = [3], sizes = [1], strides = [1]} : vector<16xi32> to vector<1xi32>
      %squeeze3A_470 = vector.extract %slice3A_469[0] : i32 from vector<1xi32>
      %slice3A_471 = vector.extract_strided_slice %mul3A_283 {offsets = [3], sizes = [1], strides = [1]} : vector<16xi32> to vector<1xi32>
      %squeeze3A_472 = vector.extract %slice3A_471[0] : i32 from vector<1xi32>
      %get3A_473 = arith.index_cast %add3A_468 : i32 to index
      %get3A_474 = arith.index_cast %squeeze3A_470 : i32 to index
      %get3A_475 = tpu.vector_load %arg15[%get3A_473, %get3A_474] {strides = array<i32>} : memref<128x128xf32, #tpu.memory_space<vmem>>, vector<16xf32>,
      %get3A_476 = arith.index_cast %add3A_468 : i32 to index
      %get3A_477 = arith.index_cast %squeeze3A_472 : i32 to index
      %get3A_478 = tpu.vector_load %arg16[%get3A_476, %get3A_477] {strides = array<i32>} : memref<128x128xf32, #tpu.memory_space<vmem>>, vector<16xf32>,
      %mul3A_479 = arith.mulf %get3A_475, %get3A_478 : vector<16xf32>
      %add3A_480 = arith.constant 16 : i32
      %add3A_481 = arith.addi %squeeze3A_470, %add3A_480 : i32
      %get3A_482 = arith.index_cast %add3A_468 : i32 to index
      %get3A_483 = arith.index_cast %add3A_481 : i32 to index
      %get3A_484 = tpu.vector_load %arg15[%get3A_482, %get3A_483] {strides = array<i32>} : memref<128x128xf32, #tpu.memory_space<vmem>>, vector<16xf32>,
      %add3A_485 = arith.constant 16 : i32
      %add3A_486 = arith.addi %squeeze3A_472, %add3A_485 : i32
      %get3A_487 = arith.index_cast %add3A_468 : i32 to index
      %get3A_488 = arith.index_cast %add3A_486 : i32 to index
      %get3A_489 = tpu.vector_load %arg16[%get3A_487, %get3A_488] {strides = array<i32>} : memref<128x128xf32, #tpu.memory_space<vmem>>, vector<16xf32>,
      %mul3A_490 = arith.mulf %get3A_484, %get3A_489 : vector<16xf32>
      %add3A_491 = arith.addf %mul3A_479, %mul3A_490 : vector<16xf32>
      %slice3A_492 = vector.extract_strided_slice %and3A_286 {offsets = [3], sizes = [1], strides = [1]} : vector<16xi32> to vector<1xi32>
      %squeeze3A_493 = vector.extract %slice3A_492[0] : i32 from vector<1xi32>
      %slice3A_494 = vector.extract_strided_slice %and3A_289 {offsets = [3], sizes = [1], strides = [1]} : vector<16xi32> to vector<1xi32>
      %squeeze3A_495 = vector.extract %slice3A_494[0] : i32 from vector<1xi32>
      %and3A_496 = arith.constant 112 : i32
      %and3A_497 = arith.andi %squeeze3A_493, %and3A_496 : i32
      %get3A_498 = arith.index_cast %add3A_468 : i32 to index
      %get3A_499 = arith.index_cast %and3A_497 : i32 to index
      %get3A_500 = tpu.vector_load %arg17[%get3A_498, %get3A_499] {strides = array<i32>} : memref<128x128xf32, #tpu.memory_space<vmem>>, vector<16xf32>,
      %and3A_501 = arith.constant 112 : i32
      %and3A_502 = arith.andi %squeeze3A_495, %and3A_501 : i32
      %get3A_503 = arith.index_cast %add3A_468 : i32 to index
      %get3A_504 = arith.index_cast %and3A_502 : i32 to index
      %get3A_505 = tpu.vector_load %arg18[%get3A_503, %get3A_504] {strides = array<i32>} : memref<128x128xf32, #tpu.memory_space<vmem>>, vector<16xf32>,
      %and3A_506 = arith.constant 15 : i32
      %and3A_507 = arith.andi %squeeze3A_493, %and3A_506 : i32
      %eq3A_508 = vector.broadcast %and3A_507 : i32 to vector<16xi32>
      %eq3A_509 = arith.cmpi eq, %iota3A, %eq3A_508 : vector<16xi32>
      %jit3A_510 = arith.constant 0.000000e+00 : f32
      %broadcast_in_dim3A_511 = vector.broadcast %jit3A_510 : f32 to vector<16xf32>
      %select_n3A_512 = arith.select %eq3A_509, %get3A_500, %broadcast_in_dim3A_511 : vector<16xi1>, vector<16xf32>
      %add3A_513 = arith.addf %add3A_491, %select_n3A_512 : vector<16xf32>
      %and3A_514 = arith.constant 15 : i32
      %and3A_515 = arith.andi %squeeze3A_495, %and3A_514 : i32
      %eq3A_516 = vector.broadcast %and3A_515 : i32 to vector<16xi32>
      %eq3A_517 = arith.cmpi eq, %iota3A, %eq3A_516 : vector<16xi32>
      %jit3A_518 = arith.constant 0.000000e+00 : f32
      %broadcast_in_dim3A_519 = vector.broadcast %jit3A_518 : f32 to vector<16xf32>
      %select_n3A_520 = arith.select %eq3A_517, %get3A_505, %broadcast_in_dim3A_519 : vector<16xi1>, vector<16xf32>
      %add3A_521 = arith.addf %add3A_513, %select_n3A_520 : vector<16xf32>
      %mul3A_522 = arith.constant 16 : i32
      %mul3A_523 = vector.broadcast %mul3A_522 : i32 to vector<16xi32>
      %mul3A_524 = arith.muli %iota3A, %mul3A_523 : vector<16xi32>
      %add3A_525 = arith.constant 3 : i32
      %add3A_526 = vector.broadcast %add3A_525 : i32 to vector<16xi32>
      %add3A_527 = arith.addi %mul3A_524, %add3A_526 : vector<16xi32>
      tpu.vector_store_idx %arg19[%add3A_527], %add3A_521 : memref<256xf32, #tpu.memory_space<vmem>>[vector<16xi32>], vector<16xf32>,
      %add3A_528 = arith.constant 4 : i32
      %add3A_529 = arith.addi %mul3A_260, %add3A_528 : i32
      %slice3A_530 = vector.extract_strided_slice %mul3A_274 {offsets = [4], sizes = [1], strides = [1]} : vector<16xi32> to vector<1xi32>
      %squeeze3A_531 = vector.extract %slice3A_530[0] : i32 from vector<1xi32>
      %slice3A_532 = vector.extract_strided_slice %mul3A_283 {offsets = [4], sizes = [1], strides = [1]} : vector<16xi32> to vector<1xi32>
      %squeeze3A_533 = vector.extract %slice3A_532[0] : i32 from vector<1xi32>
      %get3A_534 = arith.index_cast %add3A_529 : i32 to index
      %get3A_535 = arith.index_cast %squeeze3A_531 : i32 to index
      %get3A_536 = tpu.vector_load %arg15[%get3A_534, %get3A_535] {strides = array<i32>} : memref<128x128xf32, #tpu.memory_space<vmem>>, vector<16xf32>,
      %get3A_537 = arith.index_cast %add3A_529 : i32 to index
      %get3A_538 = arith.index_cast %squeeze3A_533 : i32 to index
      %get3A_539 = tpu.vector_load %arg16[%get3A_537, %get3A_538] {strides = array<i32>} : memref<128x128xf32, #tpu.memory_space<vmem>>, vector<16xf32>,
      %mul3A_540 = arith.mulf %get3A_536, %get3A_539 : vector<16xf32>
      %add3A_541 = arith.constant 16 : i32
      %add3A_542 = arith.addi %squeeze3A_531, %add3A_541 : i32
      %get3A_543 = arith.index_cast %add3A_529 : i32 to index
      %get3A_544 = arith.index_cast %add3A_542 : i32 to index
      %get3A_545 = tpu.vector_load %arg15[%get3A_543, %get3A_544] {strides = array<i32>} : memref<128x128xf32, #tpu.memory_space<vmem>>, vector<16xf32>,
      %add3A_546 = arith.constant 16 : i32
      %add3A_547 = arith.addi %squeeze3A_533, %add3A_546 : i32
      %get3A_548 = arith.index_cast %add3A_529 : i32 to index
      %get3A_549 = arith.index_cast %add3A_547 : i32 to index
      %get3A_550 = tpu.vector_load %arg16[%get3A_548, %get3A_549] {strides = array<i32>} : memref<128x128xf32, #tpu.memory_space<vmem>>, vector<16xf32>,
      %mul3A_551 = arith.mulf %get3A_545, %get3A_550 : vector<16xf32>
      %add3A_552 = arith.addf %mul3A_540, %mul3A_551 : vector<16xf32>
      %slice3A_553 = vector.extract_strided_slice %and3A_286 {offsets = [4], sizes = [1], strides = [1]} : vector<16xi32> to vector<1xi32>
      %squeeze3A_554 = vector.extract %slice3A_553[0] : i32 from vector<1xi32>
      %slice3A_555 = vector.extract_strided_slice %and3A_289 {offsets = [4], sizes = [1], strides = [1]} : vector<16xi32> to vector<1xi32>
      %squeeze3A_556 = vector.extract %slice3A_555[0] : i32 from vector<1xi32>
      %and3A_557 = arith.constant 112 : i32
      %and3A_558 = arith.andi %squeeze3A_554, %and3A_557 : i32
      %get3A_559 = arith.index_cast %add3A_529 : i32 to index
      %get3A_560 = arith.index_cast %and3A_558 : i32 to index
      %get3A_561 = tpu.vector_load %arg17[%get3A_559, %get3A_560] {strides = array<i32>} : memref<128x128xf32, #tpu.memory_space<vmem>>, vector<16xf32>,
      %and3A_562 = arith.constant 112 : i32
      %and3A_563 = arith.andi %squeeze3A_556, %and3A_562 : i32
      %get3A_564 = arith.index_cast %add3A_529 : i32 to index
      %get3A_565 = arith.index_cast %and3A_563 : i32 to index
      %get3A_566 = tpu.vector_load %arg18[%get3A_564, %get3A_565] {strides = array<i32>} : memref<128x128xf32, #tpu.memory_space<vmem>>, vector<16xf32>,
      %and3A_567 = arith.constant 15 : i32
      %and3A_568 = arith.andi %squeeze3A_554, %and3A_567 : i32
      %eq3A_569 = vector.broadcast %and3A_568 : i32 to vector<16xi32>
      %eq3A_570 = arith.cmpi eq, %iota3A, %eq3A_569 : vector<16xi32>
      %jit3A_571 = arith.constant 0.000000e+00 : f32
      %broadcast_in_dim3A_572 = vector.broadcast %jit3A_571 : f32 to vector<16xf32>
      %select_n3A_573 = arith.select %eq3A_570, %get3A_561, %broadcast_in_dim3A_572 : vector<16xi1>, vector<16xf32>
      %add3A_574 = arith.addf %add3A_552, %select_n3A_573 : vector<16xf32>
      %and3A_575 = arith.constant 15 : i32
      %and3A_576 = arith.andi %squeeze3A_556, %and3A_575 : i32
      %eq3A_577 = vector.broadcast %and3A_576 : i32 to vector<16xi32>
      %eq3A_578 = arith.cmpi eq, %iota3A, %eq3A_577 : vector<16xi32>
      %jit3A_579 = arith.constant 0.000000e+00 : f32
      %broadcast_in_dim3A_580 = vector.broadcast %jit3A_579 : f32 to vector<16xf32>
      %select_n3A_581 = arith.select %eq3A_578, %get3A_566, %broadcast_in_dim3A_580 : vector<16xi1>, vector<16xf32>
      %add3A_582 = arith.addf %add3A_574, %select_n3A_581 : vector<16xf32>
      %mul3A_583 = arith.constant 16 : i32
      %mul3A_584 = vector.broadcast %mul3A_583 : i32 to vector<16xi32>
      %mul3A_585 = arith.muli %iota3A, %mul3A_584 : vector<16xi32>
      %add3A_586 = arith.constant 4 : i32
      %add3A_587 = vector.broadcast %add3A_586 : i32 to vector<16xi32>
      %add3A_588 = arith.addi %mul3A_585, %add3A_587 : vector<16xi32>
      tpu.vector_store_idx %arg19[%add3A_588], %add3A_582 : memref<256xf32, #tpu.memory_space<vmem>>[vector<16xi32>], vector<16xf32>,
      %add3A_589 = arith.constant 5 : i32
      %add3A_590 = arith.addi %mul3A_260, %add3A_589 : i32
      %slice3A_591 = vector.extract_strided_slice %mul3A_274 {offsets = [5], sizes = [1], strides = [1]} : vector<16xi32> to vector<1xi32>
      %squeeze3A_592 = vector.extract %slice3A_591[0] : i32 from vector<1xi32>
      %slice3A_593 = vector.extract_strided_slice %mul3A_283 {offsets = [5], sizes = [1], strides = [1]} : vector<16xi32> to vector<1xi32>
      %squeeze3A_594 = vector.extract %slice3A_593[0] : i32 from vector<1xi32>
      %get3A_595 = arith.index_cast %add3A_590 : i32 to index
      %get3A_596 = arith.index_cast %squeeze3A_592 : i32 to index
      %get3A_597 = tpu.vector_load %arg15[%get3A_595, %get3A_596] {strides = array<i32>} : memref<128x128xf32, #tpu.memory_space<vmem>>, vector<16xf32>,
      %get3A_598 = arith.index_cast %add3A_590 : i32 to index
      %get3A_599 = arith.index_cast %squeeze3A_594 : i32 to index
      %get3A_600 = tpu.vector_load %arg16[%get3A_598, %get3A_599] {strides = array<i32>} : memref<128x128xf32, #tpu.memory_space<vmem>>, vector<16xf32>,
      %mul3A_601 = arith.mulf %get3A_597, %get3A_600 : vector<16xf32>
      %add3A_602 = arith.constant 16 : i32
      %add3A_603 = arith.addi %squeeze3A_592, %add3A_602 : i32
      %get3A_604 = arith.index_cast %add3A_590 : i32 to index
      %get3A_605 = arith.index_cast %add3A_603 : i32 to index
      %get3A_606 = tpu.vector_load %arg15[%get3A_604, %get3A_605] {strides = array<i32>} : memref<128x128xf32, #tpu.memory_space<vmem>>, vector<16xf32>,
      %add3A_607 = arith.constant 16 : i32
      %add3A_608 = arith.addi %squeeze3A_594, %add3A_607 : i32
      %get3A_609 = arith.index_cast %add3A_590 : i32 to index
      %get3A_610 = arith.index_cast %add3A_608 : i32 to index
      %get3A_611 = tpu.vector_load %arg16[%get3A_609, %get3A_610] {strides = array<i32>} : memref<128x128xf32, #tpu.memory_space<vmem>>, vector<16xf32>,
      %mul3A_612 = arith.mulf %get3A_606, %get3A_611 : vector<16xf32>
      %add3A_613 = arith.addf %mul3A_601, %mul3A_612 : vector<16xf32>
      %slice3A_614 = vector.extract_strided_slice %and3A_286 {offsets = [5], sizes = [1], strides = [1]} : vector<16xi32> to vector<1xi32>
      %squeeze3A_615 = vector.extract %slice3A_614[0] : i32 from vector<1xi32>
      %slice3A_616 = vector.extract_strided_slice %and3A_289 {offsets = [5], sizes = [1], strides = [1]} : vector<16xi32> to vector<1xi32>
      %squeeze3A_617 = vector.extract %slice3A_616[0] : i32 from vector<1xi32>
      %and3A_618 = arith.constant 112 : i32
      %and3A_619 = arith.andi %squeeze3A_615, %and3A_618 : i32
      %get3A_620 = arith.index_cast %add3A_590 : i32 to index
      %get3A_621 = arith.index_cast %and3A_619 : i32 to index
      %get3A_622 = tpu.vector_load %arg17[%get3A_620, %get3A_621] {strides = array<i32>} : memref<128x128xf32, #tpu.memory_space<vmem>>, vector<16xf32>,
      %and3A_623 = arith.constant 112 : i32
      %and3A_624 = arith.andi %squeeze3A_617, %and3A_623 : i32
      %get3A_625 = arith.index_cast %add3A_590 : i32 to index
      %get3A_626 = arith.index_cast %and3A_624 : i32 to index
      %get3A_627 = tpu.vector_load %arg18[%get3A_625, %get3A_626] {strides = array<i32>} : memref<128x128xf32, #tpu.memory_space<vmem>>, vector<16xf32>,
      %and3A_628 = arith.constant 15 : i32
      %and3A_629 = arith.andi %squeeze3A_615, %and3A_628 : i32
      %eq3A_630 = vector.broadcast %and3A_629 : i32 to vector<16xi32>
      %eq3A_631 = arith.cmpi eq, %iota3A, %eq3A_630 : vector<16xi32>
      %jit3A_632 = arith.constant 0.000000e+00 : f32
      %broadcast_in_dim3A_633 = vector.broadcast %jit3A_632 : f32 to vector<16xf32>
      %select_n3A_634 = arith.select %eq3A_631, %get3A_622, %broadcast_in_dim3A_633 : vector<16xi1>, vector<16xf32>
      %add3A_635 = arith.addf %add3A_613, %select_n3A_634 : vector<16xf32>
      %and3A_636 = arith.constant 15 : i32
      %and3A_637 = arith.andi %squeeze3A_617, %and3A_636 : i32
      %eq3A_638 = vector.broadcast %and3A_637 : i32 to vector<16xi32>
      %eq3A_639 = arith.cmpi eq, %iota3A, %eq3A_638 : vector<16xi32>
      %jit3A_640 = arith.constant 0.000000e+00 : f32
      %broadcast_in_dim3A_641 = vector.broadcast %jit3A_640 : f32 to vector<16xf32>
      %select_n3A_642 = arith.select %eq3A_639, %get3A_627, %broadcast_in_dim3A_641 : vector<16xi1>, vector<16xf32>
      %add3A_643 = arith.addf %add3A_635, %select_n3A_642 : vector<16xf32>
      %mul3A_644 = arith.constant 16 : i32
      %mul3A_645 = vector.broadcast %mul3A_644 : i32 to vector<16xi32>
      %mul3A_646 = arith.muli %iota3A, %mul3A_645 : vector<16xi32>
      %add3A_647 = arith.constant 5 : i32
      %add3A_648 = vector.broadcast %add3A_647 : i32 to vector<16xi32>
      %add3A_649 = arith.addi %mul3A_646, %add3A_648 : vector<16xi32>
      tpu.vector_store_idx %arg19[%add3A_649], %add3A_643 : memref<256xf32, #tpu.memory_space<vmem>>[vector<16xi32>], vector<16xf32>,
      %add3A_650 = arith.constant 6 : i32
      %add3A_651 = arith.addi %mul3A_260, %add3A_650 : i32
      %slice3A_652 = vector.extract_strided_slice %mul3A_274 {offsets = [6], sizes = [1], strides = [1]} : vector<16xi32> to vector<1xi32>
      %squeeze3A_653 = vector.extract %slice3A_652[0] : i32 from vector<1xi32>
      %slice3A_654 = vector.extract_strided_slice %mul3A_283 {offsets = [6], sizes = [1], strides = [1]} : vector<16xi32> to vector<1xi32>
      %squeeze3A_655 = vector.extract %slice3A_654[0] : i32 from vector<1xi32>
      %get3A_656 = arith.index_cast %add3A_651 : i32 to index
      %get3A_657 = arith.index_cast %squeeze3A_653 : i32 to index
      %get3A_658 = tpu.vector_load %arg15[%get3A_656, %get3A_657] {strides = array<i32>} : memref<128x128xf32, #tpu.memory_space<vmem>>, vector<16xf32>,
      %get3A_659 = arith.index_cast %add3A_651 : i32 to index
      %get3A_660 = arith.index_cast %squeeze3A_655 : i32 to index
      %get3A_661 = tpu.vector_load %arg16[%get3A_659, %get3A_660] {strides = array<i32>} : memref<128x128xf32, #tpu.memory_space<vmem>>, vector<16xf32>,
      %mul3A_662 = arith.mulf %get3A_658, %get3A_661 : vector<16xf32>
      %add3A_663 = arith.constant 16 : i32
      %add3A_664 = arith.addi %squeeze3A_653, %add3A_663 : i32
      %get3A_665 = arith.index_cast %add3A_651 : i32 to index
      %get3A_666 = arith.index_cast %add3A_664 : i32 to index
      %get3A_667 = tpu.vector_load %arg15[%get3A_665, %get3A_666] {strides = array<i32>} : memref<128x128xf32, #tpu.memory_space<vmem>>, vector<16xf32>,
      %add3A_668 = arith.constant 16 : i32
      %add3A_669 = arith.addi %squeeze3A_655, %add3A_668 : i32
      %get3A_670 = arith.index_cast %add3A_651 : i32 to index
      %get3A_671 = arith.index_cast %add3A_669 : i32 to index
      %get3A_672 = tpu.vector_load %arg16[%get3A_670, %get3A_671] {strides = array<i32>} : memref<128x128xf32, #tpu.memory_space<vmem>>, vector<16xf32>,
      %mul3A_673 = arith.mulf %get3A_667, %get3A_672 : vector<16xf32>
      %add3A_674 = arith.addf %mul3A_662, %mul3A_673 : vector<16xf32>
      %slice3A_675 = vector.extract_strided_slice %and3A_286 {offsets = [6], sizes = [1], strides = [1]} : vector<16xi32> to vector<1xi32>
      %squeeze3A_676 = vector.extract %slice3A_675[0] : i32 from vector<1xi32>
      %slice3A_677 = vector.extract_strided_slice %and3A_289 {offsets = [6], sizes = [1], strides = [1]} : vector<16xi32> to vector<1xi32>
      %squeeze3A_678 = vector.extract %slice3A_677[0] : i32 from vector<1xi32>
      %and3A_679 = arith.constant 112 : i32
      %and3A_680 = arith.andi %squeeze3A_676, %and3A_679 : i32
      %get3A_681 = arith.index_cast %add3A_651 : i32 to index
      %get3A_682 = arith.index_cast %and3A_680 : i32 to index
      %get3A_683 = tpu.vector_load %arg17[%get3A_681, %get3A_682] {strides = array<i32>} : memref<128x128xf32, #tpu.memory_space<vmem>>, vector<16xf32>,
      %and3A_684 = arith.constant 112 : i32
      %and3A_685 = arith.andi %squeeze3A_678, %and3A_684 : i32
      %get3A_686 = arith.index_cast %add3A_651 : i32 to index
      %get3A_687 = arith.index_cast %and3A_685 : i32 to index
      %get3A_688 = tpu.vector_load %arg18[%get3A_686, %get3A_687] {strides = array<i32>} : memref<128x128xf32, #tpu.memory_space<vmem>>, vector<16xf32>,
      %and3A_689 = arith.constant 15 : i32
      %and3A_690 = arith.andi %squeeze3A_676, %and3A_689 : i32
      %eq3A_691 = vector.broadcast %and3A_690 : i32 to vector<16xi32>
      %eq3A_692 = arith.cmpi eq, %iota3A, %eq3A_691 : vector<16xi32>
      %jit3A_693 = arith.constant 0.000000e+00 : f32
      %broadcast_in_dim3A_694 = vector.broadcast %jit3A_693 : f32 to vector<16xf32>
      %select_n3A_695 = arith.select %eq3A_692, %get3A_683, %broadcast_in_dim3A_694 : vector<16xi1>, vector<16xf32>
      %add3A_696 = arith.addf %add3A_674, %select_n3A_695 : vector<16xf32>
      %and3A_697 = arith.constant 15 : i32
      %and3A_698 = arith.andi %squeeze3A_678, %and3A_697 : i32
      %eq3A_699 = vector.broadcast %and3A_698 : i32 to vector<16xi32>
      %eq3A_700 = arith.cmpi eq, %iota3A, %eq3A_699 : vector<16xi32>
      %jit3A_701 = arith.constant 0.000000e+00 : f32
      %broadcast_in_dim3A_702 = vector.broadcast %jit3A_701 : f32 to vector<16xf32>
      %select_n3A_703 = arith.select %eq3A_700, %get3A_688, %broadcast_in_dim3A_702 : vector<16xi1>, vector<16xf32>
      %add3A_704 = arith.addf %add3A_696, %select_n3A_703 : vector<16xf32>
      %mul3A_705 = arith.constant 16 : i32
      %mul3A_706 = vector.broadcast %mul3A_705 : i32 to vector<16xi32>
      %mul3A_707 = arith.muli %iota3A, %mul3A_706 : vector<16xi32>
      %add3A_708 = arith.constant 6 : i32
      %add3A_709 = vector.broadcast %add3A_708 : i32 to vector<16xi32>
      %add3A_710 = arith.addi %mul3A_707, %add3A_709 : vector<16xi32>
      tpu.vector_store_idx %arg19[%add3A_710], %add3A_704 : memref<256xf32, #tpu.memory_space<vmem>>[vector<16xi32>], vector<16xf32>,
      %add3A_711 = arith.constant 7 : i32
      %add3A_712 = arith.addi %mul3A_260, %add3A_711 : i32
      %slice3A_713 = vector.extract_strided_slice %mul3A_274 {offsets = [7], sizes = [1], strides = [1]} : vector<16xi32> to vector<1xi32>
      %squeeze3A_714 = vector.extract %slice3A_713[0] : i32 from vector<1xi32>
      %slice3A_715 = vector.extract_strided_slice %mul3A_283 {offsets = [7], sizes = [1], strides = [1]} : vector<16xi32> to vector<1xi32>
      %squeeze3A_716 = vector.extract %slice3A_715[0] : i32 from vector<1xi32>
      %get3A_717 = arith.index_cast %add3A_712 : i32 to index
      %get3A_718 = arith.index_cast %squeeze3A_714 : i32 to index
      %get3A_719 = tpu.vector_load %arg15[%get3A_717, %get3A_718] {strides = array<i32>} : memref<128x128xf32, #tpu.memory_space<vmem>>, vector<16xf32>,
      %get3A_720 = arith.index_cast %add3A_712 : i32 to index
      %get3A_721 = arith.index_cast %squeeze3A_716 : i32 to index
      %get3A_722 = tpu.vector_load %arg16[%get3A_720, %get3A_721] {strides = array<i32>} : memref<128x128xf32, #tpu.memory_space<vmem>>, vector<16xf32>,
      %mul3A_723 = arith.mulf %get3A_719, %get3A_722 : vector<16xf32>
      %add3A_724 = arith.constant 16 : i32
      %add3A_725 = arith.addi %squeeze3A_714, %add3A_724 : i32
      %get3A_726 = arith.index_cast %add3A_712 : i32 to index
      %get3A_727 = arith.index_cast %add3A_725 : i32 to index
      %get3A_728 = tpu.vector_load %arg15[%get3A_726, %get3A_727] {strides = array<i32>} : memref<128x128xf32, #tpu.memory_space<vmem>>, vector<16xf32>,
      %add3A_729 = arith.constant 16 : i32
      %add3A_730 = arith.addi %squeeze3A_716, %add3A_729 : i32
      %get3A_731 = arith.index_cast %add3A_712 : i32 to index
      %get3A_732 = arith.index_cast %add3A_730 : i32 to index
      %get3A_733 = tpu.vector_load %arg16[%get3A_731, %get3A_732] {strides = array<i32>} : memref<128x128xf32, #tpu.memory_space<vmem>>, vector<16xf32>,
      %mul3A_734 = arith.mulf %get3A_728, %get3A_733 : vector<16xf32>
      %add3A_735 = arith.addf %mul3A_723, %mul3A_734 : vector<16xf32>
      %slice3A_736 = vector.extract_strided_slice %and3A_286 {offsets = [7], sizes = [1], strides = [1]} : vector<16xi32> to vector<1xi32>
      %squeeze3A_737 = vector.extract %slice3A_736[0] : i32 from vector<1xi32>
      %slice3A_738 = vector.extract_strided_slice %and3A_289 {offsets = [7], sizes = [1], strides = [1]} : vector<16xi32> to vector<1xi32>
      %squeeze3A_739 = vector.extract %slice3A_738[0] : i32 from vector<1xi32>
      %and3A_740 = arith.constant 112 : i32
      %and3A_741 = arith.andi %squeeze3A_737, %and3A_740 : i32
      %get3A_742 = arith.index_cast %add3A_712 : i32 to index
      %get3A_743 = arith.index_cast %and3A_741 : i32 to index
      %get3A_744 = tpu.vector_load %arg17[%get3A_742, %get3A_743] {strides = array<i32>} : memref<128x128xf32, #tpu.memory_space<vmem>>, vector<16xf32>,
      %and3A_745 = arith.constant 112 : i32
      %and3A_746 = arith.andi %squeeze3A_739, %and3A_745 : i32
      %get3A_747 = arith.index_cast %add3A_712 : i32 to index
      %get3A_748 = arith.index_cast %and3A_746 : i32 to index
      %get3A_749 = tpu.vector_load %arg18[%get3A_747, %get3A_748] {strides = array<i32>} : memref<128x128xf32, #tpu.memory_space<vmem>>, vector<16xf32>,
      %and3A_750 = arith.constant 15 : i32
      %and3A_751 = arith.andi %squeeze3A_737, %and3A_750 : i32
      %eq3A_752 = vector.broadcast %and3A_751 : i32 to vector<16xi32>
      %eq3A_753 = arith.cmpi eq, %iota3A, %eq3A_752 : vector<16xi32>
      %jit3A_754 = arith.constant 0.000000e+00 : f32
      %broadcast_in_dim3A_755 = vector.broadcast %jit3A_754 : f32 to vector<16xf32>
      %select_n3A_756 = arith.select %eq3A_753, %get3A_744, %broadcast_in_dim3A_755 : vector<16xi1>, vector<16xf32>
      %add3A_757 = arith.addf %add3A_735, %select_n3A_756 : vector<16xf32>
      %and3A_758 = arith.constant 15 : i32
      %and3A_759 = arith.andi %squeeze3A_739, %and3A_758 : i32
      %eq3A_760 = vector.broadcast %and3A_759 : i32 to vector<16xi32>
      %eq3A_761 = arith.cmpi eq, %iota3A, %eq3A_760 : vector<16xi32>
      %jit3A_762 = arith.constant 0.000000e+00 : f32
      %broadcast_in_dim3A_763 = vector.broadcast %jit3A_762 : f32 to vector<16xf32>
      %select_n3A_764 = arith.select %eq3A_761, %get3A_749, %broadcast_in_dim3A_763 : vector<16xi1>, vector<16xf32>
      %add3A_765 = arith.addf %add3A_757, %select_n3A_764 : vector<16xf32>
      %mul3A_766 = arith.constant 16 : i32
      %mul3A_767 = vector.broadcast %mul3A_766 : i32 to vector<16xi32>
      %mul3A_768 = arith.muli %iota3A, %mul3A_767 : vector<16xi32>
      %add3A_769 = arith.constant 7 : i32
      %add3A_770 = vector.broadcast %add3A_769 : i32 to vector<16xi32>
      %add3A_771 = arith.addi %mul3A_768, %add3A_770 : vector<16xi32>
      tpu.vector_store_idx %arg19[%add3A_771], %add3A_765 : memref<256xf32, #tpu.memory_space<vmem>>[vector<16xi32>], vector<16xf32>,
      %add3A_772 = arith.constant 8 : i32
      %add3A_773 = arith.addi %mul3A_260, %add3A_772 : i32
      %slice3A_774 = vector.extract_strided_slice %mul3A_274 {offsets = [8], sizes = [1], strides = [1]} : vector<16xi32> to vector<1xi32>
      %squeeze3A_775 = vector.extract %slice3A_774[0] : i32 from vector<1xi32>
      %slice3A_776 = vector.extract_strided_slice %mul3A_283 {offsets = [8], sizes = [1], strides = [1]} : vector<16xi32> to vector<1xi32>
      %squeeze3A_777 = vector.extract %slice3A_776[0] : i32 from vector<1xi32>
      %get3A_778 = arith.index_cast %add3A_773 : i32 to index
      %get3A_779 = arith.index_cast %squeeze3A_775 : i32 to index
      %get3A_780 = tpu.vector_load %arg15[%get3A_778, %get3A_779] {strides = array<i32>} : memref<128x128xf32, #tpu.memory_space<vmem>>, vector<16xf32>,
      %get3A_781 = arith.index_cast %add3A_773 : i32 to index
      %get3A_782 = arith.index_cast %squeeze3A_777 : i32 to index
      %get3A_783 = tpu.vector_load %arg16[%get3A_781, %get3A_782] {strides = array<i32>} : memref<128x128xf32, #tpu.memory_space<vmem>>, vector<16xf32>,
      %mul3A_784 = arith.mulf %get3A_780, %get3A_783 : vector<16xf32>
      %add3A_785 = arith.constant 16 : i32
      %add3A_786 = arith.addi %squeeze3A_775, %add3A_785 : i32
      %get3A_787 = arith.index_cast %add3A_773 : i32 to index
      %get3A_788 = arith.index_cast %add3A_786 : i32 to index
      %get3A_789 = tpu.vector_load %arg15[%get3A_787, %get3A_788] {strides = array<i32>} : memref<128x128xf32, #tpu.memory_space<vmem>>, vector<16xf32>,
      %add3A_790 = arith.constant 16 : i32
      %add3A_791 = arith.addi %squeeze3A_777, %add3A_790 : i32
      %get3A_792 = arith.index_cast %add3A_773 : i32 to index
      %get3A_793 = arith.index_cast %add3A_791 : i32 to index
      %get3A_794 = tpu.vector_load %arg16[%get3A_792, %get3A_793] {strides = array<i32>} : memref<128x128xf32, #tpu.memory_space<vmem>>, vector<16xf32>,
      %mul3A_795 = arith.mulf %get3A_789, %get3A_794 : vector<16xf32>
      %add3A_796 = arith.addf %mul3A_784, %mul3A_795 : vector<16xf32>
      %slice3A_797 = vector.extract_strided_slice %and3A_286 {offsets = [8], sizes = [1], strides = [1]} : vector<16xi32> to vector<1xi32>
      %squeeze3A_798 = vector.extract %slice3A_797[0] : i32 from vector<1xi32>
      %slice3A_799 = vector.extract_strided_slice %and3A_289 {offsets = [8], sizes = [1], strides = [1]} : vector<16xi32> to vector<1xi32>
      %squeeze3A_800 = vector.extract %slice3A_799[0] : i32 from vector<1xi32>
      %and3A_801 = arith.constant 112 : i32
      %and3A_802 = arith.andi %squeeze3A_798, %and3A_801 : i32
      %get3A_803 = arith.index_cast %add3A_773 : i32 to index
      %get3A_804 = arith.index_cast %and3A_802 : i32 to index
      %get3A_805 = tpu.vector_load %arg17[%get3A_803, %get3A_804] {strides = array<i32>} : memref<128x128xf32, #tpu.memory_space<vmem>>, vector<16xf32>,
      %and3A_806 = arith.constant 112 : i32
      %and3A_807 = arith.andi %squeeze3A_800, %and3A_806 : i32
      %get3A_808 = arith.index_cast %add3A_773 : i32 to index
      %get3A_809 = arith.index_cast %and3A_807 : i32 to index
      %get3A_810 = tpu.vector_load %arg18[%get3A_808, %get3A_809] {strides = array<i32>} : memref<128x128xf32, #tpu.memory_space<vmem>>, vector<16xf32>,
      %and3A_811 = arith.constant 15 : i32
      %and3A_812 = arith.andi %squeeze3A_798, %and3A_811 : i32
      %eq3A_813 = vector.broadcast %and3A_812 : i32 to vector<16xi32>
      %eq3A_814 = arith.cmpi eq, %iota3A, %eq3A_813 : vector<16xi32>
      %jit3A_815 = arith.constant 0.000000e+00 : f32
      %broadcast_in_dim3A_816 = vector.broadcast %jit3A_815 : f32 to vector<16xf32>
      %select_n3A_817 = arith.select %eq3A_814, %get3A_805, %broadcast_in_dim3A_816 : vector<16xi1>, vector<16xf32>
      %add3A_818 = arith.addf %add3A_796, %select_n3A_817 : vector<16xf32>
      %and3A_819 = arith.constant 15 : i32
      %and3A_820 = arith.andi %squeeze3A_800, %and3A_819 : i32
      %eq3A_821 = vector.broadcast %and3A_820 : i32 to vector<16xi32>
      %eq3A_822 = arith.cmpi eq, %iota3A, %eq3A_821 : vector<16xi32>
      %jit3A_823 = arith.constant 0.000000e+00 : f32
      %broadcast_in_dim3A_824 = vector.broadcast %jit3A_823 : f32 to vector<16xf32>
      %select_n3A_825 = arith.select %eq3A_822, %get3A_810, %broadcast_in_dim3A_824 : vector<16xi1>, vector<16xf32>
      %add3A_826 = arith.addf %add3A_818, %select_n3A_825 : vector<16xf32>
      %mul3A_827 = arith.constant 16 : i32
      %mul3A_828 = vector.broadcast %mul3A_827 : i32 to vector<16xi32>
      %mul3A_829 = arith.muli %iota3A, %mul3A_828 : vector<16xi32>
      %add3A_830 = arith.constant 8 : i32
      %add3A_831 = vector.broadcast %add3A_830 : i32 to vector<16xi32>
      %add3A_832 = arith.addi %mul3A_829, %add3A_831 : vector<16xi32>
      tpu.vector_store_idx %arg19[%add3A_832], %add3A_826 : memref<256xf32, #tpu.memory_space<vmem>>[vector<16xi32>], vector<16xf32>,
      %add3A_833 = arith.constant 9 : i32
      %add3A_834 = arith.addi %mul3A_260, %add3A_833 : i32
      %slice3A_835 = vector.extract_strided_slice %mul3A_274 {offsets = [9], sizes = [1], strides = [1]} : vector<16xi32> to vector<1xi32>
      %squeeze3A_836 = vector.extract %slice3A_835[0] : i32 from vector<1xi32>
      %slice3A_837 = vector.extract_strided_slice %mul3A_283 {offsets = [9], sizes = [1], strides = [1]} : vector<16xi32> to vector<1xi32>
      %squeeze3A_838 = vector.extract %slice3A_837[0] : i32 from vector<1xi32>
      %get3A_839 = arith.index_cast %add3A_834 : i32 to index
      %get3A_840 = arith.index_cast %squeeze3A_836 : i32 to index
      %get3A_841 = tpu.vector_load %arg15[%get3A_839, %get3A_840] {strides = array<i32>} : memref<128x128xf32, #tpu.memory_space<vmem>>, vector<16xf32>,
      %get3A_842 = arith.index_cast %add3A_834 : i32 to index
      %get3A_843 = arith.index_cast %squeeze3A_838 : i32 to index
      %get3A_844 = tpu.vector_load %arg16[%get3A_842, %get3A_843] {strides = array<i32>} : memref<128x128xf32, #tpu.memory_space<vmem>>, vector<16xf32>,
      %mul3A_845 = arith.mulf %get3A_841, %get3A_844 : vector<16xf32>
      %add3A_846 = arith.constant 16 : i32
      %add3A_847 = arith.addi %squeeze3A_836, %add3A_846 : i32
      %get3A_848 = arith.index_cast %add3A_834 : i32 to index
      %get3A_849 = arith.index_cast %add3A_847 : i32 to index
      %get3A_850 = tpu.vector_load %arg15[%get3A_848, %get3A_849] {strides = array<i32>} : memref<128x128xf32, #tpu.memory_space<vmem>>, vector<16xf32>,
      %add3A_851 = arith.constant 16 : i32
      %add3A_852 = arith.addi %squeeze3A_838, %add3A_851 : i32
      %get3A_853 = arith.index_cast %add3A_834 : i32 to index
      %get3A_854 = arith.index_cast %add3A_852 : i32 to index
      %get3A_855 = tpu.vector_load %arg16[%get3A_853, %get3A_854] {strides = array<i32>} : memref<128x128xf32, #tpu.memory_space<vmem>>, vector<16xf32>,
      %mul3A_856 = arith.mulf %get3A_850, %get3A_855 : vector<16xf32>
      %add3A_857 = arith.addf %mul3A_845, %mul3A_856 : vector<16xf32>
      %slice3A_858 = vector.extract_strided_slice %and3A_286 {offsets = [9], sizes = [1], strides = [1]} : vector<16xi32> to vector<1xi32>
      %squeeze3A_859 = vector.extract %slice3A_858[0] : i32 from vector<1xi32>
      %slice3A_860 = vector.extract_strided_slice %and3A_289 {offsets = [9], sizes = [1], strides = [1]} : vector<16xi32> to vector<1xi32>
      %squeeze3A_861 = vector.extract %slice3A_860[0] : i32 from vector<1xi32>
      %and3A_862 = arith.constant 112 : i32
      %and3A_863 = arith.andi %squeeze3A_859, %and3A_862 : i32
      %get3A_864 = arith.index_cast %add3A_834 : i32 to index
      %get3A_865 = arith.index_cast %and3A_863 : i32 to index
      %get3A_866 = tpu.vector_load %arg17[%get3A_864, %get3A_865] {strides = array<i32>} : memref<128x128xf32, #tpu.memory_space<vmem>>, vector<16xf32>,
      %and3A_867 = arith.constant 112 : i32
      %and3A_868 = arith.andi %squeeze3A_861, %and3A_867 : i32
      %get3A_869 = arith.index_cast %add3A_834 : i32 to index
      %get3A_870 = arith.index_cast %and3A_868 : i32 to index
      %get3A_871 = tpu.vector_load %arg18[%get3A_869, %get3A_870] {strides = array<i32>} : memref<128x128xf32, #tpu.memory_space<vmem>>, vector<16xf32>,
      %and3A_872 = arith.constant 15 : i32
      %and3A_873 = arith.andi %squeeze3A_859, %and3A_872 : i32
      %eq3A_874 = vector.broadcast %and3A_873 : i32 to vector<16xi32>
      %eq3A_875 = arith.cmpi eq, %iota3A, %eq3A_874 : vector<16xi32>
      %jit3A_876 = arith.constant 0.000000e+00 : f32
      %broadcast_in_dim3A_877 = vector.broadcast %jit3A_876 : f32 to vector<16xf32>
      %select_n3A_878 = arith.select %eq3A_875, %get3A_866, %broadcast_in_dim3A_877 : vector<16xi1>, vector<16xf32>
      %add3A_879 = arith.addf %add3A_857, %select_n3A_878 : vector<16xf32>
      %and3A_880 = arith.constant 15 : i32
      %and3A_881 = arith.andi %squeeze3A_861, %and3A_880 : i32
      %eq3A_882 = vector.broadcast %and3A_881 : i32 to vector<16xi32>
      %eq3A_883 = arith.cmpi eq, %iota3A, %eq3A_882 : vector<16xi32>
      %jit3A_884 = arith.constant 0.000000e+00 : f32
      %broadcast_in_dim3A_885 = vector.broadcast %jit3A_884 : f32 to vector<16xf32>
      %select_n3A_886 = arith.select %eq3A_883, %get3A_871, %broadcast_in_dim3A_885 : vector<16xi1>, vector<16xf32>
      %add3A_887 = arith.addf %add3A_879, %select_n3A_886 : vector<16xf32>
      %mul3A_888 = arith.constant 16 : i32
      %mul3A_889 = vector.broadcast %mul3A_888 : i32 to vector<16xi32>
      %mul3A_890 = arith.muli %iota3A, %mul3A_889 : vector<16xi32>
      %add3A_891 = arith.constant 9 : i32
      %add3A_892 = vector.broadcast %add3A_891 : i32 to vector<16xi32>
      %add3A_893 = arith.addi %mul3A_890, %add3A_892 : vector<16xi32>
      tpu.vector_store_idx %arg19[%add3A_893], %add3A_887 : memref<256xf32, #tpu.memory_space<vmem>>[vector<16xi32>], vector<16xf32>,
      %add3A_894 = arith.constant 10 : i32
      %add3A_895 = arith.addi %mul3A_260, %add3A_894 : i32
      %slice3A_896 = vector.extract_strided_slice %mul3A_274 {offsets = [10], sizes = [1], strides = [1]} : vector<16xi32> to vector<1xi32>
      %squeeze3A_897 = vector.extract %slice3A_896[0] : i32 from vector<1xi32>
      %slice3A_898 = vector.extract_strided_slice %mul3A_283 {offsets = [10], sizes = [1], strides = [1]} : vector<16xi32> to vector<1xi32>
      %squeeze3A_899 = vector.extract %slice3A_898[0] : i32 from vector<1xi32>
      %get3A_900 = arith.index_cast %add3A_895 : i32 to index
      %get3A_901 = arith.index_cast %squeeze3A_897 : i32 to index
      %get3A_902 = tpu.vector_load %arg15[%get3A_900, %get3A_901] {strides = array<i32>} : memref<128x128xf32, #tpu.memory_space<vmem>>, vector<16xf32>,
      %get3A_903 = arith.index_cast %add3A_895 : i32 to index
      %get3A_904 = arith.index_cast %squeeze3A_899 : i32 to index
      %get3A_905 = tpu.vector_load %arg16[%get3A_903, %get3A_904] {strides = array<i32>} : memref<128x128xf32, #tpu.memory_space<vmem>>, vector<16xf32>,
      %mul3A_906 = arith.mulf %get3A_902, %get3A_905 : vector<16xf32>
      %add3A_907 = arith.constant 16 : i32
      %add3A_908 = arith.addi %squeeze3A_897, %add3A_907 : i32
      %get3A_909 = arith.index_cast %add3A_895 : i32 to index
      %get3A_910 = arith.index_cast %add3A_908 : i32 to index
      %get3A_911 = tpu.vector_load %arg15[%get3A_909, %get3A_910] {strides = array<i32>} : memref<128x128xf32, #tpu.memory_space<vmem>>, vector<16xf32>,
      %add3A_912 = arith.constant 16 : i32
      %add3A_913 = arith.addi %squeeze3A_899, %add3A_912 : i32
      %get3A_914 = arith.index_cast %add3A_895 : i32 to index
      %get3A_915 = arith.index_cast %add3A_913 : i32 to index
      %get3A_916 = tpu.vector_load %arg16[%get3A_914, %get3A_915] {strides = array<i32>} : memref<128x128xf32, #tpu.memory_space<vmem>>, vector<16xf32>,
      %mul3A_917 = arith.mulf %get3A_911, %get3A_916 : vector<16xf32>
      %add3A_918 = arith.addf %mul3A_906, %mul3A_917 : vector<16xf32>
      %slice3A_919 = vector.extract_strided_slice %and3A_286 {offsets = [10], sizes = [1], strides = [1]} : vector<16xi32> to vector<1xi32>
      %squeeze3A_920 = vector.extract %slice3A_919[0] : i32 from vector<1xi32>
      %slice3A_921 = vector.extract_strided_slice %and3A_289 {offsets = [10], sizes = [1], strides = [1]} : vector<16xi32> to vector<1xi32>
      %squeeze3A_922 = vector.extract %slice3A_921[0] : i32 from vector<1xi32>
      %and3A_923 = arith.constant 112 : i32
      %and3A_924 = arith.andi %squeeze3A_920, %and3A_923 : i32
      %get3A_925 = arith.index_cast %add3A_895 : i32 to index
      %get3A_926 = arith.index_cast %and3A_924 : i32 to index
      %get3A_927 = tpu.vector_load %arg17[%get3A_925, %get3A_926] {strides = array<i32>} : memref<128x128xf32, #tpu.memory_space<vmem>>, vector<16xf32>,
      %and3A_928 = arith.constant 112 : i32
      %and3A_929 = arith.andi %squeeze3A_922, %and3A_928 : i32
      %get3A_930 = arith.index_cast %add3A_895 : i32 to index
      %get3A_931 = arith.index_cast %and3A_929 : i32 to index
      %get3A_932 = tpu.vector_load %arg18[%get3A_930, %get3A_931] {strides = array<i32>} : memref<128x128xf32, #tpu.memory_space<vmem>>, vector<16xf32>,
      %and3A_933 = arith.constant 15 : i32
      %and3A_934 = arith.andi %squeeze3A_920, %and3A_933 : i32
      %eq3A_935 = vector.broadcast %and3A_934 : i32 to vector<16xi32>
      %eq3A_936 = arith.cmpi eq, %iota3A, %eq3A_935 : vector<16xi32>
      %jit3A_937 = arith.constant 0.000000e+00 : f32
      %broadcast_in_dim3A_938 = vector.broadcast %jit3A_937 : f32 to vector<16xf32>
      %select_n3A_939 = arith.select %eq3A_936, %get3A_927, %broadcast_in_dim3A_938 : vector<16xi1>, vector<16xf32>
      %add3A_940 = arith.addf %add3A_918, %select_n3A_939 : vector<16xf32>
      %and3A_941 = arith.constant 15 : i32
      %and3A_942 = arith.andi %squeeze3A_922, %and3A_941 : i32
      %eq3A_943 = vector.broadcast %and3A_942 : i32 to vector<16xi32>
      %eq3A_944 = arith.cmpi eq, %iota3A, %eq3A_943 : vector<16xi32>
      %jit3A_945 = arith.constant 0.000000e+00 : f32
      %broadcast_in_dim3A_946 = vector.broadcast %jit3A_945 : f32 to vector<16xf32>
      %select_n3A_947 = arith.select %eq3A_944, %get3A_932, %broadcast_in_dim3A_946 : vector<16xi1>, vector<16xf32>
      %add3A_948 = arith.addf %add3A_940, %select_n3A_947 : vector<16xf32>
      %mul3A_949 = arith.constant 16 : i32
      %mul3A_950 = vector.broadcast %mul3A_949 : i32 to vector<16xi32>
      %mul3A_951 = arith.muli %iota3A, %mul3A_950 : vector<16xi32>
      %add3A_952 = arith.constant 10 : i32
      %add3A_953 = vector.broadcast %add3A_952 : i32 to vector<16xi32>
      %add3A_954 = arith.addi %mul3A_951, %add3A_953 : vector<16xi32>
      tpu.vector_store_idx %arg19[%add3A_954], %add3A_948 : memref<256xf32, #tpu.memory_space<vmem>>[vector<16xi32>], vector<16xf32>,
      %add3A_955 = arith.constant 11 : i32
      %add3A_956 = arith.addi %mul3A_260, %add3A_955 : i32
      %slice3A_957 = vector.extract_strided_slice %mul3A_274 {offsets = [11], sizes = [1], strides = [1]} : vector<16xi32> to vector<1xi32>
      %squeeze3A_958 = vector.extract %slice3A_957[0] : i32 from vector<1xi32>
      %slice3A_959 = vector.extract_strided_slice %mul3A_283 {offsets = [11], sizes = [1], strides = [1]} : vector<16xi32> to vector<1xi32>
      %squeeze3A_960 = vector.extract %slice3A_959[0] : i32 from vector<1xi32>
      %get3A_961 = arith.index_cast %add3A_956 : i32 to index
      %get3A_962 = arith.index_cast %squeeze3A_958 : i32 to index
      %get3A_963 = tpu.vector_load %arg15[%get3A_961, %get3A_962] {strides = array<i32>} : memref<128x128xf32, #tpu.memory_space<vmem>>, vector<16xf32>,
      %get3A_964 = arith.index_cast %add3A_956 : i32 to index
      %get3A_965 = arith.index_cast %squeeze3A_960 : i32 to index
      %get3A_966 = tpu.vector_load %arg16[%get3A_964, %get3A_965] {strides = array<i32>} : memref<128x128xf32, #tpu.memory_space<vmem>>, vector<16xf32>,
      %mul3A_967 = arith.mulf %get3A_963, %get3A_966 : vector<16xf32>
      %add3A_968 = arith.constant 16 : i32
      %add3A_969 = arith.addi %squeeze3A_958, %add3A_968 : i32
      %get3A_970 = arith.index_cast %add3A_956 : i32 to index
      %get3A_971 = arith.index_cast %add3A_969 : i32 to index
      %get3A_972 = tpu.vector_load %arg15[%get3A_970, %get3A_971] {strides = array<i32>} : memref<128x128xf32, #tpu.memory_space<vmem>>, vector<16xf32>,
      %add3A_973 = arith.constant 16 : i32
      %add3A_974 = arith.addi %squeeze3A_960, %add3A_973 : i32
      %get3A_975 = arith.index_cast %add3A_956 : i32 to index
      %get3A_976 = arith.index_cast %add3A_974 : i32 to index
      %get3A_977 = tpu.vector_load %arg16[%get3A_975, %get3A_976] {strides = array<i32>} : memref<128x128xf32, #tpu.memory_space<vmem>>, vector<16xf32>,
      %mul3A_978 = arith.mulf %get3A_972, %get3A_977 : vector<16xf32>
      %add3A_979 = arith.addf %mul3A_967, %mul3A_978 : vector<16xf32>
      %slice3A_980 = vector.extract_strided_slice %and3A_286 {offsets = [11], sizes = [1], strides = [1]} : vector<16xi32> to vector<1xi32>
      %squeeze3A_981 = vector.extract %slice3A_980[0] : i32 from vector<1xi32>
      %slice3A_982 = vector.extract_strided_slice %and3A_289 {offsets = [11], sizes = [1], strides = [1]} : vector<16xi32> to vector<1xi32>
      %squeeze3A_983 = vector.extract %slice3A_982[0] : i32 from vector<1xi32>
      %and3A_984 = arith.constant 112 : i32
      %and3A_985 = arith.andi %squeeze3A_981, %and3A_984 : i32
      %get3A_986 = arith.index_cast %add3A_956 : i32 to index
      %get3A_987 = arith.index_cast %and3A_985 : i32 to index
      %get3A_988 = tpu.vector_load %arg17[%get3A_986, %get3A_987] {strides = array<i32>} : memref<128x128xf32, #tpu.memory_space<vmem>>, vector<16xf32>,
      %and3A_989 = arith.constant 112 : i32
      %and3A_990 = arith.andi %squeeze3A_983, %and3A_989 : i32
      %get3A_991 = arith.index_cast %add3A_956 : i32 to index
      %get3A_992 = arith.index_cast %and3A_990 : i32 to index
      %get3A_993 = tpu.vector_load %arg18[%get3A_991, %get3A_992] {strides = array<i32>} : memref<128x128xf32, #tpu.memory_space<vmem>>, vector<16xf32>,
      %and3A_994 = arith.constant 15 : i32
      %and3A_995 = arith.andi %squeeze3A_981, %and3A_994 : i32
      %eq3A_996 = vector.broadcast %and3A_995 : i32 to vector<16xi32>
      %eq3A_997 = arith.cmpi eq, %iota3A, %eq3A_996 : vector<16xi32>
      %jit3A_998 = arith.constant 0.000000e+00 : f32
      %broadcast_in_dim3A_999 = vector.broadcast %jit3A_998 : f32 to vector<16xf32>
      %select_n3A_1000 = arith.select %eq3A_997, %get3A_988, %broadcast_in_dim3A_999 : vector<16xi1>, vector<16xf32>
      %add3A_1001 = arith.addf %add3A_979, %select_n3A_1000 : vector<16xf32>
      %and3A_1002 = arith.constant 15 : i32
      %and3A_1003 = arith.andi %squeeze3A_983, %and3A_1002 : i32
      %eq3A_1004 = vector.broadcast %and3A_1003 : i32 to vector<16xi32>
      %eq3A_1005 = arith.cmpi eq, %iota3A, %eq3A_1004 : vector<16xi32>
      %jit3A_1006 = arith.constant 0.000000e+00 : f32
      %broadcast_in_dim3A_1007 = vector.broadcast %jit3A_1006 : f32 to vector<16xf32>
      %select_n3A_1008 = arith.select %eq3A_1005, %get3A_993, %broadcast_in_dim3A_1007 : vector<16xi1>, vector<16xf32>
      %add3A_1009 = arith.addf %add3A_1001, %select_n3A_1008 : vector<16xf32>
      %mul3A_1010 = arith.constant 16 : i32
      %mul3A_1011 = vector.broadcast %mul3A_1010 : i32 to vector<16xi32>
      %mul3A_1012 = arith.muli %iota3A, %mul3A_1011 : vector<16xi32>
      %add3A_1013 = arith.constant 11 : i32
      %add3A_1014 = vector.broadcast %add3A_1013 : i32 to vector<16xi32>
      %add3A_1015 = arith.addi %mul3A_1012, %add3A_1014 : vector<16xi32>
      tpu.vector_store_idx %arg19[%add3A_1015], %add3A_1009 : memref<256xf32, #tpu.memory_space<vmem>>[vector<16xi32>], vector<16xf32>,
      %add3A_1016 = arith.constant 12 : i32
      %add3A_1017 = arith.addi %mul3A_260, %add3A_1016 : i32
      %slice3A_1018 = vector.extract_strided_slice %mul3A_274 {offsets = [12], sizes = [1], strides = [1]} : vector<16xi32> to vector<1xi32>
      %squeeze3A_1019 = vector.extract %slice3A_1018[0] : i32 from vector<1xi32>
      %slice3A_1020 = vector.extract_strided_slice %mul3A_283 {offsets = [12], sizes = [1], strides = [1]} : vector<16xi32> to vector<1xi32>
      %squeeze3A_1021 = vector.extract %slice3A_1020[0] : i32 from vector<1xi32>
      %get3A_1022 = arith.index_cast %add3A_1017 : i32 to index
      %get3A_1023 = arith.index_cast %squeeze3A_1019 : i32 to index
      %get3A_1024 = tpu.vector_load %arg15[%get3A_1022, %get3A_1023] {strides = array<i32>} : memref<128x128xf32, #tpu.memory_space<vmem>>, vector<16xf32>,
      %get3A_1025 = arith.index_cast %add3A_1017 : i32 to index
      %get3A_1026 = arith.index_cast %squeeze3A_1021 : i32 to index
      %get3A_1027 = tpu.vector_load %arg16[%get3A_1025, %get3A_1026] {strides = array<i32>} : memref<128x128xf32, #tpu.memory_space<vmem>>, vector<16xf32>,
      %mul3A_1028 = arith.mulf %get3A_1024, %get3A_1027 : vector<16xf32>
      %add3A_1029 = arith.constant 16 : i32
      %add3A_1030 = arith.addi %squeeze3A_1019, %add3A_1029 : i32
      %get3A_1031 = arith.index_cast %add3A_1017 : i32 to index
      %get3A_1032 = arith.index_cast %add3A_1030 : i32 to index
      %get3A_1033 = tpu.vector_load %arg15[%get3A_1031, %get3A_1032] {strides = array<i32>} : memref<128x128xf32, #tpu.memory_space<vmem>>, vector<16xf32>,
      %add3A_1034 = arith.constant 16 : i32
      %add3A_1035 = arith.addi %squeeze3A_1021, %add3A_1034 : i32
      %get3A_1036 = arith.index_cast %add3A_1017 : i32 to index
      %get3A_1037 = arith.index_cast %add3A_1035 : i32 to index
      %get3A_1038 = tpu.vector_load %arg16[%get3A_1036, %get3A_1037] {strides = array<i32>} : memref<128x128xf32, #tpu.memory_space<vmem>>, vector<16xf32>,
      %mul3A_1039 = arith.mulf %get3A_1033, %get3A_1038 : vector<16xf32>
      %add3A_1040 = arith.addf %mul3A_1028, %mul3A_1039 : vector<16xf32>
      %slice3A_1041 = vector.extract_strided_slice %and3A_286 {offsets = [12], sizes = [1], strides = [1]} : vector<16xi32> to vector<1xi32>
      %squeeze3A_1042 = vector.extract %slice3A_1041[0] : i32 from vector<1xi32>
      %slice3A_1043 = vector.extract_strided_slice %and3A_289 {offsets = [12], sizes = [1], strides = [1]} : vector<16xi32> to vector<1xi32>
      %squeeze3A_1044 = vector.extract %slice3A_1043[0] : i32 from vector<1xi32>
      %and3A_1045 = arith.constant 112 : i32
      %and3A_1046 = arith.andi %squeeze3A_1042, %and3A_1045 : i32
      %get3A_1047 = arith.index_cast %add3A_1017 : i32 to index
      %get3A_1048 = arith.index_cast %and3A_1046 : i32 to index
      %get3A_1049 = tpu.vector_load %arg17[%get3A_1047, %get3A_1048] {strides = array<i32>} : memref<128x128xf32, #tpu.memory_space<vmem>>, vector<16xf32>,
      %and3A_1050 = arith.constant 112 : i32
      %and3A_1051 = arith.andi %squeeze3A_1044, %and3A_1050 : i32
      %get3A_1052 = arith.index_cast %add3A_1017 : i32 to index
      %get3A_1053 = arith.index_cast %and3A_1051 : i32 to index
      %get3A_1054 = tpu.vector_load %arg18[%get3A_1052, %get3A_1053] {strides = array<i32>} : memref<128x128xf32, #tpu.memory_space<vmem>>, vector<16xf32>,
      %and3A_1055 = arith.constant 15 : i32
      %and3A_1056 = arith.andi %squeeze3A_1042, %and3A_1055 : i32
      %eq3A_1057 = vector.broadcast %and3A_1056 : i32 to vector<16xi32>
      %eq3A_1058 = arith.cmpi eq, %iota3A, %eq3A_1057 : vector<16xi32>
      %jit3A_1059 = arith.constant 0.000000e+00 : f32
      %broadcast_in_dim3A_1060 = vector.broadcast %jit3A_1059 : f32 to vector<16xf32>
      %select_n3A_1061 = arith.select %eq3A_1058, %get3A_1049, %broadcast_in_dim3A_1060 : vector<16xi1>, vector<16xf32>
      %add3A_1062 = arith.addf %add3A_1040, %select_n3A_1061 : vector<16xf32>
      %and3A_1063 = arith.constant 15 : i32
      %and3A_1064 = arith.andi %squeeze3A_1044, %and3A_1063 : i32
      %eq3A_1065 = vector.broadcast %and3A_1064 : i32 to vector<16xi32>
      %eq3A_1066 = arith.cmpi eq, %iota3A, %eq3A_1065 : vector<16xi32>
      %jit3A_1067 = arith.constant 0.000000e+00 : f32
      %broadcast_in_dim3A_1068 = vector.broadcast %jit3A_1067 : f32 to vector<16xf32>
      %select_n3A_1069 = arith.select %eq3A_1066, %get3A_1054, %broadcast_in_dim3A_1068 : vector<16xi1>, vector<16xf32>
      %add3A_1070 = arith.addf %add3A_1062, %select_n3A_1069 : vector<16xf32>
      %mul3A_1071 = arith.constant 16 : i32
      %mul3A_1072 = vector.broadcast %mul3A_1071 : i32 to vector<16xi32>
      %mul3A_1073 = arith.muli %iota3A, %mul3A_1072 : vector<16xi32>
      %add3A_1074 = arith.constant 12 : i32
      %add3A_1075 = vector.broadcast %add3A_1074 : i32 to vector<16xi32>
      %add3A_1076 = arith.addi %mul3A_1073, %add3A_1075 : vector<16xi32>
      tpu.vector_store_idx %arg19[%add3A_1076], %add3A_1070 : memref<256xf32, #tpu.memory_space<vmem>>[vector<16xi32>], vector<16xf32>,
      %add3A_1077 = arith.constant 13 : i32
      %add3A_1078 = arith.addi %mul3A_260, %add3A_1077 : i32
      %slice3A_1079 = vector.extract_strided_slice %mul3A_274 {offsets = [13], sizes = [1], strides = [1]} : vector<16xi32> to vector<1xi32>
      %squeeze3A_1080 = vector.extract %slice3A_1079[0] : i32 from vector<1xi32>
      %slice3A_1081 = vector.extract_strided_slice %mul3A_283 {offsets = [13], sizes = [1], strides = [1]} : vector<16xi32> to vector<1xi32>
      %squeeze3A_1082 = vector.extract %slice3A_1081[0] : i32 from vector<1xi32>
      %get3A_1083 = arith.index_cast %add3A_1078 : i32 to index
      %get3A_1084 = arith.index_cast %squeeze3A_1080 : i32 to index
      %get3A_1085 = tpu.vector_load %arg15[%get3A_1083, %get3A_1084] {strides = array<i32>} : memref<128x128xf32, #tpu.memory_space<vmem>>, vector<16xf32>,
      %get3A_1086 = arith.index_cast %add3A_1078 : i32 to index
      %get3A_1087 = arith.index_cast %squeeze3A_1082 : i32 to index
      %get3A_1088 = tpu.vector_load %arg16[%get3A_1086, %get3A_1087] {strides = array<i32>} : memref<128x128xf32, #tpu.memory_space<vmem>>, vector<16xf32>,
      %mul3A_1089 = arith.mulf %get3A_1085, %get3A_1088 : vector<16xf32>
      %add3A_1090 = arith.constant 16 : i32
      %add3A_1091 = arith.addi %squeeze3A_1080, %add3A_1090 : i32
      %get3A_1092 = arith.index_cast %add3A_1078 : i32 to index
      %get3A_1093 = arith.index_cast %add3A_1091 : i32 to index
      %get3A_1094 = tpu.vector_load %arg15[%get3A_1092, %get3A_1093] {strides = array<i32>} : memref<128x128xf32, #tpu.memory_space<vmem>>, vector<16xf32>,
      %add3A_1095 = arith.constant 16 : i32
      %add3A_1096 = arith.addi %squeeze3A_1082, %add3A_1095 : i32
      %get3A_1097 = arith.index_cast %add3A_1078 : i32 to index
      %get3A_1098 = arith.index_cast %add3A_1096 : i32 to index
      %get3A_1099 = tpu.vector_load %arg16[%get3A_1097, %get3A_1098] {strides = array<i32>} : memref<128x128xf32, #tpu.memory_space<vmem>>, vector<16xf32>,
      %mul3A_1100 = arith.mulf %get3A_1094, %get3A_1099 : vector<16xf32>
      %add3A_1101 = arith.addf %mul3A_1089, %mul3A_1100 : vector<16xf32>
      %slice3A_1102 = vector.extract_strided_slice %and3A_286 {offsets = [13], sizes = [1], strides = [1]} : vector<16xi32> to vector<1xi32>
      %squeeze3A_1103 = vector.extract %slice3A_1102[0] : i32 from vector<1xi32>
      %slice3A_1104 = vector.extract_strided_slice %and3A_289 {offsets = [13], sizes = [1], strides = [1]} : vector<16xi32> to vector<1xi32>
      %squeeze3A_1105 = vector.extract %slice3A_1104[0] : i32 from vector<1xi32>
      %and3A_1106 = arith.constant 112 : i32
      %and3A_1107 = arith.andi %squeeze3A_1103, %and3A_1106 : i32
      %get3A_1108 = arith.index_cast %add3A_1078 : i32 to index
      %get3A_1109 = arith.index_cast %and3A_1107 : i32 to index
      %get3A_1110 = tpu.vector_load %arg17[%get3A_1108, %get3A_1109] {strides = array<i32>} : memref<128x128xf32, #tpu.memory_space<vmem>>, vector<16xf32>,
      %and3A_1111 = arith.constant 112 : i32
      %and3A_1112 = arith.andi %squeeze3A_1105, %and3A_1111 : i32
      %get3A_1113 = arith.index_cast %add3A_1078 : i32 to index
      %get3A_1114 = arith.index_cast %and3A_1112 : i32 to index
      %get3A_1115 = tpu.vector_load %arg18[%get3A_1113, %get3A_1114] {strides = array<i32>} : memref<128x128xf32, #tpu.memory_space<vmem>>, vector<16xf32>,
      %and3A_1116 = arith.constant 15 : i32
      %and3A_1117 = arith.andi %squeeze3A_1103, %and3A_1116 : i32
      %eq3A_1118 = vector.broadcast %and3A_1117 : i32 to vector<16xi32>
      %eq3A_1119 = arith.cmpi eq, %iota3A, %eq3A_1118 : vector<16xi32>
      %jit3A_1120 = arith.constant 0.000000e+00 : f32
      %broadcast_in_dim3A_1121 = vector.broadcast %jit3A_1120 : f32 to vector<16xf32>
      %select_n3A_1122 = arith.select %eq3A_1119, %get3A_1110, %broadcast_in_dim3A_1121 : vector<16xi1>, vector<16xf32>
      %add3A_1123 = arith.addf %add3A_1101, %select_n3A_1122 : vector<16xf32>
      %and3A_1124 = arith.constant 15 : i32
      %and3A_1125 = arith.andi %squeeze3A_1105, %and3A_1124 : i32
      %eq3A_1126 = vector.broadcast %and3A_1125 : i32 to vector<16xi32>
      %eq3A_1127 = arith.cmpi eq, %iota3A, %eq3A_1126 : vector<16xi32>
      %jit3A_1128 = arith.constant 0.000000e+00 : f32
      %broadcast_in_dim3A_1129 = vector.broadcast %jit3A_1128 : f32 to vector<16xf32>
      %select_n3A_1130 = arith.select %eq3A_1127, %get3A_1115, %broadcast_in_dim3A_1129 : vector<16xi1>, vector<16xf32>
      %add3A_1131 = arith.addf %add3A_1123, %select_n3A_1130 : vector<16xf32>
      %mul3A_1132 = arith.constant 16 : i32
      %mul3A_1133 = vector.broadcast %mul3A_1132 : i32 to vector<16xi32>
      %mul3A_1134 = arith.muli %iota3A, %mul3A_1133 : vector<16xi32>
      %add3A_1135 = arith.constant 13 : i32
      %add3A_1136 = vector.broadcast %add3A_1135 : i32 to vector<16xi32>
      %add3A_1137 = arith.addi %mul3A_1134, %add3A_1136 : vector<16xi32>
      tpu.vector_store_idx %arg19[%add3A_1137], %add3A_1131 : memref<256xf32, #tpu.memory_space<vmem>>[vector<16xi32>], vector<16xf32>,
      %add3A_1138 = arith.constant 14 : i32
      %add3A_1139 = arith.addi %mul3A_260, %add3A_1138 : i32
      %slice3A_1140 = vector.extract_strided_slice %mul3A_274 {offsets = [14], sizes = [1], strides = [1]} : vector<16xi32> to vector<1xi32>
      %squeeze3A_1141 = vector.extract %slice3A_1140[0] : i32 from vector<1xi32>
      %slice3A_1142 = vector.extract_strided_slice %mul3A_283 {offsets = [14], sizes = [1], strides = [1]} : vector<16xi32> to vector<1xi32>
      %squeeze3A_1143 = vector.extract %slice3A_1142[0] : i32 from vector<1xi32>
      %get3A_1144 = arith.index_cast %add3A_1139 : i32 to index
      %get3A_1145 = arith.index_cast %squeeze3A_1141 : i32 to index
      %get3A_1146 = tpu.vector_load %arg15[%get3A_1144, %get3A_1145] {strides = array<i32>} : memref<128x128xf32, #tpu.memory_space<vmem>>, vector<16xf32>,
      %get3A_1147 = arith.index_cast %add3A_1139 : i32 to index
      %get3A_1148 = arith.index_cast %squeeze3A_1143 : i32 to index
      %get3A_1149 = tpu.vector_load %arg16[%get3A_1147, %get3A_1148] {strides = array<i32>} : memref<128x128xf32, #tpu.memory_space<vmem>>, vector<16xf32>,
      %mul3A_1150 = arith.mulf %get3A_1146, %get3A_1149 : vector<16xf32>
      %add3A_1151 = arith.constant 16 : i32
      %add3A_1152 = arith.addi %squeeze3A_1141, %add3A_1151 : i32
      %get3A_1153 = arith.index_cast %add3A_1139 : i32 to index
      %get3A_1154 = arith.index_cast %add3A_1152 : i32 to index
      %get3A_1155 = tpu.vector_load %arg15[%get3A_1153, %get3A_1154] {strides = array<i32>} : memref<128x128xf32, #tpu.memory_space<vmem>>, vector<16xf32>,
      %add3A_1156 = arith.constant 16 : i32
      %add3A_1157 = arith.addi %squeeze3A_1143, %add3A_1156 : i32
      %get3A_1158 = arith.index_cast %add3A_1139 : i32 to index
      %get3A_1159 = arith.index_cast %add3A_1157 : i32 to index
      %get3A_1160 = tpu.vector_load %arg16[%get3A_1158, %get3A_1159] {strides = array<i32>} : memref<128x128xf32, #tpu.memory_space<vmem>>, vector<16xf32>,
      %mul3A_1161 = arith.mulf %get3A_1155, %get3A_1160 : vector<16xf32>
      %add3A_1162 = arith.addf %mul3A_1150, %mul3A_1161 : vector<16xf32>
      %slice3A_1163 = vector.extract_strided_slice %and3A_286 {offsets = [14], sizes = [1], strides = [1]} : vector<16xi32> to vector<1xi32>
      %squeeze3A_1164 = vector.extract %slice3A_1163[0] : i32 from vector<1xi32>
      %slice3A_1165 = vector.extract_strided_slice %and3A_289 {offsets = [14], sizes = [1], strides = [1]} : vector<16xi32> to vector<1xi32>
      %squeeze3A_1166 = vector.extract %slice3A_1165[0] : i32 from vector<1xi32>
      %and3A_1167 = arith.constant 112 : i32
      %and3A_1168 = arith.andi %squeeze3A_1164, %and3A_1167 : i32
      %get3A_1169 = arith.index_cast %add3A_1139 : i32 to index
      %get3A_1170 = arith.index_cast %and3A_1168 : i32 to index
      %get3A_1171 = tpu.vector_load %arg17[%get3A_1169, %get3A_1170] {strides = array<i32>} : memref<128x128xf32, #tpu.memory_space<vmem>>, vector<16xf32>,
      %and3A_1172 = arith.constant 112 : i32
      %and3A_1173 = arith.andi %squeeze3A_1166, %and3A_1172 : i32
      %get3A_1174 = arith.index_cast %add3A_1139 : i32 to index
      %get3A_1175 = arith.index_cast %and3A_1173 : i32 to index
      %get3A_1176 = tpu.vector_load %arg18[%get3A_1174, %get3A_1175] {strides = array<i32>} : memref<128x128xf32, #tpu.memory_space<vmem>>, vector<16xf32>,
      %and3A_1177 = arith.constant 15 : i32
      %and3A_1178 = arith.andi %squeeze3A_1164, %and3A_1177 : i32
      %eq3A_1179 = vector.broadcast %and3A_1178 : i32 to vector<16xi32>
      %eq3A_1180 = arith.cmpi eq, %iota3A, %eq3A_1179 : vector<16xi32>
      %jit3A_1181 = arith.constant 0.000000e+00 : f32
      %broadcast_in_dim3A_1182 = vector.broadcast %jit3A_1181 : f32 to vector<16xf32>
      %select_n3A_1183 = arith.select %eq3A_1180, %get3A_1171, %broadcast_in_dim3A_1182 : vector<16xi1>, vector<16xf32>
      %add3A_1184 = arith.addf %add3A_1162, %select_n3A_1183 : vector<16xf32>
      %and3A_1185 = arith.constant 15 : i32
      %and3A_1186 = arith.andi %squeeze3A_1166, %and3A_1185 : i32
      %eq3A_1187 = vector.broadcast %and3A_1186 : i32 to vector<16xi32>
      %eq3A_1188 = arith.cmpi eq, %iota3A, %eq3A_1187 : vector<16xi32>
      %jit3A_1189 = arith.constant 0.000000e+00 : f32
      %broadcast_in_dim3A_1190 = vector.broadcast %jit3A_1189 : f32 to vector<16xf32>
      %select_n3A_1191 = arith.select %eq3A_1188, %get3A_1176, %broadcast_in_dim3A_1190 : vector<16xi1>, vector<16xf32>
      %add3A_1192 = arith.addf %add3A_1184, %select_n3A_1191 : vector<16xf32>
      %mul3A_1193 = arith.constant 16 : i32
      %mul3A_1194 = vector.broadcast %mul3A_1193 : i32 to vector<16xi32>
      %mul3A_1195 = arith.muli %iota3A, %mul3A_1194 : vector<16xi32>
      %add3A_1196 = arith.constant 14 : i32
      %add3A_1197 = vector.broadcast %add3A_1196 : i32 to vector<16xi32>
      %add3A_1198 = arith.addi %mul3A_1195, %add3A_1197 : vector<16xi32>
      tpu.vector_store_idx %arg19[%add3A_1198], %add3A_1192 : memref<256xf32, #tpu.memory_space<vmem>>[vector<16xi32>], vector<16xf32>,
      %add3A_1199 = arith.constant 15 : i32
      %add3A_1200 = arith.addi %mul3A_260, %add3A_1199 : i32
      %slice3A_1201 = vector.extract_strided_slice %mul3A_274 {offsets = [15], sizes = [1], strides = [1]} : vector<16xi32> to vector<1xi32>
      %squeeze3A_1202 = vector.extract %slice3A_1201[0] : i32 from vector<1xi32>
      %slice3A_1203 = vector.extract_strided_slice %mul3A_283 {offsets = [15], sizes = [1], strides = [1]} : vector<16xi32> to vector<1xi32>
      %squeeze3A_1204 = vector.extract %slice3A_1203[0] : i32 from vector<1xi32>
      %get3A_1205 = arith.index_cast %add3A_1200 : i32 to index
      %get3A_1206 = arith.index_cast %squeeze3A_1202 : i32 to index
      %get3A_1207 = tpu.vector_load %arg15[%get3A_1205, %get3A_1206] {strides = array<i32>} : memref<128x128xf32, #tpu.memory_space<vmem>>, vector<16xf32>,
      %get3A_1208 = arith.index_cast %add3A_1200 : i32 to index
      %get3A_1209 = arith.index_cast %squeeze3A_1204 : i32 to index
      %get3A_1210 = tpu.vector_load %arg16[%get3A_1208, %get3A_1209] {strides = array<i32>} : memref<128x128xf32, #tpu.memory_space<vmem>>, vector<16xf32>,
      %mul3A_1211 = arith.mulf %get3A_1207, %get3A_1210 : vector<16xf32>
      %add3A_1212 = arith.constant 16 : i32
      %add3A_1213 = arith.addi %squeeze3A_1202, %add3A_1212 : i32
      %get3A_1214 = arith.index_cast %add3A_1200 : i32 to index
      %get3A_1215 = arith.index_cast %add3A_1213 : i32 to index
      %get3A_1216 = tpu.vector_load %arg15[%get3A_1214, %get3A_1215] {strides = array<i32>} : memref<128x128xf32, #tpu.memory_space<vmem>>, vector<16xf32>,
      %add3A_1217 = arith.constant 16 : i32
      %add3A_1218 = arith.addi %squeeze3A_1204, %add3A_1217 : i32
      %get3A_1219 = arith.index_cast %add3A_1200 : i32 to index
      %get3A_1220 = arith.index_cast %add3A_1218 : i32 to index
      %get3A_1221 = tpu.vector_load %arg16[%get3A_1219, %get3A_1220] {strides = array<i32>} : memref<128x128xf32, #tpu.memory_space<vmem>>, vector<16xf32>,
      %mul3A_1222 = arith.mulf %get3A_1216, %get3A_1221 : vector<16xf32>
      %add3A_1223 = arith.addf %mul3A_1211, %mul3A_1222 : vector<16xf32>
      %slice3A_1224 = vector.extract_strided_slice %and3A_286 {offsets = [15], sizes = [1], strides = [1]} : vector<16xi32> to vector<1xi32>
      %squeeze3A_1225 = vector.extract %slice3A_1224[0] : i32 from vector<1xi32>
      %slice3A_1226 = vector.extract_strided_slice %and3A_289 {offsets = [15], sizes = [1], strides = [1]} : vector<16xi32> to vector<1xi32>
      %squeeze3A_1227 = vector.extract %slice3A_1226[0] : i32 from vector<1xi32>
      %and3A_1228 = arith.constant 112 : i32
      %and3A_1229 = arith.andi %squeeze3A_1225, %and3A_1228 : i32
      %get3A_1230 = arith.index_cast %add3A_1200 : i32 to index
      %get3A_1231 = arith.index_cast %and3A_1229 : i32 to index
      %get3A_1232 = tpu.vector_load %arg17[%get3A_1230, %get3A_1231] {strides = array<i32>} : memref<128x128xf32, #tpu.memory_space<vmem>>, vector<16xf32>,
      %and3A_1233 = arith.constant 112 : i32
      %and3A_1234 = arith.andi %squeeze3A_1227, %and3A_1233 : i32
      %get3A_1235 = arith.index_cast %add3A_1200 : i32 to index
      %get3A_1236 = arith.index_cast %and3A_1234 : i32 to index
      %get3A_1237 = tpu.vector_load %arg18[%get3A_1235, %get3A_1236] {strides = array<i32>} : memref<128x128xf32, #tpu.memory_space<vmem>>, vector<16xf32>,
      %and3A_1238 = arith.constant 15 : i32
      %and3A_1239 = arith.andi %squeeze3A_1225, %and3A_1238 : i32
      %eq3A_1240 = vector.broadcast %and3A_1239 : i32 to vector<16xi32>
      %eq3A_1241 = arith.cmpi eq, %iota3A, %eq3A_1240 : vector<16xi32>
      %jit3A_1242 = arith.constant 0.000000e+00 : f32
      %broadcast_in_dim3A_1243 = vector.broadcast %jit3A_1242 : f32 to vector<16xf32>
      %select_n3A_1244 = arith.select %eq3A_1241, %get3A_1232, %broadcast_in_dim3A_1243 : vector<16xi1>, vector<16xf32>
      %add3A_1245 = arith.addf %add3A_1223, %select_n3A_1244 : vector<16xf32>
      %and3A_1246 = arith.constant 15 : i32
      %and3A_1247 = arith.andi %squeeze3A_1227, %and3A_1246 : i32
      %eq3A_1248 = vector.broadcast %and3A_1247 : i32 to vector<16xi32>
      %eq3A_1249 = arith.cmpi eq, %iota3A, %eq3A_1248 : vector<16xi32>
      %jit3A_1250 = arith.constant 0.000000e+00 : f32
      %broadcast_in_dim3A_1251 = vector.broadcast %jit3A_1250 : f32 to vector<16xf32>
      %select_n3A_1252 = arith.select %eq3A_1249, %get3A_1237, %broadcast_in_dim3A_1251 : vector<16xi1>, vector<16xf32>
      %add3A_1253 = arith.addf %add3A_1245, %select_n3A_1252 : vector<16xf32>
      %mul3A_1254 = arith.constant 16 : i32
      %mul3A_1255 = vector.broadcast %mul3A_1254 : i32 to vector<16xi32>
      %mul3A_1256 = arith.muli %iota3A, %mul3A_1255 : vector<16xi32>
      %add3A_1257 = arith.constant 15 : i32
      %add3A_1258 = vector.broadcast %add3A_1257 : i32 to vector<16xi32>
      %add3A_1259 = arith.addi %mul3A_1256, %add3A_1258 : vector<16xi32>
      tpu.vector_store_idx %arg19[%add3A_1259], %add3A_1253 : memref<256xf32, #tpu.memory_space<vmem>>[vector<16xi32>], vector<16xf32>,
      %get3A_1260 = arith.constant 0 : index
      %get3A_1261 = tpu.vector_load %arg19[%get3A_1260] {strides = array<i32>} : memref<256xf32, #tpu.memory_space<vmem>>, vector<16xf32>,
      %get3A_1262 = arith.constant 16 : index
      %get3A_1263 = tpu.vector_load %arg19[%get3A_1262] {strides = array<i32>} : memref<256xf32, #tpu.memory_space<vmem>>, vector<16xf32>,
      %add3A_1264 = arith.addf %get3A_1261, %get3A_1263 : vector<16xf32>
      %get3A_1265 = arith.constant 32 : index
      %get3A_1266 = tpu.vector_load %arg19[%get3A_1265] {strides = array<i32>} : memref<256xf32, #tpu.memory_space<vmem>>, vector<16xf32>,
      %add3A_1267 = arith.addf %add3A_1264, %get3A_1266 : vector<16xf32>
      %get3A_1268 = arith.constant 48 : index
      %get3A_1269 = tpu.vector_load %arg19[%get3A_1268] {strides = array<i32>} : memref<256xf32, #tpu.memory_space<vmem>>, vector<16xf32>,
      %add3A_1270 = arith.addf %add3A_1267, %get3A_1269 : vector<16xf32>
      %get3A_1271 = arith.constant 64 : index
      %get3A_1272 = tpu.vector_load %arg19[%get3A_1271] {strides = array<i32>} : memref<256xf32, #tpu.memory_space<vmem>>, vector<16xf32>,
      %add3A_1273 = arith.addf %add3A_1270, %get3A_1272 : vector<16xf32>
      %get3A_1274 = arith.constant 80 : index
      %get3A_1275 = tpu.vector_load %arg19[%get3A_1274] {strides = array<i32>} : memref<256xf32, #tpu.memory_space<vmem>>, vector<16xf32>,
      %add3A_1276 = arith.addf %add3A_1273, %get3A_1275 : vector<16xf32>
      %get3A_1277 = arith.constant 96 : index
      %get3A_1278 = tpu.vector_load %arg19[%get3A_1277] {strides = array<i32>} : memref<256xf32, #tpu.memory_space<vmem>>, vector<16xf32>,
      %add3A_1279 = arith.addf %add3A_1276, %get3A_1278 : vector<16xf32>
      %get3A_1280 = arith.constant 112 : index
      %get3A_1281 = tpu.vector_load %arg19[%get3A_1280] {strides = array<i32>} : memref<256xf32, #tpu.memory_space<vmem>>, vector<16xf32>,
      %add3A_1282 = arith.addf %add3A_1279, %get3A_1281 : vector<16xf32>
      %get3A_1283 = arith.constant 128 : index
      %get3A_1284 = tpu.vector_load %arg19[%get3A_1283] {strides = array<i32>} : memref<256xf32, #tpu.memory_space<vmem>>, vector<16xf32>,
      %add3A_1285 = arith.addf %add3A_1282, %get3A_1284 : vector<16xf32>
      %get3A_1286 = arith.constant 144 : index
      %get3A_1287 = tpu.vector_load %arg19[%get3A_1286] {strides = array<i32>} : memref<256xf32, #tpu.memory_space<vmem>>, vector<16xf32>,
      %add3A_1288 = arith.addf %add3A_1285, %get3A_1287 : vector<16xf32>
      %get3A_1289 = arith.constant 160 : index
      %get3A_1290 = tpu.vector_load %arg19[%get3A_1289] {strides = array<i32>} : memref<256xf32, #tpu.memory_space<vmem>>, vector<16xf32>,
      %add3A_1291 = arith.addf %add3A_1288, %get3A_1290 : vector<16xf32>
      %get3A_1292 = arith.constant 176 : index
      %get3A_1293 = tpu.vector_load %arg19[%get3A_1292] {strides = array<i32>} : memref<256xf32, #tpu.memory_space<vmem>>, vector<16xf32>,
      %add3A_1294 = arith.addf %add3A_1291, %get3A_1293 : vector<16xf32>
      %get3A_1295 = arith.constant 192 : index
      %get3A_1296 = tpu.vector_load %arg19[%get3A_1295] {strides = array<i32>} : memref<256xf32, #tpu.memory_space<vmem>>, vector<16xf32>,
      %add3A_1297 = arith.addf %add3A_1294, %get3A_1296 : vector<16xf32>
      %get3A_1298 = arith.constant 208 : index
      %get3A_1299 = tpu.vector_load %arg19[%get3A_1298] {strides = array<i32>} : memref<256xf32, #tpu.memory_space<vmem>>, vector<16xf32>,
      %add3A_1300 = arith.addf %add3A_1297, %get3A_1299 : vector<16xf32>
      %get3A_1301 = arith.constant 224 : index
      %get3A_1302 = tpu.vector_load %arg19[%get3A_1301] {strides = array<i32>} : memref<256xf32, #tpu.memory_space<vmem>>, vector<16xf32>,
      %add3A_1303 = arith.addf %add3A_1300, %get3A_1302 : vector<16xf32>
      %get3A_1304 = arith.constant 240 : index
      %get3A_1305 = tpu.vector_load %arg19[%get3A_1304] {strides = array<i32>} : memref<256xf32, #tpu.memory_space<vmem>>, vector<16xf32>,
      %add3A_1306 = arith.addf %add3A_1303, %get3A_1305 : vector<16xf32>
      %swap3A = arith.constant 1 : i32
      %swap3A_1307 = arith.index_cast %swap3A : i32 to index
      %swap3A_1308 = arith.index_cast %mul3A_260 : i32 to index
      %swap3A_1309 = tpu.vector_load %arg20[%swap3A_1307, %swap3A_1308] {strides = array<i32>} : memref<4x128xf32, #tpu.memory_space<vmem>>, vector<16xf32>,
      tpu.vector_store %arg20[%swap3A_1307, %swap3A_1308], %add3A_1306 {strides = array<i32>} : memref<4x128xf32, #tpu.memory_space<vmem>>, vector<16xf32>,
    }
    %scan3A_131 = arith.constant 8 : i32
    %dma_start3A_132 = arith.constant 2 : i32
    %dma_start3A_133 = arith.constant 0 : i32
    %dma_start3A_134 = tpu.memref_slice %arg11[%dma_start3A_132, %dma_start3A_133] : memref<4x128xi32, #tpu.memory_space<vmem>> -> memref<1x128xi32, #tpu.memory_space<vmem>>
    %dma_start3A_135 = tpu.memref_squeeze %dma_start3A_134 : memref<1x128xi32, #tpu.memory_space<vmem>> -> memref<128xi32, #tpu.memory_space<vmem>>
    %dma_start3A_136 = arith.constant 0 : i32
    %dma_start3A_137 = arith.constant 0 : i32
    %dma_start3A_138 = tpu.memref_slice %arg4[%dma_start3A_136, %dma_start3A_137] : memref<251904x128xf32, #tpu.memory_space<hbm>> -> memref<251904x128xf32, #tpu.memory_space<hbm>>
    tpu.enqueue_indirect_dma source(%dma_start3A_138 : memref<251904x128xf32, #tpu.memory_space<hbm>>) target(%arg15 : memref<128x128xf32, #tpu.memory_space<vmem>>) offsets(%dma_start3A_135 : memref<128xi32, #tpu.memory_space<vmem>>) semaphore(%arg21 : memref<!tpu.dma_semaphore, #tpu.memory_space<semaphore_mem>>)
    %dma_start3A_139 = arith.constant 2 : i32
    %dma_start3A_140 = arith.constant 0 : i32
    %dma_start3A_141 = tpu.memref_slice %arg12[%dma_start3A_139, %dma_start3A_140] : memref<4x128xi32, #tpu.memory_space<vmem>> -> memref<1x128xi32, #tpu.memory_space<vmem>>
    %dma_start3A_142 = tpu.memref_squeeze %dma_start3A_141 : memref<1x128xi32, #tpu.memory_space<vmem>> -> memref<128xi32, #tpu.memory_space<vmem>>
    %dma_start3A_143 = arith.constant 0 : i32
    %dma_start3A_144 = arith.constant 0 : i32
    %dma_start3A_145 = tpu.memref_slice %arg5[%dma_start3A_143, %dma_start3A_144] : memref<251904x128xf32, #tpu.memory_space<hbm>> -> memref<251904x128xf32, #tpu.memory_space<hbm>>
    tpu.enqueue_indirect_dma source(%dma_start3A_145 : memref<251904x128xf32, #tpu.memory_space<hbm>>) target(%arg16 : memref<128x128xf32, #tpu.memory_space<vmem>>) offsets(%dma_start3A_142 : memref<128xi32, #tpu.memory_space<vmem>>) semaphore(%arg21 : memref<!tpu.dma_semaphore, #tpu.memory_space<semaphore_mem>>)
    %dma_start3A_146 = arith.constant 2 : i32
    %dma_start3A_147 = arith.constant 0 : i32
    %dma_start3A_148 = tpu.memref_slice %arg13[%dma_start3A_146, %dma_start3A_147] : memref<4x128xi32, #tpu.memory_space<vmem>> -> memref<1x128xi32, #tpu.memory_space<vmem>>
    %dma_start3A_149 = tpu.memref_squeeze %dma_start3A_148 : memref<1x128xi32, #tpu.memory_space<vmem>> -> memref<128xi32, #tpu.memory_space<vmem>>
    %dma_start3A_150 = arith.constant 0 : i32
    %dma_start3A_151 = arith.constant 0 : i32
    %dma_start3A_152 = tpu.memref_slice %arg6[%dma_start3A_150, %dma_start3A_151] : memref<7813x128xf32, #tpu.memory_space<hbm>> -> memref<7813x128xf32, #tpu.memory_space<hbm>>
    tpu.enqueue_indirect_dma source(%dma_start3A_152 : memref<7813x128xf32, #tpu.memory_space<hbm>>) target(%arg17 : memref<128x128xf32, #tpu.memory_space<vmem>>) offsets(%dma_start3A_149 : memref<128xi32, #tpu.memory_space<vmem>>) semaphore(%arg21 : memref<!tpu.dma_semaphore, #tpu.memory_space<semaphore_mem>>)
    %dma_start3A_153 = arith.constant 2 : i32
    %dma_start3A_154 = arith.constant 0 : i32
    %dma_start3A_155 = tpu.memref_slice %arg14[%dma_start3A_153, %dma_start3A_154] : memref<4x128xi32, #tpu.memory_space<vmem>> -> memref<1x128xi32, #tpu.memory_space<vmem>>
    %dma_start3A_156 = tpu.memref_squeeze %dma_start3A_155 : memref<1x128xi32, #tpu.memory_space<vmem>> -> memref<128xi32, #tpu.memory_space<vmem>>
    %dma_start3A_157 = arith.constant 0 : i32
    %dma_start3A_158 = arith.constant 0 : i32
    %dma_start3A_159 = tpu.memref_slice %arg7[%dma_start3A_157, %dma_start3A_158] : memref<7813x128xf32, #tpu.memory_space<hbm>> -> memref<7813x128xf32, #tpu.memory_space<hbm>>
    tpu.enqueue_indirect_dma source(%dma_start3A_159 : memref<7813x128xf32, #tpu.memory_space<hbm>>) target(%arg18 : memref<128x128xf32, #tpu.memory_space<vmem>>) offsets(%dma_start3A_156 : memref<128xi32, #tpu.memory_space<vmem>>) semaphore(%arg21 : memref<!tpu.dma_semaphore, #tpu.memory_space<semaphore_mem>>)
    %dma_wait3A_160 = arith.constant 2 : i32
    %dma_wait3A_161 = arith.constant 0 : i32
    %dma_wait3A_162 = tpu.memref_slice %arg11[%dma_wait3A_160, %dma_wait3A_161] : memref<4x128xi32, #tpu.memory_space<vmem>> -> memref<1x128xi32, #tpu.memory_space<vmem>>
    %dma_wait3A_163 = tpu.memref_squeeze %dma_wait3A_162 : memref<1x128xi32, #tpu.memory_space<vmem>> -> memref<128xi32, #tpu.memory_space<vmem>>
    %dma_wait3A_164 = arith.constant 0 : i32
    %dma_wait3A_165 = arith.constant 0 : i32
    %dma_wait3A_166 = tpu.memref_slice %arg4[%dma_wait3A_164, %dma_wait3A_165] : memref<251904x128xf32, #tpu.memory_space<hbm>> -> memref<251904x128xf32, #tpu.memory_space<hbm>>
    tpu.wait_indirect_dma semaphore(%arg21 : memref<!tpu.dma_semaphore, #tpu.memory_space<semaphore_mem>>) src(%dma_wait3A_166 : memref<251904x128xf32, #tpu.memory_space<hbm>>) dst(%arg15 : memref<128x128xf32, #tpu.memory_space<vmem>>)
    %dma_wait3A_167 = arith.constant 2 : i32
    %dma_wait3A_168 = arith.constant 0 : i32
    %dma_wait3A_169 = tpu.memref_slice %arg12[%dma_wait3A_167, %dma_wait3A_168] : memref<4x128xi32, #tpu.memory_space<vmem>> -> memref<1x128xi32, #tpu.memory_space<vmem>>
    %dma_wait3A_170 = tpu.memref_squeeze %dma_wait3A_169 : memref<1x128xi32, #tpu.memory_space<vmem>> -> memref<128xi32, #tpu.memory_space<vmem>>
    %dma_wait3A_171 = arith.constant 0 : i32
    %dma_wait3A_172 = arith.constant 0 : i32
    %dma_wait3A_173 = tpu.memref_slice %arg5[%dma_wait3A_171, %dma_wait3A_172] : memref<251904x128xf32, #tpu.memory_space<hbm>> -> memref<251904x128xf32, #tpu.memory_space<hbm>>
    tpu.wait_indirect_dma semaphore(%arg21 : memref<!tpu.dma_semaphore, #tpu.memory_space<semaphore_mem>>) src(%dma_wait3A_173 : memref<251904x128xf32, #tpu.memory_space<hbm>>) dst(%arg16 : memref<128x128xf32, #tpu.memory_space<vmem>>)
    %dma_wait3A_174 = arith.constant 2 : i32
    %dma_wait3A_175 = arith.constant 0 : i32
    %dma_wait3A_176 = tpu.memref_slice %arg13[%dma_wait3A_174, %dma_wait3A_175] : memref<4x128xi32, #tpu.memory_space<vmem>> -> memref<1x128xi32, #tpu.memory_space<vmem>>
    %dma_wait3A_177 = tpu.memref_squeeze %dma_wait3A_176 : memref<1x128xi32, #tpu.memory_space<vmem>> -> memref<128xi32, #tpu.memory_space<vmem>>
    %dma_wait3A_178 = arith.constant 0 : i32
    %dma_wait3A_179 = arith.constant 0 : i32
    %dma_wait3A_180 = tpu.memref_slice %arg6[%dma_wait3A_178, %dma_wait3A_179] : memref<7813x128xf32, #tpu.memory_space<hbm>> -> memref<7813x128xf32, #tpu.memory_space<hbm>>
    tpu.wait_indirect_dma semaphore(%arg21 : memref<!tpu.dma_semaphore, #tpu.memory_space<semaphore_mem>>) src(%dma_wait3A_180 : memref<7813x128xf32, #tpu.memory_space<hbm>>) dst(%arg17 : memref<128x128xf32, #tpu.memory_space<vmem>>)
    %dma_wait3A_181 = arith.constant 2 : i32
    %dma_wait3A_182 = arith.constant 0 : i32
    %dma_wait3A_183 = tpu.memref_slice %arg14[%dma_wait3A_181, %dma_wait3A_182] : memref<4x128xi32, #tpu.memory_space<vmem>> -> memref<1x128xi32, #tpu.memory_space<vmem>>
    %dma_wait3A_184 = tpu.memref_squeeze %dma_wait3A_183 : memref<1x128xi32, #tpu.memory_space<vmem>> -> memref<128xi32, #tpu.memory_space<vmem>>
    %dma_wait3A_185 = arith.constant 0 : i32
    %dma_wait3A_186 = arith.constant 0 : i32
    %dma_wait3A_187 = tpu.memref_slice %arg7[%dma_wait3A_185, %dma_wait3A_186] : memref<7813x128xf32, #tpu.memory_space<hbm>> -> memref<7813x128xf32, #tpu.memory_space<hbm>>
    tpu.wait_indirect_dma semaphore(%arg21 : memref<!tpu.dma_semaphore, #tpu.memory_space<semaphore_mem>>) src(%dma_wait3A_187 : memref<7813x128xf32, #tpu.memory_space<hbm>>) dst(%arg18 : memref<128x128xf32, #tpu.memory_space<vmem>>)
    %scan3A_188 = arith.constant 0 : i32
    %scan3A_189 = arith.constant 0 : i32
    %scan3A_190 = arith.constant 8 : i32
    %scan3A_191 = arith.addi %scan3A_189, %scan3A_190 : i32
    %scan3A_192 = arith.constant 1 : i32
    scf.for %scan3A_258 = %scan3A_189 to %scan3A_191 step %scan3A_192  : i32 {
      %mul3A_259 = arith.constant 16 : i32
      %mul3A_260 = arith.muli %scan3A_258, %mul3A_259 : i32
      %get3A = arith.constant 2 : i32
      %get3A_261 = arith.index_cast %get3A : i32 to index
      %get3A_262 = arith.index_cast %mul3A_260 : i32 to index
      %get3A_263 = tpu.vector_load %arg9[%get3A_261, %get3A_262] {strides = array<i32>} : memref<4x128xi32, #tpu.memory_space<vmem>>, vector<16xi32>,
      %get3A_264 = arith.constant 2 : i32
      %get3A_265 = arith.index_cast %get3A_264 : i32 to index
      %get3A_266 = arith.index_cast %mul3A_260 : i32 to index
      %get3A_267 = tpu.vector_load %arg10[%get3A_265, %get3A_266] {strides = array<i32>} : memref<4x128xi32, #tpu.memory_space<vmem>>, vector<16xi32>,
      %shift_right_arithmetic3A = arith.constant 11 : i32
      %shift_right_arithmetic3A_268 = vector.broadcast %shift_right_arithmetic3A : i32 to vector<16xi32>
      %shift_right_arithmetic3A_269 = arith.shrsi %get3A_263, %shift_right_arithmetic3A_268 : vector<16xi32>
      %and3A = arith.constant 3 : i32
      %and3A_270 = vector.broadcast %and3A : i32 to vector<16xi32>
      %and3A_271 = arith.andi %shift_right_arithmetic3A_269, %and3A_270 : vector<16xi32>
      %mul3A_272 = arith.constant 32 : i32
      %mul3A_273 = vector.broadcast %mul3A_272 : i32 to vector<16xi32>
      %mul3A_274 = arith.muli %and3A_271, %mul3A_273 : vector<16xi32>
      %shift_right_arithmetic3A_275 = arith.constant 11 : i32
      %shift_right_arithmetic3A_276 = vector.broadcast %shift_right_arithmetic3A_275 : i32 to vector<16xi32>
      %shift_right_arithmetic3A_277 = arith.shrsi %get3A_267, %shift_right_arithmetic3A_276 : vector<16xi32>
      %and3A_278 = arith.constant 3 : i32
      %and3A_279 = vector.broadcast %and3A_278 : i32 to vector<16xi32>
      %and3A_280 = arith.andi %shift_right_arithmetic3A_277, %and3A_279 : vector<16xi32>
      %mul3A_281 = arith.constant 32 : i32
      %mul3A_282 = vector.broadcast %mul3A_281 : i32 to vector<16xi32>
      %mul3A_283 = arith.muli %and3A_280, %mul3A_282 : vector<16xi32>
      %and3A_284 = arith.constant 127 : i32
      %and3A_285 = vector.broadcast %and3A_284 : i32 to vector<16xi32>
      %and3A_286 = arith.andi %get3A_263, %and3A_285 : vector<16xi32>
      %and3A_287 = arith.constant 127 : i32
      %and3A_288 = vector.broadcast %and3A_287 : i32 to vector<16xi32>
      %and3A_289 = arith.andi %get3A_267, %and3A_288 : vector<16xi32>
      %add3A_290 = arith.constant 0 : i32
      %add3A_291 = arith.addi %mul3A_260, %add3A_290 : i32
      %slice3A = vector.extract_strided_slice %mul3A_274 {offsets = [0], sizes = [1], strides = [1]} : vector<16xi32> to vector<1xi32>
      %squeeze3A = vector.extract %slice3A[0] : i32 from vector<1xi32>
      %slice3A_292 = vector.extract_strided_slice %mul3A_283 {offsets = [0], sizes = [1], strides = [1]} : vector<16xi32> to vector<1xi32>
      %squeeze3A_293 = vector.extract %slice3A_292[0] : i32 from vector<1xi32>
      %get3A_294 = arith.index_cast %add3A_291 : i32 to index
      %get3A_295 = arith.index_cast %squeeze3A : i32 to index
      %get3A_296 = tpu.vector_load %arg15[%get3A_294, %get3A_295] {strides = array<i32>} : memref<128x128xf32, #tpu.memory_space<vmem>>, vector<16xf32>,
      %get3A_297 = arith.index_cast %add3A_291 : i32 to index
      %get3A_298 = arith.index_cast %squeeze3A_293 : i32 to index
      %get3A_299 = tpu.vector_load %arg16[%get3A_297, %get3A_298] {strides = array<i32>} : memref<128x128xf32, #tpu.memory_space<vmem>>, vector<16xf32>,
      %mul3A_300 = arith.mulf %get3A_296, %get3A_299 : vector<16xf32>
      %add3A_301 = arith.constant 16 : i32
      %add3A_302 = arith.addi %squeeze3A, %add3A_301 : i32
      %get3A_303 = arith.index_cast %add3A_291 : i32 to index
      %get3A_304 = arith.index_cast %add3A_302 : i32 to index
      %get3A_305 = tpu.vector_load %arg15[%get3A_303, %get3A_304] {strides = array<i32>} : memref<128x128xf32, #tpu.memory_space<vmem>>, vector<16xf32>,
      %add3A_306 = arith.constant 16 : i32
      %add3A_307 = arith.addi %squeeze3A_293, %add3A_306 : i32
      %get3A_308 = arith.index_cast %add3A_291 : i32 to index
      %get3A_309 = arith.index_cast %add3A_307 : i32 to index
      %get3A_310 = tpu.vector_load %arg16[%get3A_308, %get3A_309] {strides = array<i32>} : memref<128x128xf32, #tpu.memory_space<vmem>>, vector<16xf32>,
      %mul3A_311 = arith.mulf %get3A_305, %get3A_310 : vector<16xf32>
      %add3A_312 = arith.addf %mul3A_300, %mul3A_311 : vector<16xf32>
      %slice3A_313 = vector.extract_strided_slice %and3A_286 {offsets = [0], sizes = [1], strides = [1]} : vector<16xi32> to vector<1xi32>
      %squeeze3A_314 = vector.extract %slice3A_313[0] : i32 from vector<1xi32>
      %slice3A_315 = vector.extract_strided_slice %and3A_289 {offsets = [0], sizes = [1], strides = [1]} : vector<16xi32> to vector<1xi32>
      %squeeze3A_316 = vector.extract %slice3A_315[0] : i32 from vector<1xi32>
      %and3A_317 = arith.constant 112 : i32
      %and3A_318 = arith.andi %squeeze3A_314, %and3A_317 : i32
      %get3A_319 = arith.index_cast %add3A_291 : i32 to index
      %get3A_320 = arith.index_cast %and3A_318 : i32 to index
      %get3A_321 = tpu.vector_load %arg17[%get3A_319, %get3A_320] {strides = array<i32>} : memref<128x128xf32, #tpu.memory_space<vmem>>, vector<16xf32>,
      %and3A_322 = arith.constant 112 : i32
      %and3A_323 = arith.andi %squeeze3A_316, %and3A_322 : i32
      %get3A_324 = arith.index_cast %add3A_291 : i32 to index
      %get3A_325 = arith.index_cast %and3A_323 : i32 to index
      %get3A_326 = tpu.vector_load %arg18[%get3A_324, %get3A_325] {strides = array<i32>} : memref<128x128xf32, #tpu.memory_space<vmem>>, vector<16xf32>,
      %and3A_327 = arith.constant 15 : i32
      %and3A_328 = arith.andi %squeeze3A_314, %and3A_327 : i32
      %eq3A = vector.broadcast %and3A_328 : i32 to vector<16xi32>
      %eq3A_329 = arith.cmpi eq, %iota3A, %eq3A : vector<16xi32>
      %jit3A = arith.constant 0.000000e+00 : f32
      %broadcast_in_dim3A = vector.broadcast %jit3A : f32 to vector<16xf32>
      %select_n3A = arith.select %eq3A_329, %get3A_321, %broadcast_in_dim3A : vector<16xi1>, vector<16xf32>
      %add3A_330 = arith.addf %add3A_312, %select_n3A : vector<16xf32>
      %and3A_331 = arith.constant 15 : i32
      %and3A_332 = arith.andi %squeeze3A_316, %and3A_331 : i32
      %eq3A_333 = vector.broadcast %and3A_332 : i32 to vector<16xi32>
      %eq3A_334 = arith.cmpi eq, %iota3A, %eq3A_333 : vector<16xi32>
      %jit3A_335 = arith.constant 0.000000e+00 : f32
      %broadcast_in_dim3A_336 = vector.broadcast %jit3A_335 : f32 to vector<16xf32>
      %select_n3A_337 = arith.select %eq3A_334, %get3A_326, %broadcast_in_dim3A_336 : vector<16xi1>, vector<16xf32>
      %add3A_338 = arith.addf %add3A_330, %select_n3A_337 : vector<16xf32>
      %mul3A_339 = arith.constant 16 : i32
      %mul3A_340 = vector.broadcast %mul3A_339 : i32 to vector<16xi32>
      %mul3A_341 = arith.muli %iota3A, %mul3A_340 : vector<16xi32>
      %add3A_342 = arith.constant 0 : i32
      %add3A_343 = vector.broadcast %add3A_342 : i32 to vector<16xi32>
      %add3A_344 = arith.addi %mul3A_341, %add3A_343 : vector<16xi32>
      tpu.vector_store_idx %arg19[%add3A_344], %add3A_338 : memref<256xf32, #tpu.memory_space<vmem>>[vector<16xi32>], vector<16xf32>,
      %add3A_345 = arith.constant 1 : i32
      %add3A_346 = arith.addi %mul3A_260, %add3A_345 : i32
      %slice3A_347 = vector.extract_strided_slice %mul3A_274 {offsets = [1], sizes = [1], strides = [1]} : vector<16xi32> to vector<1xi32>
      %squeeze3A_348 = vector.extract %slice3A_347[0] : i32 from vector<1xi32>
      %slice3A_349 = vector.extract_strided_slice %mul3A_283 {offsets = [1], sizes = [1], strides = [1]} : vector<16xi32> to vector<1xi32>
      %squeeze3A_350 = vector.extract %slice3A_349[0] : i32 from vector<1xi32>
      %get3A_351 = arith.index_cast %add3A_346 : i32 to index
      %get3A_352 = arith.index_cast %squeeze3A_348 : i32 to index
      %get3A_353 = tpu.vector_load %arg15[%get3A_351, %get3A_352] {strides = array<i32>} : memref<128x128xf32, #tpu.memory_space<vmem>>, vector<16xf32>,
      %get3A_354 = arith.index_cast %add3A_346 : i32 to index
      %get3A_355 = arith.index_cast %squeeze3A_350 : i32 to index
      %get3A_356 = tpu.vector_load %arg16[%get3A_354, %get3A_355] {strides = array<i32>} : memref<128x128xf32, #tpu.memory_space<vmem>>, vector<16xf32>,
      %mul3A_357 = arith.mulf %get3A_353, %get3A_356 : vector<16xf32>
      %add3A_358 = arith.constant 16 : i32
      %add3A_359 = arith.addi %squeeze3A_348, %add3A_358 : i32
      %get3A_360 = arith.index_cast %add3A_346 : i32 to index
      %get3A_361 = arith.index_cast %add3A_359 : i32 to index
      %get3A_362 = tpu.vector_load %arg15[%get3A_360, %get3A_361] {strides = array<i32>} : memref<128x128xf32, #tpu.memory_space<vmem>>, vector<16xf32>,
      %add3A_363 = arith.constant 16 : i32
      %add3A_364 = arith.addi %squeeze3A_350, %add3A_363 : i32
      %get3A_365 = arith.index_cast %add3A_346 : i32 to index
      %get3A_366 = arith.index_cast %add3A_364 : i32 to index
      %get3A_367 = tpu.vector_load %arg16[%get3A_365, %get3A_366] {strides = array<i32>} : memref<128x128xf32, #tpu.memory_space<vmem>>, vector<16xf32>,
      %mul3A_368 = arith.mulf %get3A_362, %get3A_367 : vector<16xf32>
      %add3A_369 = arith.addf %mul3A_357, %mul3A_368 : vector<16xf32>
      %slice3A_370 = vector.extract_strided_slice %and3A_286 {offsets = [1], sizes = [1], strides = [1]} : vector<16xi32> to vector<1xi32>
      %squeeze3A_371 = vector.extract %slice3A_370[0] : i32 from vector<1xi32>
      %slice3A_372 = vector.extract_strided_slice %and3A_289 {offsets = [1], sizes = [1], strides = [1]} : vector<16xi32> to vector<1xi32>
      %squeeze3A_373 = vector.extract %slice3A_372[0] : i32 from vector<1xi32>
      %and3A_374 = arith.constant 112 : i32
      %and3A_375 = arith.andi %squeeze3A_371, %and3A_374 : i32
      %get3A_376 = arith.index_cast %add3A_346 : i32 to index
      %get3A_377 = arith.index_cast %and3A_375 : i32 to index
      %get3A_378 = tpu.vector_load %arg17[%get3A_376, %get3A_377] {strides = array<i32>} : memref<128x128xf32, #tpu.memory_space<vmem>>, vector<16xf32>,
      %and3A_379 = arith.constant 112 : i32
      %and3A_380 = arith.andi %squeeze3A_373, %and3A_379 : i32
      %get3A_381 = arith.index_cast %add3A_346 : i32 to index
      %get3A_382 = arith.index_cast %and3A_380 : i32 to index
      %get3A_383 = tpu.vector_load %arg18[%get3A_381, %get3A_382] {strides = array<i32>} : memref<128x128xf32, #tpu.memory_space<vmem>>, vector<16xf32>,
      %and3A_384 = arith.constant 15 : i32
      %and3A_385 = arith.andi %squeeze3A_371, %and3A_384 : i32
      %eq3A_386 = vector.broadcast %and3A_385 : i32 to vector<16xi32>
      %eq3A_387 = arith.cmpi eq, %iota3A, %eq3A_386 : vector<16xi32>
      %jit3A_388 = arith.constant 0.000000e+00 : f32
      %broadcast_in_dim3A_389 = vector.broadcast %jit3A_388 : f32 to vector<16xf32>
      %select_n3A_390 = arith.select %eq3A_387, %get3A_378, %broadcast_in_dim3A_389 : vector<16xi1>, vector<16xf32>
      %add3A_391 = arith.addf %add3A_369, %select_n3A_390 : vector<16xf32>
      %and3A_392 = arith.constant 15 : i32
      %and3A_393 = arith.andi %squeeze3A_373, %and3A_392 : i32
      %eq3A_394 = vector.broadcast %and3A_393 : i32 to vector<16xi32>
      %eq3A_395 = arith.cmpi eq, %iota3A, %eq3A_394 : vector<16xi32>
      %jit3A_396 = arith.constant 0.000000e+00 : f32
      %broadcast_in_dim3A_397 = vector.broadcast %jit3A_396 : f32 to vector<16xf32>
      %select_n3A_398 = arith.select %eq3A_395, %get3A_383, %broadcast_in_dim3A_397 : vector<16xi1>, vector<16xf32>
      %add3A_399 = arith.addf %add3A_391, %select_n3A_398 : vector<16xf32>
      %mul3A_400 = arith.constant 16 : i32
      %mul3A_401 = vector.broadcast %mul3A_400 : i32 to vector<16xi32>
      %mul3A_402 = arith.muli %iota3A, %mul3A_401 : vector<16xi32>
      %add3A_403 = arith.constant 1 : i32
      %add3A_404 = vector.broadcast %add3A_403 : i32 to vector<16xi32>
      %add3A_405 = arith.addi %mul3A_402, %add3A_404 : vector<16xi32>
      tpu.vector_store_idx %arg19[%add3A_405], %add3A_399 : memref<256xf32, #tpu.memory_space<vmem>>[vector<16xi32>], vector<16xf32>,
      %add3A_406 = arith.constant 2 : i32
      %add3A_407 = arith.addi %mul3A_260, %add3A_406 : i32
      %slice3A_408 = vector.extract_strided_slice %mul3A_274 {offsets = [2], sizes = [1], strides = [1]} : vector<16xi32> to vector<1xi32>
      %squeeze3A_409 = vector.extract %slice3A_408[0] : i32 from vector<1xi32>
      %slice3A_410 = vector.extract_strided_slice %mul3A_283 {offsets = [2], sizes = [1], strides = [1]} : vector<16xi32> to vector<1xi32>
      %squeeze3A_411 = vector.extract %slice3A_410[0] : i32 from vector<1xi32>
      %get3A_412 = arith.index_cast %add3A_407 : i32 to index
      %get3A_413 = arith.index_cast %squeeze3A_409 : i32 to index
      %get3A_414 = tpu.vector_load %arg15[%get3A_412, %get3A_413] {strides = array<i32>} : memref<128x128xf32, #tpu.memory_space<vmem>>, vector<16xf32>,
      %get3A_415 = arith.index_cast %add3A_407 : i32 to index
      %get3A_416 = arith.index_cast %squeeze3A_411 : i32 to index
      %get3A_417 = tpu.vector_load %arg16[%get3A_415, %get3A_416] {strides = array<i32>} : memref<128x128xf32, #tpu.memory_space<vmem>>, vector<16xf32>,
      %mul3A_418 = arith.mulf %get3A_414, %get3A_417 : vector<16xf32>
      %add3A_419 = arith.constant 16 : i32
      %add3A_420 = arith.addi %squeeze3A_409, %add3A_419 : i32
      %get3A_421 = arith.index_cast %add3A_407 : i32 to index
      %get3A_422 = arith.index_cast %add3A_420 : i32 to index
      %get3A_423 = tpu.vector_load %arg15[%get3A_421, %get3A_422] {strides = array<i32>} : memref<128x128xf32, #tpu.memory_space<vmem>>, vector<16xf32>,
      %add3A_424 = arith.constant 16 : i32
      %add3A_425 = arith.addi %squeeze3A_411, %add3A_424 : i32
      %get3A_426 = arith.index_cast %add3A_407 : i32 to index
      %get3A_427 = arith.index_cast %add3A_425 : i32 to index
      %get3A_428 = tpu.vector_load %arg16[%get3A_426, %get3A_427] {strides = array<i32>} : memref<128x128xf32, #tpu.memory_space<vmem>>, vector<16xf32>,
      %mul3A_429 = arith.mulf %get3A_423, %get3A_428 : vector<16xf32>
      %add3A_430 = arith.addf %mul3A_418, %mul3A_429 : vector<16xf32>
      %slice3A_431 = vector.extract_strided_slice %and3A_286 {offsets = [2], sizes = [1], strides = [1]} : vector<16xi32> to vector<1xi32>
      %squeeze3A_432 = vector.extract %slice3A_431[0] : i32 from vector<1xi32>
      %slice3A_433 = vector.extract_strided_slice %and3A_289 {offsets = [2], sizes = [1], strides = [1]} : vector<16xi32> to vector<1xi32>
      %squeeze3A_434 = vector.extract %slice3A_433[0] : i32 from vector<1xi32>
      %and3A_435 = arith.constant 112 : i32
      %and3A_436 = arith.andi %squeeze3A_432, %and3A_435 : i32
      %get3A_437 = arith.index_cast %add3A_407 : i32 to index
      %get3A_438 = arith.index_cast %and3A_436 : i32 to index
      %get3A_439 = tpu.vector_load %arg17[%get3A_437, %get3A_438] {strides = array<i32>} : memref<128x128xf32, #tpu.memory_space<vmem>>, vector<16xf32>,
      %and3A_440 = arith.constant 112 : i32
      %and3A_441 = arith.andi %squeeze3A_434, %and3A_440 : i32
      %get3A_442 = arith.index_cast %add3A_407 : i32 to index
      %get3A_443 = arith.index_cast %and3A_441 : i32 to index
      %get3A_444 = tpu.vector_load %arg18[%get3A_442, %get3A_443] {strides = array<i32>} : memref<128x128xf32, #tpu.memory_space<vmem>>, vector<16xf32>,
      %and3A_445 = arith.constant 15 : i32
      %and3A_446 = arith.andi %squeeze3A_432, %and3A_445 : i32
      %eq3A_447 = vector.broadcast %and3A_446 : i32 to vector<16xi32>
      %eq3A_448 = arith.cmpi eq, %iota3A, %eq3A_447 : vector<16xi32>
      %jit3A_449 = arith.constant 0.000000e+00 : f32
      %broadcast_in_dim3A_450 = vector.broadcast %jit3A_449 : f32 to vector<16xf32>
      %select_n3A_451 = arith.select %eq3A_448, %get3A_439, %broadcast_in_dim3A_450 : vector<16xi1>, vector<16xf32>
      %add3A_452 = arith.addf %add3A_430, %select_n3A_451 : vector<16xf32>
      %and3A_453 = arith.constant 15 : i32
      %and3A_454 = arith.andi %squeeze3A_434, %and3A_453 : i32
      %eq3A_455 = vector.broadcast %and3A_454 : i32 to vector<16xi32>
      %eq3A_456 = arith.cmpi eq, %iota3A, %eq3A_455 : vector<16xi32>
      %jit3A_457 = arith.constant 0.000000e+00 : f32
      %broadcast_in_dim3A_458 = vector.broadcast %jit3A_457 : f32 to vector<16xf32>
      %select_n3A_459 = arith.select %eq3A_456, %get3A_444, %broadcast_in_dim3A_458 : vector<16xi1>, vector<16xf32>
      %add3A_460 = arith.addf %add3A_452, %select_n3A_459 : vector<16xf32>
      %mul3A_461 = arith.constant 16 : i32
      %mul3A_462 = vector.broadcast %mul3A_461 : i32 to vector<16xi32>
      %mul3A_463 = arith.muli %iota3A, %mul3A_462 : vector<16xi32>
      %add3A_464 = arith.constant 2 : i32
      %add3A_465 = vector.broadcast %add3A_464 : i32 to vector<16xi32>
      %add3A_466 = arith.addi %mul3A_463, %add3A_465 : vector<16xi32>
      tpu.vector_store_idx %arg19[%add3A_466], %add3A_460 : memref<256xf32, #tpu.memory_space<vmem>>[vector<16xi32>], vector<16xf32>,
      %add3A_467 = arith.constant 3 : i32
      %add3A_468 = arith.addi %mul3A_260, %add3A_467 : i32
      %slice3A_469 = vector.extract_strided_slice %mul3A_274 {offsets = [3], sizes = [1], strides = [1]} : vector<16xi32> to vector<1xi32>
      %squeeze3A_470 = vector.extract %slice3A_469[0] : i32 from vector<1xi32>
      %slice3A_471 = vector.extract_strided_slice %mul3A_283 {offsets = [3], sizes = [1], strides = [1]} : vector<16xi32> to vector<1xi32>
      %squeeze3A_472 = vector.extract %slice3A_471[0] : i32 from vector<1xi32>
      %get3A_473 = arith.index_cast %add3A_468 : i32 to index
      %get3A_474 = arith.index_cast %squeeze3A_470 : i32 to index
      %get3A_475 = tpu.vector_load %arg15[%get3A_473, %get3A_474] {strides = array<i32>} : memref<128x128xf32, #tpu.memory_space<vmem>>, vector<16xf32>,
      %get3A_476 = arith.index_cast %add3A_468 : i32 to index
      %get3A_477 = arith.index_cast %squeeze3A_472 : i32 to index
      %get3A_478 = tpu.vector_load %arg16[%get3A_476, %get3A_477] {strides = array<i32>} : memref<128x128xf32, #tpu.memory_space<vmem>>, vector<16xf32>,
      %mul3A_479 = arith.mulf %get3A_475, %get3A_478 : vector<16xf32>
      %add3A_480 = arith.constant 16 : i32
      %add3A_481 = arith.addi %squeeze3A_470, %add3A_480 : i32
      %get3A_482 = arith.index_cast %add3A_468 : i32 to index
      %get3A_483 = arith.index_cast %add3A_481 : i32 to index
      %get3A_484 = tpu.vector_load %arg15[%get3A_482, %get3A_483] {strides = array<i32>} : memref<128x128xf32, #tpu.memory_space<vmem>>, vector<16xf32>,
      %add3A_485 = arith.constant 16 : i32
      %add3A_486 = arith.addi %squeeze3A_472, %add3A_485 : i32
      %get3A_487 = arith.index_cast %add3A_468 : i32 to index
      %get3A_488 = arith.index_cast %add3A_486 : i32 to index
      %get3A_489 = tpu.vector_load %arg16[%get3A_487, %get3A_488] {strides = array<i32>} : memref<128x128xf32, #tpu.memory_space<vmem>>, vector<16xf32>,
      %mul3A_490 = arith.mulf %get3A_484, %get3A_489 : vector<16xf32>
      %add3A_491 = arith.addf %mul3A_479, %mul3A_490 : vector<16xf32>
      %slice3A_492 = vector.extract_strided_slice %and3A_286 {offsets = [3], sizes = [1], strides = [1]} : vector<16xi32> to vector<1xi32>
      %squeeze3A_493 = vector.extract %slice3A_492[0] : i32 from vector<1xi32>
      %slice3A_494 = vector.extract_strided_slice %and3A_289 {offsets = [3], sizes = [1], strides = [1]} : vector<16xi32> to vector<1xi32>
      %squeeze3A_495 = vector.extract %slice3A_494[0] : i32 from vector<1xi32>
      %and3A_496 = arith.constant 112 : i32
      %and3A_497 = arith.andi %squeeze3A_493, %and3A_496 : i32
      %get3A_498 = arith.index_cast %add3A_468 : i32 to index
      %get3A_499 = arith.index_cast %and3A_497 : i32 to index
      %get3A_500 = tpu.vector_load %arg17[%get3A_498, %get3A_499] {strides = array<i32>} : memref<128x128xf32, #tpu.memory_space<vmem>>, vector<16xf32>,
      %and3A_501 = arith.constant 112 : i32
      %and3A_502 = arith.andi %squeeze3A_495, %and3A_501 : i32
      %get3A_503 = arith.index_cast %add3A_468 : i32 to index
      %get3A_504 = arith.index_cast %and3A_502 : i32 to index
      %get3A_505 = tpu.vector_load %arg18[%get3A_503, %get3A_504] {strides = array<i32>} : memref<128x128xf32, #tpu.memory_space<vmem>>, vector<16xf32>,
      %and3A_506 = arith.constant 15 : i32
      %and3A_507 = arith.andi %squeeze3A_493, %and3A_506 : i32
      %eq3A_508 = vector.broadcast %and3A_507 : i32 to vector<16xi32>
      %eq3A_509 = arith.cmpi eq, %iota3A, %eq3A_508 : vector<16xi32>
      %jit3A_510 = arith.constant 0.000000e+00 : f32
      %broadcast_in_dim3A_511 = vector.broadcast %jit3A_510 : f32 to vector<16xf32>
      %select_n3A_512 = arith.select %eq3A_509, %get3A_500, %broadcast_in_dim3A_511 : vector<16xi1>, vector<16xf32>
      %add3A_513 = arith.addf %add3A_491, %select_n3A_512 : vector<16xf32>
      %and3A_514 = arith.constant 15 : i32
      %and3A_515 = arith.andi %squeeze3A_495, %and3A_514 : i32
      %eq3A_516 = vector.broadcast %and3A_515 : i32 to vector<16xi32>
      %eq3A_517 = arith.cmpi eq, %iota3A, %eq3A_516 : vector<16xi32>
      %jit3A_518 = arith.constant 0.000000e+00 : f32
      %broadcast_in_dim3A_519 = vector.broadcast %jit3A_518 : f32 to vector<16xf32>
      %select_n3A_520 = arith.select %eq3A_517, %get3A_505, %broadcast_in_dim3A_519 : vector<16xi1>, vector<16xf32>
      %add3A_521 = arith.addf %add3A_513, %select_n3A_520 : vector<16xf32>
      %mul3A_522 = arith.constant 16 : i32
      %mul3A_523 = vector.broadcast %mul3A_522 : i32 to vector<16xi32>
      %mul3A_524 = arith.muli %iota3A, %mul3A_523 : vector<16xi32>
      %add3A_525 = arith.constant 3 : i32
      %add3A_526 = vector.broadcast %add3A_525 : i32 to vector<16xi32>
      %add3A_527 = arith.addi %mul3A_524, %add3A_526 : vector<16xi32>
      tpu.vector_store_idx %arg19[%add3A_527], %add3A_521 : memref<256xf32, #tpu.memory_space<vmem>>[vector<16xi32>], vector<16xf32>,
      %add3A_528 = arith.constant 4 : i32
      %add3A_529 = arith.addi %mul3A_260, %add3A_528 : i32
      %slice3A_530 = vector.extract_strided_slice %mul3A_274 {offsets = [4], sizes = [1], strides = [1]} : vector<16xi32> to vector<1xi32>
      %squeeze3A_531 = vector.extract %slice3A_530[0] : i32 from vector<1xi32>
      %slice3A_532 = vector.extract_strided_slice %mul3A_283 {offsets = [4], sizes = [1], strides = [1]} : vector<16xi32> to vector<1xi32>
      %squeeze3A_533 = vector.extract %slice3A_532[0] : i32 from vector<1xi32>
      %get3A_534 = arith.index_cast %add3A_529 : i32 to index
      %get3A_535 = arith.index_cast %squeeze3A_531 : i32 to index
      %get3A_536 = tpu.vector_load %arg15[%get3A_534, %get3A_535] {strides = array<i32>} : memref<128x128xf32, #tpu.memory_space<vmem>>, vector<16xf32>,
      %get3A_537 = arith.index_cast %add3A_529 : i32 to index
      %get3A_538 = arith.index_cast %squeeze3A_533 : i32 to index
      %get3A_539 = tpu.vector_load %arg16[%get3A_537, %get3A_538] {strides = array<i32>} : memref<128x128xf32, #tpu.memory_space<vmem>>, vector<16xf32>,
      %mul3A_540 = arith.mulf %get3A_536, %get3A_539 : vector<16xf32>
      %add3A_541 = arith.constant 16 : i32
      %add3A_542 = arith.addi %squeeze3A_531, %add3A_541 : i32
      %get3A_543 = arith.index_cast %add3A_529 : i32 to index
      %get3A_544 = arith.index_cast %add3A_542 : i32 to index
      %get3A_545 = tpu.vector_load %arg15[%get3A_543, %get3A_544] {strides = array<i32>} : memref<128x128xf32, #tpu.memory_space<vmem>>, vector<16xf32>,
      %add3A_546 = arith.constant 16 : i32
      %add3A_547 = arith.addi %squeeze3A_533, %add3A_546 : i32
      %get3A_548 = arith.index_cast %add3A_529 : i32 to index
      %get3A_549 = arith.index_cast %add3A_547 : i32 to index
      %get3A_550 = tpu.vector_load %arg16[%get3A_548, %get3A_549] {strides = array<i32>} : memref<128x128xf32, #tpu.memory_space<vmem>>, vector<16xf32>,
      %mul3A_551 = arith.mulf %get3A_545, %get3A_550 : vector<16xf32>
      %add3A_552 = arith.addf %mul3A_540, %mul3A_551 : vector<16xf32>
      %slice3A_553 = vector.extract_strided_slice %and3A_286 {offsets = [4], sizes = [1], strides = [1]} : vector<16xi32> to vector<1xi32>
      %squeeze3A_554 = vector.extract %slice3A_553[0] : i32 from vector<1xi32>
      %slice3A_555 = vector.extract_strided_slice %and3A_289 {offsets = [4], sizes = [1], strides = [1]} : vector<16xi32> to vector<1xi32>
      %squeeze3A_556 = vector.extract %slice3A_555[0] : i32 from vector<1xi32>
      %and3A_557 = arith.constant 112 : i32
      %and3A_558 = arith.andi %squeeze3A_554, %and3A_557 : i32
      %get3A_559 = arith.index_cast %add3A_529 : i32 to index
      %get3A_560 = arith.index_cast %and3A_558 : i32 to index
      %get3A_561 = tpu.vector_load %arg17[%get3A_559, %get3A_560] {strides = array<i32>} : memref<128x128xf32, #tpu.memory_space<vmem>>, vector<16xf32>,
      %and3A_562 = arith.constant 112 : i32
      %and3A_563 = arith.andi %squeeze3A_556, %and3A_562 : i32
      %get3A_564 = arith.index_cast %add3A_529 : i32 to index
      %get3A_565 = arith.index_cast %and3A_563 : i32 to index
      %get3A_566 = tpu.vector_load %arg18[%get3A_564, %get3A_565] {strides = array<i32>} : memref<128x128xf32, #tpu.memory_space<vmem>>, vector<16xf32>,
      %and3A_567 = arith.constant 15 : i32
      %and3A_568 = arith.andi %squeeze3A_554, %and3A_567 : i32
      %eq3A_569 = vector.broadcast %and3A_568 : i32 to vector<16xi32>
      %eq3A_570 = arith.cmpi eq, %iota3A, %eq3A_569 : vector<16xi32>
      %jit3A_571 = arith.constant 0.000000e+00 : f32
      %broadcast_in_dim3A_572 = vector.broadcast %jit3A_571 : f32 to vector<16xf32>
      %select_n3A_573 = arith.select %eq3A_570, %get3A_561, %broadcast_in_dim3A_572 : vector<16xi1>, vector<16xf32>
      %add3A_574 = arith.addf %add3A_552, %select_n3A_573 : vector<16xf32>
      %and3A_575 = arith.constant 15 : i32
      %and3A_576 = arith.andi %squeeze3A_556, %and3A_575 : i32
      %eq3A_577 = vector.broadcast %and3A_576 : i32 to vector<16xi32>
      %eq3A_578 = arith.cmpi eq, %iota3A, %eq3A_577 : vector<16xi32>
      %jit3A_579 = arith.constant 0.000000e+00 : f32
      %broadcast_in_dim3A_580 = vector.broadcast %jit3A_579 : f32 to vector<16xf32>
      %select_n3A_581 = arith.select %eq3A_578, %get3A_566, %broadcast_in_dim3A_580 : vector<16xi1>, vector<16xf32>
      %add3A_582 = arith.addf %add3A_574, %select_n3A_581 : vector<16xf32>
      %mul3A_583 = arith.constant 16 : i32
      %mul3A_584 = vector.broadcast %mul3A_583 : i32 to vector<16xi32>
      %mul3A_585 = arith.muli %iota3A, %mul3A_584 : vector<16xi32>
      %add3A_586 = arith.constant 4 : i32
      %add3A_587 = vector.broadcast %add3A_586 : i32 to vector<16xi32>
      %add3A_588 = arith.addi %mul3A_585, %add3A_587 : vector<16xi32>
      tpu.vector_store_idx %arg19[%add3A_588], %add3A_582 : memref<256xf32, #tpu.memory_space<vmem>>[vector<16xi32>], vector<16xf32>,
      %add3A_589 = arith.constant 5 : i32
      %add3A_590 = arith.addi %mul3A_260, %add3A_589 : i32
      %slice3A_591 = vector.extract_strided_slice %mul3A_274 {offsets = [5], sizes = [1], strides = [1]} : vector<16xi32> to vector<1xi32>
      %squeeze3A_592 = vector.extract %slice3A_591[0] : i32 from vector<1xi32>
      %slice3A_593 = vector.extract_strided_slice %mul3A_283 {offsets = [5], sizes = [1], strides = [1]} : vector<16xi32> to vector<1xi32>
      %squeeze3A_594 = vector.extract %slice3A_593[0] : i32 from vector<1xi32>
      %get3A_595 = arith.index_cast %add3A_590 : i32 to index
      %get3A_596 = arith.index_cast %squeeze3A_592 : i32 to index
      %get3A_597 = tpu.vector_load %arg15[%get3A_595, %get3A_596] {strides = array<i32>} : memref<128x128xf32, #tpu.memory_space<vmem>>, vector<16xf32>,
      %get3A_598 = arith.index_cast %add3A_590 : i32 to index
      %get3A_599 = arith.index_cast %squeeze3A_594 : i32 to index
      %get3A_600 = tpu.vector_load %arg16[%get3A_598, %get3A_599] {strides = array<i32>} : memref<128x128xf32, #tpu.memory_space<vmem>>, vector<16xf32>,
      %mul3A_601 = arith.mulf %get3A_597, %get3A_600 : vector<16xf32>
      %add3A_602 = arith.constant 16 : i32
      %add3A_603 = arith.addi %squeeze3A_592, %add3A_602 : i32
      %get3A_604 = arith.index_cast %add3A_590 : i32 to index
      %get3A_605 = arith.index_cast %add3A_603 : i32 to index
      %get3A_606 = tpu.vector_load %arg15[%get3A_604, %get3A_605] {strides = array<i32>} : memref<128x128xf32, #tpu.memory_space<vmem>>, vector<16xf32>,
      %add3A_607 = arith.constant 16 : i32
      %add3A_608 = arith.addi %squeeze3A_594, %add3A_607 : i32
      %get3A_609 = arith.index_cast %add3A_590 : i32 to index
      %get3A_610 = arith.index_cast %add3A_608 : i32 to index
      %get3A_611 = tpu.vector_load %arg16[%get3A_609, %get3A_610] {strides = array<i32>} : memref<128x128xf32, #tpu.memory_space<vmem>>, vector<16xf32>,
      %mul3A_612 = arith.mulf %get3A_606, %get3A_611 : vector<16xf32>
      %add3A_613 = arith.addf %mul3A_601, %mul3A_612 : vector<16xf32>
      %slice3A_614 = vector.extract_strided_slice %and3A_286 {offsets = [5], sizes = [1], strides = [1]} : vector<16xi32> to vector<1xi32>
      %squeeze3A_615 = vector.extract %slice3A_614[0] : i32 from vector<1xi32>
      %slice3A_616 = vector.extract_strided_slice %and3A_289 {offsets = [5], sizes = [1], strides = [1]} : vector<16xi32> to vector<1xi32>
      %squeeze3A_617 = vector.extract %slice3A_616[0] : i32 from vector<1xi32>
      %and3A_618 = arith.constant 112 : i32
      %and3A_619 = arith.andi %squeeze3A_615, %and3A_618 : i32
      %get3A_620 = arith.index_cast %add3A_590 : i32 to index
      %get3A_621 = arith.index_cast %and3A_619 : i32 to index
      %get3A_622 = tpu.vector_load %arg17[%get3A_620, %get3A_621] {strides = array<i32>} : memref<128x128xf32, #tpu.memory_space<vmem>>, vector<16xf32>,
      %and3A_623 = arith.constant 112 : i32
      %and3A_624 = arith.andi %squeeze3A_617, %and3A_623 : i32
      %get3A_625 = arith.index_cast %add3A_590 : i32 to index
      %get3A_626 = arith.index_cast %and3A_624 : i32 to index
      %get3A_627 = tpu.vector_load %arg18[%get3A_625, %get3A_626] {strides = array<i32>} : memref<128x128xf32, #tpu.memory_space<vmem>>, vector<16xf32>,
      %and3A_628 = arith.constant 15 : i32
      %and3A_629 = arith.andi %squeeze3A_615, %and3A_628 : i32
      %eq3A_630 = vector.broadcast %and3A_629 : i32 to vector<16xi32>
      %eq3A_631 = arith.cmpi eq, %iota3A, %eq3A_630 : vector<16xi32>
      %jit3A_632 = arith.constant 0.000000e+00 : f32
      %broadcast_in_dim3A_633 = vector.broadcast %jit3A_632 : f32 to vector<16xf32>
      %select_n3A_634 = arith.select %eq3A_631, %get3A_622, %broadcast_in_dim3A_633 : vector<16xi1>, vector<16xf32>
      %add3A_635 = arith.addf %add3A_613, %select_n3A_634 : vector<16xf32>
      %and3A_636 = arith.constant 15 : i32
      %and3A_637 = arith.andi %squeeze3A_617, %and3A_636 : i32
      %eq3A_638 = vector.broadcast %and3A_637 : i32 to vector<16xi32>
      %eq3A_639 = arith.cmpi eq, %iota3A, %eq3A_638 : vector<16xi32>
      %jit3A_640 = arith.constant 0.000000e+00 : f32
      %broadcast_in_dim3A_641 = vector.broadcast %jit3A_640 : f32 to vector<16xf32>
      %select_n3A_642 = arith.select %eq3A_639, %get3A_627, %broadcast_in_dim3A_641 : vector<16xi1>, vector<16xf32>
      %add3A_643 = arith.addf %add3A_635, %select_n3A_642 : vector<16xf32>
      %mul3A_644 = arith.constant 16 : i32
      %mul3A_645 = vector.broadcast %mul3A_644 : i32 to vector<16xi32>
      %mul3A_646 = arith.muli %iota3A, %mul3A_645 : vector<16xi32>
      %add3A_647 = arith.constant 5 : i32
      %add3A_648 = vector.broadcast %add3A_647 : i32 to vector<16xi32>
      %add3A_649 = arith.addi %mul3A_646, %add3A_648 : vector<16xi32>
      tpu.vector_store_idx %arg19[%add3A_649], %add3A_643 : memref<256xf32, #tpu.memory_space<vmem>>[vector<16xi32>], vector<16xf32>,
      %add3A_650 = arith.constant 6 : i32
      %add3A_651 = arith.addi %mul3A_260, %add3A_650 : i32
      %slice3A_652 = vector.extract_strided_slice %mul3A_274 {offsets = [6], sizes = [1], strides = [1]} : vector<16xi32> to vector<1xi32>
      %squeeze3A_653 = vector.extract %slice3A_652[0] : i32 from vector<1xi32>
      %slice3A_654 = vector.extract_strided_slice %mul3A_283 {offsets = [6], sizes = [1], strides = [1]} : vector<16xi32> to vector<1xi32>
      %squeeze3A_655 = vector.extract %slice3A_654[0] : i32 from vector<1xi32>
      %get3A_656 = arith.index_cast %add3A_651 : i32 to index
      %get3A_657 = arith.index_cast %squeeze3A_653 : i32 to index
      %get3A_658 = tpu.vector_load %arg15[%get3A_656, %get3A_657] {strides = array<i32>} : memref<128x128xf32, #tpu.memory_space<vmem>>, vector<16xf32>,
      %get3A_659 = arith.index_cast %add3A_651 : i32 to index
      %get3A_660 = arith.index_cast %squeeze3A_655 : i32 to index
      %get3A_661 = tpu.vector_load %arg16[%get3A_659, %get3A_660] {strides = array<i32>} : memref<128x128xf32, #tpu.memory_space<vmem>>, vector<16xf32>,
      %mul3A_662 = arith.mulf %get3A_658, %get3A_661 : vector<16xf32>
      %add3A_663 = arith.constant 16 : i32
      %add3A_664 = arith.addi %squeeze3A_653, %add3A_663 : i32
      %get3A_665 = arith.index_cast %add3A_651 : i32 to index
      %get3A_666 = arith.index_cast %add3A_664 : i32 to index
      %get3A_667 = tpu.vector_load %arg15[%get3A_665, %get3A_666] {strides = array<i32>} : memref<128x128xf32, #tpu.memory_space<vmem>>, vector<16xf32>,
      %add3A_668 = arith.constant 16 : i32
      %add3A_669 = arith.addi %squeeze3A_655, %add3A_668 : i32
      %get3A_670 = arith.index_cast %add3A_651 : i32 to index
      %get3A_671 = arith.index_cast %add3A_669 : i32 to index
      %get3A_672 = tpu.vector_load %arg16[%get3A_670, %get3A_671] {strides = array<i32>} : memref<128x128xf32, #tpu.memory_space<vmem>>, vector<16xf32>,
      %mul3A_673 = arith.mulf %get3A_667, %get3A_672 : vector<16xf32>
      %add3A_674 = arith.addf %mul3A_662, %mul3A_673 : vector<16xf32>
      %slice3A_675 = vector.extract_strided_slice %and3A_286 {offsets = [6], sizes = [1], strides = [1]} : vector<16xi32> to vector<1xi32>
      %squeeze3A_676 = vector.extract %slice3A_675[0] : i32 from vector<1xi32>
      %slice3A_677 = vector.extract_strided_slice %and3A_289 {offsets = [6], sizes = [1], strides = [1]} : vector<16xi32> to vector<1xi32>
      %squeeze3A_678 = vector.extract %slice3A_677[0] : i32 from vector<1xi32>
      %and3A_679 = arith.constant 112 : i32
      %and3A_680 = arith.andi %squeeze3A_676, %and3A_679 : i32
      %get3A_681 = arith.index_cast %add3A_651 : i32 to index
      %get3A_682 = arith.index_cast %and3A_680 : i32 to index
      %get3A_683 = tpu.vector_load %arg17[%get3A_681, %get3A_682] {strides = array<i32>} : memref<128x128xf32, #tpu.memory_space<vmem>>, vector<16xf32>,
      %and3A_684 = arith.constant 112 : i32
      %and3A_685 = arith.andi %squeeze3A_678, %and3A_684 : i32
      %get3A_686 = arith.index_cast %add3A_651 : i32 to index
      %get3A_687 = arith.index_cast %and3A_685 : i32 to index
      %get3A_688 = tpu.vector_load %arg18[%get3A_686, %get3A_687] {strides = array<i32>} : memref<128x128xf32, #tpu.memory_space<vmem>>, vector<16xf32>,
      %and3A_689 = arith.constant 15 : i32
      %and3A_690 = arith.andi %squeeze3A_676, %and3A_689 : i32
      %eq3A_691 = vector.broadcast %and3A_690 : i32 to vector<16xi32>
      %eq3A_692 = arith.cmpi eq, %iota3A, %eq3A_691 : vector<16xi32>
      %jit3A_693 = arith.constant 0.000000e+00 : f32
      %broadcast_in_dim3A_694 = vector.broadcast %jit3A_693 : f32 to vector<16xf32>
      %select_n3A_695 = arith.select %eq3A_692, %get3A_683, %broadcast_in_dim3A_694 : vector<16xi1>, vector<16xf32>
      %add3A_696 = arith.addf %add3A_674, %select_n3A_695 : vector<16xf32>
      %and3A_697 = arith.constant 15 : i32
      %and3A_698 = arith.andi %squeeze3A_678, %and3A_697 : i32
      %eq3A_699 = vector.broadcast %and3A_698 : i32 to vector<16xi32>
      %eq3A_700 = arith.cmpi eq, %iota3A, %eq3A_699 : vector<16xi32>
      %jit3A_701 = arith.constant 0.000000e+00 : f32
      %broadcast_in_dim3A_702 = vector.broadcast %jit3A_701 : f32 to vector<16xf32>
      %select_n3A_703 = arith.select %eq3A_700, %get3A_688, %broadcast_in_dim3A_702 : vector<16xi1>, vector<16xf32>
      %add3A_704 = arith.addf %add3A_696, %select_n3A_703 : vector<16xf32>
      %mul3A_705 = arith.constant 16 : i32
      %mul3A_706 = vector.broadcast %mul3A_705 : i32 to vector<16xi32>
      %mul3A_707 = arith.muli %iota3A, %mul3A_706 : vector<16xi32>
      %add3A_708 = arith.constant 6 : i32
      %add3A_709 = vector.broadcast %add3A_708 : i32 to vector<16xi32>
      %add3A_710 = arith.addi %mul3A_707, %add3A_709 : vector<16xi32>
      tpu.vector_store_idx %arg19[%add3A_710], %add3A_704 : memref<256xf32, #tpu.memory_space<vmem>>[vector<16xi32>], vector<16xf32>,
      %add3A_711 = arith.constant 7 : i32
      %add3A_712 = arith.addi %mul3A_260, %add3A_711 : i32
      %slice3A_713 = vector.extract_strided_slice %mul3A_274 {offsets = [7], sizes = [1], strides = [1]} : vector<16xi32> to vector<1xi32>
      %squeeze3A_714 = vector.extract %slice3A_713[0] : i32 from vector<1xi32>
      %slice3A_715 = vector.extract_strided_slice %mul3A_283 {offsets = [7], sizes = [1], strides = [1]} : vector<16xi32> to vector<1xi32>
      %squeeze3A_716 = vector.extract %slice3A_715[0] : i32 from vector<1xi32>
      %get3A_717 = arith.index_cast %add3A_712 : i32 to index
      %get3A_718 = arith.index_cast %squeeze3A_714 : i32 to index
      %get3A_719 = tpu.vector_load %arg15[%get3A_717, %get3A_718] {strides = array<i32>} : memref<128x128xf32, #tpu.memory_space<vmem>>, vector<16xf32>,
      %get3A_720 = arith.index_cast %add3A_712 : i32 to index
      %get3A_721 = arith.index_cast %squeeze3A_716 : i32 to index
      %get3A_722 = tpu.vector_load %arg16[%get3A_720, %get3A_721] {strides = array<i32>} : memref<128x128xf32, #tpu.memory_space<vmem>>, vector<16xf32>,
      %mul3A_723 = arith.mulf %get3A_719, %get3A_722 : vector<16xf32>
      %add3A_724 = arith.constant 16 : i32
      %add3A_725 = arith.addi %squeeze3A_714, %add3A_724 : i32
      %get3A_726 = arith.index_cast %add3A_712 : i32 to index
      %get3A_727 = arith.index_cast %add3A_725 : i32 to index
      %get3A_728 = tpu.vector_load %arg15[%get3A_726, %get3A_727] {strides = array<i32>} : memref<128x128xf32, #tpu.memory_space<vmem>>, vector<16xf32>,
      %add3A_729 = arith.constant 16 : i32
      %add3A_730 = arith.addi %squeeze3A_716, %add3A_729 : i32
      %get3A_731 = arith.index_cast %add3A_712 : i32 to index
      %get3A_732 = arith.index_cast %add3A_730 : i32 to index
      %get3A_733 = tpu.vector_load %arg16[%get3A_731, %get3A_732] {strides = array<i32>} : memref<128x128xf32, #tpu.memory_space<vmem>>, vector<16xf32>,
      %mul3A_734 = arith.mulf %get3A_728, %get3A_733 : vector<16xf32>
      %add3A_735 = arith.addf %mul3A_723, %mul3A_734 : vector<16xf32>
      %slice3A_736 = vector.extract_strided_slice %and3A_286 {offsets = [7], sizes = [1], strides = [1]} : vector<16xi32> to vector<1xi32>
      %squeeze3A_737 = vector.extract %slice3A_736[0] : i32 from vector<1xi32>
      %slice3A_738 = vector.extract_strided_slice %and3A_289 {offsets = [7], sizes = [1], strides = [1]} : vector<16xi32> to vector<1xi32>
      %squeeze3A_739 = vector.extract %slice3A_738[0] : i32 from vector<1xi32>
      %and3A_740 = arith.constant 112 : i32
      %and3A_741 = arith.andi %squeeze3A_737, %and3A_740 : i32
      %get3A_742 = arith.index_cast %add3A_712 : i32 to index
      %get3A_743 = arith.index_cast %and3A_741 : i32 to index
      %get3A_744 = tpu.vector_load %arg17[%get3A_742, %get3A_743] {strides = array<i32>} : memref<128x128xf32, #tpu.memory_space<vmem>>, vector<16xf32>,
      %and3A_745 = arith.constant 112 : i32
      %and3A_746 = arith.andi %squeeze3A_739, %and3A_745 : i32
      %get3A_747 = arith.index_cast %add3A_712 : i32 to index
      %get3A_748 = arith.index_cast %and3A_746 : i32 to index
      %get3A_749 = tpu.vector_load %arg18[%get3A_747, %get3A_748] {strides = array<i32>} : memref<128x128xf32, #tpu.memory_space<vmem>>, vector<16xf32>,
      %and3A_750 = arith.constant 15 : i32
      %and3A_751 = arith.andi %squeeze3A_737, %and3A_750 : i32
      %eq3A_752 = vector.broadcast %and3A_751 : i32 to vector<16xi32>
      %eq3A_753 = arith.cmpi eq, %iota3A, %eq3A_752 : vector<16xi32>
      %jit3A_754 = arith.constant 0.000000e+00 : f32
      %broadcast_in_dim3A_755 = vector.broadcast %jit3A_754 : f32 to vector<16xf32>
      %select_n3A_756 = arith.select %eq3A_753, %get3A_744, %broadcast_in_dim3A_755 : vector<16xi1>, vector<16xf32>
      %add3A_757 = arith.addf %add3A_735, %select_n3A_756 : vector<16xf32>
      %and3A_758 = arith.constant 15 : i32
      %and3A_759 = arith.andi %squeeze3A_739, %and3A_758 : i32
      %eq3A_760 = vector.broadcast %and3A_759 : i32 to vector<16xi32>
      %eq3A_761 = arith.cmpi eq, %iota3A, %eq3A_760 : vector<16xi32>
      %jit3A_762 = arith.constant 0.000000e+00 : f32
      %broadcast_in_dim3A_763 = vector.broadcast %jit3A_762 : f32 to vector<16xf32>
      %select_n3A_764 = arith.select %eq3A_761, %get3A_749, %broadcast_in_dim3A_763 : vector<16xi1>, vector<16xf32>
      %add3A_765 = arith.addf %add3A_757, %select_n3A_764 : vector<16xf32>
      %mul3A_766 = arith.constant 16 : i32
      %mul3A_767 = vector.broadcast %mul3A_766 : i32 to vector<16xi32>
      %mul3A_768 = arith.muli %iota3A, %mul3A_767 : vector<16xi32>
      %add3A_769 = arith.constant 7 : i32
      %add3A_770 = vector.broadcast %add3A_769 : i32 to vector<16xi32>
      %add3A_771 = arith.addi %mul3A_768, %add3A_770 : vector<16xi32>
      tpu.vector_store_idx %arg19[%add3A_771], %add3A_765 : memref<256xf32, #tpu.memory_space<vmem>>[vector<16xi32>], vector<16xf32>,
      %add3A_772 = arith.constant 8 : i32
      %add3A_773 = arith.addi %mul3A_260, %add3A_772 : i32
      %slice3A_774 = vector.extract_strided_slice %mul3A_274 {offsets = [8], sizes = [1], strides = [1]} : vector<16xi32> to vector<1xi32>
      %squeeze3A_775 = vector.extract %slice3A_774[0] : i32 from vector<1xi32>
      %slice3A_776 = vector.extract_strided_slice %mul3A_283 {offsets = [8], sizes = [1], strides = [1]} : vector<16xi32> to vector<1xi32>
      %squeeze3A_777 = vector.extract %slice3A_776[0] : i32 from vector<1xi32>
      %get3A_778 = arith.index_cast %add3A_773 : i32 to index
      %get3A_779 = arith.index_cast %squeeze3A_775 : i32 to index
      %get3A_780 = tpu.vector_load %arg15[%get3A_778, %get3A_779] {strides = array<i32>} : memref<128x128xf32, #tpu.memory_space<vmem>>, vector<16xf32>,
      %get3A_781 = arith.index_cast %add3A_773 : i32 to index
      %get3A_782 = arith.index_cast %squeeze3A_777 : i32 to index
      %get3A_783 = tpu.vector_load %arg16[%get3A_781, %get3A_782] {strides = array<i32>} : memref<128x128xf32, #tpu.memory_space<vmem>>, vector<16xf32>,
      %mul3A_784 = arith.mulf %get3A_780, %get3A_783 : vector<16xf32>
      %add3A_785 = arith.constant 16 : i32
      %add3A_786 = arith.addi %squeeze3A_775, %add3A_785 : i32
      %get3A_787 = arith.index_cast %add3A_773 : i32 to index
      %get3A_788 = arith.index_cast %add3A_786 : i32 to index
      %get3A_789 = tpu.vector_load %arg15[%get3A_787, %get3A_788] {strides = array<i32>} : memref<128x128xf32, #tpu.memory_space<vmem>>, vector<16xf32>,
      %add3A_790 = arith.constant 16 : i32
      %add3A_791 = arith.addi %squeeze3A_777, %add3A_790 : i32
      %get3A_792 = arith.index_cast %add3A_773 : i32 to index
      %get3A_793 = arith.index_cast %add3A_791 : i32 to index
      %get3A_794 = tpu.vector_load %arg16[%get3A_792, %get3A_793] {strides = array<i32>} : memref<128x128xf32, #tpu.memory_space<vmem>>, vector<16xf32>,
      %mul3A_795 = arith.mulf %get3A_789, %get3A_794 : vector<16xf32>
      %add3A_796 = arith.addf %mul3A_784, %mul3A_795 : vector<16xf32>
      %slice3A_797 = vector.extract_strided_slice %and3A_286 {offsets = [8], sizes = [1], strides = [1]} : vector<16xi32> to vector<1xi32>
      %squeeze3A_798 = vector.extract %slice3A_797[0] : i32 from vector<1xi32>
      %slice3A_799 = vector.extract_strided_slice %and3A_289 {offsets = [8], sizes = [1], strides = [1]} : vector<16xi32> to vector<1xi32>
      %squeeze3A_800 = vector.extract %slice3A_799[0] : i32 from vector<1xi32>
      %and3A_801 = arith.constant 112 : i32
      %and3A_802 = arith.andi %squeeze3A_798, %and3A_801 : i32
      %get3A_803 = arith.index_cast %add3A_773 : i32 to index
      %get3A_804 = arith.index_cast %and3A_802 : i32 to index
      %get3A_805 = tpu.vector_load %arg17[%get3A_803, %get3A_804] {strides = array<i32>} : memref<128x128xf32, #tpu.memory_space<vmem>>, vector<16xf32>,
      %and3A_806 = arith.constant 112 : i32
      %and3A_807 = arith.andi %squeeze3A_800, %and3A_806 : i32
      %get3A_808 = arith.index_cast %add3A_773 : i32 to index
      %get3A_809 = arith.index_cast %and3A_807 : i32 to index
      %get3A_810 = tpu.vector_load %arg18[%get3A_808, %get3A_809] {strides = array<i32>} : memref<128x128xf32, #tpu.memory_space<vmem>>, vector<16xf32>,
      %and3A_811 = arith.constant 15 : i32
      %and3A_812 = arith.andi %squeeze3A_798, %and3A_811 : i32
      %eq3A_813 = vector.broadcast %and3A_812 : i32 to vector<16xi32>
      %eq3A_814 = arith.cmpi eq, %iota3A, %eq3A_813 : vector<16xi32>
      %jit3A_815 = arith.constant 0.000000e+00 : f32
      %broadcast_in_dim3A_816 = vector.broadcast %jit3A_815 : f32 to vector<16xf32>
      %select_n3A_817 = arith.select %eq3A_814, %get3A_805, %broadcast_in_dim3A_816 : vector<16xi1>, vector<16xf32>
      %add3A_818 = arith.addf %add3A_796, %select_n3A_817 : vector<16xf32>
      %and3A_819 = arith.constant 15 : i32
      %and3A_820 = arith.andi %squeeze3A_800, %and3A_819 : i32
      %eq3A_821 = vector.broadcast %and3A_820 : i32 to vector<16xi32>
      %eq3A_822 = arith.cmpi eq, %iota3A, %eq3A_821 : vector<16xi32>
      %jit3A_823 = arith.constant 0.000000e+00 : f32
      %broadcast_in_dim3A_824 = vector.broadcast %jit3A_823 : f32 to vector<16xf32>
      %select_n3A_825 = arith.select %eq3A_822, %get3A_810, %broadcast_in_dim3A_824 : vector<16xi1>, vector<16xf32>
      %add3A_826 = arith.addf %add3A_818, %select_n3A_825 : vector<16xf32>
      %mul3A_827 = arith.constant 16 : i32
      %mul3A_828 = vector.broadcast %mul3A_827 : i32 to vector<16xi32>
      %mul3A_829 = arith.muli %iota3A, %mul3A_828 : vector<16xi32>
      %add3A_830 = arith.constant 8 : i32
      %add3A_831 = vector.broadcast %add3A_830 : i32 to vector<16xi32>
      %add3A_832 = arith.addi %mul3A_829, %add3A_831 : vector<16xi32>
      tpu.vector_store_idx %arg19[%add3A_832], %add3A_826 : memref<256xf32, #tpu.memory_space<vmem>>[vector<16xi32>], vector<16xf32>,
      %add3A_833 = arith.constant 9 : i32
      %add3A_834 = arith.addi %mul3A_260, %add3A_833 : i32
      %slice3A_835 = vector.extract_strided_slice %mul3A_274 {offsets = [9], sizes = [1], strides = [1]} : vector<16xi32> to vector<1xi32>
      %squeeze3A_836 = vector.extract %slice3A_835[0] : i32 from vector<1xi32>
      %slice3A_837 = vector.extract_strided_slice %mul3A_283 {offsets = [9], sizes = [1], strides = [1]} : vector<16xi32> to vector<1xi32>
      %squeeze3A_838 = vector.extract %slice3A_837[0] : i32 from vector<1xi32>
      %get3A_839 = arith.index_cast %add3A_834 : i32 to index
      %get3A_840 = arith.index_cast %squeeze3A_836 : i32 to index
      %get3A_841 = tpu.vector_load %arg15[%get3A_839, %get3A_840] {strides = array<i32>} : memref<128x128xf32, #tpu.memory_space<vmem>>, vector<16xf32>,
      %get3A_842 = arith.index_cast %add3A_834 : i32 to index
      %get3A_843 = arith.index_cast %squeeze3A_838 : i32 to index
      %get3A_844 = tpu.vector_load %arg16[%get3A_842, %get3A_843] {strides = array<i32>} : memref<128x128xf32, #tpu.memory_space<vmem>>, vector<16xf32>,
      %mul3A_845 = arith.mulf %get3A_841, %get3A_844 : vector<16xf32>
      %add3A_846 = arith.constant 16 : i32
      %add3A_847 = arith.addi %squeeze3A_836, %add3A_846 : i32
      %get3A_848 = arith.index_cast %add3A_834 : i32 to index
      %get3A_849 = arith.index_cast %add3A_847 : i32 to index
      %get3A_850 = tpu.vector_load %arg15[%get3A_848, %get3A_849] {strides = array<i32>} : memref<128x128xf32, #tpu.memory_space<vmem>>, vector<16xf32>,
      %add3A_851 = arith.constant 16 : i32
      %add3A_852 = arith.addi %squeeze3A_838, %add3A_851 : i32
      %get3A_853 = arith.index_cast %add3A_834 : i32 to index
      %get3A_854 = arith.index_cast %add3A_852 : i32 to index
      %get3A_855 = tpu.vector_load %arg16[%get3A_853, %get3A_854] {strides = array<i32>} : memref<128x128xf32, #tpu.memory_space<vmem>>, vector<16xf32>,
      %mul3A_856 = arith.mulf %get3A_850, %get3A_855 : vector<16xf32>
      %add3A_857 = arith.addf %mul3A_845, %mul3A_856 : vector<16xf32>
      %slice3A_858 = vector.extract_strided_slice %and3A_286 {offsets = [9], sizes = [1], strides = [1]} : vector<16xi32> to vector<1xi32>
      %squeeze3A_859 = vector.extract %slice3A_858[0] : i32 from vector<1xi32>
      %slice3A_860 = vector.extract_strided_slice %and3A_289 {offsets = [9], sizes = [1], strides = [1]} : vector<16xi32> to vector<1xi32>
      %squeeze3A_861 = vector.extract %slice3A_860[0] : i32 from vector<1xi32>
      %and3A_862 = arith.constant 112 : i32
      %and3A_863 = arith.andi %squeeze3A_859, %and3A_862 : i32
      %get3A_864 = arith.index_cast %add3A_834 : i32 to index
      %get3A_865 = arith.index_cast %and3A_863 : i32 to index
      %get3A_866 = tpu.vector_load %arg17[%get3A_864, %get3A_865] {strides = array<i32>} : memref<128x128xf32, #tpu.memory_space<vmem>>, vector<16xf32>,
      %and3A_867 = arith.constant 112 : i32
      %and3A_868 = arith.andi %squeeze3A_861, %and3A_867 : i32
      %get3A_869 = arith.index_cast %add3A_834 : i32 to index
      %get3A_870 = arith.index_cast %and3A_868 : i32 to index
      %get3A_871 = tpu.vector_load %arg18[%get3A_869, %get3A_870] {strides = array<i32>} : memref<128x128xf32, #tpu.memory_space<vmem>>, vector<16xf32>,
      %and3A_872 = arith.constant 15 : i32
      %and3A_873 = arith.andi %squeeze3A_859, %and3A_872 : i32
      %eq3A_874 = vector.broadcast %and3A_873 : i32 to vector<16xi32>
      %eq3A_875 = arith.cmpi eq, %iota3A, %eq3A_874 : vector<16xi32>
      %jit3A_876 = arith.constant 0.000000e+00 : f32
      %broadcast_in_dim3A_877 = vector.broadcast %jit3A_876 : f32 to vector<16xf32>
      %select_n3A_878 = arith.select %eq3A_875, %get3A_866, %broadcast_in_dim3A_877 : vector<16xi1>, vector<16xf32>
      %add3A_879 = arith.addf %add3A_857, %select_n3A_878 : vector<16xf32>
      %and3A_880 = arith.constant 15 : i32
      %and3A_881 = arith.andi %squeeze3A_861, %and3A_880 : i32
      %eq3A_882 = vector.broadcast %and3A_881 : i32 to vector<16xi32>
      %eq3A_883 = arith.cmpi eq, %iota3A, %eq3A_882 : vector<16xi32>
      %jit3A_884 = arith.constant 0.000000e+00 : f32
      %broadcast_in_dim3A_885 = vector.broadcast %jit3A_884 : f32 to vector<16xf32>
      %select_n3A_886 = arith.select %eq3A_883, %get3A_871, %broadcast_in_dim3A_885 : vector<16xi1>, vector<16xf32>
      %add3A_887 = arith.addf %add3A_879, %select_n3A_886 : vector<16xf32>
      %mul3A_888 = arith.constant 16 : i32
      %mul3A_889 = vector.broadcast %mul3A_888 : i32 to vector<16xi32>
      %mul3A_890 = arith.muli %iota3A, %mul3A_889 : vector<16xi32>
      %add3A_891 = arith.constant 9 : i32
      %add3A_892 = vector.broadcast %add3A_891 : i32 to vector<16xi32>
      %add3A_893 = arith.addi %mul3A_890, %add3A_892 : vector<16xi32>
      tpu.vector_store_idx %arg19[%add3A_893], %add3A_887 : memref<256xf32, #tpu.memory_space<vmem>>[vector<16xi32>], vector<16xf32>,
      %add3A_894 = arith.constant 10 : i32
      %add3A_895 = arith.addi %mul3A_260, %add3A_894 : i32
      %slice3A_896 = vector.extract_strided_slice %mul3A_274 {offsets = [10], sizes = [1], strides = [1]} : vector<16xi32> to vector<1xi32>
      %squeeze3A_897 = vector.extract %slice3A_896[0] : i32 from vector<1xi32>
      %slice3A_898 = vector.extract_strided_slice %mul3A_283 {offsets = [10], sizes = [1], strides = [1]} : vector<16xi32> to vector<1xi32>
      %squeeze3A_899 = vector.extract %slice3A_898[0] : i32 from vector<1xi32>
      %get3A_900 = arith.index_cast %add3A_895 : i32 to index
      %get3A_901 = arith.index_cast %squeeze3A_897 : i32 to index
      %get3A_902 = tpu.vector_load %arg15[%get3A_900, %get3A_901] {strides = array<i32>} : memref<128x128xf32, #tpu.memory_space<vmem>>, vector<16xf32>,
      %get3A_903 = arith.index_cast %add3A_895 : i32 to index
      %get3A_904 = arith.index_cast %squeeze3A_899 : i32 to index
      %get3A_905 = tpu.vector_load %arg16[%get3A_903, %get3A_904] {strides = array<i32>} : memref<128x128xf32, #tpu.memory_space<vmem>>, vector<16xf32>,
      %mul3A_906 = arith.mulf %get3A_902, %get3A_905 : vector<16xf32>
      %add3A_907 = arith.constant 16 : i32
      %add3A_908 = arith.addi %squeeze3A_897, %add3A_907 : i32
      %get3A_909 = arith.index_cast %add3A_895 : i32 to index
      %get3A_910 = arith.index_cast %add3A_908 : i32 to index
      %get3A_911 = tpu.vector_load %arg15[%get3A_909, %get3A_910] {strides = array<i32>} : memref<128x128xf32, #tpu.memory_space<vmem>>, vector<16xf32>,
      %add3A_912 = arith.constant 16 : i32
      %add3A_913 = arith.addi %squeeze3A_899, %add3A_912 : i32
      %get3A_914 = arith.index_cast %add3A_895 : i32 to index
      %get3A_915 = arith.index_cast %add3A_913 : i32 to index
      %get3A_916 = tpu.vector_load %arg16[%get3A_914, %get3A_915] {strides = array<i32>} : memref<128x128xf32, #tpu.memory_space<vmem>>, vector<16xf32>,
      %mul3A_917 = arith.mulf %get3A_911, %get3A_916 : vector<16xf32>
      %add3A_918 = arith.addf %mul3A_906, %mul3A_917 : vector<16xf32>
      %slice3A_919 = vector.extract_strided_slice %and3A_286 {offsets = [10], sizes = [1], strides = [1]} : vector<16xi32> to vector<1xi32>
      %squeeze3A_920 = vector.extract %slice3A_919[0] : i32 from vector<1xi32>
      %slice3A_921 = vector.extract_strided_slice %and3A_289 {offsets = [10], sizes = [1], strides = [1]} : vector<16xi32> to vector<1xi32>
      %squeeze3A_922 = vector.extract %slice3A_921[0] : i32 from vector<1xi32>
      %and3A_923 = arith.constant 112 : i32
      %and3A_924 = arith.andi %squeeze3A_920, %and3A_923 : i32
      %get3A_925 = arith.index_cast %add3A_895 : i32 to index
      %get3A_926 = arith.index_cast %and3A_924 : i32 to index
      %get3A_927 = tpu.vector_load %arg17[%get3A_925, %get3A_926] {strides = array<i32>} : memref<128x128xf32, #tpu.memory_space<vmem>>, vector<16xf32>,
      %and3A_928 = arith.constant 112 : i32
      %and3A_929 = arith.andi %squeeze3A_922, %and3A_928 : i32
      %get3A_930 = arith.index_cast %add3A_895 : i32 to index
      %get3A_931 = arith.index_cast %and3A_929 : i32 to index
      %get3A_932 = tpu.vector_load %arg18[%get3A_930, %get3A_931] {strides = array<i32>} : memref<128x128xf32, #tpu.memory_space<vmem>>, vector<16xf32>,
      %and3A_933 = arith.constant 15 : i32
      %and3A_934 = arith.andi %squeeze3A_920, %and3A_933 : i32
      %eq3A_935 = vector.broadcast %and3A_934 : i32 to vector<16xi32>
      %eq3A_936 = arith.cmpi eq, %iota3A, %eq3A_935 : vector<16xi32>
      %jit3A_937 = arith.constant 0.000000e+00 : f32
      %broadcast_in_dim3A_938 = vector.broadcast %jit3A_937 : f32 to vector<16xf32>
      %select_n3A_939 = arith.select %eq3A_936, %get3A_927, %broadcast_in_dim3A_938 : vector<16xi1>, vector<16xf32>
      %add3A_940 = arith.addf %add3A_918, %select_n3A_939 : vector<16xf32>
      %and3A_941 = arith.constant 15 : i32
      %and3A_942 = arith.andi %squeeze3A_922, %and3A_941 : i32
      %eq3A_943 = vector.broadcast %and3A_942 : i32 to vector<16xi32>
      %eq3A_944 = arith.cmpi eq, %iota3A, %eq3A_943 : vector<16xi32>
      %jit3A_945 = arith.constant 0.000000e+00 : f32
      %broadcast_in_dim3A_946 = vector.broadcast %jit3A_945 : f32 to vector<16xf32>
      %select_n3A_947 = arith.select %eq3A_944, %get3A_932, %broadcast_in_dim3A_946 : vector<16xi1>, vector<16xf32>
      %add3A_948 = arith.addf %add3A_940, %select_n3A_947 : vector<16xf32>
      %mul3A_949 = arith.constant 16 : i32
      %mul3A_950 = vector.broadcast %mul3A_949 : i32 to vector<16xi32>
      %mul3A_951 = arith.muli %iota3A, %mul3A_950 : vector<16xi32>
      %add3A_952 = arith.constant 10 : i32
      %add3A_953 = vector.broadcast %add3A_952 : i32 to vector<16xi32>
      %add3A_954 = arith.addi %mul3A_951, %add3A_953 : vector<16xi32>
      tpu.vector_store_idx %arg19[%add3A_954], %add3A_948 : memref<256xf32, #tpu.memory_space<vmem>>[vector<16xi32>], vector<16xf32>,
      %add3A_955 = arith.constant 11 : i32
      %add3A_956 = arith.addi %mul3A_260, %add3A_955 : i32
      %slice3A_957 = vector.extract_strided_slice %mul3A_274 {offsets = [11], sizes = [1], strides = [1]} : vector<16xi32> to vector<1xi32>
      %squeeze3A_958 = vector.extract %slice3A_957[0] : i32 from vector<1xi32>
      %slice3A_959 = vector.extract_strided_slice %mul3A_283 {offsets = [11], sizes = [1], strides = [1]} : vector<16xi32> to vector<1xi32>
      %squeeze3A_960 = vector.extract %slice3A_959[0] : i32 from vector<1xi32>
      %get3A_961 = arith.index_cast %add3A_956 : i32 to index
      %get3A_962 = arith.index_cast %squeeze3A_958 : i32 to index
      %get3A_963 = tpu.vector_load %arg15[%get3A_961, %get3A_962] {strides = array<i32>} : memref<128x128xf32, #tpu.memory_space<vmem>>, vector<16xf32>,
      %get3A_964 = arith.index_cast %add3A_956 : i32 to index
      %get3A_965 = arith.index_cast %squeeze3A_960 : i32 to index
      %get3A_966 = tpu.vector_load %arg16[%get3A_964, %get3A_965] {strides = array<i32>} : memref<128x128xf32, #tpu.memory_space<vmem>>, vector<16xf32>,
      %mul3A_967 = arith.mulf %get3A_963, %get3A_966 : vector<16xf32>
      %add3A_968 = arith.constant 16 : i32
      %add3A_969 = arith.addi %squeeze3A_958, %add3A_968 : i32
      %get3A_970 = arith.index_cast %add3A_956 : i32 to index
      %get3A_971 = arith.index_cast %add3A_969 : i32 to index
      %get3A_972 = tpu.vector_load %arg15[%get3A_970, %get3A_971] {strides = array<i32>} : memref<128x128xf32, #tpu.memory_space<vmem>>, vector<16xf32>,
      %add3A_973 = arith.constant 16 : i32
      %add3A_974 = arith.addi %squeeze3A_960, %add3A_973 : i32
      %get3A_975 = arith.index_cast %add3A_956 : i32 to index
      %get3A_976 = arith.index_cast %add3A_974 : i32 to index
      %get3A_977 = tpu.vector_load %arg16[%get3A_975, %get3A_976] {strides = array<i32>} : memref<128x128xf32, #tpu.memory_space<vmem>>, vector<16xf32>,
      %mul3A_978 = arith.mulf %get3A_972, %get3A_977 : vector<16xf32>
      %add3A_979 = arith.addf %mul3A_967, %mul3A_978 : vector<16xf32>
      %slice3A_980 = vector.extract_strided_slice %and3A_286 {offsets = [11], sizes = [1], strides = [1]} : vector<16xi32> to vector<1xi32>
      %squeeze3A_981 = vector.extract %slice3A_980[0] : i32 from vector<1xi32>
      %slice3A_982 = vector.extract_strided_slice %and3A_289 {offsets = [11], sizes = [1], strides = [1]} : vector<16xi32> to vector<1xi32>
      %squeeze3A_983 = vector.extract %slice3A_982[0] : i32 from vector<1xi32>
      %and3A_984 = arith.constant 112 : i32
      %and3A_985 = arith.andi %squeeze3A_981, %and3A_984 : i32
      %get3A_986 = arith.index_cast %add3A_956 : i32 to index
      %get3A_987 = arith.index_cast %and3A_985 : i32 to index
      %get3A_988 = tpu.vector_load %arg17[%get3A_986, %get3A_987] {strides = array<i32>} : memref<128x128xf32, #tpu.memory_space<vmem>>, vector<16xf32>,
      %and3A_989 = arith.constant 112 : i32
      %and3A_990 = arith.andi %squeeze3A_983, %and3A_989 : i32
      %get3A_991 = arith.index_cast %add3A_956 : i32 to index
      %get3A_992 = arith.index_cast %and3A_990 : i32 to index
      %get3A_993 = tpu.vector_load %arg18[%get3A_991, %get3A_992] {strides = array<i32>} : memref<128x128xf32, #tpu.memory_space<vmem>>, vector<16xf32>,
      %and3A_994 = arith.constant 15 : i32
      %and3A_995 = arith.andi %squeeze3A_981, %and3A_994 : i32
      %eq3A_996 = vector.broadcast %and3A_995 : i32 to vector<16xi32>
      %eq3A_997 = arith.cmpi eq, %iota3A, %eq3A_996 : vector<16xi32>
      %jit3A_998 = arith.constant 0.000000e+00 : f32
      %broadcast_in_dim3A_999 = vector.broadcast %jit3A_998 : f32 to vector<16xf32>
      %select_n3A_1000 = arith.select %eq3A_997, %get3A_988, %broadcast_in_dim3A_999 : vector<16xi1>, vector<16xf32>
      %add3A_1001 = arith.addf %add3A_979, %select_n3A_1000 : vector<16xf32>
      %and3A_1002 = arith.constant 15 : i32
      %and3A_1003 = arith.andi %squeeze3A_983, %and3A_1002 : i32
      %eq3A_1004 = vector.broadcast %and3A_1003 : i32 to vector<16xi32>
      %eq3A_1005 = arith.cmpi eq, %iota3A, %eq3A_1004 : vector<16xi32>
      %jit3A_1006 = arith.constant 0.000000e+00 : f32
      %broadcast_in_dim3A_1007 = vector.broadcast %jit3A_1006 : f32 to vector<16xf32>
      %select_n3A_1008 = arith.select %eq3A_1005, %get3A_993, %broadcast_in_dim3A_1007 : vector<16xi1>, vector<16xf32>
      %add3A_1009 = arith.addf %add3A_1001, %select_n3A_1008 : vector<16xf32>
      %mul3A_1010 = arith.constant 16 : i32
      %mul3A_1011 = vector.broadcast %mul3A_1010 : i32 to vector<16xi32>
      %mul3A_1012 = arith.muli %iota3A, %mul3A_1011 : vector<16xi32>
      %add3A_1013 = arith.constant 11 : i32
      %add3A_1014 = vector.broadcast %add3A_1013 : i32 to vector<16xi32>
      %add3A_1015 = arith.addi %mul3A_1012, %add3A_1014 : vector<16xi32>
      tpu.vector_store_idx %arg19[%add3A_1015], %add3A_1009 : memref<256xf32, #tpu.memory_space<vmem>>[vector<16xi32>], vector<16xf32>,
      %add3A_1016 = arith.constant 12 : i32
      %add3A_1017 = arith.addi %mul3A_260, %add3A_1016 : i32
      %slice3A_1018 = vector.extract_strided_slice %mul3A_274 {offsets = [12], sizes = [1], strides = [1]} : vector<16xi32> to vector<1xi32>
      %squeeze3A_1019 = vector.extract %slice3A_1018[0] : i32 from vector<1xi32>
      %slice3A_1020 = vector.extract_strided_slice %mul3A_283 {offsets = [12], sizes = [1], strides = [1]} : vector<16xi32> to vector<1xi32>
      %squeeze3A_1021 = vector.extract %slice3A_1020[0] : i32 from vector<1xi32>
      %get3A_1022 = arith.index_cast %add3A_1017 : i32 to index
      %get3A_1023 = arith.index_cast %squeeze3A_1019 : i32 to index
      %get3A_1024 = tpu.vector_load %arg15[%get3A_1022, %get3A_1023] {strides = array<i32>} : memref<128x128xf32, #tpu.memory_space<vmem>>, vector<16xf32>,
      %get3A_1025 = arith.index_cast %add3A_1017 : i32 to index
      %get3A_1026 = arith.index_cast %squeeze3A_1021 : i32 to index
      %get3A_1027 = tpu.vector_load %arg16[%get3A_1025, %get3A_1026] {strides = array<i32>} : memref<128x128xf32, #tpu.memory_space<vmem>>, vector<16xf32>,
      %mul3A_1028 = arith.mulf %get3A_1024, %get3A_1027 : vector<16xf32>
      %add3A_1029 = arith.constant 16 : i32
      %add3A_1030 = arith.addi %squeeze3A_1019, %add3A_1029 : i32
      %get3A_1031 = arith.index_cast %add3A_1017 : i32 to index
      %get3A_1032 = arith.index_cast %add3A_1030 : i32 to index
      %get3A_1033 = tpu.vector_load %arg15[%get3A_1031, %get3A_1032] {strides = array<i32>} : memref<128x128xf32, #tpu.memory_space<vmem>>, vector<16xf32>,
      %add3A_1034 = arith.constant 16 : i32
      %add3A_1035 = arith.addi %squeeze3A_1021, %add3A_1034 : i32
      %get3A_1036 = arith.index_cast %add3A_1017 : i32 to index
      %get3A_1037 = arith.index_cast %add3A_1035 : i32 to index
      %get3A_1038 = tpu.vector_load %arg16[%get3A_1036, %get3A_1037] {strides = array<i32>} : memref<128x128xf32, #tpu.memory_space<vmem>>, vector<16xf32>,
      %mul3A_1039 = arith.mulf %get3A_1033, %get3A_1038 : vector<16xf32>
      %add3A_1040 = arith.addf %mul3A_1028, %mul3A_1039 : vector<16xf32>
      %slice3A_1041 = vector.extract_strided_slice %and3A_286 {offsets = [12], sizes = [1], strides = [1]} : vector<16xi32> to vector<1xi32>
      %squeeze3A_1042 = vector.extract %slice3A_1041[0] : i32 from vector<1xi32>
      %slice3A_1043 = vector.extract_strided_slice %and3A_289 {offsets = [12], sizes = [1], strides = [1]} : vector<16xi32> to vector<1xi32>
      %squeeze3A_1044 = vector.extract %slice3A_1043[0] : i32 from vector<1xi32>
      %and3A_1045 = arith.constant 112 : i32
      %and3A_1046 = arith.andi %squeeze3A_1042, %and3A_1045 : i32
      %get3A_1047 = arith.index_cast %add3A_1017 : i32 to index
      %get3A_1048 = arith.index_cast %and3A_1046 : i32 to index
      %get3A_1049 = tpu.vector_load %arg17[%get3A_1047, %get3A_1048] {strides = array<i32>} : memref<128x128xf32, #tpu.memory_space<vmem>>, vector<16xf32>,
      %and3A_1050 = arith.constant 112 : i32
      %and3A_1051 = arith.andi %squeeze3A_1044, %and3A_1050 : i32
      %get3A_1052 = arith.index_cast %add3A_1017 : i32 to index
      %get3A_1053 = arith.index_cast %and3A_1051 : i32 to index
      %get3A_1054 = tpu.vector_load %arg18[%get3A_1052, %get3A_1053] {strides = array<i32>} : memref<128x128xf32, #tpu.memory_space<vmem>>, vector<16xf32>,
      %and3A_1055 = arith.constant 15 : i32
      %and3A_1056 = arith.andi %squeeze3A_1042, %and3A_1055 : i32
      %eq3A_1057 = vector.broadcast %and3A_1056 : i32 to vector<16xi32>
      %eq3A_1058 = arith.cmpi eq, %iota3A, %eq3A_1057 : vector<16xi32>
      %jit3A_1059 = arith.constant 0.000000e+00 : f32
      %broadcast_in_dim3A_1060 = vector.broadcast %jit3A_1059 : f32 to vector<16xf32>
      %select_n3A_1061 = arith.select %eq3A_1058, %get3A_1049, %broadcast_in_dim3A_1060 : vector<16xi1>, vector<16xf32>
      %add3A_1062 = arith.addf %add3A_1040, %select_n3A_1061 : vector<16xf32>
      %and3A_1063 = arith.constant 15 : i32
      %and3A_1064 = arith.andi %squeeze3A_1044, %and3A_1063 : i32
      %eq3A_1065 = vector.broadcast %and3A_1064 : i32 to vector<16xi32>
      %eq3A_1066 = arith.cmpi eq, %iota3A, %eq3A_1065 : vector<16xi32>
      %jit3A_1067 = arith.constant 0.000000e+00 : f32
      %broadcast_in_dim3A_1068 = vector.broadcast %jit3A_1067 : f32 to vector<16xf32>
      %select_n3A_1069 = arith.select %eq3A_1066, %get3A_1054, %broadcast_in_dim3A_1068 : vector<16xi1>, vector<16xf32>
      %add3A_1070 = arith.addf %add3A_1062, %select_n3A_1069 : vector<16xf32>
      %mul3A_1071 = arith.constant 16 : i32
      %mul3A_1072 = vector.broadcast %mul3A_1071 : i32 to vector<16xi32>
      %mul3A_1073 = arith.muli %iota3A, %mul3A_1072 : vector<16xi32>
      %add3A_1074 = arith.constant 12 : i32
      %add3A_1075 = vector.broadcast %add3A_1074 : i32 to vector<16xi32>
      %add3A_1076 = arith.addi %mul3A_1073, %add3A_1075 : vector<16xi32>
      tpu.vector_store_idx %arg19[%add3A_1076], %add3A_1070 : memref<256xf32, #tpu.memory_space<vmem>>[vector<16xi32>], vector<16xf32>,
      %add3A_1077 = arith.constant 13 : i32
      %add3A_1078 = arith.addi %mul3A_260, %add3A_1077 : i32
      %slice3A_1079 = vector.extract_strided_slice %mul3A_274 {offsets = [13], sizes = [1], strides = [1]} : vector<16xi32> to vector<1xi32>
      %squeeze3A_1080 = vector.extract %slice3A_1079[0] : i32 from vector<1xi32>
      %slice3A_1081 = vector.extract_strided_slice %mul3A_283 {offsets = [13], sizes = [1], strides = [1]} : vector<16xi32> to vector<1xi32>
      %squeeze3A_1082 = vector.extract %slice3A_1081[0] : i32 from vector<1xi32>
      %get3A_1083 = arith.index_cast %add3A_1078 : i32 to index
      %get3A_1084 = arith.index_cast %squeeze3A_1080 : i32 to index
      %get3A_1085 = tpu.vector_load %arg15[%get3A_1083, %get3A_1084] {strides = array<i32>} : memref<128x128xf32, #tpu.memory_space<vmem>>, vector<16xf32>,
      %get3A_1086 = arith.index_cast %add3A_1078 : i32 to index
      %get3A_1087 = arith.index_cast %squeeze3A_1082 : i32 to index
      %get3A_1088 = tpu.vector_load %arg16[%get3A_1086, %get3A_1087] {strides = array<i32>} : memref<128x128xf32, #tpu.memory_space<vmem>>, vector<16xf32>,
      %mul3A_1089 = arith.mulf %get3A_1085, %get3A_1088 : vector<16xf32>
      %add3A_1090 = arith.constant 16 : i32
      %add3A_1091 = arith.addi %squeeze3A_1080, %add3A_1090 : i32
      %get3A_1092 = arith.index_cast %add3A_1078 : i32 to index
      %get3A_1093 = arith.index_cast %add3A_1091 : i32 to index
      %get3A_1094 = tpu.vector_load %arg15[%get3A_1092, %get3A_1093] {strides = array<i32>} : memref<128x128xf32, #tpu.memory_space<vmem>>, vector<16xf32>,
      %add3A_1095 = arith.constant 16 : i32
      %add3A_1096 = arith.addi %squeeze3A_1082, %add3A_1095 : i32
      %get3A_1097 = arith.index_cast %add3A_1078 : i32 to index
      %get3A_1098 = arith.index_cast %add3A_1096 : i32 to index
      %get3A_1099 = tpu.vector_load %arg16[%get3A_1097, %get3A_1098] {strides = array<i32>} : memref<128x128xf32, #tpu.memory_space<vmem>>, vector<16xf32>,
      %mul3A_1100 = arith.mulf %get3A_1094, %get3A_1099 : vector<16xf32>
      %add3A_1101 = arith.addf %mul3A_1089, %mul3A_1100 : vector<16xf32>
      %slice3A_1102 = vector.extract_strided_slice %and3A_286 {offsets = [13], sizes = [1], strides = [1]} : vector<16xi32> to vector<1xi32>
      %squeeze3A_1103 = vector.extract %slice3A_1102[0] : i32 from vector<1xi32>
      %slice3A_1104 = vector.extract_strided_slice %and3A_289 {offsets = [13], sizes = [1], strides = [1]} : vector<16xi32> to vector<1xi32>
      %squeeze3A_1105 = vector.extract %slice3A_1104[0] : i32 from vector<1xi32>
      %and3A_1106 = arith.constant 112 : i32
      %and3A_1107 = arith.andi %squeeze3A_1103, %and3A_1106 : i32
      %get3A_1108 = arith.index_cast %add3A_1078 : i32 to index
      %get3A_1109 = arith.index_cast %and3A_1107 : i32 to index
      %get3A_1110 = tpu.vector_load %arg17[%get3A_1108, %get3A_1109] {strides = array<i32>} : memref<128x128xf32, #tpu.memory_space<vmem>>, vector<16xf32>,
      %and3A_1111 = arith.constant 112 : i32
      %and3A_1112 = arith.andi %squeeze3A_1105, %and3A_1111 : i32
      %get3A_1113 = arith.index_cast %add3A_1078 : i32 to index
      %get3A_1114 = arith.index_cast %and3A_1112 : i32 to index
      %get3A_1115 = tpu.vector_load %arg18[%get3A_1113, %get3A_1114] {strides = array<i32>} : memref<128x128xf32, #tpu.memory_space<vmem>>, vector<16xf32>,
      %and3A_1116 = arith.constant 15 : i32
      %and3A_1117 = arith.andi %squeeze3A_1103, %and3A_1116 : i32
      %eq3A_1118 = vector.broadcast %and3A_1117 : i32 to vector<16xi32>
      %eq3A_1119 = arith.cmpi eq, %iota3A, %eq3A_1118 : vector<16xi32>
      %jit3A_1120 = arith.constant 0.000000e+00 : f32
      %broadcast_in_dim3A_1121 = vector.broadcast %jit3A_1120 : f32 to vector<16xf32>
      %select_n3A_1122 = arith.select %eq3A_1119, %get3A_1110, %broadcast_in_dim3A_1121 : vector<16xi1>, vector<16xf32>
      %add3A_1123 = arith.addf %add3A_1101, %select_n3A_1122 : vector<16xf32>
      %and3A_1124 = arith.constant 15 : i32
      %and3A_1125 = arith.andi %squeeze3A_1105, %and3A_1124 : i32
      %eq3A_1126 = vector.broadcast %and3A_1125 : i32 to vector<16xi32>
      %eq3A_1127 = arith.cmpi eq, %iota3A, %eq3A_1126 : vector<16xi32>
      %jit3A_1128 = arith.constant 0.000000e+00 : f32
      %broadcast_in_dim3A_1129 = vector.broadcast %jit3A_1128 : f32 to vector<16xf32>
      %select_n3A_1130 = arith.select %eq3A_1127, %get3A_1115, %broadcast_in_dim3A_1129 : vector<16xi1>, vector<16xf32>
      %add3A_1131 = arith.addf %add3A_1123, %select_n3A_1130 : vector<16xf32>
      %mul3A_1132 = arith.constant 16 : i32
      %mul3A_1133 = vector.broadcast %mul3A_1132 : i32 to vector<16xi32>
      %mul3A_1134 = arith.muli %iota3A, %mul3A_1133 : vector<16xi32>
      %add3A_1135 = arith.constant 13 : i32
      %add3A_1136 = vector.broadcast %add3A_1135 : i32 to vector<16xi32>
      %add3A_1137 = arith.addi %mul3A_1134, %add3A_1136 : vector<16xi32>
      tpu.vector_store_idx %arg19[%add3A_1137], %add3A_1131 : memref<256xf32, #tpu.memory_space<vmem>>[vector<16xi32>], vector<16xf32>,
      %add3A_1138 = arith.constant 14 : i32
      %add3A_1139 = arith.addi %mul3A_260, %add3A_1138 : i32
      %slice3A_1140 = vector.extract_strided_slice %mul3A_274 {offsets = [14], sizes = [1], strides = [1]} : vector<16xi32> to vector<1xi32>
      %squeeze3A_1141 = vector.extract %slice3A_1140[0] : i32 from vector<1xi32>
      %slice3A_1142 = vector.extract_strided_slice %mul3A_283 {offsets = [14], sizes = [1], strides = [1]} : vector<16xi32> to vector<1xi32>
      %squeeze3A_1143 = vector.extract %slice3A_1142[0] : i32 from vector<1xi32>
      %get3A_1144 = arith.index_cast %add3A_1139 : i32 to index
      %get3A_1145 = arith.index_cast %squeeze3A_1141 : i32 to index
      %get3A_1146 = tpu.vector_load %arg15[%get3A_1144, %get3A_1145] {strides = array<i32>} : memref<128x128xf32, #tpu.memory_space<vmem>>, vector<16xf32>,
      %get3A_1147 = arith.index_cast %add3A_1139 : i32 to index
      %get3A_1148 = arith.index_cast %squeeze3A_1143 : i32 to index
      %get3A_1149 = tpu.vector_load %arg16[%get3A_1147, %get3A_1148] {strides = array<i32>} : memref<128x128xf32, #tpu.memory_space<vmem>>, vector<16xf32>,
      %mul3A_1150 = arith.mulf %get3A_1146, %get3A_1149 : vector<16xf32>
      %add3A_1151 = arith.constant 16 : i32
      %add3A_1152 = arith.addi %squeeze3A_1141, %add3A_1151 : i32
      %get3A_1153 = arith.index_cast %add3A_1139 : i32 to index
      %get3A_1154 = arith.index_cast %add3A_1152 : i32 to index
      %get3A_1155 = tpu.vector_load %arg15[%get3A_1153, %get3A_1154] {strides = array<i32>} : memref<128x128xf32, #tpu.memory_space<vmem>>, vector<16xf32>,
      %add3A_1156 = arith.constant 16 : i32
      %add3A_1157 = arith.addi %squeeze3A_1143, %add3A_1156 : i32
      %get3A_1158 = arith.index_cast %add3A_1139 : i32 to index
      %get3A_1159 = arith.index_cast %add3A_1157 : i32 to index
      %get3A_1160 = tpu.vector_load %arg16[%get3A_1158, %get3A_1159] {strides = array<i32>} : memref<128x128xf32, #tpu.memory_space<vmem>>, vector<16xf32>,
      %mul3A_1161 = arith.mulf %get3A_1155, %get3A_1160 : vector<16xf32>
      %add3A_1162 = arith.addf %mul3A_1150, %mul3A_1161 : vector<16xf32>
      %slice3A_1163 = vector.extract_strided_slice %and3A_286 {offsets = [14], sizes = [1], strides = [1]} : vector<16xi32> to vector<1xi32>
      %squeeze3A_1164 = vector.extract %slice3A_1163[0] : i32 from vector<1xi32>
      %slice3A_1165 = vector.extract_strided_slice %and3A_289 {offsets = [14], sizes = [1], strides = [1]} : vector<16xi32> to vector<1xi32>
      %squeeze3A_1166 = vector.extract %slice3A_1165[0] : i32 from vector<1xi32>
      %and3A_1167 = arith.constant 112 : i32
      %and3A_1168 = arith.andi %squeeze3A_1164, %and3A_1167 : i32
      %get3A_1169 = arith.index_cast %add3A_1139 : i32 to index
      %get3A_1170 = arith.index_cast %and3A_1168 : i32 to index
      %get3A_1171 = tpu.vector_load %arg17[%get3A_1169, %get3A_1170] {strides = array<i32>} : memref<128x128xf32, #tpu.memory_space<vmem>>, vector<16xf32>,
      %and3A_1172 = arith.constant 112 : i32
      %and3A_1173 = arith.andi %squeeze3A_1166, %and3A_1172 : i32
      %get3A_1174 = arith.index_cast %add3A_1139 : i32 to index
      %get3A_1175 = arith.index_cast %and3A_1173 : i32 to index
      %get3A_1176 = tpu.vector_load %arg18[%get3A_1174, %get3A_1175] {strides = array<i32>} : memref<128x128xf32, #tpu.memory_space<vmem>>, vector<16xf32>,
      %and3A_1177 = arith.constant 15 : i32
      %and3A_1178 = arith.andi %squeeze3A_1164, %and3A_1177 : i32
      %eq3A_1179 = vector.broadcast %and3A_1178 : i32 to vector<16xi32>
      %eq3A_1180 = arith.cmpi eq, %iota3A, %eq3A_1179 : vector<16xi32>
      %jit3A_1181 = arith.constant 0.000000e+00 : f32
      %broadcast_in_dim3A_1182 = vector.broadcast %jit3A_1181 : f32 to vector<16xf32>
      %select_n3A_1183 = arith.select %eq3A_1180, %get3A_1171, %broadcast_in_dim3A_1182 : vector<16xi1>, vector<16xf32>
      %add3A_1184 = arith.addf %add3A_1162, %select_n3A_1183 : vector<16xf32>
      %and3A_1185 = arith.constant 15 : i32
      %and3A_1186 = arith.andi %squeeze3A_1166, %and3A_1185 : i32
      %eq3A_1187 = vector.broadcast %and3A_1186 : i32 to vector<16xi32>
      %eq3A_1188 = arith.cmpi eq, %iota3A, %eq3A_1187 : vector<16xi32>
      %jit3A_1189 = arith.constant 0.000000e+00 : f32
      %broadcast_in_dim3A_1190 = vector.broadcast %jit3A_1189 : f32 to vector<16xf32>
      %select_n3A_1191 = arith.select %eq3A_1188, %get3A_1176, %broadcast_in_dim3A_1190 : vector<16xi1>, vector<16xf32>
      %add3A_1192 = arith.addf %add3A_1184, %select_n3A_1191 : vector<16xf32>
      %mul3A_1193 = arith.constant 16 : i32
      %mul3A_1194 = vector.broadcast %mul3A_1193 : i32 to vector<16xi32>
      %mul3A_1195 = arith.muli %iota3A, %mul3A_1194 : vector<16xi32>
      %add3A_1196 = arith.constant 14 : i32
      %add3A_1197 = vector.broadcast %add3A_1196 : i32 to vector<16xi32>
      %add3A_1198 = arith.addi %mul3A_1195, %add3A_1197 : vector<16xi32>
      tpu.vector_store_idx %arg19[%add3A_1198], %add3A_1192 : memref<256xf32, #tpu.memory_space<vmem>>[vector<16xi32>], vector<16xf32>,
      %add3A_1199 = arith.constant 15 : i32
      %add3A_1200 = arith.addi %mul3A_260, %add3A_1199 : i32
      %slice3A_1201 = vector.extract_strided_slice %mul3A_274 {offsets = [15], sizes = [1], strides = [1]} : vector<16xi32> to vector<1xi32>
      %squeeze3A_1202 = vector.extract %slice3A_1201[0] : i32 from vector<1xi32>
      %slice3A_1203 = vector.extract_strided_slice %mul3A_283 {offsets = [15], sizes = [1], strides = [1]} : vector<16xi32> to vector<1xi32>
      %squeeze3A_1204 = vector.extract %slice3A_1203[0] : i32 from vector<1xi32>
      %get3A_1205 = arith.index_cast %add3A_1200 : i32 to index
      %get3A_1206 = arith.index_cast %squeeze3A_1202 : i32 to index
      %get3A_1207 = tpu.vector_load %arg15[%get3A_1205, %get3A_1206] {strides = array<i32>} : memref<128x128xf32, #tpu.memory_space<vmem>>, vector<16xf32>,
      %get3A_1208 = arith.index_cast %add3A_1200 : i32 to index
      %get3A_1209 = arith.index_cast %squeeze3A_1204 : i32 to index
      %get3A_1210 = tpu.vector_load %arg16[%get3A_1208, %get3A_1209] {strides = array<i32>} : memref<128x128xf32, #tpu.memory_space<vmem>>, vector<16xf32>,
      %mul3A_1211 = arith.mulf %get3A_1207, %get3A_1210 : vector<16xf32>
      %add3A_1212 = arith.constant 16 : i32
      %add3A_1213 = arith.addi %squeeze3A_1202, %add3A_1212 : i32
      %get3A_1214 = arith.index_cast %add3A_1200 : i32 to index
      %get3A_1215 = arith.index_cast %add3A_1213 : i32 to index
      %get3A_1216 = tpu.vector_load %arg15[%get3A_1214, %get3A_1215] {strides = array<i32>} : memref<128x128xf32, #tpu.memory_space<vmem>>, vector<16xf32>,
      %add3A_1217 = arith.constant 16 : i32
      %add3A_1218 = arith.addi %squeeze3A_1204, %add3A_1217 : i32
      %get3A_1219 = arith.index_cast %add3A_1200 : i32 to index
      %get3A_1220 = arith.index_cast %add3A_1218 : i32 to index
      %get3A_1221 = tpu.vector_load %arg16[%get3A_1219, %get3A_1220] {strides = array<i32>} : memref<128x128xf32, #tpu.memory_space<vmem>>, vector<16xf32>,
      %mul3A_1222 = arith.mulf %get3A_1216, %get3A_1221 : vector<16xf32>
      %add3A_1223 = arith.addf %mul3A_1211, %mul3A_1222 : vector<16xf32>
      %slice3A_1224 = vector.extract_strided_slice %and3A_286 {offsets = [15], sizes = [1], strides = [1]} : vector<16xi32> to vector<1xi32>
      %squeeze3A_1225 = vector.extract %slice3A_1224[0] : i32 from vector<1xi32>
      %slice3A_1226 = vector.extract_strided_slice %and3A_289 {offsets = [15], sizes = [1], strides = [1]} : vector<16xi32> to vector<1xi32>
      %squeeze3A_1227 = vector.extract %slice3A_1226[0] : i32 from vector<1xi32>
      %and3A_1228 = arith.constant 112 : i32
      %and3A_1229 = arith.andi %squeeze3A_1225, %and3A_1228 : i32
      %get3A_1230 = arith.index_cast %add3A_1200 : i32 to index
      %get3A_1231 = arith.index_cast %and3A_1229 : i32 to index
      %get3A_1232 = tpu.vector_load %arg17[%get3A_1230, %get3A_1231] {strides = array<i32>} : memref<128x128xf32, #tpu.memory_space<vmem>>, vector<16xf32>,
      %and3A_1233 = arith.constant 112 : i32
      %and3A_1234 = arith.andi %squeeze3A_1227, %and3A_1233 : i32
      %get3A_1235 = arith.index_cast %add3A_1200 : i32 to index
      %get3A_1236 = arith.index_cast %and3A_1234 : i32 to index
      %get3A_1237 = tpu.vector_load %arg18[%get3A_1235, %get3A_1236] {strides = array<i32>} : memref<128x128xf32, #tpu.memory_space<vmem>>, vector<16xf32>,
      %and3A_1238 = arith.constant 15 : i32
      %and3A_1239 = arith.andi %squeeze3A_1225, %and3A_1238 : i32
      %eq3A_1240 = vector.broadcast %and3A_1239 : i32 to vector<16xi32>
      %eq3A_1241 = arith.cmpi eq, %iota3A, %eq3A_1240 : vector<16xi32>
      %jit3A_1242 = arith.constant 0.000000e+00 : f32
      %broadcast_in_dim3A_1243 = vector.broadcast %jit3A_1242 : f32 to vector<16xf32>
      %select_n3A_1244 = arith.select %eq3A_1241, %get3A_1232, %broadcast_in_dim3A_1243 : vector<16xi1>, vector<16xf32>
      %add3A_1245 = arith.addf %add3A_1223, %select_n3A_1244 : vector<16xf32>
      %and3A_1246 = arith.constant 15 : i32
      %and3A_1247 = arith.andi %squeeze3A_1227, %and3A_1246 : i32
      %eq3A_1248 = vector.broadcast %and3A_1247 : i32 to vector<16xi32>
      %eq3A_1249 = arith.cmpi eq, %iota3A, %eq3A_1248 : vector<16xi32>
      %jit3A_1250 = arith.constant 0.000000e+00 : f32
      %broadcast_in_dim3A_1251 = vector.broadcast %jit3A_1250 : f32 to vector<16xf32>
      %select_n3A_1252 = arith.select %eq3A_1249, %get3A_1237, %broadcast_in_dim3A_1251 : vector<16xi1>, vector<16xf32>
      %add3A_1253 = arith.addf %add3A_1245, %select_n3A_1252 : vector<16xf32>
      %mul3A_1254 = arith.constant 16 : i32
      %mul3A_1255 = vector.broadcast %mul3A_1254 : i32 to vector<16xi32>
      %mul3A_1256 = arith.muli %iota3A, %mul3A_1255 : vector<16xi32>
      %add3A_1257 = arith.constant 15 : i32
      %add3A_1258 = vector.broadcast %add3A_1257 : i32 to vector<16xi32>
      %add3A_1259 = arith.addi %mul3A_1256, %add3A_1258 : vector<16xi32>
      tpu.vector_store_idx %arg19[%add3A_1259], %add3A_1253 : memref<256xf32, #tpu.memory_space<vmem>>[vector<16xi32>], vector<16xf32>,
      %get3A_1260 = arith.constant 0 : index
      %get3A_1261 = tpu.vector_load %arg19[%get3A_1260] {strides = array<i32>} : memref<256xf32, #tpu.memory_space<vmem>>, vector<16xf32>,
      %get3A_1262 = arith.constant 16 : index
      %get3A_1263 = tpu.vector_load %arg19[%get3A_1262] {strides = array<i32>} : memref<256xf32, #tpu.memory_space<vmem>>, vector<16xf32>,
      %add3A_1264 = arith.addf %get3A_1261, %get3A_1263 : vector<16xf32>
      %get3A_1265 = arith.constant 32 : index
      %get3A_1266 = tpu.vector_load %arg19[%get3A_1265] {strides = array<i32>} : memref<256xf32, #tpu.memory_space<vmem>>, vector<16xf32>,
      %add3A_1267 = arith.addf %add3A_1264, %get3A_1266 : vector<16xf32>
      %get3A_1268 = arith.constant 48 : index
      %get3A_1269 = tpu.vector_load %arg19[%get3A_1268] {strides = array<i32>} : memref<256xf32, #tpu.memory_space<vmem>>, vector<16xf32>,
      %add3A_1270 = arith.addf %add3A_1267, %get3A_1269 : vector<16xf32>
      %get3A_1271 = arith.constant 64 : index
      %get3A_1272 = tpu.vector_load %arg19[%get3A_1271] {strides = array<i32>} : memref<256xf32, #tpu.memory_space<vmem>>, vector<16xf32>,
      %add3A_1273 = arith.addf %add3A_1270, %get3A_1272 : vector<16xf32>
      %get3A_1274 = arith.constant 80 : index
      %get3A_1275 = tpu.vector_load %arg19[%get3A_1274] {strides = array<i32>} : memref<256xf32, #tpu.memory_space<vmem>>, vector<16xf32>,
      %add3A_1276 = arith.addf %add3A_1273, %get3A_1275 : vector<16xf32>
      %get3A_1277 = arith.constant 96 : index
      %get3A_1278 = tpu.vector_load %arg19[%get3A_1277] {strides = array<i32>} : memref<256xf32, #tpu.memory_space<vmem>>, vector<16xf32>,
      %add3A_1279 = arith.addf %add3A_1276, %get3A_1278 : vector<16xf32>
      %get3A_1280 = arith.constant 112 : index
      %get3A_1281 = tpu.vector_load %arg19[%get3A_1280] {strides = array<i32>} : memref<256xf32, #tpu.memory_space<vmem>>, vector<16xf32>,
      %add3A_1282 = arith.addf %add3A_1279, %get3A_1281 : vector<16xf32>
      %get3A_1283 = arith.constant 128 : index
      %get3A_1284 = tpu.vector_load %arg19[%get3A_1283] {strides = array<i32>} : memref<256xf32, #tpu.memory_space<vmem>>, vector<16xf32>,
      %add3A_1285 = arith.addf %add3A_1282, %get3A_1284 : vector<16xf32>
      %get3A_1286 = arith.constant 144 : index
      %get3A_1287 = tpu.vector_load %arg19[%get3A_1286] {strides = array<i32>} : memref<256xf32, #tpu.memory_space<vmem>>, vector<16xf32>,
      %add3A_1288 = arith.addf %add3A_1285, %get3A_1287 : vector<16xf32>
      %get3A_1289 = arith.constant 160 : index
      %get3A_1290 = tpu.vector_load %arg19[%get3A_1289] {strides = array<i32>} : memref<256xf32, #tpu.memory_space<vmem>>, vector<16xf32>,
      %add3A_1291 = arith.addf %add3A_1288, %get3A_1290 : vector<16xf32>
      %get3A_1292 = arith.constant 176 : index
      %get3A_1293 = tpu.vector_load %arg19[%get3A_1292] {strides = array<i32>} : memref<256xf32, #tpu.memory_space<vmem>>, vector<16xf32>,
      %add3A_1294 = arith.addf %add3A_1291, %get3A_1293 : vector<16xf32>
      %get3A_1295 = arith.constant 192 : index
      %get3A_1296 = tpu.vector_load %arg19[%get3A_1295] {strides = array<i32>} : memref<256xf32, #tpu.memory_space<vmem>>, vector<16xf32>,
      %add3A_1297 = arith.addf %add3A_1294, %get3A_1296 : vector<16xf32>
      %get3A_1298 = arith.constant 208 : index
      %get3A_1299 = tpu.vector_load %arg19[%get3A_1298] {strides = array<i32>} : memref<256xf32, #tpu.memory_space<vmem>>, vector<16xf32>,
      %add3A_1300 = arith.addf %add3A_1297, %get3A_1299 : vector<16xf32>
      %get3A_1301 = arith.constant 224 : index
      %get3A_1302 = tpu.vector_load %arg19[%get3A_1301] {strides = array<i32>} : memref<256xf32, #tpu.memory_space<vmem>>, vector<16xf32>,
      %add3A_1303 = arith.addf %add3A_1300, %get3A_1302 : vector<16xf32>
      %get3A_1304 = arith.constant 240 : index
      %get3A_1305 = tpu.vector_load %arg19[%get3A_1304] {strides = array<i32>} : memref<256xf32, #tpu.memory_space<vmem>>, vector<16xf32>,
      %add3A_1306 = arith.addf %add3A_1303, %get3A_1305 : vector<16xf32>
      %swap3A = arith.constant 2 : i32
      %swap3A_1307 = arith.index_cast %swap3A : i32 to index
      %swap3A_1308 = arith.index_cast %mul3A_260 : i32 to index
      %swap3A_1309 = tpu.vector_load %arg20[%swap3A_1307, %swap3A_1308] {strides = array<i32>} : memref<4x128xf32, #tpu.memory_space<vmem>>, vector<16xf32>,
      tpu.vector_store %arg20[%swap3A_1307, %swap3A_1308], %add3A_1306 {strides = array<i32>} : memref<4x128xf32, #tpu.memory_space<vmem>>, vector<16xf32>,
    }
    %scan3A_193 = arith.constant 8 : i32
    %dma_start3A_194 = arith.constant 3 : i32
    %dma_start3A_195 = arith.constant 0 : i32
    %dma_start3A_196 = tpu.memref_slice %arg11[%dma_start3A_194, %dma_start3A_195] : memref<4x128xi32, #tpu.memory_space<vmem>> -> memref<1x128xi32, #tpu.memory_space<vmem>>
    %dma_start3A_197 = tpu.memref_squeeze %dma_start3A_196 : memref<1x128xi32, #tpu.memory_space<vmem>> -> memref<128xi32, #tpu.memory_space<vmem>>
    %dma_start3A_198 = arith.constant 0 : i32
    %dma_start3A_199 = arith.constant 0 : i32
    %dma_start3A_200 = tpu.memref_slice %arg4[%dma_start3A_198, %dma_start3A_199] : memref<251904x128xf32, #tpu.memory_space<hbm>> -> memref<251904x128xf32, #tpu.memory_space<hbm>>
    tpu.enqueue_indirect_dma source(%dma_start3A_200 : memref<251904x128xf32, #tpu.memory_space<hbm>>) target(%arg15 : memref<128x128xf32, #tpu.memory_space<vmem>>) offsets(%dma_start3A_197 : memref<128xi32, #tpu.memory_space<vmem>>) semaphore(%arg21 : memref<!tpu.dma_semaphore, #tpu.memory_space<semaphore_mem>>)
    %dma_start3A_201 = arith.constant 3 : i32
    %dma_start3A_202 = arith.constant 0 : i32
    %dma_start3A_203 = tpu.memref_slice %arg12[%dma_start3A_201, %dma_start3A_202] : memref<4x128xi32, #tpu.memory_space<vmem>> -> memref<1x128xi32, #tpu.memory_space<vmem>>
    %dma_start3A_204 = tpu.memref_squeeze %dma_start3A_203 : memref<1x128xi32, #tpu.memory_space<vmem>> -> memref<128xi32, #tpu.memory_space<vmem>>
    %dma_start3A_205 = arith.constant 0 : i32
    %dma_start3A_206 = arith.constant 0 : i32
    %dma_start3A_207 = tpu.memref_slice %arg5[%dma_start3A_205, %dma_start3A_206] : memref<251904x128xf32, #tpu.memory_space<hbm>> -> memref<251904x128xf32, #tpu.memory_space<hbm>>
    tpu.enqueue_indirect_dma source(%dma_start3A_207 : memref<251904x128xf32, #tpu.memory_space<hbm>>) target(%arg16 : memref<128x128xf32, #tpu.memory_space<vmem>>) offsets(%dma_start3A_204 : memref<128xi32, #tpu.memory_space<vmem>>) semaphore(%arg21 : memref<!tpu.dma_semaphore, #tpu.memory_space<semaphore_mem>>)
    %dma_start3A_208 = arith.constant 3 : i32
    %dma_start3A_209 = arith.constant 0 : i32
    %dma_start3A_210 = tpu.memref_slice %arg13[%dma_start3A_208, %dma_start3A_209] : memref<4x128xi32, #tpu.memory_space<vmem>> -> memref<1x128xi32, #tpu.memory_space<vmem>>
    %dma_start3A_211 = tpu.memref_squeeze %dma_start3A_210 : memref<1x128xi32, #tpu.memory_space<vmem>> -> memref<128xi32, #tpu.memory_space<vmem>>
    %dma_start3A_212 = arith.constant 0 : i32
    %dma_start3A_213 = arith.constant 0 : i32
    %dma_start3A_214 = tpu.memref_slice %arg6[%dma_start3A_212, %dma_start3A_213] : memref<7813x128xf32, #tpu.memory_space<hbm>> -> memref<7813x128xf32, #tpu.memory_space<hbm>>
    tpu.enqueue_indirect_dma source(%dma_start3A_214 : memref<7813x128xf32, #tpu.memory_space<hbm>>) target(%arg17 : memref<128x128xf32, #tpu.memory_space<vmem>>) offsets(%dma_start3A_211 : memref<128xi32, #tpu.memory_space<vmem>>) semaphore(%arg21 : memref<!tpu.dma_semaphore, #tpu.memory_space<semaphore_mem>>)
    %dma_start3A_215 = arith.constant 3 : i32
    %dma_start3A_216 = arith.constant 0 : i32
    %dma_start3A_217 = tpu.memref_slice %arg14[%dma_start3A_215, %dma_start3A_216] : memref<4x128xi32, #tpu.memory_space<vmem>> -> memref<1x128xi32, #tpu.memory_space<vmem>>
    %dma_start3A_218 = tpu.memref_squeeze %dma_start3A_217 : memref<1x128xi32, #tpu.memory_space<vmem>> -> memref<128xi32, #tpu.memory_space<vmem>>
    %dma_start3A_219 = arith.constant 0 : i32
    %dma_start3A_220 = arith.constant 0 : i32
    %dma_start3A_221 = tpu.memref_slice %arg7[%dma_start3A_219, %dma_start3A_220] : memref<7813x128xf32, #tpu.memory_space<hbm>> -> memref<7813x128xf32, #tpu.memory_space<hbm>>
    tpu.enqueue_indirect_dma source(%dma_start3A_221 : memref<7813x128xf32, #tpu.memory_space<hbm>>) target(%arg18 : memref<128x128xf32, #tpu.memory_space<vmem>>) offsets(%dma_start3A_218 : memref<128xi32, #tpu.memory_space<vmem>>) semaphore(%arg21 : memref<!tpu.dma_semaphore, #tpu.memory_space<semaphore_mem>>)
    %dma_wait3A_222 = arith.constant 3 : i32
    %dma_wait3A_223 = arith.constant 0 : i32
    %dma_wait3A_224 = tpu.memref_slice %arg11[%dma_wait3A_222, %dma_wait3A_223] : memref<4x128xi32, #tpu.memory_space<vmem>> -> memref<1x128xi32, #tpu.memory_space<vmem>>
    %dma_wait3A_225 = tpu.memref_squeeze %dma_wait3A_224 : memref<1x128xi32, #tpu.memory_space<vmem>> -> memref<128xi32, #tpu.memory_space<vmem>>
    %dma_wait3A_226 = arith.constant 0 : i32
    %dma_wait3A_227 = arith.constant 0 : i32
    %dma_wait3A_228 = tpu.memref_slice %arg4[%dma_wait3A_226, %dma_wait3A_227] : memref<251904x128xf32, #tpu.memory_space<hbm>> -> memref<251904x128xf32, #tpu.memory_space<hbm>>
    tpu.wait_indirect_dma semaphore(%arg21 : memref<!tpu.dma_semaphore, #tpu.memory_space<semaphore_mem>>) src(%dma_wait3A_228 : memref<251904x128xf32, #tpu.memory_space<hbm>>) dst(%arg15 : memref<128x128xf32, #tpu.memory_space<vmem>>)
    %dma_wait3A_229 = arith.constant 3 : i32
    %dma_wait3A_230 = arith.constant 0 : i32
    %dma_wait3A_231 = tpu.memref_slice %arg12[%dma_wait3A_229, %dma_wait3A_230] : memref<4x128xi32, #tpu.memory_space<vmem>> -> memref<1x128xi32, #tpu.memory_space<vmem>>
    %dma_wait3A_232 = tpu.memref_squeeze %dma_wait3A_231 : memref<1x128xi32, #tpu.memory_space<vmem>> -> memref<128xi32, #tpu.memory_space<vmem>>
    %dma_wait3A_233 = arith.constant 0 : i32
    %dma_wait3A_234 = arith.constant 0 : i32
    %dma_wait3A_235 = tpu.memref_slice %arg5[%dma_wait3A_233, %dma_wait3A_234] : memref<251904x128xf32, #tpu.memory_space<hbm>> -> memref<251904x128xf32, #tpu.memory_space<hbm>>
    tpu.wait_indirect_dma semaphore(%arg21 : memref<!tpu.dma_semaphore, #tpu.memory_space<semaphore_mem>>) src(%dma_wait3A_235 : memref<251904x128xf32, #tpu.memory_space<hbm>>) dst(%arg16 : memref<128x128xf32, #tpu.memory_space<vmem>>)
    %dma_wait3A_236 = arith.constant 3 : i32
    %dma_wait3A_237 = arith.constant 0 : i32
    %dma_wait3A_238 = tpu.memref_slice %arg13[%dma_wait3A_236, %dma_wait3A_237] : memref<4x128xi32, #tpu.memory_space<vmem>> -> memref<1x128xi32, #tpu.memory_space<vmem>>
    %dma_wait3A_239 = tpu.memref_squeeze %dma_wait3A_238 : memref<1x128xi32, #tpu.memory_space<vmem>> -> memref<128xi32, #tpu.memory_space<vmem>>
    %dma_wait3A_240 = arith.constant 0 : i32
    %dma_wait3A_241 = arith.constant 0 : i32
    %dma_wait3A_242 = tpu.memref_slice %arg6[%dma_wait3A_240, %dma_wait3A_241] : memref<7813x128xf32, #tpu.memory_space<hbm>> -> memref<7813x128xf32, #tpu.memory_space<hbm>>
    tpu.wait_indirect_dma semaphore(%arg21 : memref<!tpu.dma_semaphore, #tpu.memory_space<semaphore_mem>>) src(%dma_wait3A_242 : memref<7813x128xf32, #tpu.memory_space<hbm>>) dst(%arg17 : memref<128x128xf32, #tpu.memory_space<vmem>>)
    %dma_wait3A_243 = arith.constant 3 : i32
    %dma_wait3A_244 = arith.constant 0 : i32
    %dma_wait3A_245 = tpu.memref_slice %arg14[%dma_wait3A_243, %dma_wait3A_244] : memref<4x128xi32, #tpu.memory_space<vmem>> -> memref<1x128xi32, #tpu.memory_space<vmem>>
    %dma_wait3A_246 = tpu.memref_squeeze %dma_wait3A_245 : memref<1x128xi32, #tpu.memory_space<vmem>> -> memref<128xi32, #tpu.memory_space<vmem>>
    %dma_wait3A_247 = arith.constant 0 : i32
    %dma_wait3A_248 = arith.constant 0 : i32
    %dma_wait3A_249 = tpu.memref_slice %arg7[%dma_wait3A_247, %dma_wait3A_248] : memref<7813x128xf32, #tpu.memory_space<hbm>> -> memref<7813x128xf32, #tpu.memory_space<hbm>>
    tpu.wait_indirect_dma semaphore(%arg21 : memref<!tpu.dma_semaphore, #tpu.memory_space<semaphore_mem>>) src(%dma_wait3A_249 : memref<7813x128xf32, #tpu.memory_space<hbm>>) dst(%arg18 : memref<128x128xf32, #tpu.memory_space<vmem>>)
    %scan3A_250 = arith.constant 0 : i32
    %scan3A_251 = arith.constant 0 : i32
    %scan3A_252 = arith.constant 8 : i32
    %scan3A_253 = arith.addi %scan3A_251, %scan3A_252 : i32
    %scan3A_254 = arith.constant 1 : i32
    scf.for %scan3A_258 = %scan3A_251 to %scan3A_253 step %scan3A_254  : i32 {
      %mul3A_259 = arith.constant 16 : i32
      %mul3A_260 = arith.muli %scan3A_258, %mul3A_259 : i32
      %get3A = arith.constant 3 : i32
      %get3A_261 = arith.index_cast %get3A : i32 to index
      %get3A_262 = arith.index_cast %mul3A_260 : i32 to index
      %get3A_263 = tpu.vector_load %arg9[%get3A_261, %get3A_262] {strides = array<i32>} : memref<4x128xi32, #tpu.memory_space<vmem>>, vector<16xi32>,
      %get3A_264 = arith.constant 3 : i32
      %get3A_265 = arith.index_cast %get3A_264 : i32 to index
      %get3A_266 = arith.index_cast %mul3A_260 : i32 to index
      %get3A_267 = tpu.vector_load %arg10[%get3A_265, %get3A_266] {strides = array<i32>} : memref<4x128xi32, #tpu.memory_space<vmem>>, vector<16xi32>,
      %shift_right_arithmetic3A = arith.constant 11 : i32
      %shift_right_arithmetic3A_268 = vector.broadcast %shift_right_arithmetic3A : i32 to vector<16xi32>
      %shift_right_arithmetic3A_269 = arith.shrsi %get3A_263, %shift_right_arithmetic3A_268 : vector<16xi32>
      %and3A = arith.constant 3 : i32
      %and3A_270 = vector.broadcast %and3A : i32 to vector<16xi32>
      %and3A_271 = arith.andi %shift_right_arithmetic3A_269, %and3A_270 : vector<16xi32>
      %mul3A_272 = arith.constant 32 : i32
      %mul3A_273 = vector.broadcast %mul3A_272 : i32 to vector<16xi32>
      %mul3A_274 = arith.muli %and3A_271, %mul3A_273 : vector<16xi32>
      %shift_right_arithmetic3A_275 = arith.constant 11 : i32
      %shift_right_arithmetic3A_276 = vector.broadcast %shift_right_arithmetic3A_275 : i32 to vector<16xi32>
      %shift_right_arithmetic3A_277 = arith.shrsi %get3A_267, %shift_right_arithmetic3A_276 : vector<16xi32>
      %and3A_278 = arith.constant 3 : i32
      %and3A_279 = vector.broadcast %and3A_278 : i32 to vector<16xi32>
      %and3A_280 = arith.andi %shift_right_arithmetic3A_277, %and3A_279 : vector<16xi32>
      %mul3A_281 = arith.constant 32 : i32
      %mul3A_282 = vector.broadcast %mul3A_281 : i32 to vector<16xi32>
      %mul3A_283 = arith.muli %and3A_280, %mul3A_282 : vector<16xi32>
      %and3A_284 = arith.constant 127 : i32
      %and3A_285 = vector.broadcast %and3A_284 : i32 to vector<16xi32>
      %and3A_286 = arith.andi %get3A_263, %and3A_285 : vector<16xi32>
      %and3A_287 = arith.constant 127 : i32
      %and3A_288 = vector.broadcast %and3A_287 : i32 to vector<16xi32>
      %and3A_289 = arith.andi %get3A_267, %and3A_288 : vector<16xi32>
      %add3A_290 = arith.constant 0 : i32
      %add3A_291 = arith.addi %mul3A_260, %add3A_290 : i32
      %slice3A = vector.extract_strided_slice %mul3A_274 {offsets = [0], sizes = [1], strides = [1]} : vector<16xi32> to vector<1xi32>
      %squeeze3A = vector.extract %slice3A[0] : i32 from vector<1xi32>
      %slice3A_292 = vector.extract_strided_slice %mul3A_283 {offsets = [0], sizes = [1], strides = [1]} : vector<16xi32> to vector<1xi32>
      %squeeze3A_293 = vector.extract %slice3A_292[0] : i32 from vector<1xi32>
      %get3A_294 = arith.index_cast %add3A_291 : i32 to index
      %get3A_295 = arith.index_cast %squeeze3A : i32 to index
      %get3A_296 = tpu.vector_load %arg15[%get3A_294, %get3A_295] {strides = array<i32>} : memref<128x128xf32, #tpu.memory_space<vmem>>, vector<16xf32>,
      %get3A_297 = arith.index_cast %add3A_291 : i32 to index
      %get3A_298 = arith.index_cast %squeeze3A_293 : i32 to index
      %get3A_299 = tpu.vector_load %arg16[%get3A_297, %get3A_298] {strides = array<i32>} : memref<128x128xf32, #tpu.memory_space<vmem>>, vector<16xf32>,
      %mul3A_300 = arith.mulf %get3A_296, %get3A_299 : vector<16xf32>
      %add3A_301 = arith.constant 16 : i32
      %add3A_302 = arith.addi %squeeze3A, %add3A_301 : i32
      %get3A_303 = arith.index_cast %add3A_291 : i32 to index
      %get3A_304 = arith.index_cast %add3A_302 : i32 to index
      %get3A_305 = tpu.vector_load %arg15[%get3A_303, %get3A_304] {strides = array<i32>} : memref<128x128xf32, #tpu.memory_space<vmem>>, vector<16xf32>,
      %add3A_306 = arith.constant 16 : i32
      %add3A_307 = arith.addi %squeeze3A_293, %add3A_306 : i32
      %get3A_308 = arith.index_cast %add3A_291 : i32 to index
      %get3A_309 = arith.index_cast %add3A_307 : i32 to index
      %get3A_310 = tpu.vector_load %arg16[%get3A_308, %get3A_309] {strides = array<i32>} : memref<128x128xf32, #tpu.memory_space<vmem>>, vector<16xf32>,
      %mul3A_311 = arith.mulf %get3A_305, %get3A_310 : vector<16xf32>
      %add3A_312 = arith.addf %mul3A_300, %mul3A_311 : vector<16xf32>
      %slice3A_313 = vector.extract_strided_slice %and3A_286 {offsets = [0], sizes = [1], strides = [1]} : vector<16xi32> to vector<1xi32>
      %squeeze3A_314 = vector.extract %slice3A_313[0] : i32 from vector<1xi32>
      %slice3A_315 = vector.extract_strided_slice %and3A_289 {offsets = [0], sizes = [1], strides = [1]} : vector<16xi32> to vector<1xi32>
      %squeeze3A_316 = vector.extract %slice3A_315[0] : i32 from vector<1xi32>
      %and3A_317 = arith.constant 112 : i32
      %and3A_318 = arith.andi %squeeze3A_314, %and3A_317 : i32
      %get3A_319 = arith.index_cast %add3A_291 : i32 to index
      %get3A_320 = arith.index_cast %and3A_318 : i32 to index
      %get3A_321 = tpu.vector_load %arg17[%get3A_319, %get3A_320] {strides = array<i32>} : memref<128x128xf32, #tpu.memory_space<vmem>>, vector<16xf32>,
      %and3A_322 = arith.constant 112 : i32
      %and3A_323 = arith.andi %squeeze3A_316, %and3A_322 : i32
      %get3A_324 = arith.index_cast %add3A_291 : i32 to index
      %get3A_325 = arith.index_cast %and3A_323 : i32 to index
      %get3A_326 = tpu.vector_load %arg18[%get3A_324, %get3A_325] {strides = array<i32>} : memref<128x128xf32, #tpu.memory_space<vmem>>, vector<16xf32>,
      %and3A_327 = arith.constant 15 : i32
      %and3A_328 = arith.andi %squeeze3A_314, %and3A_327 : i32
      %eq3A = vector.broadcast %and3A_328 : i32 to vector<16xi32>
      %eq3A_329 = arith.cmpi eq, %iota3A, %eq3A : vector<16xi32>
      %jit3A = arith.constant 0.000000e+00 : f32
      %broadcast_in_dim3A = vector.broadcast %jit3A : f32 to vector<16xf32>
      %select_n3A = arith.select %eq3A_329, %get3A_321, %broadcast_in_dim3A : vector<16xi1>, vector<16xf32>
      %add3A_330 = arith.addf %add3A_312, %select_n3A : vector<16xf32>
      %and3A_331 = arith.constant 15 : i32
      %and3A_332 = arith.andi %squeeze3A_316, %and3A_331 : i32
      %eq3A_333 = vector.broadcast %and3A_332 : i32 to vector<16xi32>
      %eq3A_334 = arith.cmpi eq, %iota3A, %eq3A_333 : vector<16xi32>
      %jit3A_335 = arith.constant 0.000000e+00 : f32
      %broadcast_in_dim3A_336 = vector.broadcast %jit3A_335 : f32 to vector<16xf32>
      %select_n3A_337 = arith.select %eq3A_334, %get3A_326, %broadcast_in_dim3A_336 : vector<16xi1>, vector<16xf32>
      %add3A_338 = arith.addf %add3A_330, %select_n3A_337 : vector<16xf32>
      %mul3A_339 = arith.constant 16 : i32
      %mul3A_340 = vector.broadcast %mul3A_339 : i32 to vector<16xi32>
      %mul3A_341 = arith.muli %iota3A, %mul3A_340 : vector<16xi32>
      %add3A_342 = arith.constant 0 : i32
      %add3A_343 = vector.broadcast %add3A_342 : i32 to vector<16xi32>
      %add3A_344 = arith.addi %mul3A_341, %add3A_343 : vector<16xi32>
      tpu.vector_store_idx %arg19[%add3A_344], %add3A_338 : memref<256xf32, #tpu.memory_space<vmem>>[vector<16xi32>], vector<16xf32>,
      %add3A_345 = arith.constant 1 : i32
      %add3A_346 = arith.addi %mul3A_260, %add3A_345 : i32
      %slice3A_347 = vector.extract_strided_slice %mul3A_274 {offsets = [1], sizes = [1], strides = [1]} : vector<16xi32> to vector<1xi32>
      %squeeze3A_348 = vector.extract %slice3A_347[0] : i32 from vector<1xi32>
      %slice3A_349 = vector.extract_strided_slice %mul3A_283 {offsets = [1], sizes = [1], strides = [1]} : vector<16xi32> to vector<1xi32>
      %squeeze3A_350 = vector.extract %slice3A_349[0] : i32 from vector<1xi32>
      %get3A_351 = arith.index_cast %add3A_346 : i32 to index
      %get3A_352 = arith.index_cast %squeeze3A_348 : i32 to index
      %get3A_353 = tpu.vector_load %arg15[%get3A_351, %get3A_352] {strides = array<i32>} : memref<128x128xf32, #tpu.memory_space<vmem>>, vector<16xf32>,
      %get3A_354 = arith.index_cast %add3A_346 : i32 to index
      %get3A_355 = arith.index_cast %squeeze3A_350 : i32 to index
      %get3A_356 = tpu.vector_load %arg16[%get3A_354, %get3A_355] {strides = array<i32>} : memref<128x128xf32, #tpu.memory_space<vmem>>, vector<16xf32>,
      %mul3A_357 = arith.mulf %get3A_353, %get3A_356 : vector<16xf32>
      %add3A_358 = arith.constant 16 : i32
      %add3A_359 = arith.addi %squeeze3A_348, %add3A_358 : i32
      %get3A_360 = arith.index_cast %add3A_346 : i32 to index
      %get3A_361 = arith.index_cast %add3A_359 : i32 to index
      %get3A_362 = tpu.vector_load %arg15[%get3A_360, %get3A_361] {strides = array<i32>} : memref<128x128xf32, #tpu.memory_space<vmem>>, vector<16xf32>,
      %add3A_363 = arith.constant 16 : i32
      %add3A_364 = arith.addi %squeeze3A_350, %add3A_363 : i32
      %get3A_365 = arith.index_cast %add3A_346 : i32 to index
      %get3A_366 = arith.index_cast %add3A_364 : i32 to index
      %get3A_367 = tpu.vector_load %arg16[%get3A_365, %get3A_366] {strides = array<i32>} : memref<128x128xf32, #tpu.memory_space<vmem>>, vector<16xf32>,
      %mul3A_368 = arith.mulf %get3A_362, %get3A_367 : vector<16xf32>
      %add3A_369 = arith.addf %mul3A_357, %mul3A_368 : vector<16xf32>
      %slice3A_370 = vector.extract_strided_slice %and3A_286 {offsets = [1], sizes = [1], strides = [1]} : vector<16xi32> to vector<1xi32>
      %squeeze3A_371 = vector.extract %slice3A_370[0] : i32 from vector<1xi32>
      %slice3A_372 = vector.extract_strided_slice %and3A_289 {offsets = [1], sizes = [1], strides = [1]} : vector<16xi32> to vector<1xi32>
      %squeeze3A_373 = vector.extract %slice3A_372[0] : i32 from vector<1xi32>
      %and3A_374 = arith.constant 112 : i32
      %and3A_375 = arith.andi %squeeze3A_371, %and3A_374 : i32
      %get3A_376 = arith.index_cast %add3A_346 : i32 to index
      %get3A_377 = arith.index_cast %and3A_375 : i32 to index
      %get3A_378 = tpu.vector_load %arg17[%get3A_376, %get3A_377] {strides = array<i32>} : memref<128x128xf32, #tpu.memory_space<vmem>>, vector<16xf32>,
      %and3A_379 = arith.constant 112 : i32
      %and3A_380 = arith.andi %squeeze3A_373, %and3A_379 : i32
      %get3A_381 = arith.index_cast %add3A_346 : i32 to index
      %get3A_382 = arith.index_cast %and3A_380 : i32 to index
      %get3A_383 = tpu.vector_load %arg18[%get3A_381, %get3A_382] {strides = array<i32>} : memref<128x128xf32, #tpu.memory_space<vmem>>, vector<16xf32>,
      %and3A_384 = arith.constant 15 : i32
      %and3A_385 = arith.andi %squeeze3A_371, %and3A_384 : i32
      %eq3A_386 = vector.broadcast %and3A_385 : i32 to vector<16xi32>
      %eq3A_387 = arith.cmpi eq, %iota3A, %eq3A_386 : vector<16xi32>
      %jit3A_388 = arith.constant 0.000000e+00 : f32
      %broadcast_in_dim3A_389 = vector.broadcast %jit3A_388 : f32 to vector<16xf32>
      %select_n3A_390 = arith.select %eq3A_387, %get3A_378, %broadcast_in_dim3A_389 : vector<16xi1>, vector<16xf32>
      %add3A_391 = arith.addf %add3A_369, %select_n3A_390 : vector<16xf32>
      %and3A_392 = arith.constant 15 : i32
      %and3A_393 = arith.andi %squeeze3A_373, %and3A_392 : i32
      %eq3A_394 = vector.broadcast %and3A_393 : i32 to vector<16xi32>
      %eq3A_395 = arith.cmpi eq, %iota3A, %eq3A_394 : vector<16xi32>
      %jit3A_396 = arith.constant 0.000000e+00 : f32
      %broadcast_in_dim3A_397 = vector.broadcast %jit3A_396 : f32 to vector<16xf32>
      %select_n3A_398 = arith.select %eq3A_395, %get3A_383, %broadcast_in_dim3A_397 : vector<16xi1>, vector<16xf32>
      %add3A_399 = arith.addf %add3A_391, %select_n3A_398 : vector<16xf32>
      %mul3A_400 = arith.constant 16 : i32
      %mul3A_401 = vector.broadcast %mul3A_400 : i32 to vector<16xi32>
      %mul3A_402 = arith.muli %iota3A, %mul3A_401 : vector<16xi32>
      %add3A_403 = arith.constant 1 : i32
      %add3A_404 = vector.broadcast %add3A_403 : i32 to vector<16xi32>
      %add3A_405 = arith.addi %mul3A_402, %add3A_404 : vector<16xi32>
      tpu.vector_store_idx %arg19[%add3A_405], %add3A_399 : memref<256xf32, #tpu.memory_space<vmem>>[vector<16xi32>], vector<16xf32>,
      %add3A_406 = arith.constant 2 : i32
      %add3A_407 = arith.addi %mul3A_260, %add3A_406 : i32
      %slice3A_408 = vector.extract_strided_slice %mul3A_274 {offsets = [2], sizes = [1], strides = [1]} : vector<16xi32> to vector<1xi32>
      %squeeze3A_409 = vector.extract %slice3A_408[0] : i32 from vector<1xi32>
      %slice3A_410 = vector.extract_strided_slice %mul3A_283 {offsets = [2], sizes = [1], strides = [1]} : vector<16xi32> to vector<1xi32>
      %squeeze3A_411 = vector.extract %slice3A_410[0] : i32 from vector<1xi32>
      %get3A_412 = arith.index_cast %add3A_407 : i32 to index
      %get3A_413 = arith.index_cast %squeeze3A_409 : i32 to index
      %get3A_414 = tpu.vector_load %arg15[%get3A_412, %get3A_413] {strides = array<i32>} : memref<128x128xf32, #tpu.memory_space<vmem>>, vector<16xf32>,
      %get3A_415 = arith.index_cast %add3A_407 : i32 to index
      %get3A_416 = arith.index_cast %squeeze3A_411 : i32 to index
      %get3A_417 = tpu.vector_load %arg16[%get3A_415, %get3A_416] {strides = array<i32>} : memref<128x128xf32, #tpu.memory_space<vmem>>, vector<16xf32>,
      %mul3A_418 = arith.mulf %get3A_414, %get3A_417 : vector<16xf32>
      %add3A_419 = arith.constant 16 : i32
      %add3A_420 = arith.addi %squeeze3A_409, %add3A_419 : i32
      %get3A_421 = arith.index_cast %add3A_407 : i32 to index
      %get3A_422 = arith.index_cast %add3A_420 : i32 to index
      %get3A_423 = tpu.vector_load %arg15[%get3A_421, %get3A_422] {strides = array<i32>} : memref<128x128xf32, #tpu.memory_space<vmem>>, vector<16xf32>,
      %add3A_424 = arith.constant 16 : i32
      %add3A_425 = arith.addi %squeeze3A_411, %add3A_424 : i32
      %get3A_426 = arith.index_cast %add3A_407 : i32 to index
      %get3A_427 = arith.index_cast %add3A_425 : i32 to index
      %get3A_428 = tpu.vector_load %arg16[%get3A_426, %get3A_427] {strides = array<i32>} : memref<128x128xf32, #tpu.memory_space<vmem>>, vector<16xf32>,
      %mul3A_429 = arith.mulf %get3A_423, %get3A_428 : vector<16xf32>
      %add3A_430 = arith.addf %mul3A_418, %mul3A_429 : vector<16xf32>
      %slice3A_431 = vector.extract_strided_slice %and3A_286 {offsets = [2], sizes = [1], strides = [1]} : vector<16xi32> to vector<1xi32>
      %squeeze3A_432 = vector.extract %slice3A_431[0] : i32 from vector<1xi32>
      %slice3A_433 = vector.extract_strided_slice %and3A_289 {offsets = [2], sizes = [1], strides = [1]} : vector<16xi32> to vector<1xi32>
      %squeeze3A_434 = vector.extract %slice3A_433[0] : i32 from vector<1xi32>
      %and3A_435 = arith.constant 112 : i32
      %and3A_436 = arith.andi %squeeze3A_432, %and3A_435 : i32
      %get3A_437 = arith.index_cast %add3A_407 : i32 to index
      %get3A_438 = arith.index_cast %and3A_436 : i32 to index
      %get3A_439 = tpu.vector_load %arg17[%get3A_437, %get3A_438] {strides = array<i32>} : memref<128x128xf32, #tpu.memory_space<vmem>>, vector<16xf32>,
      %and3A_440 = arith.constant 112 : i32
      %and3A_441 = arith.andi %squeeze3A_434, %and3A_440 : i32
      %get3A_442 = arith.index_cast %add3A_407 : i32 to index
      %get3A_443 = arith.index_cast %and3A_441 : i32 to index
      %get3A_444 = tpu.vector_load %arg18[%get3A_442, %get3A_443] {strides = array<i32>} : memref<128x128xf32, #tpu.memory_space<vmem>>, vector<16xf32>,
      %and3A_445 = arith.constant 15 : i32
      %and3A_446 = arith.andi %squeeze3A_432, %and3A_445 : i32
      %eq3A_447 = vector.broadcast %and3A_446 : i32 to vector<16xi32>
      %eq3A_448 = arith.cmpi eq, %iota3A, %eq3A_447 : vector<16xi32>
      %jit3A_449 = arith.constant 0.000000e+00 : f32
      %broadcast_in_dim3A_450 = vector.broadcast %jit3A_449 : f32 to vector<16xf32>
      %select_n3A_451 = arith.select %eq3A_448, %get3A_439, %broadcast_in_dim3A_450 : vector<16xi1>, vector<16xf32>
      %add3A_452 = arith.addf %add3A_430, %select_n3A_451 : vector<16xf32>
      %and3A_453 = arith.constant 15 : i32
      %and3A_454 = arith.andi %squeeze3A_434, %and3A_453 : i32
      %eq3A_455 = vector.broadcast %and3A_454 : i32 to vector<16xi32>
      %eq3A_456 = arith.cmpi eq, %iota3A, %eq3A_455 : vector<16xi32>
      %jit3A_457 = arith.constant 0.000000e+00 : f32
      %broadcast_in_dim3A_458 = vector.broadcast %jit3A_457 : f32 to vector<16xf32>
      %select_n3A_459 = arith.select %eq3A_456, %get3A_444, %broadcast_in_dim3A_458 : vector<16xi1>, vector<16xf32>
      %add3A_460 = arith.addf %add3A_452, %select_n3A_459 : vector<16xf32>
      %mul3A_461 = arith.constant 16 : i32
      %mul3A_462 = vector.broadcast %mul3A_461 : i32 to vector<16xi32>
      %mul3A_463 = arith.muli %iota3A, %mul3A_462 : vector<16xi32>
      %add3A_464 = arith.constant 2 : i32
      %add3A_465 = vector.broadcast %add3A_464 : i32 to vector<16xi32>
      %add3A_466 = arith.addi %mul3A_463, %add3A_465 : vector<16xi32>
      tpu.vector_store_idx %arg19[%add3A_466], %add3A_460 : memref<256xf32, #tpu.memory_space<vmem>>[vector<16xi32>], vector<16xf32>,
      %add3A_467 = arith.constant 3 : i32
      %add3A_468 = arith.addi %mul3A_260, %add3A_467 : i32
      %slice3A_469 = vector.extract_strided_slice %mul3A_274 {offsets = [3], sizes = [1], strides = [1]} : vector<16xi32> to vector<1xi32>
      %squeeze3A_470 = vector.extract %slice3A_469[0] : i32 from vector<1xi32>
      %slice3A_471 = vector.extract_strided_slice %mul3A_283 {offsets = [3], sizes = [1], strides = [1]} : vector<16xi32> to vector<1xi32>
      %squeeze3A_472 = vector.extract %slice3A_471[0] : i32 from vector<1xi32>
      %get3A_473 = arith.index_cast %add3A_468 : i32 to index
      %get3A_474 = arith.index_cast %squeeze3A_470 : i32 to index
      %get3A_475 = tpu.vector_load %arg15[%get3A_473, %get3A_474] {strides = array<i32>} : memref<128x128xf32, #tpu.memory_space<vmem>>, vector<16xf32>,
      %get3A_476 = arith.index_cast %add3A_468 : i32 to index
      %get3A_477 = arith.index_cast %squeeze3A_472 : i32 to index
      %get3A_478 = tpu.vector_load %arg16[%get3A_476, %get3A_477] {strides = array<i32>} : memref<128x128xf32, #tpu.memory_space<vmem>>, vector<16xf32>,
      %mul3A_479 = arith.mulf %get3A_475, %get3A_478 : vector<16xf32>
      %add3A_480 = arith.constant 16 : i32
      %add3A_481 = arith.addi %squeeze3A_470, %add3A_480 : i32
      %get3A_482 = arith.index_cast %add3A_468 : i32 to index
      %get3A_483 = arith.index_cast %add3A_481 : i32 to index
      %get3A_484 = tpu.vector_load %arg15[%get3A_482, %get3A_483] {strides = array<i32>} : memref<128x128xf32, #tpu.memory_space<vmem>>, vector<16xf32>,
      %add3A_485 = arith.constant 16 : i32
      %add3A_486 = arith.addi %squeeze3A_472, %add3A_485 : i32
      %get3A_487 = arith.index_cast %add3A_468 : i32 to index
      %get3A_488 = arith.index_cast %add3A_486 : i32 to index
      %get3A_489 = tpu.vector_load %arg16[%get3A_487, %get3A_488] {strides = array<i32>} : memref<128x128xf32, #tpu.memory_space<vmem>>, vector<16xf32>,
      %mul3A_490 = arith.mulf %get3A_484, %get3A_489 : vector<16xf32>
      %add3A_491 = arith.addf %mul3A_479, %mul3A_490 : vector<16xf32>
      %slice3A_492 = vector.extract_strided_slice %and3A_286 {offsets = [3], sizes = [1], strides = [1]} : vector<16xi32> to vector<1xi32>
      %squeeze3A_493 = vector.extract %slice3A_492[0] : i32 from vector<1xi32>
      %slice3A_494 = vector.extract_strided_slice %and3A_289 {offsets = [3], sizes = [1], strides = [1]} : vector<16xi32> to vector<1xi32>
      %squeeze3A_495 = vector.extract %slice3A_494[0] : i32 from vector<1xi32>
      %and3A_496 = arith.constant 112 : i32
      %and3A_497 = arith.andi %squeeze3A_493, %and3A_496 : i32
      %get3A_498 = arith.index_cast %add3A_468 : i32 to index
      %get3A_499 = arith.index_cast %and3A_497 : i32 to index
      %get3A_500 = tpu.vector_load %arg17[%get3A_498, %get3A_499] {strides = array<i32>} : memref<128x128xf32, #tpu.memory_space<vmem>>, vector<16xf32>,
      %and3A_501 = arith.constant 112 : i32
      %and3A_502 = arith.andi %squeeze3A_495, %and3A_501 : i32
      %get3A_503 = arith.index_cast %add3A_468 : i32 to index
      %get3A_504 = arith.index_cast %and3A_502 : i32 to index
      %get3A_505 = tpu.vector_load %arg18[%get3A_503, %get3A_504] {strides = array<i32>} : memref<128x128xf32, #tpu.memory_space<vmem>>, vector<16xf32>,
      %and3A_506 = arith.constant 15 : i32
      %and3A_507 = arith.andi %squeeze3A_493, %and3A_506 : i32
      %eq3A_508 = vector.broadcast %and3A_507 : i32 to vector<16xi32>
      %eq3A_509 = arith.cmpi eq, %iota3A, %eq3A_508 : vector<16xi32>
      %jit3A_510 = arith.constant 0.000000e+00 : f32
      %broadcast_in_dim3A_511 = vector.broadcast %jit3A_510 : f32 to vector<16xf32>
      %select_n3A_512 = arith.select %eq3A_509, %get3A_500, %broadcast_in_dim3A_511 : vector<16xi1>, vector<16xf32>
      %add3A_513 = arith.addf %add3A_491, %select_n3A_512 : vector<16xf32>
      %and3A_514 = arith.constant 15 : i32
      %and3A_515 = arith.andi %squeeze3A_495, %and3A_514 : i32
      %eq3A_516 = vector.broadcast %and3A_515 : i32 to vector<16xi32>
      %eq3A_517 = arith.cmpi eq, %iota3A, %eq3A_516 : vector<16xi32>
      %jit3A_518 = arith.constant 0.000000e+00 : f32
      %broadcast_in_dim3A_519 = vector.broadcast %jit3A_518 : f32 to vector<16xf32>
      %select_n3A_520 = arith.select %eq3A_517, %get3A_505, %broadcast_in_dim3A_519 : vector<16xi1>, vector<16xf32>
      %add3A_521 = arith.addf %add3A_513, %select_n3A_520 : vector<16xf32>
      %mul3A_522 = arith.constant 16 : i32
      %mul3A_523 = vector.broadcast %mul3A_522 : i32 to vector<16xi32>
      %mul3A_524 = arith.muli %iota3A, %mul3A_523 : vector<16xi32>
      %add3A_525 = arith.constant 3 : i32
      %add3A_526 = vector.broadcast %add3A_525 : i32 to vector<16xi32>
      %add3A_527 = arith.addi %mul3A_524, %add3A_526 : vector<16xi32>
      tpu.vector_store_idx %arg19[%add3A_527], %add3A_521 : memref<256xf32, #tpu.memory_space<vmem>>[vector<16xi32>], vector<16xf32>,
      %add3A_528 = arith.constant 4 : i32
      %add3A_529 = arith.addi %mul3A_260, %add3A_528 : i32
      %slice3A_530 = vector.extract_strided_slice %mul3A_274 {offsets = [4], sizes = [1], strides = [1]} : vector<16xi32> to vector<1xi32>
      %squeeze3A_531 = vector.extract %slice3A_530[0] : i32 from vector<1xi32>
      %slice3A_532 = vector.extract_strided_slice %mul3A_283 {offsets = [4], sizes = [1], strides = [1]} : vector<16xi32> to vector<1xi32>
      %squeeze3A_533 = vector.extract %slice3A_532[0] : i32 from vector<1xi32>
      %get3A_534 = arith.index_cast %add3A_529 : i32 to index
      %get3A_535 = arith.index_cast %squeeze3A_531 : i32 to index
      %get3A_536 = tpu.vector_load %arg15[%get3A_534, %get3A_535] {strides = array<i32>} : memref<128x128xf32, #tpu.memory_space<vmem>>, vector<16xf32>,
      %get3A_537 = arith.index_cast %add3A_529 : i32 to index
      %get3A_538 = arith.index_cast %squeeze3A_533 : i32 to index
      %get3A_539 = tpu.vector_load %arg16[%get3A_537, %get3A_538] {strides = array<i32>} : memref<128x128xf32, #tpu.memory_space<vmem>>, vector<16xf32>,
      %mul3A_540 = arith.mulf %get3A_536, %get3A_539 : vector<16xf32>
      %add3A_541 = arith.constant 16 : i32
      %add3A_542 = arith.addi %squeeze3A_531, %add3A_541 : i32
      %get3A_543 = arith.index_cast %add3A_529 : i32 to index
      %get3A_544 = arith.index_cast %add3A_542 : i32 to index
      %get3A_545 = tpu.vector_load %arg15[%get3A_543, %get3A_544] {strides = array<i32>} : memref<128x128xf32, #tpu.memory_space<vmem>>, vector<16xf32>,
      %add3A_546 = arith.constant 16 : i32
      %add3A_547 = arith.addi %squeeze3A_533, %add3A_546 : i32
      %get3A_548 = arith.index_cast %add3A_529 : i32 to index
      %get3A_549 = arith.index_cast %add3A_547 : i32 to index
      %get3A_550 = tpu.vector_load %arg16[%get3A_548, %get3A_549] {strides = array<i32>} : memref<128x128xf32, #tpu.memory_space<vmem>>, vector<16xf32>,
      %mul3A_551 = arith.mulf %get3A_545, %get3A_550 : vector<16xf32>
      %add3A_552 = arith.addf %mul3A_540, %mul3A_551 : vector<16xf32>
      %slice3A_553 = vector.extract_strided_slice %and3A_286 {offsets = [4], sizes = [1], strides = [1]} : vector<16xi32> to vector<1xi32>
      %squeeze3A_554 = vector.extract %slice3A_553[0] : i32 from vector<1xi32>
      %slice3A_555 = vector.extract_strided_slice %and3A_289 {offsets = [4], sizes = [1], strides = [1]} : vector<16xi32> to vector<1xi32>
      %squeeze3A_556 = vector.extract %slice3A_555[0] : i32 from vector<1xi32>
      %and3A_557 = arith.constant 112 : i32
      %and3A_558 = arith.andi %squeeze3A_554, %and3A_557 : i32
      %get3A_559 = arith.index_cast %add3A_529 : i32 to index
      %get3A_560 = arith.index_cast %and3A_558 : i32 to index
      %get3A_561 = tpu.vector_load %arg17[%get3A_559, %get3A_560] {strides = array<i32>} : memref<128x128xf32, #tpu.memory_space<vmem>>, vector<16xf32>,
      %and3A_562 = arith.constant 112 : i32
      %and3A_563 = arith.andi %squeeze3A_556, %and3A_562 : i32
      %get3A_564 = arith.index_cast %add3A_529 : i32 to index
      %get3A_565 = arith.index_cast %and3A_563 : i32 to index
      %get3A_566 = tpu.vector_load %arg18[%get3A_564, %get3A_565] {strides = array<i32>} : memref<128x128xf32, #tpu.memory_space<vmem>>, vector<16xf32>,
      %and3A_567 = arith.constant 15 : i32
      %and3A_568 = arith.andi %squeeze3A_554, %and3A_567 : i32
      %eq3A_569 = vector.broadcast %and3A_568 : i32 to vector<16xi32>
      %eq3A_570 = arith.cmpi eq, %iota3A, %eq3A_569 : vector<16xi32>
      %jit3A_571 = arith.constant 0.000000e+00 : f32
      %broadcast_in_dim3A_572 = vector.broadcast %jit3A_571 : f32 to vector<16xf32>
      %select_n3A_573 = arith.select %eq3A_570, %get3A_561, %broadcast_in_dim3A_572 : vector<16xi1>, vector<16xf32>
      %add3A_574 = arith.addf %add3A_552, %select_n3A_573 : vector<16xf32>
      %and3A_575 = arith.constant 15 : i32
      %and3A_576 = arith.andi %squeeze3A_556, %and3A_575 : i32
      %eq3A_577 = vector.broadcast %and3A_576 : i32 to vector<16xi32>
      %eq3A_578 = arith.cmpi eq, %iota3A, %eq3A_577 : vector<16xi32>
      %jit3A_579 = arith.constant 0.000000e+00 : f32
      %broadcast_in_dim3A_580 = vector.broadcast %jit3A_579 : f32 to vector<16xf32>
      %select_n3A_581 = arith.select %eq3A_578, %get3A_566, %broadcast_in_dim3A_580 : vector<16xi1>, vector<16xf32>
      %add3A_582 = arith.addf %add3A_574, %select_n3A_581 : vector<16xf32>
      %mul3A_583 = arith.constant 16 : i32
      %mul3A_584 = vector.broadcast %mul3A_583 : i32 to vector<16xi32>
      %mul3A_585 = arith.muli %iota3A, %mul3A_584 : vector<16xi32>
      %add3A_586 = arith.constant 4 : i32
      %add3A_587 = vector.broadcast %add3A_586 : i32 to vector<16xi32>
      %add3A_588 = arith.addi %mul3A_585, %add3A_587 : vector<16xi32>
      tpu.vector_store_idx %arg19[%add3A_588], %add3A_582 : memref<256xf32, #tpu.memory_space<vmem>>[vector<16xi32>], vector<16xf32>,
      %add3A_589 = arith.constant 5 : i32
      %add3A_590 = arith.addi %mul3A_260, %add3A_589 : i32
      %slice3A_591 = vector.extract_strided_slice %mul3A_274 {offsets = [5], sizes = [1], strides = [1]} : vector<16xi32> to vector<1xi32>
      %squeeze3A_592 = vector.extract %slice3A_591[0] : i32 from vector<1xi32>
      %slice3A_593 = vector.extract_strided_slice %mul3A_283 {offsets = [5], sizes = [1], strides = [1]} : vector<16xi32> to vector<1xi32>
      %squeeze3A_594 = vector.extract %slice3A_593[0] : i32 from vector<1xi32>
      %get3A_595 = arith.index_cast %add3A_590 : i32 to index
      %get3A_596 = arith.index_cast %squeeze3A_592 : i32 to index
      %get3A_597 = tpu.vector_load %arg15[%get3A_595, %get3A_596] {strides = array<i32>} : memref<128x128xf32, #tpu.memory_space<vmem>>, vector<16xf32>,
      %get3A_598 = arith.index_cast %add3A_590 : i32 to index
      %get3A_599 = arith.index_cast %squeeze3A_594 : i32 to index
      %get3A_600 = tpu.vector_load %arg16[%get3A_598, %get3A_599] {strides = array<i32>} : memref<128x128xf32, #tpu.memory_space<vmem>>, vector<16xf32>,
      %mul3A_601 = arith.mulf %get3A_597, %get3A_600 : vector<16xf32>
      %add3A_602 = arith.constant 16 : i32
      %add3A_603 = arith.addi %squeeze3A_592, %add3A_602 : i32
      %get3A_604 = arith.index_cast %add3A_590 : i32 to index
      %get3A_605 = arith.index_cast %add3A_603 : i32 to index
      %get3A_606 = tpu.vector_load %arg15[%get3A_604, %get3A_605] {strides = array<i32>} : memref<128x128xf32, #tpu.memory_space<vmem>>, vector<16xf32>,
      %add3A_607 = arith.constant 16 : i32
      %add3A_608 = arith.addi %squeeze3A_594, %add3A_607 : i32
      %get3A_609 = arith.index_cast %add3A_590 : i32 to index
      %get3A_610 = arith.index_cast %add3A_608 : i32 to index
      %get3A_611 = tpu.vector_load %arg16[%get3A_609, %get3A_610] {strides = array<i32>} : memref<128x128xf32, #tpu.memory_space<vmem>>, vector<16xf32>,
      %mul3A_612 = arith.mulf %get3A_606, %get3A_611 : vector<16xf32>
      %add3A_613 = arith.addf %mul3A_601, %mul3A_612 : vector<16xf32>
      %slice3A_614 = vector.extract_strided_slice %and3A_286 {offsets = [5], sizes = [1], strides = [1]} : vector<16xi32> to vector<1xi32>
      %squeeze3A_615 = vector.extract %slice3A_614[0] : i32 from vector<1xi32>
      %slice3A_616 = vector.extract_strided_slice %and3A_289 {offsets = [5], sizes = [1], strides = [1]} : vector<16xi32> to vector<1xi32>
      %squeeze3A_617 = vector.extract %slice3A_616[0] : i32 from vector<1xi32>
      %and3A_618 = arith.constant 112 : i32
      %and3A_619 = arith.andi %squeeze3A_615, %and3A_618 : i32
      %get3A_620 = arith.index_cast %add3A_590 : i32 to index
      %get3A_621 = arith.index_cast %and3A_619 : i32 to index
      %get3A_622 = tpu.vector_load %arg17[%get3A_620, %get3A_621] {strides = array<i32>} : memref<128x128xf32, #tpu.memory_space<vmem>>, vector<16xf32>,
      %and3A_623 = arith.constant 112 : i32
      %and3A_624 = arith.andi %squeeze3A_617, %and3A_623 : i32
      %get3A_625 = arith.index_cast %add3A_590 : i32 to index
      %get3A_626 = arith.index_cast %and3A_624 : i32 to index
      %get3A_627 = tpu.vector_load %arg18[%get3A_625, %get3A_626] {strides = array<i32>} : memref<128x128xf32, #tpu.memory_space<vmem>>, vector<16xf32>,
      %and3A_628 = arith.constant 15 : i32
      %and3A_629 = arith.andi %squeeze3A_615, %and3A_628 : i32
      %eq3A_630 = vector.broadcast %and3A_629 : i32 to vector<16xi32>
      %eq3A_631 = arith.cmpi eq, %iota3A, %eq3A_630 : vector<16xi32>
      %jit3A_632 = arith.constant 0.000000e+00 : f32
      %broadcast_in_dim3A_633 = vector.broadcast %jit3A_632 : f32 to vector<16xf32>
      %select_n3A_634 = arith.select %eq3A_631, %get3A_622, %broadcast_in_dim3A_633 : vector<16xi1>, vector<16xf32>
      %add3A_635 = arith.addf %add3A_613, %select_n3A_634 : vector<16xf32>
      %and3A_636 = arith.constant 15 : i32
      %and3A_637 = arith.andi %squeeze3A_617, %and3A_636 : i32
      %eq3A_638 = vector.broadcast %and3A_637 : i32 to vector<16xi32>
      %eq3A_639 = arith.cmpi eq, %iota3A, %eq3A_638 : vector<16xi32>
      %jit3A_640 = arith.constant 0.000000e+00 : f32
      %broadcast_in_dim3A_641 = vector.broadcast %jit3A_640 : f32 to vector<16xf32>
      %select_n3A_642 = arith.select %eq3A_639, %get3A_627, %broadcast_in_dim3A_641 : vector<16xi1>, vector<16xf32>
      %add3A_643 = arith.addf %add3A_635, %select_n3A_642 : vector<16xf32>
      %mul3A_644 = arith.constant 16 : i32
      %mul3A_645 = vector.broadcast %mul3A_644 : i32 to vector<16xi32>
      %mul3A_646 = arith.muli %iota3A, %mul3A_645 : vector<16xi32>
      %add3A_647 = arith.constant 5 : i32
      %add3A_648 = vector.broadcast %add3A_647 : i32 to vector<16xi32>
      %add3A_649 = arith.addi %mul3A_646, %add3A_648 : vector<16xi32>
      tpu.vector_store_idx %arg19[%add3A_649], %add3A_643 : memref<256xf32, #tpu.memory_space<vmem>>[vector<16xi32>], vector<16xf32>,
      %add3A_650 = arith.constant 6 : i32
      %add3A_651 = arith.addi %mul3A_260, %add3A_650 : i32
      %slice3A_652 = vector.extract_strided_slice %mul3A_274 {offsets = [6], sizes = [1], strides = [1]} : vector<16xi32> to vector<1xi32>
      %squeeze3A_653 = vector.extract %slice3A_652[0] : i32 from vector<1xi32>
      %slice3A_654 = vector.extract_strided_slice %mul3A_283 {offsets = [6], sizes = [1], strides = [1]} : vector<16xi32> to vector<1xi32>
      %squeeze3A_655 = vector.extract %slice3A_654[0] : i32 from vector<1xi32>
      %get3A_656 = arith.index_cast %add3A_651 : i32 to index
      %get3A_657 = arith.index_cast %squeeze3A_653 : i32 to index
      %get3A_658 = tpu.vector_load %arg15[%get3A_656, %get3A_657] {strides = array<i32>} : memref<128x128xf32, #tpu.memory_space<vmem>>, vector<16xf32>,
      %get3A_659 = arith.index_cast %add3A_651 : i32 to index
      %get3A_660 = arith.index_cast %squeeze3A_655 : i32 to index
      %get3A_661 = tpu.vector_load %arg16[%get3A_659, %get3A_660] {strides = array<i32>} : memref<128x128xf32, #tpu.memory_space<vmem>>, vector<16xf32>,
      %mul3A_662 = arith.mulf %get3A_658, %get3A_661 : vector<16xf32>
      %add3A_663 = arith.constant 16 : i32
      %add3A_664 = arith.addi %squeeze3A_653, %add3A_663 : i32
      %get3A_665 = arith.index_cast %add3A_651 : i32 to index
      %get3A_666 = arith.index_cast %add3A_664 : i32 to index
      %get3A_667 = tpu.vector_load %arg15[%get3A_665, %get3A_666] {strides = array<i32>} : memref<128x128xf32, #tpu.memory_space<vmem>>, vector<16xf32>,
      %add3A_668 = arith.constant 16 : i32
      %add3A_669 = arith.addi %squeeze3A_655, %add3A_668 : i32
      %get3A_670 = arith.index_cast %add3A_651 : i32 to index
      %get3A_671 = arith.index_cast %add3A_669 : i32 to index
      %get3A_672 = tpu.vector_load %arg16[%get3A_670, %get3A_671] {strides = array<i32>} : memref<128x128xf32, #tpu.memory_space<vmem>>, vector<16xf32>,
      %mul3A_673 = arith.mulf %get3A_667, %get3A_672 : vector<16xf32>
      %add3A_674 = arith.addf %mul3A_662, %mul3A_673 : vector<16xf32>
      %slice3A_675 = vector.extract_strided_slice %and3A_286 {offsets = [6], sizes = [1], strides = [1]} : vector<16xi32> to vector<1xi32>
      %squeeze3A_676 = vector.extract %slice3A_675[0] : i32 from vector<1xi32>
      %slice3A_677 = vector.extract_strided_slice %and3A_289 {offsets = [6], sizes = [1], strides = [1]} : vector<16xi32> to vector<1xi32>
      %squeeze3A_678 = vector.extract %slice3A_677[0] : i32 from vector<1xi32>
      %and3A_679 = arith.constant 112 : i32
      %and3A_680 = arith.andi %squeeze3A_676, %and3A_679 : i32
      %get3A_681 = arith.index_cast %add3A_651 : i32 to index
      %get3A_682 = arith.index_cast %and3A_680 : i32 to index
      %get3A_683 = tpu.vector_load %arg17[%get3A_681, %get3A_682] {strides = array<i32>} : memref<128x128xf32, #tpu.memory_space<vmem>>, vector<16xf32>,
      %and3A_684 = arith.constant 112 : i32
      %and3A_685 = arith.andi %squeeze3A_678, %and3A_684 : i32
      %get3A_686 = arith.index_cast %add3A_651 : i32 to index
      %get3A_687 = arith.index_cast %and3A_685 : i32 to index
      %get3A_688 = tpu.vector_load %arg18[%get3A_686, %get3A_687] {strides = array<i32>} : memref<128x128xf32, #tpu.memory_space<vmem>>, vector<16xf32>,
      %and3A_689 = arith.constant 15 : i32
      %and3A_690 = arith.andi %squeeze3A_676, %and3A_689 : i32
      %eq3A_691 = vector.broadcast %and3A_690 : i32 to vector<16xi32>
      %eq3A_692 = arith.cmpi eq, %iota3A, %eq3A_691 : vector<16xi32>
      %jit3A_693 = arith.constant 0.000000e+00 : f32
      %broadcast_in_dim3A_694 = vector.broadcast %jit3A_693 : f32 to vector<16xf32>
      %select_n3A_695 = arith.select %eq3A_692, %get3A_683, %broadcast_in_dim3A_694 : vector<16xi1>, vector<16xf32>
      %add3A_696 = arith.addf %add3A_674, %select_n3A_695 : vector<16xf32>
      %and3A_697 = arith.constant 15 : i32
      %and3A_698 = arith.andi %squeeze3A_678, %and3A_697 : i32
      %eq3A_699 = vector.broadcast %and3A_698 : i32 to vector<16xi32>
      %eq3A_700 = arith.cmpi eq, %iota3A, %eq3A_699 : vector<16xi32>
      %jit3A_701 = arith.constant 0.000000e+00 : f32
      %broadcast_in_dim3A_702 = vector.broadcast %jit3A_701 : f32 to vector<16xf32>
      %select_n3A_703 = arith.select %eq3A_700, %get3A_688, %broadcast_in_dim3A_702 : vector<16xi1>, vector<16xf32>
      %add3A_704 = arith.addf %add3A_696, %select_n3A_703 : vector<16xf32>
      %mul3A_705 = arith.constant 16 : i32
      %mul3A_706 = vector.broadcast %mul3A_705 : i32 to vector<16xi32>
      %mul3A_707 = arith.muli %iota3A, %mul3A_706 : vector<16xi32>
      %add3A_708 = arith.constant 6 : i32
      %add3A_709 = vector.broadcast %add3A_708 : i32 to vector<16xi32>
      %add3A_710 = arith.addi %mul3A_707, %add3A_709 : vector<16xi32>
      tpu.vector_store_idx %arg19[%add3A_710], %add3A_704 : memref<256xf32, #tpu.memory_space<vmem>>[vector<16xi32>], vector<16xf32>,
      %add3A_711 = arith.constant 7 : i32
      %add3A_712 = arith.addi %mul3A_260, %add3A_711 : i32
      %slice3A_713 = vector.extract_strided_slice %mul3A_274 {offsets = [7], sizes = [1], strides = [1]} : vector<16xi32> to vector<1xi32>
      %squeeze3A_714 = vector.extract %slice3A_713[0] : i32 from vector<1xi32>
      %slice3A_715 = vector.extract_strided_slice %mul3A_283 {offsets = [7], sizes = [1], strides = [1]} : vector<16xi32> to vector<1xi32>
      %squeeze3A_716 = vector.extract %slice3A_715[0] : i32 from vector<1xi32>
      %get3A_717 = arith.index_cast %add3A_712 : i32 to index
      %get3A_718 = arith.index_cast %squeeze3A_714 : i32 to index
      %get3A_719 = tpu.vector_load %arg15[%get3A_717, %get3A_718] {strides = array<i32>} : memref<128x128xf32, #tpu.memory_space<vmem>>, vector<16xf32>,
      %get3A_720 = arith.index_cast %add3A_712 : i32 to index
      %get3A_721 = arith.index_cast %squeeze3A_716 : i32 to index
      %get3A_722 = tpu.vector_load %arg16[%get3A_720, %get3A_721] {strides = array<i32>} : memref<128x128xf32, #tpu.memory_space<vmem>>, vector<16xf32>,
      %mul3A_723 = arith.mulf %get3A_719, %get3A_722 : vector<16xf32>
      %add3A_724 = arith.constant 16 : i32
      %add3A_725 = arith.addi %squeeze3A_714, %add3A_724 : i32
      %get3A_726 = arith.index_cast %add3A_712 : i32 to index
      %get3A_727 = arith.index_cast %add3A_725 : i32 to index
      %get3A_728 = tpu.vector_load %arg15[%get3A_726, %get3A_727] {strides = array<i32>} : memref<128x128xf32, #tpu.memory_space<vmem>>, vector<16xf32>,
      %add3A_729 = arith.constant 16 : i32
      %add3A_730 = arith.addi %squeeze3A_716, %add3A_729 : i32
      %get3A_731 = arith.index_cast %add3A_712 : i32 to index
      %get3A_732 = arith.index_cast %add3A_730 : i32 to index
      %get3A_733 = tpu.vector_load %arg16[%get3A_731, %get3A_732] {strides = array<i32>} : memref<128x128xf32, #tpu.memory_space<vmem>>, vector<16xf32>,
      %mul3A_734 = arith.mulf %get3A_728, %get3A_733 : vector<16xf32>
      %add3A_735 = arith.addf %mul3A_723, %mul3A_734 : vector<16xf32>
      %slice3A_736 = vector.extract_strided_slice %and3A_286 {offsets = [7], sizes = [1], strides = [1]} : vector<16xi32> to vector<1xi32>
      %squeeze3A_737 = vector.extract %slice3A_736[0] : i32 from vector<1xi32>
      %slice3A_738 = vector.extract_strided_slice %and3A_289 {offsets = [7], sizes = [1], strides = [1]} : vector<16xi32> to vector<1xi32>
      %squeeze3A_739 = vector.extract %slice3A_738[0] : i32 from vector<1xi32>
      %and3A_740 = arith.constant 112 : i32
      %and3A_741 = arith.andi %squeeze3A_737, %and3A_740 : i32
      %get3A_742 = arith.index_cast %add3A_712 : i32 to index
      %get3A_743 = arith.index_cast %and3A_741 : i32 to index
      %get3A_744 = tpu.vector_load %arg17[%get3A_742, %get3A_743] {strides = array<i32>} : memref<128x128xf32, #tpu.memory_space<vmem>>, vector<16xf32>,
      %and3A_745 = arith.constant 112 : i32
      %and3A_746 = arith.andi %squeeze3A_739, %and3A_745 : i32
      %get3A_747 = arith.index_cast %add3A_712 : i32 to index
      %get3A_748 = arith.index_cast %and3A_746 : i32 to index
      %get3A_749 = tpu.vector_load %arg18[%get3A_747, %get3A_748] {strides = array<i32>} : memref<128x128xf32, #tpu.memory_space<vmem>>, vector<16xf32>,
      %and3A_750 = arith.constant 15 : i32
      %and3A_751 = arith.andi %squeeze3A_737, %and3A_750 : i32
      %eq3A_752 = vector.broadcast %and3A_751 : i32 to vector<16xi32>
      %eq3A_753 = arith.cmpi eq, %iota3A, %eq3A_752 : vector<16xi32>
      %jit3A_754 = arith.constant 0.000000e+00 : f32
      %broadcast_in_dim3A_755 = vector.broadcast %jit3A_754 : f32 to vector<16xf32>
      %select_n3A_756 = arith.select %eq3A_753, %get3A_744, %broadcast_in_dim3A_755 : vector<16xi1>, vector<16xf32>
      %add3A_757 = arith.addf %add3A_735, %select_n3A_756 : vector<16xf32>
      %and3A_758 = arith.constant 15 : i32
      %and3A_759 = arith.andi %squeeze3A_739, %and3A_758 : i32
      %eq3A_760 = vector.broadcast %and3A_759 : i32 to vector<16xi32>
      %eq3A_761 = arith.cmpi eq, %iota3A, %eq3A_760 : vector<16xi32>
      %jit3A_762 = arith.constant 0.000000e+00 : f32
      %broadcast_in_dim3A_763 = vector.broadcast %jit3A_762 : f32 to vector<16xf32>
      %select_n3A_764 = arith.select %eq3A_761, %get3A_749, %broadcast_in_dim3A_763 : vector<16xi1>, vector<16xf32>
      %add3A_765 = arith.addf %add3A_757, %select_n3A_764 : vector<16xf32>
      %mul3A_766 = arith.constant 16 : i32
      %mul3A_767 = vector.broadcast %mul3A_766 : i32 to vector<16xi32>
      %mul3A_768 = arith.muli %iota3A, %mul3A_767 : vector<16xi32>
      %add3A_769 = arith.constant 7 : i32
      %add3A_770 = vector.broadcast %add3A_769 : i32 to vector<16xi32>
      %add3A_771 = arith.addi %mul3A_768, %add3A_770 : vector<16xi32>
      tpu.vector_store_idx %arg19[%add3A_771], %add3A_765 : memref<256xf32, #tpu.memory_space<vmem>>[vector<16xi32>], vector<16xf32>,
      %add3A_772 = arith.constant 8 : i32
      %add3A_773 = arith.addi %mul3A_260, %add3A_772 : i32
      %slice3A_774 = vector.extract_strided_slice %mul3A_274 {offsets = [8], sizes = [1], strides = [1]} : vector<16xi32> to vector<1xi32>
      %squeeze3A_775 = vector.extract %slice3A_774[0] : i32 from vector<1xi32>
      %slice3A_776 = vector.extract_strided_slice %mul3A_283 {offsets = [8], sizes = [1], strides = [1]} : vector<16xi32> to vector<1xi32>
      %squeeze3A_777 = vector.extract %slice3A_776[0] : i32 from vector<1xi32>
      %get3A_778 = arith.index_cast %add3A_773 : i32 to index
      %get3A_779 = arith.index_cast %squeeze3A_775 : i32 to index
      %get3A_780 = tpu.vector_load %arg15[%get3A_778, %get3A_779] {strides = array<i32>} : memref<128x128xf32, #tpu.memory_space<vmem>>, vector<16xf32>,
      %get3A_781 = arith.index_cast %add3A_773 : i32 to index
      %get3A_782 = arith.index_cast %squeeze3A_777 : i32 to index
      %get3A_783 = tpu.vector_load %arg16[%get3A_781, %get3A_782] {strides = array<i32>} : memref<128x128xf32, #tpu.memory_space<vmem>>, vector<16xf32>,
      %mul3A_784 = arith.mulf %get3A_780, %get3A_783 : vector<16xf32>
      %add3A_785 = arith.constant 16 : i32
      %add3A_786 = arith.addi %squeeze3A_775, %add3A_785 : i32
      %get3A_787 = arith.index_cast %add3A_773 : i32 to index
      %get3A_788 = arith.index_cast %add3A_786 : i32 to index
      %get3A_789 = tpu.vector_load %arg15[%get3A_787, %get3A_788] {strides = array<i32>} : memref<128x128xf32, #tpu.memory_space<vmem>>, vector<16xf32>,
      %add3A_790 = arith.constant 16 : i32
      %add3A_791 = arith.addi %squeeze3A_777, %add3A_790 : i32
      %get3A_792 = arith.index_cast %add3A_773 : i32 to index
      %get3A_793 = arith.index_cast %add3A_791 : i32 to index
      %get3A_794 = tpu.vector_load %arg16[%get3A_792, %get3A_793] {strides = array<i32>} : memref<128x128xf32, #tpu.memory_space<vmem>>, vector<16xf32>,
      %mul3A_795 = arith.mulf %get3A_789, %get3A_794 : vector<16xf32>
      %add3A_796 = arith.addf %mul3A_784, %mul3A_795 : vector<16xf32>
      %slice3A_797 = vector.extract_strided_slice %and3A_286 {offsets = [8], sizes = [1], strides = [1]} : vector<16xi32> to vector<1xi32>
      %squeeze3A_798 = vector.extract %slice3A_797[0] : i32 from vector<1xi32>
      %slice3A_799 = vector.extract_strided_slice %and3A_289 {offsets = [8], sizes = [1], strides = [1]} : vector<16xi32> to vector<1xi32>
      %squeeze3A_800 = vector.extract %slice3A_799[0] : i32 from vector<1xi32>
      %and3A_801 = arith.constant 112 : i32
      %and3A_802 = arith.andi %squeeze3A_798, %and3A_801 : i32
      %get3A_803 = arith.index_cast %add3A_773 : i32 to index
      %get3A_804 = arith.index_cast %and3A_802 : i32 to index
      %get3A_805 = tpu.vector_load %arg17[%get3A_803, %get3A_804] {strides = array<i32>} : memref<128x128xf32, #tpu.memory_space<vmem>>, vector<16xf32>,
      %and3A_806 = arith.constant 112 : i32
      %and3A_807 = arith.andi %squeeze3A_800, %and3A_806 : i32
      %get3A_808 = arith.index_cast %add3A_773 : i32 to index
      %get3A_809 = arith.index_cast %and3A_807 : i32 to index
      %get3A_810 = tpu.vector_load %arg18[%get3A_808, %get3A_809] {strides = array<i32>} : memref<128x128xf32, #tpu.memory_space<vmem>>, vector<16xf32>,
      %and3A_811 = arith.constant 15 : i32
      %and3A_812 = arith.andi %squeeze3A_798, %and3A_811 : i32
      %eq3A_813 = vector.broadcast %and3A_812 : i32 to vector<16xi32>
      %eq3A_814 = arith.cmpi eq, %iota3A, %eq3A_813 : vector<16xi32>
      %jit3A_815 = arith.constant 0.000000e+00 : f32
      %broadcast_in_dim3A_816 = vector.broadcast %jit3A_815 : f32 to vector<16xf32>
      %select_n3A_817 = arith.select %eq3A_814, %get3A_805, %broadcast_in_dim3A_816 : vector<16xi1>, vector<16xf32>
      %add3A_818 = arith.addf %add3A_796, %select_n3A_817 : vector<16xf32>
      %and3A_819 = arith.constant 15 : i32
      %and3A_820 = arith.andi %squeeze3A_800, %and3A_819 : i32
      %eq3A_821 = vector.broadcast %and3A_820 : i32 to vector<16xi32>
      %eq3A_822 = arith.cmpi eq, %iota3A, %eq3A_821 : vector<16xi32>
      %jit3A_823 = arith.constant 0.000000e+00 : f32
      %broadcast_in_dim3A_824 = vector.broadcast %jit3A_823 : f32 to vector<16xf32>
      %select_n3A_825 = arith.select %eq3A_822, %get3A_810, %broadcast_in_dim3A_824 : vector<16xi1>, vector<16xf32>
      %add3A_826 = arith.addf %add3A_818, %select_n3A_825 : vector<16xf32>
      %mul3A_827 = arith.constant 16 : i32
      %mul3A_828 = vector.broadcast %mul3A_827 : i32 to vector<16xi32>
      %mul3A_829 = arith.muli %iota3A, %mul3A_828 : vector<16xi32>
      %add3A_830 = arith.constant 8 : i32
      %add3A_831 = vector.broadcast %add3A_830 : i32 to vector<16xi32>
      %add3A_832 = arith.addi %mul3A_829, %add3A_831 : vector<16xi32>
      tpu.vector_store_idx %arg19[%add3A_832], %add3A_826 : memref<256xf32, #tpu.memory_space<vmem>>[vector<16xi32>], vector<16xf32>,
      %add3A_833 = arith.constant 9 : i32
      %add3A_834 = arith.addi %mul3A_260, %add3A_833 : i32
      %slice3A_835 = vector.extract_strided_slice %mul3A_274 {offsets = [9], sizes = [1], strides = [1]} : vector<16xi32> to vector<1xi32>
      %squeeze3A_836 = vector.extract %slice3A_835[0] : i32 from vector<1xi32>
      %slice3A_837 = vector.extract_strided_slice %mul3A_283 {offsets = [9], sizes = [1], strides = [1]} : vector<16xi32> to vector<1xi32>
      %squeeze3A_838 = vector.extract %slice3A_837[0] : i32 from vector<1xi32>
      %get3A_839 = arith.index_cast %add3A_834 : i32 to index
      %get3A_840 = arith.index_cast %squeeze3A_836 : i32 to index
      %get3A_841 = tpu.vector_load %arg15[%get3A_839, %get3A_840] {strides = array<i32>} : memref<128x128xf32, #tpu.memory_space<vmem>>, vector<16xf32>,
      %get3A_842 = arith.index_cast %add3A_834 : i32 to index
      %get3A_843 = arith.index_cast %squeeze3A_838 : i32 to index
      %get3A_844 = tpu.vector_load %arg16[%get3A_842, %get3A_843] {strides = array<i32>} : memref<128x128xf32, #tpu.memory_space<vmem>>, vector<16xf32>,
      %mul3A_845 = arith.mulf %get3A_841, %get3A_844 : vector<16xf32>
      %add3A_846 = arith.constant 16 : i32
      %add3A_847 = arith.addi %squeeze3A_836, %add3A_846 : i32
      %get3A_848 = arith.index_cast %add3A_834 : i32 to index
      %get3A_849 = arith.index_cast %add3A_847 : i32 to index
      %get3A_850 = tpu.vector_load %arg15[%get3A_848, %get3A_849] {strides = array<i32>} : memref<128x128xf32, #tpu.memory_space<vmem>>, vector<16xf32>,
      %add3A_851 = arith.constant 16 : i32
      %add3A_852 = arith.addi %squeeze3A_838, %add3A_851 : i32
      %get3A_853 = arith.index_cast %add3A_834 : i32 to index
      %get3A_854 = arith.index_cast %add3A_852 : i32 to index
      %get3A_855 = tpu.vector_load %arg16[%get3A_853, %get3A_854] {strides = array<i32>} : memref<128x128xf32, #tpu.memory_space<vmem>>, vector<16xf32>,
      %mul3A_856 = arith.mulf %get3A_850, %get3A_855 : vector<16xf32>
      %add3A_857 = arith.addf %mul3A_845, %mul3A_856 : vector<16xf32>
      %slice3A_858 = vector.extract_strided_slice %and3A_286 {offsets = [9], sizes = [1], strides = [1]} : vector<16xi32> to vector<1xi32>
      %squeeze3A_859 = vector.extract %slice3A_858[0] : i32 from vector<1xi32>
      %slice3A_860 = vector.extract_strided_slice %and3A_289 {offsets = [9], sizes = [1], strides = [1]} : vector<16xi32> to vector<1xi32>
      %squeeze3A_861 = vector.extract %slice3A_860[0] : i32 from vector<1xi32>
      %and3A_862 = arith.constant 112 : i32
      %and3A_863 = arith.andi %squeeze3A_859, %and3A_862 : i32
      %get3A_864 = arith.index_cast %add3A_834 : i32 to index
      %get3A_865 = arith.index_cast %and3A_863 : i32 to index
      %get3A_866 = tpu.vector_load %arg17[%get3A_864, %get3A_865] {strides = array<i32>} : memref<128x128xf32, #tpu.memory_space<vmem>>, vector<16xf32>,
      %and3A_867 = arith.constant 112 : i32
      %and3A_868 = arith.andi %squeeze3A_861, %and3A_867 : i32
      %get3A_869 = arith.index_cast %add3A_834 : i32 to index
      %get3A_870 = arith.index_cast %and3A_868 : i32 to index
      %get3A_871 = tpu.vector_load %arg18[%get3A_869, %get3A_870] {strides = array<i32>} : memref<128x128xf32, #tpu.memory_space<vmem>>, vector<16xf32>,
      %and3A_872 = arith.constant 15 : i32
      %and3A_873 = arith.andi %squeeze3A_859, %and3A_872 : i32
      %eq3A_874 = vector.broadcast %and3A_873 : i32 to vector<16xi32>
      %eq3A_875 = arith.cmpi eq, %iota3A, %eq3A_874 : vector<16xi32>
      %jit3A_876 = arith.constant 0.000000e+00 : f32
      %broadcast_in_dim3A_877 = vector.broadcast %jit3A_876 : f32 to vector<16xf32>
      %select_n3A_878 = arith.select %eq3A_875, %get3A_866, %broadcast_in_dim3A_877 : vector<16xi1>, vector<16xf32>
      %add3A_879 = arith.addf %add3A_857, %select_n3A_878 : vector<16xf32>
      %and3A_880 = arith.constant 15 : i32
      %and3A_881 = arith.andi %squeeze3A_861, %and3A_880 : i32
      %eq3A_882 = vector.broadcast %and3A_881 : i32 to vector<16xi32>
      %eq3A_883 = arith.cmpi eq, %iota3A, %eq3A_882 : vector<16xi32>
      %jit3A_884 = arith.constant 0.000000e+00 : f32
      %broadcast_in_dim3A_885 = vector.broadcast %jit3A_884 : f32 to vector<16xf32>
      %select_n3A_886 = arith.select %eq3A_883, %get3A_871, %broadcast_in_dim3A_885 : vector<16xi1>, vector<16xf32>
      %add3A_887 = arith.addf %add3A_879, %select_n3A_886 : vector<16xf32>
      %mul3A_888 = arith.constant 16 : i32
      %mul3A_889 = vector.broadcast %mul3A_888 : i32 to vector<16xi32>
      %mul3A_890 = arith.muli %iota3A, %mul3A_889 : vector<16xi32>
      %add3A_891 = arith.constant 9 : i32
      %add3A_892 = vector.broadcast %add3A_891 : i32 to vector<16xi32>
      %add3A_893 = arith.addi %mul3A_890, %add3A_892 : vector<16xi32>
      tpu.vector_store_idx %arg19[%add3A_893], %add3A_887 : memref<256xf32, #tpu.memory_space<vmem>>[vector<16xi32>], vector<16xf32>,
      %add3A_894 = arith.constant 10 : i32
      %add3A_895 = arith.addi %mul3A_260, %add3A_894 : i32
      %slice3A_896 = vector.extract_strided_slice %mul3A_274 {offsets = [10], sizes = [1], strides = [1]} : vector<16xi32> to vector<1xi32>
      %squeeze3A_897 = vector.extract %slice3A_896[0] : i32 from vector<1xi32>
      %slice3A_898 = vector.extract_strided_slice %mul3A_283 {offsets = [10], sizes = [1], strides = [1]} : vector<16xi32> to vector<1xi32>
      %squeeze3A_899 = vector.extract %slice3A_898[0] : i32 from vector<1xi32>
      %get3A_900 = arith.index_cast %add3A_895 : i32 to index
      %get3A_901 = arith.index_cast %squeeze3A_897 : i32 to index
      %get3A_902 = tpu.vector_load %arg15[%get3A_900, %get3A_901] {strides = array<i32>} : memref<128x128xf32, #tpu.memory_space<vmem>>, vector<16xf32>,
      %get3A_903 = arith.index_cast %add3A_895 : i32 to index
      %get3A_904 = arith.index_cast %squeeze3A_899 : i32 to index
      %get3A_905 = tpu.vector_load %arg16[%get3A_903, %get3A_904] {strides = array<i32>} : memref<128x128xf32, #tpu.memory_space<vmem>>, vector<16xf32>,
      %mul3A_906 = arith.mulf %get3A_902, %get3A_905 : vector<16xf32>
      %add3A_907 = arith.constant 16 : i32
      %add3A_908 = arith.addi %squeeze3A_897, %add3A_907 : i32
      %get3A_909 = arith.index_cast %add3A_895 : i32 to index
      %get3A_910 = arith.index_cast %add3A_908 : i32 to index
      %get3A_911 = tpu.vector_load %arg15[%get3A_909, %get3A_910] {strides = array<i32>} : memref<128x128xf32, #tpu.memory_space<vmem>>, vector<16xf32>,
      %add3A_912 = arith.constant 16 : i32
      %add3A_913 = arith.addi %squeeze3A_899, %add3A_912 : i32
      %get3A_914 = arith.index_cast %add3A_895 : i32 to index
      %get3A_915 = arith.index_cast %add3A_913 : i32 to index
      %get3A_916 = tpu.vector_load %arg16[%get3A_914, %get3A_915] {strides = array<i32>} : memref<128x128xf32, #tpu.memory_space<vmem>>, vector<16xf32>,
      %mul3A_917 = arith.mulf %get3A_911, %get3A_916 : vector<16xf32>
      %add3A_918 = arith.addf %mul3A_906, %mul3A_917 : vector<16xf32>
      %slice3A_919 = vector.extract_strided_slice %and3A_286 {offsets = [10], sizes = [1], strides = [1]} : vector<16xi32> to vector<1xi32>
      %squeeze3A_920 = vector.extract %slice3A_919[0] : i32 from vector<1xi32>
      %slice3A_921 = vector.extract_strided_slice %and3A_289 {offsets = [10], sizes = [1], strides = [1]} : vector<16xi32> to vector<1xi32>
      %squeeze3A_922 = vector.extract %slice3A_921[0] : i32 from vector<1xi32>
      %and3A_923 = arith.constant 112 : i32
      %and3A_924 = arith.andi %squeeze3A_920, %and3A_923 : i32
      %get3A_925 = arith.index_cast %add3A_895 : i32 to index
      %get3A_926 = arith.index_cast %and3A_924 : i32 to index
      %get3A_927 = tpu.vector_load %arg17[%get3A_925, %get3A_926] {strides = array<i32>} : memref<128x128xf32, #tpu.memory_space<vmem>>, vector<16xf32>,
      %and3A_928 = arith.constant 112 : i32
      %and3A_929 = arith.andi %squeeze3A_922, %and3A_928 : i32
      %get3A_930 = arith.index_cast %add3A_895 : i32 to index
      %get3A_931 = arith.index_cast %and3A_929 : i32 to index
      %get3A_932 = tpu.vector_load %arg18[%get3A_930, %get3A_931] {strides = array<i32>} : memref<128x128xf32, #tpu.memory_space<vmem>>, vector<16xf32>,
      %and3A_933 = arith.constant 15 : i32
      %and3A_934 = arith.andi %squeeze3A_920, %and3A_933 : i32
      %eq3A_935 = vector.broadcast %and3A_934 : i32 to vector<16xi32>
      %eq3A_936 = arith.cmpi eq, %iota3A, %eq3A_935 : vector<16xi32>
      %jit3A_937 = arith.constant 0.000000e+00 : f32
      %broadcast_in_dim3A_938 = vector.broadcast %jit3A_937 : f32 to vector<16xf32>
      %select_n3A_939 = arith.select %eq3A_936, %get3A_927, %broadcast_in_dim3A_938 : vector<16xi1>, vector<16xf32>
      %add3A_940 = arith.addf %add3A_918, %select_n3A_939 : vector<16xf32>
      %and3A_941 = arith.constant 15 : i32
      %and3A_942 = arith.andi %squeeze3A_922, %and3A_941 : i32
      %eq3A_943 = vector.broadcast %and3A_942 : i32 to vector<16xi32>
      %eq3A_944 = arith.cmpi eq, %iota3A, %eq3A_943 : vector<16xi32>
      %jit3A_945 = arith.constant 0.000000e+00 : f32
      %broadcast_in_dim3A_946 = vector.broadcast %jit3A_945 : f32 to vector<16xf32>
      %select_n3A_947 = arith.select %eq3A_944, %get3A_932, %broadcast_in_dim3A_946 : vector<16xi1>, vector<16xf32>
      %add3A_948 = arith.addf %add3A_940, %select_n3A_947 : vector<16xf32>
      %mul3A_949 = arith.constant 16 : i32
      %mul3A_950 = vector.broadcast %mul3A_949 : i32 to vector<16xi32>
      %mul3A_951 = arith.muli %iota3A, %mul3A_950 : vector<16xi32>
      %add3A_952 = arith.constant 10 : i32
      %add3A_953 = vector.broadcast %add3A_952 : i32 to vector<16xi32>
      %add3A_954 = arith.addi %mul3A_951, %add3A_953 : vector<16xi32>
      tpu.vector_store_idx %arg19[%add3A_954], %add3A_948 : memref<256xf32, #tpu.memory_space<vmem>>[vector<16xi32>], vector<16xf32>,
      %add3A_955 = arith.constant 11 : i32
      %add3A_956 = arith.addi %mul3A_260, %add3A_955 : i32
      %slice3A_957 = vector.extract_strided_slice %mul3A_274 {offsets = [11], sizes = [1], strides = [1]} : vector<16xi32> to vector<1xi32>
      %squeeze3A_958 = vector.extract %slice3A_957[0] : i32 from vector<1xi32>
      %slice3A_959 = vector.extract_strided_slice %mul3A_283 {offsets = [11], sizes = [1], strides = [1]} : vector<16xi32> to vector<1xi32>
      %squeeze3A_960 = vector.extract %slice3A_959[0] : i32 from vector<1xi32>
      %get3A_961 = arith.index_cast %add3A_956 : i32 to index
      %get3A_962 = arith.index_cast %squeeze3A_958 : i32 to index
      %get3A_963 = tpu.vector_load %arg15[%get3A_961, %get3A_962] {strides = array<i32>} : memref<128x128xf32, #tpu.memory_space<vmem>>, vector<16xf32>,
      %get3A_964 = arith.index_cast %add3A_956 : i32 to index
      %get3A_965 = arith.index_cast %squeeze3A_960 : i32 to index
      %get3A_966 = tpu.vector_load %arg16[%get3A_964, %get3A_965] {strides = array<i32>} : memref<128x128xf32, #tpu.memory_space<vmem>>, vector<16xf32>,
      %mul3A_967 = arith.mulf %get3A_963, %get3A_966 : vector<16xf32>
      %add3A_968 = arith.constant 16 : i32
      %add3A_969 = arith.addi %squeeze3A_958, %add3A_968 : i32
      %get3A_970 = arith.index_cast %add3A_956 : i32 to index
      %get3A_971 = arith.index_cast %add3A_969 : i32 to index
      %get3A_972 = tpu.vector_load %arg15[%get3A_970, %get3A_971] {strides = array<i32>} : memref<128x128xf32, #tpu.memory_space<vmem>>, vector<16xf32>,
      %add3A_973 = arith.constant 16 : i32
      %add3A_974 = arith.addi %squeeze3A_960, %add3A_973 : i32
      %get3A_975 = arith.index_cast %add3A_956 : i32 to index
      %get3A_976 = arith.index_cast %add3A_974 : i32 to index
      %get3A_977 = tpu.vector_load %arg16[%get3A_975, %get3A_976] {strides = array<i32>} : memref<128x128xf32, #tpu.memory_space<vmem>>, vector<16xf32>,
      %mul3A_978 = arith.mulf %get3A_972, %get3A_977 : vector<16xf32>
      %add3A_979 = arith.addf %mul3A_967, %mul3A_978 : vector<16xf32>
      %slice3A_980 = vector.extract_strided_slice %and3A_286 {offsets = [11], sizes = [1], strides = [1]} : vector<16xi32> to vector<1xi32>
      %squeeze3A_981 = vector.extract %slice3A_980[0] : i32 from vector<1xi32>
      %slice3A_982 = vector.extract_strided_slice %and3A_289 {offsets = [11], sizes = [1], strides = [1]} : vector<16xi32> to vector<1xi32>
      %squeeze3A_983 = vector.extract %slice3A_982[0] : i32 from vector<1xi32>
      %and3A_984 = arith.constant 112 : i32
      %and3A_985 = arith.andi %squeeze3A_981, %and3A_984 : i32
      %get3A_986 = arith.index_cast %add3A_956 : i32 to index
      %get3A_987 = arith.index_cast %and3A_985 : i32 to index
      %get3A_988 = tpu.vector_load %arg17[%get3A_986, %get3A_987] {strides = array<i32>} : memref<128x128xf32, #tpu.memory_space<vmem>>, vector<16xf32>,
      %and3A_989 = arith.constant 112 : i32
      %and3A_990 = arith.andi %squeeze3A_983, %and3A_989 : i32
      %get3A_991 = arith.index_cast %add3A_956 : i32 to index
      %get3A_992 = arith.index_cast %and3A_990 : i32 to index
      %get3A_993 = tpu.vector_load %arg18[%get3A_991, %get3A_992] {strides = array<i32>} : memref<128x128xf32, #tpu.memory_space<vmem>>, vector<16xf32>,
      %and3A_994 = arith.constant 15 : i32
      %and3A_995 = arith.andi %squeeze3A_981, %and3A_994 : i32
      %eq3A_996 = vector.broadcast %and3A_995 : i32 to vector<16xi32>
      %eq3A_997 = arith.cmpi eq, %iota3A, %eq3A_996 : vector<16xi32>
      %jit3A_998 = arith.constant 0.000000e+00 : f32
      %broadcast_in_dim3A_999 = vector.broadcast %jit3A_998 : f32 to vector<16xf32>
      %select_n3A_1000 = arith.select %eq3A_997, %get3A_988, %broadcast_in_dim3A_999 : vector<16xi1>, vector<16xf32>
      %add3A_1001 = arith.addf %add3A_979, %select_n3A_1000 : vector<16xf32>
      %and3A_1002 = arith.constant 15 : i32
      %and3A_1003 = arith.andi %squeeze3A_983, %and3A_1002 : i32
      %eq3A_1004 = vector.broadcast %and3A_1003 : i32 to vector<16xi32>
      %eq3A_1005 = arith.cmpi eq, %iota3A, %eq3A_1004 : vector<16xi32>
      %jit3A_1006 = arith.constant 0.000000e+00 : f32
      %broadcast_in_dim3A_1007 = vector.broadcast %jit3A_1006 : f32 to vector<16xf32>
      %select_n3A_1008 = arith.select %eq3A_1005, %get3A_993, %broadcast_in_dim3A_1007 : vector<16xi1>, vector<16xf32>
      %add3A_1009 = arith.addf %add3A_1001, %select_n3A_1008 : vector<16xf32>
      %mul3A_1010 = arith.constant 16 : i32
      %mul3A_1011 = vector.broadcast %mul3A_1010 : i32 to vector<16xi32>
      %mul3A_1012 = arith.muli %iota3A, %mul3A_1011 : vector<16xi32>
      %add3A_1013 = arith.constant 11 : i32
      %add3A_1014 = vector.broadcast %add3A_1013 : i32 to vector<16xi32>
      %add3A_1015 = arith.addi %mul3A_1012, %add3A_1014 : vector<16xi32>
      tpu.vector_store_idx %arg19[%add3A_1015], %add3A_1009 : memref<256xf32, #tpu.memory_space<vmem>>[vector<16xi32>], vector<16xf32>,
      %add3A_1016 = arith.constant 12 : i32
      %add3A_1017 = arith.addi %mul3A_260, %add3A_1016 : i32
      %slice3A_1018 = vector.extract_strided_slice %mul3A_274 {offsets = [12], sizes = [1], strides = [1]} : vector<16xi32> to vector<1xi32>
      %squeeze3A_1019 = vector.extract %slice3A_1018[0] : i32 from vector<1xi32>
      %slice3A_1020 = vector.extract_strided_slice %mul3A_283 {offsets = [12], sizes = [1], strides = [1]} : vector<16xi32> to vector<1xi32>
      %squeeze3A_1021 = vector.extract %slice3A_1020[0] : i32 from vector<1xi32>
      %get3A_1022 = arith.index_cast %add3A_1017 : i32 to index
      %get3A_1023 = arith.index_cast %squeeze3A_1019 : i32 to index
      %get3A_1024 = tpu.vector_load %arg15[%get3A_1022, %get3A_1023] {strides = array<i32>} : memref<128x128xf32, #tpu.memory_space<vmem>>, vector<16xf32>,
      %get3A_1025 = arith.index_cast %add3A_1017 : i32 to index
      %get3A_1026 = arith.index_cast %squeeze3A_1021 : i32 to index
      %get3A_1027 = tpu.vector_load %arg16[%get3A_1025, %get3A_1026] {strides = array<i32>} : memref<128x128xf32, #tpu.memory_space<vmem>>, vector<16xf32>,
      %mul3A_1028 = arith.mulf %get3A_1024, %get3A_1027 : vector<16xf32>
      %add3A_1029 = arith.constant 16 : i32
      %add3A_1030 = arith.addi %squeeze3A_1019, %add3A_1029 : i32
      %get3A_1031 = arith.index_cast %add3A_1017 : i32 to index
      %get3A_1032 = arith.index_cast %add3A_1030 : i32 to index
      %get3A_1033 = tpu.vector_load %arg15[%get3A_1031, %get3A_1032] {strides = array<i32>} : memref<128x128xf32, #tpu.memory_space<vmem>>, vector<16xf32>,
      %add3A_1034 = arith.constant 16 : i32
      %add3A_1035 = arith.addi %squeeze3A_1021, %add3A_1034 : i32
      %get3A_1036 = arith.index_cast %add3A_1017 : i32 to index
      %get3A_1037 = arith.index_cast %add3A_1035 : i32 to index
      %get3A_1038 = tpu.vector_load %arg16[%get3A_1036, %get3A_1037] {strides = array<i32>} : memref<128x128xf32, #tpu.memory_space<vmem>>, vector<16xf32>,
      %mul3A_1039 = arith.mulf %get3A_1033, %get3A_1038 : vector<16xf32>
      %add3A_1040 = arith.addf %mul3A_1028, %mul3A_1039 : vector<16xf32>
      %slice3A_1041 = vector.extract_strided_slice %and3A_286 {offsets = [12], sizes = [1], strides = [1]} : vector<16xi32> to vector<1xi32>
      %squeeze3A_1042 = vector.extract %slice3A_1041[0] : i32 from vector<1xi32>
      %slice3A_1043 = vector.extract_strided_slice %and3A_289 {offsets = [12], sizes = [1], strides = [1]} : vector<16xi32> to vector<1xi32>
      %squeeze3A_1044 = vector.extract %slice3A_1043[0] : i32 from vector<1xi32>
      %and3A_1045 = arith.constant 112 : i32
      %and3A_1046 = arith.andi %squeeze3A_1042, %and3A_1045 : i32
      %get3A_1047 = arith.index_cast %add3A_1017 : i32 to index
      %get3A_1048 = arith.index_cast %and3A_1046 : i32 to index
      %get3A_1049 = tpu.vector_load %arg17[%get3A_1047, %get3A_1048] {strides = array<i32>} : memref<128x128xf32, #tpu.memory_space<vmem>>, vector<16xf32>,
      %and3A_1050 = arith.constant 112 : i32
      %and3A_1051 = arith.andi %squeeze3A_1044, %and3A_1050 : i32
      %get3A_1052 = arith.index_cast %add3A_1017 : i32 to index
      %get3A_1053 = arith.index_cast %and3A_1051 : i32 to index
      %get3A_1054 = tpu.vector_load %arg18[%get3A_1052, %get3A_1053] {strides = array<i32>} : memref<128x128xf32, #tpu.memory_space<vmem>>, vector<16xf32>,
      %and3A_1055 = arith.constant 15 : i32
      %and3A_1056 = arith.andi %squeeze3A_1042, %and3A_1055 : i32
      %eq3A_1057 = vector.broadcast %and3A_1056 : i32 to vector<16xi32>
      %eq3A_1058 = arith.cmpi eq, %iota3A, %eq3A_1057 : vector<16xi32>
      %jit3A_1059 = arith.constant 0.000000e+00 : f32
      %broadcast_in_dim3A_1060 = vector.broadcast %jit3A_1059 : f32 to vector<16xf32>
      %select_n3A_1061 = arith.select %eq3A_1058, %get3A_1049, %broadcast_in_dim3A_1060 : vector<16xi1>, vector<16xf32>
      %add3A_1062 = arith.addf %add3A_1040, %select_n3A_1061 : vector<16xf32>
      %and3A_1063 = arith.constant 15 : i32
      %and3A_1064 = arith.andi %squeeze3A_1044, %and3A_1063 : i32
      %eq3A_1065 = vector.broadcast %and3A_1064 : i32 to vector<16xi32>
      %eq3A_1066 = arith.cmpi eq, %iota3A, %eq3A_1065 : vector<16xi32>
      %jit3A_1067 = arith.constant 0.000000e+00 : f32
      %broadcast_in_dim3A_1068 = vector.broadcast %jit3A_1067 : f32 to vector<16xf32>
      %select_n3A_1069 = arith.select %eq3A_1066, %get3A_1054, %broadcast_in_dim3A_1068 : vector<16xi1>, vector<16xf32>
      %add3A_1070 = arith.addf %add3A_1062, %select_n3A_1069 : vector<16xf32>
      %mul3A_1071 = arith.constant 16 : i32
      %mul3A_1072 = vector.broadcast %mul3A_1071 : i32 to vector<16xi32>
      %mul3A_1073 = arith.muli %iota3A, %mul3A_1072 : vector<16xi32>
      %add3A_1074 = arith.constant 12 : i32
      %add3A_1075 = vector.broadcast %add3A_1074 : i32 to vector<16xi32>
      %add3A_1076 = arith.addi %mul3A_1073, %add3A_1075 : vector<16xi32>
      tpu.vector_store_idx %arg19[%add3A_1076], %add3A_1070 : memref<256xf32, #tpu.memory_space<vmem>>[vector<16xi32>], vector<16xf32>,
      %add3A_1077 = arith.constant 13 : i32
      %add3A_1078 = arith.addi %mul3A_260, %add3A_1077 : i32
      %slice3A_1079 = vector.extract_strided_slice %mul3A_274 {offsets = [13], sizes = [1], strides = [1]} : vector<16xi32> to vector<1xi32>
      %squeeze3A_1080 = vector.extract %slice3A_1079[0] : i32 from vector<1xi32>
      %slice3A_1081 = vector.extract_strided_slice %mul3A_283 {offsets = [13], sizes = [1], strides = [1]} : vector<16xi32> to vector<1xi32>
      %squeeze3A_1082 = vector.extract %slice3A_1081[0] : i32 from vector<1xi32>
      %get3A_1083 = arith.index_cast %add3A_1078 : i32 to index
      %get3A_1084 = arith.index_cast %squeeze3A_1080 : i32 to index
      %get3A_1085 = tpu.vector_load %arg15[%get3A_1083, %get3A_1084] {strides = array<i32>} : memref<128x128xf32, #tpu.memory_space<vmem>>, vector<16xf32>,
      %get3A_1086 = arith.index_cast %add3A_1078 : i32 to index
      %get3A_1087 = arith.index_cast %squeeze3A_1082 : i32 to index
      %get3A_1088 = tpu.vector_load %arg16[%get3A_1086, %get3A_1087] {strides = array<i32>} : memref<128x128xf32, #tpu.memory_space<vmem>>, vector<16xf32>,
      %mul3A_1089 = arith.mulf %get3A_1085, %get3A_1088 : vector<16xf32>
      %add3A_1090 = arith.constant 16 : i32
      %add3A_1091 = arith.addi %squeeze3A_1080, %add3A_1090 : i32
      %get3A_1092 = arith.index_cast %add3A_1078 : i32 to index
      %get3A_1093 = arith.index_cast %add3A_1091 : i32 to index
      %get3A_1094 = tpu.vector_load %arg15[%get3A_1092, %get3A_1093] {strides = array<i32>} : memref<128x128xf32, #tpu.memory_space<vmem>>, vector<16xf32>,
      %add3A_1095 = arith.constant 16 : i32
      %add3A_1096 = arith.addi %squeeze3A_1082, %add3A_1095 : i32
      %get3A_1097 = arith.index_cast %add3A_1078 : i32 to index
      %get3A_1098 = arith.index_cast %add3A_1096 : i32 to index
      %get3A_1099 = tpu.vector_load %arg16[%get3A_1097, %get3A_1098] {strides = array<i32>} : memref<128x128xf32, #tpu.memory_space<vmem>>, vector<16xf32>,
      %mul3A_1100 = arith.mulf %get3A_1094, %get3A_1099 : vector<16xf32>
      %add3A_1101 = arith.addf %mul3A_1089, %mul3A_1100 : vector<16xf32>
      %slice3A_1102 = vector.extract_strided_slice %and3A_286 {offsets = [13], sizes = [1], strides = [1]} : vector<16xi32> to vector<1xi32>
      %squeeze3A_1103 = vector.extract %slice3A_1102[0] : i32 from vector<1xi32>
      %slice3A_1104 = vector.extract_strided_slice %and3A_289 {offsets = [13], sizes = [1], strides = [1]} : vector<16xi32> to vector<1xi32>
      %squeeze3A_1105 = vector.extract %slice3A_1104[0] : i32 from vector<1xi32>
      %and3A_1106 = arith.constant 112 : i32
      %and3A_1107 = arith.andi %squeeze3A_1103, %and3A_1106 : i32
      %get3A_1108 = arith.index_cast %add3A_1078 : i32 to index
      %get3A_1109 = arith.index_cast %and3A_1107 : i32 to index
      %get3A_1110 = tpu.vector_load %arg17[%get3A_1108, %get3A_1109] {strides = array<i32>} : memref<128x128xf32, #tpu.memory_space<vmem>>, vector<16xf32>,
      %and3A_1111 = arith.constant 112 : i32
      %and3A_1112 = arith.andi %squeeze3A_1105, %and3A_1111 : i32
      %get3A_1113 = arith.index_cast %add3A_1078 : i32 to index
      %get3A_1114 = arith.index_cast %and3A_1112 : i32 to index
      %get3A_1115 = tpu.vector_load %arg18[%get3A_1113, %get3A_1114] {strides = array<i32>} : memref<128x128xf32, #tpu.memory_space<vmem>>, vector<16xf32>,
      %and3A_1116 = arith.constant 15 : i32
      %and3A_1117 = arith.andi %squeeze3A_1103, %and3A_1116 : i32
      %eq3A_1118 = vector.broadcast %and3A_1117 : i32 to vector<16xi32>
      %eq3A_1119 = arith.cmpi eq, %iota3A, %eq3A_1118 : vector<16xi32>
      %jit3A_1120 = arith.constant 0.000000e+00 : f32
      %broadcast_in_dim3A_1121 = vector.broadcast %jit3A_1120 : f32 to vector<16xf32>
      %select_n3A_1122 = arith.select %eq3A_1119, %get3A_1110, %broadcast_in_dim3A_1121 : vector<16xi1>, vector<16xf32>
      %add3A_1123 = arith.addf %add3A_1101, %select_n3A_1122 : vector<16xf32>
      %and3A_1124 = arith.constant 15 : i32
      %and3A_1125 = arith.andi %squeeze3A_1105, %and3A_1124 : i32
      %eq3A_1126 = vector.broadcast %and3A_1125 : i32 to vector<16xi32>
      %eq3A_1127 = arith.cmpi eq, %iota3A, %eq3A_1126 : vector<16xi32>
      %jit3A_1128 = arith.constant 0.000000e+00 : f32
      %broadcast_in_dim3A_1129 = vector.broadcast %jit3A_1128 : f32 to vector<16xf32>
      %select_n3A_1130 = arith.select %eq3A_1127, %get3A_1115, %broadcast_in_dim3A_1129 : vector<16xi1>, vector<16xf32>
      %add3A_1131 = arith.addf %add3A_1123, %select_n3A_1130 : vector<16xf32>
      %mul3A_1132 = arith.constant 16 : i32
      %mul3A_1133 = vector.broadcast %mul3A_1132 : i32 to vector<16xi32>
      %mul3A_1134 = arith.muli %iota3A, %mul3A_1133 : vector<16xi32>
      %add3A_1135 = arith.constant 13 : i32
      %add3A_1136 = vector.broadcast %add3A_1135 : i32 to vector<16xi32>
      %add3A_1137 = arith.addi %mul3A_1134, %add3A_1136 : vector<16xi32>
      tpu.vector_store_idx %arg19[%add3A_1137], %add3A_1131 : memref<256xf32, #tpu.memory_space<vmem>>[vector<16xi32>], vector<16xf32>,
      %add3A_1138 = arith.constant 14 : i32
      %add3A_1139 = arith.addi %mul3A_260, %add3A_1138 : i32
      %slice3A_1140 = vector.extract_strided_slice %mul3A_274 {offsets = [14], sizes = [1], strides = [1]} : vector<16xi32> to vector<1xi32>
      %squeeze3A_1141 = vector.extract %slice3A_1140[0] : i32 from vector<1xi32>
      %slice3A_1142 = vector.extract_strided_slice %mul3A_283 {offsets = [14], sizes = [1], strides = [1]} : vector<16xi32> to vector<1xi32>
      %squeeze3A_1143 = vector.extract %slice3A_1142[0] : i32 from vector<1xi32>
      %get3A_1144 = arith.index_cast %add3A_1139 : i32 to index
      %get3A_1145 = arith.index_cast %squeeze3A_1141 : i32 to index
      %get3A_1146 = tpu.vector_load %arg15[%get3A_1144, %get3A_1145] {strides = array<i32>} : memref<128x128xf32, #tpu.memory_space<vmem>>, vector<16xf32>,
      %get3A_1147 = arith.index_cast %add3A_1139 : i32 to index
      %get3A_1148 = arith.index_cast %squeeze3A_1143 : i32 to index
      %get3A_1149 = tpu.vector_load %arg16[%get3A_1147, %get3A_1148] {strides = array<i32>} : memref<128x128xf32, #tpu.memory_space<vmem>>, vector<16xf32>,
      %mul3A_1150 = arith.mulf %get3A_1146, %get3A_1149 : vector<16xf32>
      %add3A_1151 = arith.constant 16 : i32
      %add3A_1152 = arith.addi %squeeze3A_1141, %add3A_1151 : i32
      %get3A_1153 = arith.index_cast %add3A_1139 : i32 to index
      %get3A_1154 = arith.index_cast %add3A_1152 : i32 to index
      %get3A_1155 = tpu.vector_load %arg15[%get3A_1153, %get3A_1154] {strides = array<i32>} : memref<128x128xf32, #tpu.memory_space<vmem>>, vector<16xf32>,
      %add3A_1156 = arith.constant 16 : i32
      %add3A_1157 = arith.addi %squeeze3A_1143, %add3A_1156 : i32
      %get3A_1158 = arith.index_cast %add3A_1139 : i32 to index
      %get3A_1159 = arith.index_cast %add3A_1157 : i32 to index
      %get3A_1160 = tpu.vector_load %arg16[%get3A_1158, %get3A_1159] {strides = array<i32>} : memref<128x128xf32, #tpu.memory_space<vmem>>, vector<16xf32>,
      %mul3A_1161 = arith.mulf %get3A_1155, %get3A_1160 : vector<16xf32>
      %add3A_1162 = arith.addf %mul3A_1150, %mul3A_1161 : vector<16xf32>
      %slice3A_1163 = vector.extract_strided_slice %and3A_286 {offsets = [14], sizes = [1], strides = [1]} : vector<16xi32> to vector<1xi32>
      %squeeze3A_1164 = vector.extract %slice3A_1163[0] : i32 from vector<1xi32>
      %slice3A_1165 = vector.extract_strided_slice %and3A_289 {offsets = [14], sizes = [1], strides = [1]} : vector<16xi32> to vector<1xi32>
      %squeeze3A_1166 = vector.extract %slice3A_1165[0] : i32 from vector<1xi32>
      %and3A_1167 = arith.constant 112 : i32
      %and3A_1168 = arith.andi %squeeze3A_1164, %and3A_1167 : i32
      %get3A_1169 = arith.index_cast %add3A_1139 : i32 to index
      %get3A_1170 = arith.index_cast %and3A_1168 : i32 to index
      %get3A_1171 = tpu.vector_load %arg17[%get3A_1169, %get3A_1170] {strides = array<i32>} : memref<128x128xf32, #tpu.memory_space<vmem>>, vector<16xf32>,
      %and3A_1172 = arith.constant 112 : i32
      %and3A_1173 = arith.andi %squeeze3A_1166, %and3A_1172 : i32
      %get3A_1174 = arith.index_cast %add3A_1139 : i32 to index
      %get3A_1175 = arith.index_cast %and3A_1173 : i32 to index
      %get3A_1176 = tpu.vector_load %arg18[%get3A_1174, %get3A_1175] {strides = array<i32>} : memref<128x128xf32, #tpu.memory_space<vmem>>, vector<16xf32>,
      %and3A_1177 = arith.constant 15 : i32
      %and3A_1178 = arith.andi %squeeze3A_1164, %and3A_1177 : i32
      %eq3A_1179 = vector.broadcast %and3A_1178 : i32 to vector<16xi32>
      %eq3A_1180 = arith.cmpi eq, %iota3A, %eq3A_1179 : vector<16xi32>
      %jit3A_1181 = arith.constant 0.000000e+00 : f32
      %broadcast_in_dim3A_1182 = vector.broadcast %jit3A_1181 : f32 to vector<16xf32>
      %select_n3A_1183 = arith.select %eq3A_1180, %get3A_1171, %broadcast_in_dim3A_1182 : vector<16xi1>, vector<16xf32>
      %add3A_1184 = arith.addf %add3A_1162, %select_n3A_1183 : vector<16xf32>
      %and3A_1185 = arith.constant 15 : i32
      %and3A_1186 = arith.andi %squeeze3A_1166, %and3A_1185 : i32
      %eq3A_1187 = vector.broadcast %and3A_1186 : i32 to vector<16xi32>
      %eq3A_1188 = arith.cmpi eq, %iota3A, %eq3A_1187 : vector<16xi32>
      %jit3A_1189 = arith.constant 0.000000e+00 : f32
      %broadcast_in_dim3A_1190 = vector.broadcast %jit3A_1189 : f32 to vector<16xf32>
      %select_n3A_1191 = arith.select %eq3A_1188, %get3A_1176, %broadcast_in_dim3A_1190 : vector<16xi1>, vector<16xf32>
      %add3A_1192 = arith.addf %add3A_1184, %select_n3A_1191 : vector<16xf32>
      %mul3A_1193 = arith.constant 16 : i32
      %mul3A_1194 = vector.broadcast %mul3A_1193 : i32 to vector<16xi32>
      %mul3A_1195 = arith.muli %iota3A, %mul3A_1194 : vector<16xi32>
      %add3A_1196 = arith.constant 14 : i32
      %add3A_1197 = vector.broadcast %add3A_1196 : i32 to vector<16xi32>
      %add3A_1198 = arith.addi %mul3A_1195, %add3A_1197 : vector<16xi32>
      tpu.vector_store_idx %arg19[%add3A_1198], %add3A_1192 : memref<256xf32, #tpu.memory_space<vmem>>[vector<16xi32>], vector<16xf32>,
      %add3A_1199 = arith.constant 15 : i32
      %add3A_1200 = arith.addi %mul3A_260, %add3A_1199 : i32
      %slice3A_1201 = vector.extract_strided_slice %mul3A_274 {offsets = [15], sizes = [1], strides = [1]} : vector<16xi32> to vector<1xi32>
      %squeeze3A_1202 = vector.extract %slice3A_1201[0] : i32 from vector<1xi32>
      %slice3A_1203 = vector.extract_strided_slice %mul3A_283 {offsets = [15], sizes = [1], strides = [1]} : vector<16xi32> to vector<1xi32>
      %squeeze3A_1204 = vector.extract %slice3A_1203[0] : i32 from vector<1xi32>
      %get3A_1205 = arith.index_cast %add3A_1200 : i32 to index
      %get3A_1206 = arith.index_cast %squeeze3A_1202 : i32 to index
      %get3A_1207 = tpu.vector_load %arg15[%get3A_1205, %get3A_1206] {strides = array<i32>} : memref<128x128xf32, #tpu.memory_space<vmem>>, vector<16xf32>,
      %get3A_1208 = arith.index_cast %add3A_1200 : i32 to index
      %get3A_1209 = arith.index_cast %squeeze3A_1204 : i32 to index
      %get3A_1210 = tpu.vector_load %arg16[%get3A_1208, %get3A_1209] {strides = array<i32>} : memref<128x128xf32, #tpu.memory_space<vmem>>, vector<16xf32>,
      %mul3A_1211 = arith.mulf %get3A_1207, %get3A_1210 : vector<16xf32>
      %add3A_1212 = arith.constant 16 : i32
      %add3A_1213 = arith.addi %squeeze3A_1202, %add3A_1212 : i32
      %get3A_1214 = arith.index_cast %add3A_1200 : i32 to index
      %get3A_1215 = arith.index_cast %add3A_1213 : i32 to index
      %get3A_1216 = tpu.vector_load %arg15[%get3A_1214, %get3A_1215] {strides = array<i32>} : memref<128x128xf32, #tpu.memory_space<vmem>>, vector<16xf32>,
      %add3A_1217 = arith.constant 16 : i32
      %add3A_1218 = arith.addi %squeeze3A_1204, %add3A_1217 : i32
      %get3A_1219 = arith.index_cast %add3A_1200 : i32 to index
      %get3A_1220 = arith.index_cast %add3A_1218 : i32 to index
      %get3A_1221 = tpu.vector_load %arg16[%get3A_1219, %get3A_1220] {strides = array<i32>} : memref<128x128xf32, #tpu.memory_space<vmem>>, vector<16xf32>,
      %mul3A_1222 = arith.mulf %get3A_1216, %get3A_1221 : vector<16xf32>
      %add3A_1223 = arith.addf %mul3A_1211, %mul3A_1222 : vector<16xf32>
      %slice3A_1224 = vector.extract_strided_slice %and3A_286 {offsets = [15], sizes = [1], strides = [1]} : vector<16xi32> to vector<1xi32>
      %squeeze3A_1225 = vector.extract %slice3A_1224[0] : i32 from vector<1xi32>
      %slice3A_1226 = vector.extract_strided_slice %and3A_289 {offsets = [15], sizes = [1], strides = [1]} : vector<16xi32> to vector<1xi32>
      %squeeze3A_1227 = vector.extract %slice3A_1226[0] : i32 from vector<1xi32>
      %and3A_1228 = arith.constant 112 : i32
      %and3A_1229 = arith.andi %squeeze3A_1225, %and3A_1228 : i32
      %get3A_1230 = arith.index_cast %add3A_1200 : i32 to index
      %get3A_1231 = arith.index_cast %and3A_1229 : i32 to index
      %get3A_1232 = tpu.vector_load %arg17[%get3A_1230, %get3A_1231] {strides = array<i32>} : memref<128x128xf32, #tpu.memory_space<vmem>>, vector<16xf32>,
      %and3A_1233 = arith.constant 112 : i32
      %and3A_1234 = arith.andi %squeeze3A_1227, %and3A_1233 : i32
      %get3A_1235 = arith.index_cast %add3A_1200 : i32 to index
      %get3A_1236 = arith.index_cast %and3A_1234 : i32 to index
      %get3A_1237 = tpu.vector_load %arg18[%get3A_1235, %get3A_1236] {strides = array<i32>} : memref<128x128xf32, #tpu.memory_space<vmem>>, vector<16xf32>,
      %and3A_1238 = arith.constant 15 : i32
      %and3A_1239 = arith.andi %squeeze3A_1225, %and3A_1238 : i32
      %eq3A_1240 = vector.broadcast %and3A_1239 : i32 to vector<16xi32>
      %eq3A_1241 = arith.cmpi eq, %iota3A, %eq3A_1240 : vector<16xi32>
      %jit3A_1242 = arith.constant 0.000000e+00 : f32
      %broadcast_in_dim3A_1243 = vector.broadcast %jit3A_1242 : f32 to vector<16xf32>
      %select_n3A_1244 = arith.select %eq3A_1241, %get3A_1232, %broadcast_in_dim3A_1243 : vector<16xi1>, vector<16xf32>
      %add3A_1245 = arith.addf %add3A_1223, %select_n3A_1244 : vector<16xf32>
      %and3A_1246 = arith.constant 15 : i32
      %and3A_1247 = arith.andi %squeeze3A_1227, %and3A_1246 : i32
      %eq3A_1248 = vector.broadcast %and3A_1247 : i32 to vector<16xi32>
      %eq3A_1249 = arith.cmpi eq, %iota3A, %eq3A_1248 : vector<16xi32>
      %jit3A_1250 = arith.constant 0.000000e+00 : f32
      %broadcast_in_dim3A_1251 = vector.broadcast %jit3A_1250 : f32 to vector<16xf32>
      %select_n3A_1252 = arith.select %eq3A_1249, %get3A_1237, %broadcast_in_dim3A_1251 : vector<16xi1>, vector<16xf32>
      %add3A_1253 = arith.addf %add3A_1245, %select_n3A_1252 : vector<16xf32>
      %mul3A_1254 = arith.constant 16 : i32
      %mul3A_1255 = vector.broadcast %mul3A_1254 : i32 to vector<16xi32>
      %mul3A_1256 = arith.muli %iota3A, %mul3A_1255 : vector<16xi32>
      %add3A_1257 = arith.constant 15 : i32
      %add3A_1258 = vector.broadcast %add3A_1257 : i32 to vector<16xi32>
      %add3A_1259 = arith.addi %mul3A_1256, %add3A_1258 : vector<16xi32>
      tpu.vector_store_idx %arg19[%add3A_1259], %add3A_1253 : memref<256xf32, #tpu.memory_space<vmem>>[vector<16xi32>], vector<16xf32>,
      %get3A_1260 = arith.constant 0 : index
      %get3A_1261 = tpu.vector_load %arg19[%get3A_1260] {strides = array<i32>} : memref<256xf32, #tpu.memory_space<vmem>>, vector<16xf32>,
      %get3A_1262 = arith.constant 16 : index
      %get3A_1263 = tpu.vector_load %arg19[%get3A_1262] {strides = array<i32>} : memref<256xf32, #tpu.memory_space<vmem>>, vector<16xf32>,
      %add3A_1264 = arith.addf %get3A_1261, %get3A_1263 : vector<16xf32>
      %get3A_1265 = arith.constant 32 : index
      %get3A_1266 = tpu.vector_load %arg19[%get3A_1265] {strides = array<i32>} : memref<256xf32, #tpu.memory_space<vmem>>, vector<16xf32>,
      %add3A_1267 = arith.addf %add3A_1264, %get3A_1266 : vector<16xf32>
      %get3A_1268 = arith.constant 48 : index
      %get3A_1269 = tpu.vector_load %arg19[%get3A_1268] {strides = array<i32>} : memref<256xf32, #tpu.memory_space<vmem>>, vector<16xf32>,
      %add3A_1270 = arith.addf %add3A_1267, %get3A_1269 : vector<16xf32>
      %get3A_1271 = arith.constant 64 : index
      %get3A_1272 = tpu.vector_load %arg19[%get3A_1271] {strides = array<i32>} : memref<256xf32, #tpu.memory_space<vmem>>, vector<16xf32>,
      %add3A_1273 = arith.addf %add3A_1270, %get3A_1272 : vector<16xf32>
      %get3A_1274 = arith.constant 80 : index
      %get3A_1275 = tpu.vector_load %arg19[%get3A_1274] {strides = array<i32>} : memref<256xf32, #tpu.memory_space<vmem>>, vector<16xf32>,
      %add3A_1276 = arith.addf %add3A_1273, %get3A_1275 : vector<16xf32>
      %get3A_1277 = arith.constant 96 : index
      %get3A_1278 = tpu.vector_load %arg19[%get3A_1277] {strides = array<i32>} : memref<256xf32, #tpu.memory_space<vmem>>, vector<16xf32>,
      %add3A_1279 = arith.addf %add3A_1276, %get3A_1278 : vector<16xf32>
      %get3A_1280 = arith.constant 112 : index
      %get3A_1281 = tpu.vector_load %arg19[%get3A_1280] {strides = array<i32>} : memref<256xf32, #tpu.memory_space<vmem>>, vector<16xf32>,
      %add3A_1282 = arith.addf %add3A_1279, %get3A_1281 : vector<16xf32>
      %get3A_1283 = arith.constant 128 : index
      %get3A_1284 = tpu.vector_load %arg19[%get3A_1283] {strides = array<i32>} : memref<256xf32, #tpu.memory_space<vmem>>, vector<16xf32>,
      %add3A_1285 = arith.addf %add3A_1282, %get3A_1284 : vector<16xf32>
      %get3A_1286 = arith.constant 144 : index
      %get3A_1287 = tpu.vector_load %arg19[%get3A_1286] {strides = array<i32>} : memref<256xf32, #tpu.memory_space<vmem>>, vector<16xf32>,
      %add3A_1288 = arith.addf %add3A_1285, %get3A_1287 : vector<16xf32>
      %get3A_1289 = arith.constant 160 : index
      %get3A_1290 = tpu.vector_load %arg19[%get3A_1289] {strides = array<i32>} : memref<256xf32, #tpu.memory_space<vmem>>, vector<16xf32>,
      %add3A_1291 = arith.addf %add3A_1288, %get3A_1290 : vector<16xf32>
      %get3A_1292 = arith.constant 176 : index
      %get3A_1293 = tpu.vector_load %arg19[%get3A_1292] {strides = array<i32>} : memref<256xf32, #tpu.memory_space<vmem>>, vector<16xf32>,
      %add3A_1294 = arith.addf %add3A_1291, %get3A_1293 : vector<16xf32>
      %get3A_1295 = arith.constant 192 : index
      %get3A_1296 = tpu.vector_load %arg19[%get3A_1295] {strides = array<i32>} : memref<256xf32, #tpu.memory_space<vmem>>, vector<16xf32>,
      %add3A_1297 = arith.addf %add3A_1294, %get3A_1296 : vector<16xf32>
      %get3A_1298 = arith.constant 208 : index
      %get3A_1299 = tpu.vector_load %arg19[%get3A_1298] {strides = array<i32>} : memref<256xf32, #tpu.memory_space<vmem>>, vector<16xf32>,
      %add3A_1300 = arith.addf %add3A_1297, %get3A_1299 : vector<16xf32>
      %get3A_1301 = arith.constant 224 : index
      %get3A_1302 = tpu.vector_load %arg19[%get3A_1301] {strides = array<i32>} : memref<256xf32, #tpu.memory_space<vmem>>, vector<16xf32>,
      %add3A_1303 = arith.addf %add3A_1300, %get3A_1302 : vector<16xf32>
      %get3A_1304 = arith.constant 240 : index
      %get3A_1305 = tpu.vector_load %arg19[%get3A_1304] {strides = array<i32>} : memref<256xf32, #tpu.memory_space<vmem>>, vector<16xf32>,
      %add3A_1306 = arith.addf %add3A_1303, %get3A_1305 : vector<16xf32>
      %swap3A = arith.constant 3 : i32
      %swap3A_1307 = arith.index_cast %swap3A : i32 to index
      %swap3A_1308 = arith.index_cast %mul3A_260 : i32 to index
      %swap3A_1309 = tpu.vector_load %arg20[%swap3A_1307, %swap3A_1308] {strides = array<i32>} : memref<4x128xf32, #tpu.memory_space<vmem>>, vector<16xf32>,
      tpu.vector_store %arg20[%swap3A_1307, %swap3A_1308], %add3A_1306 {strides = array<i32>} : memref<4x128xf32, #tpu.memory_space<vmem>>, vector<16xf32>,
    }
    %scan3A_255 = arith.constant 8 : i32
    %mul3A_256 = arith.constant 4 : i32
    %mul3A_257 = arith.muli %add3A, %mul3A_256 : i32
    "tpu.region"() ({
      %run_scoped3A = tpu.sem_alloc : memref<!tpu.dma_semaphore, #tpu.memory_space<semaphore_mem>>
      %dma_start3A_258 = arith.constant 0 : i32
      %dma_start3A_259 = tpu.memref_slice %arg8[%mul3A_257, %dma_start3A_258] : memref<128x128xf32, #tpu.memory_space<hbm>> -> memref<4x128xf32, #tpu.memory_space<hbm>>
      %dma_start3A_260 = arith.constant 0 : i32
      %dma_start3A_261 = tpu.memref_slice %arg8[%mul3A_257, %dma_start3A_260] : memref<128x128xf32, #tpu.memory_space<hbm>> -> memref<4x128xf32, #tpu.memory_space<hbm>>
      tpu.enqueue_dma source(%arg20 : memref<4x128xf32, #tpu.memory_space<vmem>>) target(%dma_start3A_261 : memref<4x128xf32, #tpu.memory_space<hbm>>) target_semaphore(%run_scoped3A : memref<!tpu.dma_semaphore, #tpu.memory_space<semaphore_mem>>)
      %dma_wait3A_262 = arith.constant 0 : i32
      %dma_wait3A_263 = tpu.memref_slice %arg8[%mul3A_257, %dma_wait3A_262] : memref<128x128xf32, #tpu.memory_space<hbm>> -> memref<4x128xf32, #tpu.memory_space<hbm>>
      %dma_wait3A_264 = arith.constant 0 : i32
      %dma_wait3A_265 = tpu.memref_slice %arg8[%mul3A_257, %dma_wait3A_264] : memref<128x128xf32, #tpu.memory_space<hbm>> -> memref<4x128xf32, #tpu.memory_space<hbm>>
      tpu.wait_dma2 semaphore(%run_scoped3A : memref<!tpu.dma_semaphore, #tpu.memory_space<semaphore_mem>>) src(%arg20 : memref<4x128xf32, #tpu.memory_space<vmem>>) dst(%dma_wait3A_265 : memref<4x128xf32, #tpu.memory_space<hbm>>)
      tpu.yield
    }) : () -> ()
    return
  }
}

module attributes {stable_mosaic.version = 14 : i64} {
  func.func @body(%arg0: i32, %arg1: memref<32x8192xf32, #tpu.memory_space<vmem>>, %arg2: memref<32x8192xf32, #tpu.memory_space<vmem>>, %arg3: memref<2048x128xf32, #tpu.memory_space<vmem>>, %arg4: memref<2048x128xf32, #tpu.memory_space<vmem>>) attributes {dimension_semantics = [#tpu.dimension_semantics<arbitrary>], iteration_bounds = array<i64: 123>, scalar_prefetch = 0 : i64, scratch_operands = 0 : i64, tpu.core_type = #tpu.core_type<tc>, window_params = [{transform_indices = @transform_0, window_bounds = array<i64: 32, 8192>}, {transform_indices = @transform_1, window_bounds = array<i64: 32, 8192>}, {transform_indices = @transform_2, window_bounds = array<i64: 2048, 128>}, {transform_indices = @transform_3, window_bounds = array<i64: 2048, 128>}]} {
    %get3A = arith.constant 0 : index
    %get3A_0 = arith.constant 0 : index
    %get3A_1 = vector.load %arg1[%get3A, %get3A_0] : memref<32x8192xf32, #tpu.memory_space<vmem>>, vector<32x2048xf32>
    %transpose3A = tpu.transpose %get3A_1, [1, 0] : vector<32x2048xf32> -> vector<2048x32xf32>
    %swap3A = arith.constant 0 : index
    %swap3A_2 = arith.constant 0 : index
    %swap3A_3 = vector.load %arg3[%swap3A, %swap3A_2] : memref<2048x128xf32, #tpu.memory_space<vmem>>, vector<2048x32xf32>
    tpu.vector_store %arg3[%swap3A, %swap3A_2], %transpose3A {strides = array<i32>} : memref<2048x128xf32, #tpu.memory_space<vmem>>, vector<2048x32xf32>,
    %get3A_4 = arith.constant 0 : index
    %get3A_5 = arith.constant 2048 : index
    %get3A_6 = vector.load %arg1[%get3A_4, %get3A_5] : memref<32x8192xf32, #tpu.memory_space<vmem>>, vector<32x2048xf32>
    %transpose3A_7 = tpu.transpose %get3A_6, [1, 0] : vector<32x2048xf32> -> vector<2048x32xf32>
    %swap3A_8 = arith.constant 0 : index
    %swap3A_9 = arith.constant 32 : index
    %swap3A_10 = vector.load %arg3[%swap3A_8, %swap3A_9] : memref<2048x128xf32, #tpu.memory_space<vmem>>, vector<2048x32xf32>
    tpu.vector_store %arg3[%swap3A_8, %swap3A_9], %transpose3A_7 {strides = array<i32>} : memref<2048x128xf32, #tpu.memory_space<vmem>>, vector<2048x32xf32>,
    %get3A_11 = arith.constant 0 : index
    %get3A_12 = arith.constant 4096 : index
    %get3A_13 = vector.load %arg1[%get3A_11, %get3A_12] : memref<32x8192xf32, #tpu.memory_space<vmem>>, vector<32x2048xf32>
    %transpose3A_14 = tpu.transpose %get3A_13, [1, 0] : vector<32x2048xf32> -> vector<2048x32xf32>
    %swap3A_15 = arith.constant 0 : index
    %swap3A_16 = arith.constant 64 : index
    %swap3A_17 = vector.load %arg3[%swap3A_15, %swap3A_16] : memref<2048x128xf32, #tpu.memory_space<vmem>>, vector<2048x32xf32>
    tpu.vector_store %arg3[%swap3A_15, %swap3A_16], %transpose3A_14 {strides = array<i32>} : memref<2048x128xf32, #tpu.memory_space<vmem>>, vector<2048x32xf32>,
    %get3A_18 = arith.constant 0 : index
    %get3A_19 = arith.constant 6144 : index
    %get3A_20 = vector.load %arg1[%get3A_18, %get3A_19] : memref<32x8192xf32, #tpu.memory_space<vmem>>, vector<32x2048xf32>
    %transpose3A_21 = tpu.transpose %get3A_20, [1, 0] : vector<32x2048xf32> -> vector<2048x32xf32>
    %swap3A_22 = arith.constant 0 : index
    %swap3A_23 = arith.constant 96 : index
    %swap3A_24 = vector.load %arg3[%swap3A_22, %swap3A_23] : memref<2048x128xf32, #tpu.memory_space<vmem>>, vector<2048x32xf32>
    tpu.vector_store %arg3[%swap3A_22, %swap3A_23], %transpose3A_21 {strides = array<i32>} : memref<2048x128xf32, #tpu.memory_space<vmem>>, vector<2048x32xf32>,
    %get3A_25 = arith.constant 0 : index
    %get3A_26 = arith.constant 0 : index
    %get3A_27 = vector.load %arg2[%get3A_25, %get3A_26] : memref<32x8192xf32, #tpu.memory_space<vmem>>, vector<32x2048xf32>
    %transpose3A_28 = tpu.transpose %get3A_27, [1, 0] : vector<32x2048xf32> -> vector<2048x32xf32>
    %swap3A_29 = arith.constant 0 : index
    %swap3A_30 = arith.constant 0 : index
    %swap3A_31 = vector.load %arg4[%swap3A_29, %swap3A_30] : memref<2048x128xf32, #tpu.memory_space<vmem>>, vector<2048x32xf32>
    tpu.vector_store %arg4[%swap3A_29, %swap3A_30], %transpose3A_28 {strides = array<i32>} : memref<2048x128xf32, #tpu.memory_space<vmem>>, vector<2048x32xf32>,
    %get3A_32 = arith.constant 0 : index
    %get3A_33 = arith.constant 2048 : index
    %get3A_34 = vector.load %arg2[%get3A_32, %get3A_33] : memref<32x8192xf32, #tpu.memory_space<vmem>>, vector<32x2048xf32>
    %transpose3A_35 = tpu.transpose %get3A_34, [1, 0] : vector<32x2048xf32> -> vector<2048x32xf32>
    %swap3A_36 = arith.constant 0 : index
    %swap3A_37 = arith.constant 32 : index
    %swap3A_38 = vector.load %arg4[%swap3A_36, %swap3A_37] : memref<2048x128xf32, #tpu.memory_space<vmem>>, vector<2048x32xf32>
    tpu.vector_store %arg4[%swap3A_36, %swap3A_37], %transpose3A_35 {strides = array<i32>} : memref<2048x128xf32, #tpu.memory_space<vmem>>, vector<2048x32xf32>,
    %get3A_39 = arith.constant 0 : index
    %get3A_40 = arith.constant 4096 : index
    %get3A_41 = vector.load %arg2[%get3A_39, %get3A_40] : memref<32x8192xf32, #tpu.memory_space<vmem>>, vector<32x2048xf32>
    %transpose3A_42 = tpu.transpose %get3A_41, [1, 0] : vector<32x2048xf32> -> vector<2048x32xf32>
    %swap3A_43 = arith.constant 0 : index
    %swap3A_44 = arith.constant 64 : index
    %swap3A_45 = vector.load %arg4[%swap3A_43, %swap3A_44] : memref<2048x128xf32, #tpu.memory_space<vmem>>, vector<2048x32xf32>
    tpu.vector_store %arg4[%swap3A_43, %swap3A_44], %transpose3A_42 {strides = array<i32>} : memref<2048x128xf32, #tpu.memory_space<vmem>>, vector<2048x32xf32>,
    %get3A_46 = arith.constant 0 : index
    %get3A_47 = arith.constant 6144 : index
    %get3A_48 = vector.load %arg2[%get3A_46, %get3A_47] : memref<32x8192xf32, #tpu.memory_space<vmem>>, vector<32x2048xf32>
    %transpose3A_49 = tpu.transpose %get3A_48, [1, 0] : vector<32x2048xf32> -> vector<2048x32xf32>
    %swap3A_50 = arith.constant 0 : index
    %swap3A_51 = arith.constant 96 : index
    %swap3A_52 = vector.load %arg4[%swap3A_50, %swap3A_51] : memref<2048x128xf32, #tpu.memory_space<vmem>>, vector<2048x32xf32>
    tpu.vector_store %arg4[%swap3A_50, %swap3A_51], %transpose3A_49 {strides = array<i32>} : memref<2048x128xf32, #tpu.memory_space<vmem>>, vector<2048x32xf32>,
    return
  }
  func.func @transform_0(%arg0: i32) -> (i32, i32) {
    %c0_i32 = arith.constant 0 : i32
    %c0_i32_0 = arith.constant 0 : i32
    return %c0_i32, %arg0 : i32, i32
  }
  func.func @transform_1(%arg0: i32) -> (i32, i32) {
    %c0_i32 = arith.constant 0 : i32
    %c0_i32_0 = arith.constant 0 : i32
    return %c0_i32, %arg0 : i32, i32
  }
  func.func @transform_2(%arg0: i32) -> (i32, i32) {
    %c0_i32 = arith.constant 0 : i32
    %c0_i32_0 = arith.constant 0 : i32
    return %arg0, %c0_i32 : i32, i32
  }
  func.func @transform_3(%arg0: i32) -> (i32, i32) {
    %c0_i32 = arith.constant 0 : i32
    %c0_i32_0 = arith.constant 0 : i32
    return %arg0, %c0_i32 : i32, i32
  }
}

</mosaic_0001>

<sc_bundles>
// kernel: kernel.4.cloned.1.call-start
scs
__scs_entry_jumppad:
0x0: {  	(pc) =	sbr.rel $0x88, $3  }
0x1: {  	(tag) =	ssettag $0x0;
	lr =	simm.s32 $0x1  }
0x2: {  	[smem:$0x3F9C] =	sst lr;
	_ =	strace $0xD0000000  }
0x3: {  	_ = 	snop  }
0x4: {  	_ = 	snop  }
0x5: {  	_ = 	snop  }
0x6: {  	_ = 	snop  }
0x7: {  	_ = 	snop  }
__scs_overlays_trampoline_lowered:
0x8: {  	[smem:$0x3FAB] =	sst s0  }
0x9: {  	[smem:$0x3FAC] =	sst s1  }
0xa: {  	[smem:$0x3FAD] =	sst s2  }
0xb: {  	[smem:$0x3FAE] =	sst s3  }
0xc: {  	[smem:$0x3FAF] =	sst s4  }
0xd: {  	[smem:$0x3FB0] =	sst s5  }
0xe: {  	[smem:$0x3FB1] =	sst s6  }
0xf: {  	[smem:$0x3FB2] =	sst s7  }
0x10: {  	[smem:$0x3FB3] =	sst s8  }
0x11: {  	[smem:$0x3FB4] =	sst s9;
	s0 =	simm.s32 @!p0 $0x0  }
0x12: {  	s1 =	sld [smem:$0x3F9A];
	s0 =	simm.s32 @p0 $0x1  }
0x13: {  	[smem:$0x3FB5] =	sst s0;
	s0 =	simm.s32 @!p1 $0x0  }
0x14: {  	s2 =	sld [smem:$0x3F99];
	s0 =	simm.s32 @p1 $0x1  }
0x15: {  	[smem:$0x3FB6] =	sst s0;
	s0 =	simm.s32 @!p2 $0x0  }
0x16: {  	s3 =	sld [smem:$0x3FDB];
	s0 =	simm.s32 @p2 $0x1  }
0x17: {  	s4 =	simm.s32 $0x1BF5;
	[smem:$0x3FB8] =	sst s0  }
0x18: {  	s0 =	sld [smem:$0x3F9B];
	_ =	swait.ge [sflag:s4], $0x0  }
0x19: {  	s7 =	sld [smem:$0x3F9C]  }
0x1a: {  	s8 =	sadd.s32 $0xFFFFE003, lr  }
0x1b: {  	s9 =	sadd.s32 $0xFFFFFEF7, lr;
	s5 =	simm.s32 $0xFFFFFFFF;
	p2 =	slt.u32 s8, $0xFFFFF086  }
0x1c: {  	p1 =	slt.u32 s9, $0xF7A;
	s5 =	simm.s32 @!p2 $0x0  }
0x1d: {  	s5 =	simm.s32 @p1 $0x1;
	p0 =	seq.s32 s7, s2  }
0x1e: {  	s7 =	smul.u32 @!p0 $0xF7A, s2;
	p2 =	seq.s32 @!p0 s5, $0x0  }
0x1f: {  	s9 =	smul.u32 $0xF7A, s1;
	s8 =	simm.s32 @!p0 $0x1BF5;
	p2 =	por !p2, p0  }
0x20: {  	[sflag:s8] =	ssyncset.s32 @!p0 $0xFFFFF086;
	s6 =	sadd.s32 @!p0 s3, s7;
	s7 =	simm.s32 @!p0 $0x108  }
0x21: {  	s3 =	sadd.s32 s3, s9;
	s6 =	sadd.s32 @!p0 $0x88, s6;
	s7 =	simm.s32 @p2 $0x1082  }
0x22: {  	[simem:s7], [sflag:s8] =	dma.local @!p0 [hbm:s6], $0xF7A  }
0x23: {  	s9 =	sor.u32 $0xD0000000, s2;
	s6 =	simm.s32 $0x108;
	_ =	swait.ge @!p0 [sflag:s8], $0x0  }
0x24: {  	s3 =	sadd.s32 $0x88, s3;
	s6 =	simm.s32 @!p1 $0x1082;
	[sflag:s4] =	ssyncset.s32 $0xFFFFF086  }
0x25: {  	[simem:s6], [sflag:s4] =	dma.local [hbm:s3], $0xF7A  }
0x26: {  	[smem:$0x3F9C] =	sst s1;
	(tag) =	ssettag s2;
	_ =	strace s9  }
0x27: {  	s1 =	sld [smem:$0x3FAC]  }
0x28: {  	s2 =	sld [smem:$0x3FAD]  }
0x29: {  	s4 =	sld [smem:$0x3FAF]  }
0x2a: {  	p0 =	seq.s32 s5, $0x0;
	s5 =	sld [smem:$0x3FB0]  }
0x2b: {  	s6 =	sld [smem:$0x3FB1]  }
0x2c: {  	s7 =	sld [smem:$0x3FB2]  }
0x2d: {  	s3 =	simm.s32 $0x108;
	s8 =	sld [smem:$0x3FB3]  }
0x2e: {  	s3 =	simm.s32 @!p0 $0x1082;
	s9 =	sld [smem:$0x3FB4]  }
0x2f: {  	lr =	sadd.s32 s0, s3;
	s0 =	sld [smem:$0x3FAB]  }
0x30: {  	s3 =	sld [smem:$0x3FAE]  }
0x31: {  	[smem:$0x3FB7] =	sst s10  }
0x32: {  	s10 =	sld [smem:$0x3FB5];
	_ =	sdelay $0x3  }
0x33: {  	p0 =	seq.s32 s10, $0x1;
	s10 =	sld [smem:$0x3FB7];
	_ =	sdelay $0x3  }
0x34: {  	[smem:$0x3FB7] =	sst s10  }
0x35: {  	s10 =	sld [smem:$0x3FB6];
	_ =	sdelay $0x3  }
0x36: {  	p1 =	seq.s32 s10, $0x1;
	s10 =	sld [smem:$0x3FB7];
	_ =	sdelay $0x3  }
0x37: {  	[smem:$0x3FB7] =	sst s10  }
0x38: {  	s10 =	sld [smem:$0x3FB8]  }
0x39: {  	_ = 	snop;
	(pc) =	sbr.ind lr, $3  }
0x3a: {  	_ = 	snop  }
0x3b: {  	_ = 	snop  }
0x3c: {  	p2 =	seq.s32 s10, $0x1;
	s10 =	sld [smem:$0x3FB7]  }
0x3d: {  	_ =	shalt  }
0x3e: {  	_ =	shalt  }
0x3f: {  	_ =	shalt  }
0x40: {  	_ =	shalt  }
0x41: {  	_ =	shalt  }
0x42: {  	_ =	shalt  }
0x43: {  	_ =	shalt  }
0x44: {  	_ =	shalt  }
0x45: {  	_ =	shalt  }
0x46: {  	_ =	shalt  }
0x47: {  	_ =	shalt  }
0x48: {  	_ =	shalt  }
0x49: {  	_ =	shalt  }
0x4a: {  	_ =	shalt  }
0x4b: {  	_ =	shalt  }
0x4c: {  	_ =	shalt  }
0x4d: {  	_ =	shalt  }
0x4e: {  	_ =	shalt  }
0x4f: {  	_ =	shalt  }
0x50: {  	_ =	shalt  }
0x51: {  	_ =	shalt  }
0x52: {  	_ =	shalt  }
0x53: {  	_ =	shalt  }
0x54: {  	_ =	shalt  }
0x55: {  	_ =	shalt  }
0x56: {  	_ =	shalt  }
0x57: {  	_ =	shalt  }
0x58: {  	_ =	shalt  }
0x59: {  	_ =	shalt  }
0x5a: {  	_ =	shalt  }
0x5b: {  	_ =	shalt  }
0x5c: {  	_ =	shalt  }
0x5d: {  	_ =	shalt  }
0x5e: {  	_ =	shalt  }
0x5f: {  	_ =	shalt  }
0x60: {  	_ =	shalt  }
0x61: {  	_ =	shalt  }
0x62: {  	_ =	shalt  }
0x63: {  	_ =	shalt  }
0x64: {  	_ =	shalt  }
0x65: {  	_ =	shalt  }
0x66: {  	_ =	shalt  }
0x67: {  	_ =	shalt  }
0x68: {  	_ =	shalt  }
0x69: {  	_ =	shalt  }
0x6a: {  	_ =	shalt  }
0x6b: {  	_ =	shalt  }
0x6c: {  	_ =	shalt  }
0x6d: {  	_ =	shalt  }
0x6e: {  	_ =	shalt  }
0x6f: {  	_ =	shalt  }
0x70: {  	_ =	shalt  }
0x71: {  	_ =	shalt  }
0x72: {  	_ =	shalt  }
0x73: {  	_ =	shalt  }
0x74: {  	_ =	shalt  }
0x75: {  	_ =	shalt  }
0x76: {  	_ =	shalt  }
0x77: {  	_ =	shalt  }
0x78: {  	_ =	shalt  }
0x79: {  	_ =	shalt  }
0x7a: {  	_ =	shalt  }
0x7b: {  	_ =	shalt  }
0x7c: {  	_ =	shalt  }
0x7d: {  	_ =	shalt  }
0x7e: {  	_ =	shalt  }
0x7f: {  	_ =	shalt  }
0x80: {  	_ =	shalt  }
0x81: {  	_ =	shalt  }
0x82: {  	_ =	shalt  }
0x83: {  	_ =	shalt  }
0x84: {  	_ =	shalt  }
0x85: {  	_ =	shalt  }
0x86: {  	_ =	shalt  }
0x87: {  	_ =	shalt  }
.Lfunc_end0:
.L_simem_size_0:
called_computation_lowered:
.L_overlay_start_0:
0x88: {  	s2 =	sld [smem:$0x3FD9]  }
0x89: {  	s3 =	sld [smem:$0x3FFE];
	_ =	sdelay $0x1  }
0x8a: {  	s1 =	srdreg.scid  }
0x8b: {  	s0 =	sand.u32 $0x1, s1  }
0x8c: {  	s17 =	sshll.u32 s0, $0xA;
	s2 =	sadd.s32 s3, s2  }
0x8d: {  	s2 =	sadd.s32 s2, s17  }
0x8e: {  	[smem:$0x3FC3] =	sst s2  }
0x8f: {  	_ = 	snop  }
0x90: {  	s2 =	sld [smem:$0x3FD0];
	(tm) =	ssettm $0x1  }
0x91: {  	s18 =	sld [smem:$0x3FFB];
	_ =	sdelay $0x3  }
0x92: {  	_ =	strace s18  }
0x93: {  	s3 =	sld [smem:$0x3FFC];
	_ =	sdelay $0x3  }
0x94: {  	_ =	strace s3  }
0x95: {  	s3 =	sld [smem:$0x3FFD];
	_ =	sdelay $0x3  }
0x96: {  	_ =	strace s3  }
0x97: {  	_ =	strace $0x8FFFFFFF  }
0x98: {  	s19 =	sld [smem:$0x3FDB];
	_ =	sdelay $0x1  }
0x99: {  	s4 =	simm.s32 $_scs_section_size  }
0x9a: {  	s5 =	simm.s32 $_size__tile_overlayer_lowered;
	s6 =	simm.s32 $_tile_overlayer_lowered  }
0x9b: {  	s22 =	simm.s32 $0x1BFF;
	s21 =	sshll.u32 s6, $0x1;
	s3 =	sadd.s32 s4, s19  }
0x9c: {  	s7 =	simm.s32 $0x0;
	s20 =	sshll.u32 s5, $0x1;
	s5 =	sadd.s32 s21, s3  }
0x9d: {  	[timem:s7], [sflag:s22] =	dma.local [hbm:s5], s20  }
0x9e: {  	_ =	swait.ge [sflag:s22], s20  }
0x9f: {  	s4 =	ssub.s32 $0x0, s20;
	[sflag:s22] =	ssyncset.done $0x0  }
0xa0: {  	[sflag:s22] =	ssyncadd.s32 s4;
	_ =	sdelay $0x1  }
0xa1: {  	s23 =	simm.s32 $0x1B8B  }
0xa2: {  	_ =	swait.ge [sflag:s23], $0x1  }
0xa3: {  	[sflag:s23] =	ssyncset.done $0x0  }
0xa4: {  	s25 =	simm.s32 $0x1B8E;
	s24 =	sld [smem:$0x3FFE];
	[sflag:s23] =	ssyncadd.s32 $0xFFFFFFFF  }
0xa5: {  	s26 =	simm.s32 $execute0_lowered;
	[smem:$0x3FD2] =	sst s25  }
0xa6: {  	s5 =	sshll.u32 s26, $0x1;
	_ =	strace $0x80000046;
	[dreg:$0x1] =	wrdreg $0xFFFFFFFF  }
0xa7: {  	s28 =	simm.s32 $_size_execute0_lowered;
	s3 =	sadd.s32 s3, s5;
	[dreg:$0x0] =	wrdreg $0x0  }
0xa8: {  	s5 =	sshll.u32 s28, $0x1;
	[dreg:$0x2] =	wrdreg s3  }
0xa9: {  	[dreg:$0x3] =	wrdreg s5  }
0xaa: {  	[dreg:$0x4] =	wrdreg $0xC0  }
0xab: {  	_ =	task [dreg:s7], $0x5FFFF  }
0xac: {  	[dreg:$0x1] =	wrdreg $0xFFFFFFFF  }
0xad: {  	[dreg:$0x0] =	wrdreg $0x60  }
0xae: {  	[dreg:$0x2] =	wrdreg s24  }
0xaf: {  	[dreg:$0x3] =	wrdreg s2  }
0xb0: {  	[dreg:$0x4] =	wrdreg $0x9  }
0xb1: {  	_ =	task.clear_ibuf [dreg:s7], $0x5FFFF;
	_ =	strace $0x90000046  }
0xb2: {  	s29 =	simm.s32 $0x9;
	_ =	strace $0x80000048  }
0xb3: {  	_ =	swait.ge [sflag:s29], $0x1  }
0xb4: {  	[sflag:s29] =	ssyncadd.s32 $0xFFFFFFFF  }
0xb5: {  	_ =	strace $0x90000048  }
0xb6: {  	_ =	sfence  }
0xb7: {  	s30 =	sld [smem:$0x0];
	_ =	sdelay $0x2  }
0xb8: {  	s31 =	sshll.u32 s1, $0xD;
	s1 =	sshrl.u32 s1, $0x2  }
0xb9: {  	s3 =	sand.u32 $0x4000, s31;
	s1 =	sadd.s32 s1, s30  }
0xba: {  	s0 =	sor.u32 s3, s0;
	s1 =	sshll.u32 s1, $0x11  }
0xbb: {  	s0 =	sor.u32 s1, s0  }
0xbc: {  	s0 =	sadd.s32 $0x8F2B, s0  }
0xbd: {  	[sflag:s0] =	ssyncadd.remote.s32 $0x1  }
0xbe: {  	_ =	sfence.sel $0xFFFF  }
0xbf: {  	[dreg:$0x0] =	wrdreg $0xFFFFFFFF;
	(pc) =	sbr.abs _section_cstart, $3  }
0xc0: {  	[dreg:$0x1] =	wrdreg $0xFFFFFFFF  }
0xc1: {  	_ =	task.clear_ibuf [dreg:s7], $0x2FFFF;
	_ =	strace $0x9FFFFFFF  }
0xc2: {  	(tm) =	ssettm $0x7FFFFFFF  }
0xc3: {  	_ =	shalt  }
tec
execute0_lowered:
.L_overlay_start_1:
0x0: {  	(tag) =	ssettag $0x1  }
0x1: {  	s0 =	rddreg [dreg:$0x0]  }
0x2: {  	s2 =	rddreg [dreg:$0x1];
	s1 =	simm.s32 $0x0;
	s5 =	srdreg.scid  }
0x3: {  	s6 =	stileid.u32;
	s13 =	simm.s32 $0x80;
	s15 =	simm.s32 $0xC00  }
0x4: {  	s17 =	simm.s32 $0x4C00;
	s19 =	simm.s32 $0x8C00;
	s21 =	simm.s32 $0xCC00  }
0x5: {  	v0 =	vlaneseq.u32;
	s22 =	simm.s32 $0x1;
	s23 =	simm.s32 $0x10C00;
	s14 =	simm.s32 $0x980  }
0x6: {  	s16 =	simm.s32 $0xB80;
	s18 =	simm.s32 $0x10D00;
	s20 =	simm.s32 $0x0;
	v1 =	vmul.u32 $0x10, v0  }
0x7: {  	[smem:$0x7FF] =	sst s1;
	s3 =	sadd.s32 $0x3E400, s0;
	s4 =	sadd.s32 $0x416400, s0  }
0x8: {  	s5 =	sand.u32 $0x1, s5;
	s6 =	sshll.u32 s6, $0x7;
	_ =	strace $0x80000047;
	v2 =	vor.u32 $0x1, v1;
	v3 =	vor.u32 $0x2, v1;
	v4 =	vor.u32 $0x3, v1  }
0x9: {  	s7 =	ssub.s32 $0x2, s5;
	s8 =	sshll.u32 s5, $0x6;
	s5 =	sadd.s32 $0x1000, s0;
	v5 =	vor.u32 $0x4, v1;
	v6 =	vor.u32 $0x5, v1;
	v7 =	vor.u32 $0x6, v1  }
0xa: {  	s9 =	sshrl.u32 s7, $0x1;
	s10 =	sor.u32 s8, s6;
	s6 =	sadd.s32 $0x1FA00, s0;
	v8 =	vor.u32 $0x7, v1;
	v9 =	vor.u32 $0x8, v1;
	v10 =	vor.u32 $0x9, v1  }
0xb: {  	v11 =	vor.u32 $0xA, v1;
	v12 =	vor.u32 $0xB, v1;
	v13 =	vor.u32 $0xC, v1;
	s11 =	ssub.s32 s7, s9;
	s7 =	sadd.s32 s0, s10;
	s9 =	sadd.s32 s2, s10  }
0xc: {  	v14 =	vor.u32 $0xD, v1;
	v15 =	vor.u32 $0xE, v1;
	v16 =	vor.u32 $0xF, v1;
	s8 =	sadd.s32 $0x800, s7;
	s10 =	smax.u32 s11, $0x1;
	s11 =	simm.s32 $0x2  }
.LBB2_1:
0xd: {  	[tilespmem:s1], [sflag:$0x2] =	stream.linear.gather [hbm4b:s8+s1], $0x200, $0x38;
	[tilespmem:$0x10F00] =	vst v63  }
0xe: {  	_ =	swait.ge [sflag:s11], $0x200  }
0xf: {  	[sflag:s11] =	ssyncset.done $0x0  }
0x10: {  	s0 =	simm.s32 $0x200;
	[sflag:s11] =	ssyncadd.s32 $0xFFFFFE00  }
0x11: {  	[tilespmem:s0], [sflag:$0x2] =	stream.linear.gather [hbm4b:s7+s1], $0x200, $0x38;
	[tilespmem:$0x10F00] =	vst v63  }
0x12: {  	_ =	swait.ge [sflag:s11], $0x200  }
0x13: {  	[sflag:s11] =	ssyncset.done $0x0  }
0x14: {  	s24 =	simm.s32 $0x0;
	[sflag:s11] =	ssyncadd.s32 $0xFFFFFE00  }
0x15: {  	v18 =	vld [tilespmem:s24+$0x200]  }
0x16: {  	v17 =	vld [tilespmem:s24+$0x0];
	_ =	sdelay $0x2  }
0x17: {  	s25 =	simm.s32 $0x40  }
.LBB2_2:
0x18: {  	s26 =	sshra.s32 s25, $0x2;
	p0 =	sne.s32 s25, $0x7C0;
	s25 =	sadd.s32 $0x40, s25;
	v19 =	vshra.s32 v18, $0x2;
	v23 =	vshra.s32 v18, $0x7  }
.Ltmp0:
0x19: {  	v22 =	vand.u32 $0x7FF, v18;
	v21 =	vshra.s32 v17, $0x2;
	v19 =	vand.u32 $0xFFFFF800, v19;
	v18 =	vld [tilespmem:s26+$0x200];
	[tilespmem:s24+$0xA00] =	vst v23;
	v20 =	vmovc v17;
	(pc) =	sbr.rel @p0 .LBB2_2-.Ltmp0, $4  }
0x1a: {  	v17 =	vld [tilespmem:s26+$0x0];
	v21 =	vand.u32 $0xFFFFF800, v21;
	v23 =	vand.u32 $0x7FF, v20;
	v19 =	vor.u32 v22, v19  }
0x1b: {  	v21 =	vor.u32 v23, v21;
	[tilespmem:s24+$0x600] =	vst v19;
	v19 =	vshra.s32 v20, $0x7  }
0x1c: {  	[tilespmem:s24+$0x400] =	vst v21  }
0x1d: {  	[tilespmem:s24+$0x800] =	vst v19;
	s24 =	smov.u32 s26  }
0x1e: {  	v19 =	vshra.s32 v18, $0x2  }
0x1f: {  	v20 =	vshra.s32 v18, $0x7;
	v18 =	vand.u32 $0x7FF, v18;
	v21 =	vshra.s32 v17, $0x2  }
0x20: {  	v19 =	vand.u32 $0xFFFFF800, v19;
	[tilespmem:s24+$0xA00] =	vst v20;
	v63 =	vand.u32 $0x7FF, v17;
	v17 =	vshra.s32 v17, $0x7  }
0x21: {  	v62 =	vand.u32 $0xFFFFF800, v21;
	v18 =	vor.u32 v18, v19;
	[tilespmem:s24+$0x800] =	vst v17  }
0x22: {  	v19 =	vor.u32 v63, v62;
	[tilespmem:s24+$0x600] =	vst v18  }
0x23: {  	s0 =	simm.s32 $0x400;
	[tilespmem:s24+$0x400] =	vst v19  }
0x24: {  	[tilespmem:s15], [sflag:$0x1] =	stream.indirect.gather [hbm4b:s3+s13], $0x80, s0, s13, $0xb8;
	[tilespmem:$0x10F00] =	vst v63  }
0x25: {  	s29 =	simm.s32 $0x600  }
0x26: {  	[tilespmem:s17], [sflag:$0x1] =	stream.indirect.gather [hbm4b:s4+s13], $0x80, s29, s13, $0xb8;
	[tilespmem:$0x10F00] =	vst v63  }
0x27: {  	s30 =	simm.s32 $0x800  }
0x28: {  	[tilespmem:s19], [sflag:$0x1] =	stream.indirect.gather [hbm4b:s5+s13], $0x80, s30, s13, $0xb8;
	[tilespmem:$0x10F00] =	vst v63  }
0x29: {  	s31 =	simm.s32 $0xA00  }
0x2a: {  	[tilespmem:s21], [sflag:$0x1] =	stream.indirect.gather [hbm4b:s6+s13], $0x80, s31, s13, $0xb8;
	[tilespmem:$0x10F00] =	vst v63  }
0x2b: {  	_ =	swait.ge [sflag:s22], $0x4000  }
0x2c: {  	[sflag:s22] =	ssyncset.done $0x0  }
0x2d: {  	[sflag:s22] =	ssyncadd.s32 $0xFFFFC000  }
0x2e: {  	_ =	swait.ge [sflag:s22], $0x4000  }
0x2f: {  	[sflag:s22] =	ssyncset.done $0x0  }
0x30: {  	[sflag:s22] =	ssyncadd.s32 $0xFFFFC000  }
0x31: {  	_ =	swait.ge [sflag:s22], $0x4000  }
0x32: {  	[sflag:s22] =	ssyncset.done $0x0  }
0x33: {  	[sflag:s22] =	ssyncadd.s32 $0xFFFFC000  }
0x34: {  	_ =	swait.ge [sflag:s22], $0x4000  }
0x35: {  	s25 =	simm.s32 $0x200;
	s26 =	simm.s32 $0x10D00;
	[sflag:s22] =	ssyncset.done $0x0  }
0x36: {  	s28 =	simm.s32 $0x0;
	s24 =	simm.s32 $0x0;
	[sflag:s22] =	ssyncadd.s32 $0xFFFFC000  }
.LBB2_4:
0x37: {  	v18 =	vld [tilespmem:s24+$0x0];
	_ =	sdelay $0x1  }
0x38: {  	v17 =	vld [tilespmem:s25+$0x0];
	_ =	sdelay $0x2  }
0x39: {  	v19 =	vshrl.u32 v18, $0x6  }
0x3a: {  	s29 =	sshra.s32 s28, $0x2;
	v19 =	vand.u32 $0x60, v19  }
0x3b: {  	v20 =	vshrl.u32 v17, $0x6;
	v19 =	vadd.s32 s29, v19  }
0x3c: {  	v20 =	vand.u32 $0x60, v20;
	(v2sf) =	vpush v19, $0x1  }
0x3d: {  	v20 =	vadd.s32 s29, v20;
	(v2sf) =	vpush v19, $0x0  }
0x3e: {  	(v2sf) =	vpush v20, $0x1  }
0x3f: {  	(v2sf) =	vpush v20, $0x0;
	_ =	sdelay $0x1  }
0x40: {  	(v2sf) =	vpush v18, $0x0;
	_ =	sdelay $0x1  }
0x41: {  	(v2sf) =	vpush v17, $0x0;
	_ =	sdelay $0x7  }
0x42: {  	s30 =	spop (v2sf)  }
0x43: {  	s31 =	spop (v2sf)  }
0x44: {  	s0 =	spop (v2sf);
	v21 =	vld [tilespmem:s31+$0xC00]  }
0x45: {  	v23 =	vld [tilespmem:s31+$0xC10];
	s2 =	spop (v2sf)  }
0x46: {  	v22 =	vld [tilespmem:s2+$0x4C00]  }
0x47: {  	v24 =	vld [tilespmem:s2+$0x4C10];
	s2 =	spop (v2sf)  }
0x48: {  	s31 =	sand.u32 $0x70, s2  }
0x49: {  	(v2sf) =	vpush v18, $0x1;
	s12 =	spop (v2sf);
	s31 =	sadd.s32 s29, s31  }
0x4a: {  	v25 =	vld [tilespmem:s31+$0x8C00];
	s31 =	sand.u32 $0x70, s12  }
0x4b: {  	(v2sf) =	vpush v17, $0x1;
	s31 =	sadd.s32 s29, s31  }
0x4c: {  	s2 =	sand.u32 $0xF, s2;
	v21 =	vmul.f32 v22, v21;
	v61 =	vmul.f32 v24, v23;
	v62 =	vld [tilespmem:s31+$0xCC00]  }
0x4d: {  	v63 =	vmov s2  }
0x4e: {  	vm0 =	veq.s32 v63, v0;
	s31 =	sand.u32 $0xF, s12;
	v21 =	vadd.f32 v61, v21  }
0x4f: {  	v29 =	vmov s31;
	v28 =	vnsel vm0, $0x0, v25  }
0x50: {  	vm9 =	veq.s32 v29, v0;
	v21 =	vadd.f32 v28, v21  }
0x51: {  	v30 =	vnsel vm9, $0x0, v62  }
0x52: {  	v21 =	vadd.f32 v30, v21;
	_ =	sdelay $0x1  }
0x53: {  	(v2sf) =	vpush v19, $0x3;
	[tilespmem:v1+s23+$0x0] =	vst.idx.msk $0xffff, v21  }
0x54: {  	(v2sf) =	vpush v19, $0x2;
	v21 =	vld [tilespmem:s30+$0xC80]  }
0x55: {  	(v2sf) =	vpush v20, $0x3;
	v31 =	vld [tilespmem:s0+$0x4C80]  }
0x56: {  	(v2sf) =	vpush v20, $0x2;
	v32 =	vld [tilespmem:s30+$0xC90]  }
0x57: {  	v33 =	vld [tilespmem:s0+$0x4C90];
	s0 =	spop (v2sf)  }
0x58: {  	s12 =	sand.u32 $0x70, s0  }
0x59: {  	(v2sf) =	vpush v18, $0x2;
	s30 =	spop (v2sf);
	s2 =	sadd.s32 s29, s12  }
0x5a: {  	s31 =	sand.u32 $0x70, s30;
	v34 =	vld [tilespmem:s2+$0x8C80]  }
0x5b: {  	(v2sf) =	vpush v17, $0x2;
	s2 =	sadd.s32 s29, s31  }
0x5c: {  	s0 =	sand.u32 $0xF, s0;
	v36 =	vld [tilespmem:s2+$0xCC80];
	v21 =	vmul.f32 v31, v21;
	v35 =	vmul.f32 v33, v32  }
0x5d: {  	v37 =	vmov s0  }
0x5e: {  	s30 =	sand.u32 $0xF, s30;
	vm10 =	veq.s32 v37, v0;
	v21 =	vadd.f32 v35, v21  }
0x5f: {  	v39 =	vmov s30;
	v38 =	vnsel vm10, $0x0, v34  }
0x60: {  	vm11 =	veq.s32 v39, v0;
	v21 =	vadd.f32 v38, v21  }
0x61: {  	v40 =	vnsel vm11, $0x0, v36  }
0x62: {  	s0 =	spop (v2sf);
	v21 =	vadd.f32 v40, v21  }
0x63: {  	s2 =	spop (v2sf)  }
0x64: {  	s12 =	spop (v2sf);
	[tilespmem:v2+s23+$0x0] =	vst.idx.msk $0xffff, v21  }
0x65: {  	s31 =	spop (v2sf);
	v21 =	vld [tilespmem:s2+$0xD00]  }
0x66: {  	v41 =	vld [tilespmem:s31+$0x4D00]  }
0x67: {  	v42 =	vld [tilespmem:s2+$0xD10]  }
0x68: {  	v43 =	vld [tilespmem:s31+$0x4D10];
	s2 =	spop (v2sf)  }
0x69: {  	s30 =	sand.u32 $0x70, s2  }
0x6a: {  	(v2sf) =	vpush v18, $0x3;
	s31 =	spop (v2sf);
	s30 =	sadd.s32 s29, s30  }
0x6b: {  	v44 =	vld [tilespmem:s30+$0x8D00];
	s30 =	sand.u32 $0x70, s31  }
0x6c: {  	(v2sf) =	vpush v17, $0x3;
	s30 =	sadd.s32 s29, s30  }
0x6d: {  	s2 =	sand.u32 $0xF, s2;
	v21 =	vmul.f32 v41, v21;
	v45 =	vmul.f32 v43, v42;
	v46 =	vld [tilespmem:s30+$0xCD00]  }
0x6e: {  	v47 =	vmov s2  }
0x6f: {  	vm12 =	veq.s32 v47, v0;
	s31 =	sand.u32 $0xF, s31;
	v21 =	vadd.f32 v45, v21  }
0x70: {  	v49 =	vmov s31;
	v48 =	vnsel vm12, $0x0, v44  }
0x71: {  	vm13 =	veq.s32 v49, v0;
	v21 =	vadd.f32 v48, v21  }
0x72: {  	v50 =	vnsel vm13, $0x0, v46  }
0x73: {  	v21 =	vadd.f32 v50, v21;
	_ =	sdelay $0x1  }
0x74: {  	(v2sf) =	vpush v19, $0x5;
	[tilespmem:v3+s23+$0x0] =	vst.idx.msk $0xffff, v21  }
0x75: {  	(v2sf) =	vpush v19, $0x4;
	v21 =	vld [tilespmem:s0+$0xD80]  }
0x76: {  	(v2sf) =	vpush v20, $0x5;
	v51 =	vld [tilespmem:s12+$0x4D80]  }
0x77: {  	(v2sf) =	vpush v20, $0x4;
	v52 =	vld [tilespmem:s0+$0xD90]  }
0x78: {  	v53 =	vld [tilespmem:s12+$0x4D90];
	s0 =	spop (v2sf)  }
0x79: {  	s12 =	sand.u32 $0x70, s0  }
0x7a: {  	(v2sf) =	vpush v18, $0x4;
	s30 =	spop (v2sf);
	s2 =	sadd.s32 s29, s12  }
0x7b: {  	s31 =	sand.u32 $0x70, s30;
	v54 =	vld [tilespmem:s2+$0x8D80]  }
0x7c: {  	(v2sf) =	vpush v17, $0x4;
	s2 =	sadd.s32 s29, s31  }
0x7d: {  	s0 =	sand.u32 $0xF, s0;
	v21 =	vmul.f32 v51, v21;
	v55 =	vmul.f32 v53, v52;
	v56 =	vld [tilespmem:s2+$0xCD80]  }
0x7e: {  	v57 =	vmov s0  }
0x7f: {  	s30 =	sand.u32 $0xF, s30;
	vm14 =	veq.s32 v57, v0;
	v21 =	vadd.f32 v55, v21  }
0x80: {  	v59 =	vmov s30;
	v58 =	vnsel vm14, $0x0, v54  }
0x81: {  	vm15 =	veq.s32 v59, v0;
	v21 =	vadd.f32 v58, v21  }
0x82: {  	v60 =	vnsel vm15, $0x0, v56  }
0x83: {  	s0 =	spop (v2sf);
	v21 =	vadd.f32 v60, v21  }
0x84: {  	s2 =	spop (v2sf)  }
0x85: {  	s12 =	spop (v2sf);
	[tilespmem:v4+s23+$0x0] =	vst.idx.msk $0xffff, v21  }
0x86: {  	s31 =	spop (v2sf);
	v21 =	vld [tilespmem:s2+$0xE00]  }
0x87: {  	v61 =	vld [tilespmem:s31+$0x4E00]  }
0x88: {  	v62 =	vld [tilespmem:s2+$0xE10]  }
0x89: {  	v63 =	vld [tilespmem:s31+$0x4E10];
	s2 =	spop (v2sf)  }
0x8a: {  	s30 =	sand.u32 $0x70, s2  }
0x8b: {  	(v2sf) =	vpush v18, $0x5;
	s31 =	spop (v2sf);
	s30 =	sadd.s32 s29, s30  }
0x8c: {  	v28 =	vld [tilespmem:s30+$0x8E00];
	s30 =	sand.u32 $0x70, s31  }
0x8d: {  	(v2sf) =	vpush v17, $0x5;
	s30 =	sadd.s32 s29, s30  }
0x8e: {  	s2 =	sand.u32 $0xF, s2;
	v21 =	vmul.f32 v61, v21;
	v29 =	vmul.f32 v63, v62;
	v30 =	vld [tilespmem:s30+$0xCE00]  }
0x8f: {  	v31 =	vmov s2  }
0x90: {  	vm4 =	veq.s32 v31, v0;
	s31 =	sand.u32 $0xF, s31;
	v21 =	vadd.f32 v29, v21  }
0x91: {  	v33 =	vmov s31;
	v32 =	vnsel vm4, $0x0, v28  }
0x92: {  	vm5 =	veq.s32 v33, v0;
	v21 =	vadd.f32 v32, v21  }
0x93: {  	v34 =	vnsel vm5, $0x0, v30  }
0x94: {  	v21 =	vadd.f32 v34, v21;
	_ =	sdelay $0x1  }
0x95: {  	(v2sf) =	vpush v19, $0x7;
	[tilespmem:v5+s23+$0x0] =	vst.idx.msk $0xffff, v21  }
0x96: {  	(v2sf) =	vpush v19, $0x6;
	v21 =	vld [tilespmem:s0+$0xE80]  }
0x97: {  	(v2sf) =	vpush v20, $0x7;
	v35 =	vld [tilespmem:s12+$0x4E80]  }
0x98: {  	(v2sf) =	vpush v20, $0x6;
	v36 =	vld [tilespmem:s0+$0xE90]  }
0x99: {  	v37 =	vld [tilespmem:s12+$0x4E90];
	s0 =	spop (v2sf)  }
0x9a: {  	s12 =	sand.u32 $0x70, s0  }
0x9b: {  	(v2sf) =	vpush v18, $0x6;
	s30 =	spop (v2sf);
	s2 =	sadd.s32 s29, s12  }
0x9c: {  	s31 =	sand.u32 $0x70, s30;
	v38 =	vld [tilespmem:s2+$0x8E80]  }
0x9d: {  	(v2sf) =	vpush v17, $0x6;
	s2 =	sadd.s32 s29, s31  }
0x9e: {  	s0 =	sand.u32 $0xF, s0;
	v21 =	vmul.f32 v35, v21;
	v39 =	vmul.f32 v37, v36;
	v40 =	vld [tilespmem:s2+$0xCE80]  }
0x9f: {  	v41 =	vmov s0  }
0xa0: {  	s30 =	sand.u32 $0xF, s30;
	vm6 =	veq.s32 v41, v0;
	v21 =	vadd.f32 v39, v21  }
0xa1: {  	v43 =	vmov s30;
	v42 =	vnsel vm6, $0x0, v38  }
0xa2: {  	vm7 =	veq.s32 v43, v0;
	v21 =	vadd.f32 v42, v21  }
0xa3: {  	v44 =	vnsel vm7, $0x0, v40  }
0xa4: {  	s0 =	spop (v2sf);
	v21 =	vadd.f32 v44, v21  }
0xa5: {  	s2 =	spop (v2sf)  }
0xa6: {  	s12 =	spop (v2sf);
	[tilespmem:v6+s23+$0x0] =	vst.idx.msk $0xffff, v21  }
0xa7: {  	s31 =	spop (v2sf);
	v21 =	vld [tilespmem:s2+$0xF00]  }
0xa8: {  	v45 =	vld [tilespmem:s31+$0x4F00]  }
0xa9: {  	v46 =	vld [tilespmem:s2+$0xF10]  }
0xaa: {  	v47 =	vld [tilespmem:s31+$0x4F10];
	s2 =	spop (v2sf)  }
0xab: {  	s30 =	sand.u32 $0x70, s2  }
0xac: {  	(v2sf) =	vpush v18, $0x7;
	s31 =	spop (v2sf);
	s30 =	sadd.s32 s29, s30  }
0xad: {  	v48 =	vld [tilespmem:s30+$0x8F00];
	s30 =	sand.u32 $0x70, s31  }
0xae: {  	(v2sf) =	vpush v17, $0x7;
	s30 =	sadd.s32 s29, s30  }
0xaf: {  	s2 =	sand.u32 $0xF, s2;
	v21 =	vmul.f32 v45, v21;
	v49 =	vmul.f32 v47, v46;
	v50 =	vld [tilespmem:s30+$0xCF00]  }
0xb0: {  	v51 =	vmov s2  }
0xb1: {  	vm8 =	veq.s32 v51, v0;
	s31 =	sand.u32 $0xF, s31;
	v21 =	vadd.f32 v49, v21  }
0xb2: {  	v53 =	vmov s31;
	v52 =	vnsel vm8, $0x0, v48  }
0xb3: {  	vm9 =	veq.s32 v53, v0;
	v21 =	vadd.f32 v52, v21  }
0xb4: {  	v54 =	vnsel vm9, $0x0, v50  }
0xb5: {  	v21 =	vadd.f32 v54, v21;
	_ =	sdelay $0x1  }
0xb6: {  	(v2sf) =	vpush v19, $0x9;
	[tilespmem:v7+s23+$0x0] =	vst.idx.msk $0xffff, v21  }
0xb7: {  	(v2sf) =	vpush v19, $0x8;
	v21 =	vld [tilespmem:s0+$0xF80]  }
0xb8: {  	(v2sf) =	vpush v20, $0x9;
	v55 =	vld [tilespmem:s12+$0x4F80]  }
0xb9: {  	(v2sf) =	vpush v20, $0x8;
	v56 =	vld [tilespmem:s0+$0xF90]  }
0xba: {  	v57 =	vld [tilespmem:s12+$0x4F90];
	s0 =	spop (v2sf)  }
0xbb: {  	s12 =	sand.u32 $0x70, s0  }
0xbc: {  	(v2sf) =	vpush v18, $0x8;
	s30 =	spop (v2sf);
	s2 =	sadd.s32 s29, s12  }
0xbd: {  	s31 =	sand.u32 $0x70, s30;
	v58 =	vld [tilespmem:s2+$0x8F80]  }
0xbe: {  	(v2sf) =	vpush v17, $0x8;
	s2 =	sadd.s32 s29, s31  }
0xbf: {  	s0 =	sand.u32 $0xF, s0;
	v21 =	vmul.f32 v55, v21;
	v59 =	vmul.f32 v57, v56;
	v60 =	vld [tilespmem:s2+$0xCF80]  }
0xc0: {  	v61 =	vmov s0  }
0xc1: {  	s30 =	sand.u32 $0xF, s30;
	vm10 =	veq.s32 v61, v0;
	v21 =	vadd.f32 v59, v21  }
0xc2: {  	v63 =	vmov s30;
	v62 =	vnsel vm10, $0x0, v58  }
0xc3: {  	vm11 =	veq.s32 v63, v0;
	v21 =	vadd.f32 v62, v21  }
0xc4: {  	v27 =	vnsel vm11, $0x0, v60  }
0xc5: {  	s0 =	spop (v2sf);
	v21 =	vadd.f32 v27, v21  }
0xc6: {  	s2 =	spop (v2sf)  }
0xc7: {  	s12 =	spop (v2sf);
	[tilespmem:v8+s23+$0x0] =	vst.idx.msk $0xffff, v21  }
0xc8: {  	s31 =	spop (v2sf);
	v21 =	vld [tilespmem:s2+$0x1000]  }
0xc9: {  	v28 =	vld [tilespmem:s31+$0x5000]  }
0xca: {  	v29 =	vld [tilespmem:s2+$0x1010]  }
0xcb: {  	v30 =	vld [tilespmem:s31+$0x5010];
	s2 =	spop (v2sf)  }
0xcc: {  	s30 =	sand.u32 $0x70, s2  }
0xcd: {  	(v2sf) =	vpush v18, $0x9;
	s31 =	spop (v2sf);
	s30 =	sadd.s32 s29, s30  }
0xce: {  	v31 =	vld [tilespmem:s30+$0x9000];
	s30 =	sand.u32 $0x70, s31  }
0xcf: {  	(v2sf) =	vpush v17, $0x9;
	s30 =	sadd.s32 s29, s30  }
0xd0: {  	s2 =	sand.u32 $0xF, s2;
	v21 =	vmul.f32 v28, v21;
	v32 =	vmul.f32 v30, v29;
	v33 =	vld [tilespmem:s30+$0xD000]  }
0xd1: {  	v34 =	vmov s2  }
0xd2: {  	vm12 =	veq.s32 v34, v0;
	s31 =	sand.u32 $0xF, s31;
	v21 =	vadd.f32 v32, v21  }
0xd3: {  	v36 =	vmov s31;
	v35 =	vnsel vm12, $0x0, v31  }
0xd4: {  	vm13 =	veq.s32 v36, v0;
	v21 =	vadd.f32 v35, v21  }
0xd5: {  	v37 =	vnsel vm13, $0x0, v33  }
0xd6: {  	v21 =	vadd.f32 v37, v21;
	_ =	sdelay $0x1  }
0xd7: {  	(v2sf) =	vpush v19, $0xB;
	[tilespmem:v9+s23+$0x0] =	vst.idx.msk $0xffff, v21  }
0xd8: {  	(v2sf) =	vpush v19, $0xA;
	v21 =	vld [tilespmem:s0+$0x1080]  }
0xd9: {  	(v2sf) =	vpush v20, $0xB;
	v38 =	vld [tilespmem:s12+$0x5080]  }
0xda: {  	(v2sf) =	vpush v20, $0xA;
	v39 =	vld [tilespmem:s0+$0x1090]  }
0xdb: {  	v40 =	vld [tilespmem:s12+$0x5090];
	s0 =	spop (v2sf)  }
0xdc: {  	s12 =	sand.u32 $0x70, s0  }
0xdd: {  	(v2sf) =	vpush v18, $0xA;
	s30 =	spop (v2sf);
	s2 =	sadd.s32 s29, s12  }
0xde: {  	s31 =	sand.u32 $0x70, s30;
	v41 =	vld [tilespmem:s2+$0x9080]  }
0xdf: {  	(v2sf) =	vpush v17, $0xA;
	s2 =	sadd.s32 s29, s31  }
0xe0: {  	s0 =	sand.u32 $0xF, s0;
	v21 =	vmul.f32 v38, v21;
	v42 =	vmul.f32 v40, v39;
	v43 =	vld [tilespmem:s2+$0xD080]  }
0xe1: {  	v44 =	vmov s0  }
0xe2: {  	s30 =	sand.u32 $0xF, s30;
	vm14 =	veq.s32 v44, v0;
	v21 =	vadd.f32 v42, v21  }
0xe3: {  	v46 =	vmov s30;
	v45 =	vnsel vm14, $0x0, v41  }
0xe4: {  	vm15 =	veq.s32 v46, v0;
	v21 =	vadd.f32 v45, v21  }
0xe5: {  	v47 =	vnsel vm15, $0x0, v43  }
0xe6: {  	s0 =	spop (v2sf);
	v21 =	vadd.f32 v47, v21  }
0xe7: {  	s2 =	spop (v2sf)  }
0xe8: {  	s12 =	spop (v2sf);
	[tilespmem:v10+s23+$0x0] =	vst.idx.msk $0xffff, v21  }
0xe9: {  	s31 =	spop (v2sf);
	v21 =	vld [tilespmem:s2+$0x1100]  }
0xea: {  	v48 =	vld [tilespmem:s31+$0x5100]  }
0xeb: {  	v49 =	vld [tilespmem:s2+$0x1110]  }
0xec: {  	v50 =	vld [tilespmem:s31+$0x5110];
	s2 =	spop (v2sf)  }
0xed: {  	s30 =	sand.u32 $0x70, s2  }
0xee: {  	(v2sf) =	vpush v18, $0xB;
	s31 =	spop (v2sf);
	s30 =	sadd.s32 s29, s30  }
0xef: {  	v51 =	vld [tilespmem:s30+$0x9100];
	s30 =	sand.u32 $0x70, s31  }
0xf0: {  	(v2sf) =	vpush v17, $0xB;
	s30 =	sadd.s32 s29, s30  }
0xf1: {  	s2 =	sand.u32 $0xF, s2;
	v21 =	vmul.f32 v48, v21;
	v52 =	vmul.f32 v50, v49;
	v53 =	vld [tilespmem:s30+$0xD100]  }
0xf2: {  	v54 =	vmov s2  }
0xf3: {  	vm4 =	veq.s32 v54, v0;
	s31 =	sand.u32 $0xF, s31;
	v21 =	vadd.f32 v52, v21  }
0xf4: {  	v56 =	vmov s31;
	v55 =	vnsel vm4, $0x0, v51  }
0xf5: {  	vm5 =	veq.s32 v56, v0;
	v21 =	vadd.f32 v55, v21  }
0xf6: {  	v57 =	vnsel vm5, $0x0, v53  }
0xf7: {  	v21 =	vadd.f32 v57, v21;
	_ =	sdelay $0x1  }
0xf8: {  	(v2sf) =	vpush v19, $0xD;
	[tilespmem:v11+s23+$0x0] =	vst.idx.msk $0xffff, v21  }
0xf9: {  	(v2sf) =	vpush v19, $0xC;
	v21 =	vld [tilespmem:s0+$0x1180]  }
0xfa: {  	(v2sf) =	vpush v20, $0xD;
	v58 =	vld [tilespmem:s12+$0x5180]  }
0xfb: {  	(v2sf) =	vpush v20, $0xC;
	v59 =	vld [tilespmem:s0+$0x1190]  }
0xfc: {  	v60 =	vld [tilespmem:s12+$0x5190];
	s0 =	spop (v2sf)  }
0xfd: {  	s12 =	sand.u32 $0x70, s0  }
0xfe: {  	(v2sf) =	vpush v18, $0xC;
	s30 =	spop (v2sf);
	s2 =	sadd.s32 s29, s12  }
0xff: {  	s31 =	sand.u32 $0x70, s30;
	v61 =	vld [tilespmem:s2+$0x9180]  }
0x100: {  	(v2sf) =	vpush v17, $0xC;
	s2 =	sadd.s32 s29, s31  }
0x101: {  	s0 =	sand.u32 $0xF, s0;
	v21 =	vmul.f32 v58, v21;
	v62 =	vmul.f32 v60, v59;
	v63 =	vld [tilespmem:s2+$0xD180]  }
0x102: {  	v28 =	vmov s0  }
0x103: {  	s30 =	sand.u32 $0xF, s30;
	vm6 =	veq.s32 v28, v0;
	v21 =	vadd.f32 v62, v21  }
0x104: {  	v30 =	vmov s30;
	v29 =	vnsel vm6, $0x0, v61  }
0x105: {  	vm7 =	veq.s32 v30, v0;
	v21 =	vadd.f32 v29, v21  }
0x106: {  	v31 =	vnsel vm7, $0x0, v63  }
0x107: {  	s0 =	spop (v2sf);
	v21 =	vadd.f32 v31, v21  }
0x108: {  	s2 =	spop (v2sf)  }
0x109: {  	s12 =	spop (v2sf);
	[tilespmem:v12+s23+$0x0] =	vst.idx.msk $0xffff, v21  }
0x10a: {  	s31 =	spop (v2sf);
	v21 =	vld [tilespmem:s2+$0x1200]  }
0x10b: {  	v32 =	vld [tilespmem:s31+$0x5200]  }
0x10c: {  	v33 =	vld [tilespmem:s2+$0x1210]  }
0x10d: {  	v34 =	vld [tilespmem:s31+$0x5210];
	s2 =	spop (v2sf)  }
0x10e: {  	s30 =	sand.u32 $0x70, s2  }
0x10f: {  	(v2sf) =	vpush v18, $0xD;
	s31 =	spop (v2sf);
	s30 =	sadd.s32 s29, s30  }
0x110: {  	v35 =	vld [tilespmem:s30+$0x9200];
	s30 =	sand.u32 $0x70, s31  }
0x111: {  	(v2sf) =	vpush v17, $0xD;
	s30 =	sadd.s32 s29, s30  }
0x112: {  	s2 =	sand.u32 $0xF, s2;
	v21 =	vmul.f32 v32, v21;
	v36 =	vmul.f32 v34, v33;
	v37 =	vld [tilespmem:s30+$0xD200]  }
0x113: {  	v38 =	vmov s2  }
0x114: {  	vm8 =	veq.s32 v38, v0;
	s31 =	sand.u32 $0xF, s31;
	v21 =	vadd.f32 v36, v21  }
0x115: {  	v40 =	vmov s31;
	v39 =	vnsel vm8, $0x0, v35  }
0x116: {  	vm9 =	veq.s32 v40, v0;
	v21 =	vadd.f32 v39, v21  }
0x117: {  	v41 =	vnsel vm9, $0x0, v37  }
0x118: {  	v21 =	vadd.f32 v41, v21;
	_ =	sdelay $0x1  }
0x119: {  	(v2sf) =	vpush v19, $0xF;
	[tilespmem:v13+s23+$0x0] =	vst.idx.msk $0xffff, v21  }
0x11a: {  	(v2sf) =	vpush v19, $0xE;
	v21 =	vld [tilespmem:s0+$0x1280]  }
0x11b: {  	(v2sf) =	vpush v20, $0xF;
	v19 =	vld [tilespmem:s12+$0x5280]  }
0x11c: {  	(v2sf) =	vpush v20, $0xE;
	v42 =	vld [tilespmem:s0+$0x1290]  }
0x11d: {  	v43 =	vld [tilespmem:s12+$0x5290];
	s0 =	spop (v2sf)  }
0x11e: {  	s12 =	sand.u32 $0x70, s0  }
0x11f: {  	(v2sf) =	vpush v18, $0xE;
	s30 =	spop (v2sf);
	s2 =	sadd.s32 s29, s12  }
0x120: {  	s31 =	sand.u32 $0x70, s30;
	v44 =	vld [tilespmem:s2+$0x9280]  }
0x121: {  	(v2sf) =	vpush v17, $0xE;
	s2 =	sadd.s32 s29, s31  }
0x122: {  	s0 =	sand.u32 $0xF, s0;
	v19 =	vmul.f32 v19, v21;
	v20 =	vmul.f32 v43, v42;
	v45 =	vld [tilespmem:s2+$0xD280]  }
0x123: {  	v46 =	vmov s0  }
0x124: {  	s30 =	sand.u32 $0xF, s30;
	vm10 =	veq.s32 v46, v0;
	v19 =	vadd.f32 v20, v19  }
0x125: {  	v48 =	vmov s30;
	v47 =	vnsel vm10, $0x0, v44  }
0x126: {  	vm11 =	veq.s32 v48, v0;
	v19 =	vadd.f32 v47, v19  }
0x127: {  	v49 =	vnsel vm11, $0x0, v45  }
0x128: {  	s0 =	spop (v2sf);
	v19 =	vadd.f32 v49, v19  }
0x129: {  	s2 =	spop (v2sf)  }
0x12a: {  	s12 =	spop (v2sf);
	[tilespmem:v14+s23+$0x0] =	vst.idx.msk $0xffff, v19  }
0x12b: {  	s31 =	spop (v2sf);
	v19 =	vld [tilespmem:s2+$0x1300]  }
0x12c: {  	v50 =	vld [tilespmem:s31+$0x5300]  }
0x12d: {  	v51 =	vld [tilespmem:s2+$0x1310]  }
0x12e: {  	v52 =	vld [tilespmem:s31+$0x5310];
	s2 =	spop (v2sf)  }
0x12f: {  	s30 =	sand.u32 $0x70, s2  }
0x130: {  	(v2sf) =	vpush v18, $0xF;
	s31 =	spop (v2sf);
	s30 =	sadd.s32 s29, s30  }
0x131: {  	v18 =	vld [tilespmem:s30+$0x9300];
	s30 =	sand.u32 $0x70, s31  }
0x132: {  	(v2sf) =	vpush v17, $0xF;
	s30 =	sadd.s32 s29, s30  }
0x133: {  	s2 =	sand.u32 $0xF, s2;
	v17 =	vmul.f32 v50, v19;
	v19 =	vmul.f32 v52, v51;
	v53 =	vld [tilespmem:s30+$0xD300]  }
0x134: {  	v54 =	vmov s2  }
0x135: {  	vm12 =	veq.s32 v54, v0;
	s31 =	sand.u32 $0xF, s31;
	v17 =	vadd.f32 v19, v17  }
0x136: {  	v19 =	vmov s31;
	v18 =	vnsel vm12, $0x0, v18  }
0x137: {  	vm13 =	veq.s32 v19, v0;
	v17 =	vadd.f32 v18, v17  }
0x138: {  	v18 =	vnsel vm13, $0x0, v53  }
0x139: {  	v17 =	vadd.f32 v18, v17;
	_ =	sdelay $0x1  }
0x13a: {  	[tilespmem:v15+s23+$0x0] =	vst.idx.msk $0xffff, v17  }
0x13b: {  	v17 =	vld [tilespmem:s0+$0x1380]  }
0x13c: {  	v18 =	vld [tilespmem:s12+$0x5380]  }
0x13d: {  	v19 =	vld [tilespmem:s0+$0x1390]  }
0x13e: {  	v55 =	vld [tilespmem:s12+$0x5390];
	s0 =	spop (v2sf)  }
0x13f: {  	s30 =	sand.u32 $0x70, s0  }
0x140: {  	s31 =	spop (v2sf);
	s2 =	sadd.s32 s29, s30  }
0x141: {  	s30 =	sand.u32 $0x70, s31;
	v56 =	vld [tilespmem:s2+$0x9380]  }
0x142: {  	s2 =	sadd.s32 s29, s30  }
0x143: {  	s0 =	sand.u32 $0xF, s0;
	v17 =	vmul.f32 v18, v17;
	v18 =	vmul.f32 v55, v19;
	v19 =	vld [tilespmem:s2+$0xD380]  }
0x144: {  	v57 =	vmov s0  }
0x145: {  	s31 =	sand.u32 $0xF, s31;
	vm14 =	veq.s32 v57, v0;
	v17 =	vadd.f32 v18, v17  }
0x146: {  	v58 =	vmov s31;
	v18 =	vnsel vm14, $0x0, v56  }
0x147: {  	vm15 =	veq.s32 v58, v0;
	v17 =	vadd.f32 v18, v17  }
0x148: {  	v18 =	vnsel vm15, $0x0, v19  }
0x149: {  	v17 =	vadd.f32 v18, v17;
	_ =	sdelay $0x1  }
0x14a: {  	[tilespmem:v16+s23+$0x0] =	vst.idx.msk $0xffff, v17  }
0x14b: {  	v17 =	vld [tilespmem:$0x10C00]  }
0x14c: {  	v18 =	vld [tilespmem:$0x10C10];
	_ =	sdelay $0x1  }
0x14d: {  	v19 =	vld [tilespmem:$0x10C20];
	_ =	sdelay $0x1  }
0x14e: {  	v59 =	vld [tilespmem:$0x10C30]  }
0x14f: {  	v17 =	vadd.f32 v18, v17  }
0x150: {  	v18 =	vld [tilespmem:$0x10C40]  }
0x151: {  	v17 =	vadd.f32 v19, v17  }
0x152: {  	v19 =	vld [tilespmem:$0x10C50]  }
0x153: {  	v17 =	vadd.f32 v59, v17  }
0x154: {  	v60 =	vld [tilespmem:$0x10C60]  }
0x155: {  	v17 =	vadd.f32 v18, v17  }
0x156: {  	v18 =	vld [tilespmem:$0x10C70]  }
0x157: {  	v17 =	vadd.f32 v19, v17  }
0x158: {  	v19 =	vld [tilespmem:$0x10C80]  }
0x159: {  	v17 =	vadd.f32 v60, v17  }
0x15a: {  	v61 =	vld [tilespmem:$0x10C90]  }
0x15b: {  	v17 =	vadd.f32 v18, v17  }
0x15c: {  	v18 =	vld [tilespmem:$0x10CA0]  }
0x15d: {  	v17 =	vadd.f32 v19, v17  }
0x15e: {  	v19 =	vld [tilespmem:$0x10CB0]  }
0x15f: {  	v17 =	vadd.f32 v61, v17  }
0x160: {  	v62 =	vld [tilespmem:$0x10CC0]  }
0x161: {  	v17 =	vadd.f32 v18, v17  }
0x162: {  	v18 =	vld [tilespmem:$0x10CD0]  }
0x163: {  	v17 =	vadd.f32 v19, v17  }
0x164: {  	v19 =	vld [tilespmem:$0x10CE0]  }
0x165: {  	v17 =	vadd.f32 v62, v17  }
0x166: {  	v63 =	vld [tilespmem:$0x10CF0]  }
0x167: {  	v17 =	vadd.f32 v18, v17  }
0x168: {  	p0 =	sne.s32 s28, $0xE000  }
.Ltmp1:
0x169: {  	v17 =	vadd.f32 v19, v17;
	(pc) =	sbr.rel @p0 .LBB2_4-.Ltmp1, $4  }
0x16a: {  	_ = 	snop  }
0x16b: {  	v17 =	vadd.f32 v63, v17  }
0x16c: {  	s24 =	sadd.s32 $0x10, s24  }
0x16d: {  	s25 =	sadd.s32 $0x10, s25;
	s28 =	sadd.s32 $0x2000, s28;
	[tilespmem:s26+$0x0] =	vst v17;
	s26 =	sadd.s32 $0x10, s26  }
0x16e: {  	s24 =	simm.s32 $0x80;
	s0 =	simm.s32 $0x480  }
0x16f: {  	[tilespmem:s15], [sflag:$0x1] =	stream.indirect.gather [hbm4b:s3+s24], $0x80, s0, s24, $0xb8;
	[tilespmem:$0x10F00] =	vst v63  }
0x170: {  	s29 =	simm.s32 $0x680  }
0x171: {  	[tilespmem:s17], [sflag:$0x1] =	stream.indirect.gather [hbm4b:s4+s24], $0x80, s29, s24, $0xb8;
	[tilespmem:$0x10F00] =	vst v63  }
0x172: {  	s30 =	simm.s32 $0x880  }
0x173: {  	[tilespmem:s19], [sflag:$0x1] =	stream.indirect.gather [hbm4b:s5+s24], $0x80, s30, s24, $0xb8;
	[tilespmem:$0x10F00] =	vst v63  }
0x174: {  	s31 =	simm.s32 $0xA80  }
0x175: {  	[tilespmem:s21], [sflag:$0x1] =	stream.indirect.gather [hbm4b:s6+s24], $0x80, s31, s24, $0xb8;
	[tilespmem:$0x10F00] =	vst v63  }
0x176: {  	_ =	swait.ge [sflag:s22], $0x4000  }
0x177: {  	[sflag:s22] =	ssyncset.done $0x0  }
0x178: {  	[sflag:s22] =	ssyncadd.s32 $0xFFFFC000  }
0x179: {  	_ =	swait.ge [sflag:s22], $0x4000  }
0x17a: {  	[sflag:s22] =	ssyncset.done $0x0  }
0x17b: {  	[sflag:s22] =	ssyncadd.s32 $0xFFFFC000  }
0x17c: {  	_ =	swait.ge [sflag:s22], $0x4000  }
0x17d: {  	[sflag:s22] =	ssyncset.done $0x0  }
0x17e: {  	[sflag:s22] =	ssyncadd.s32 $0xFFFFC000  }
0x17f: {  	_ =	swait.ge [sflag:s22], $0x4000  }
0x180: {  	s25 =	simm.s32 $0x0;
	[sflag:s22] =	ssyncset.done $0x0  }
0x181: {  	s26 =	simm.s32 $0x10D80;
	s28 =	simm.s32 $0x280;
	[sflag:s22] =	ssyncadd.s32 $0xFFFFC000  }
.LBB2_6:
0x182: {  	v18 =	vld [tilespmem:s24+$0x0];
	_ =	sdelay $0x1  }
0x183: {  	v17 =	vld [tilespmem:s28+$0x0];
	_ =	sdelay $0x2  }
0x184: {  	v19 =	vshrl.u32 v18, $0x6  }
0x185: {  	s29 =	sshra.s32 s25, $0x2;
	v19 =	vand.u32 $0x60, v19  }
0x186: {  	v20 =	vshrl.u32 v17, $0x6;
	v19 =	vadd.s32 s29, v19  }
0x187: {  	v20 =	vand.u32 $0x60, v20;
	(v2sf) =	vpush v19, $0x1  }
0x188: {  	v20 =	vadd.s32 s29, v20;
	(v2sf) =	vpush v19, $0x0  }
0x189: {  	(v2sf) =	vpush v20, $0x1  }
0x18a: {  	(v2sf) =	vpush v20, $0x0;
	_ =	sdelay $0x1  }
0x18b: {  	(v2sf) =	vpush v18, $0x0;
	_ =	sdelay $0x1  }
0x18c: {  	(v2sf) =	vpush v17, $0x0;
	_ =	sdelay $0x7  }
0x18d: {  	s0 =	spop (v2sf)  }
0x18e: {  	s2 =	spop (v2sf)  }
0x18f: {  	s12 =	spop (v2sf);
	v21 =	vld [tilespmem:s2+$0xC00]  }
0x190: {  	v23 =	vld [tilespmem:s2+$0xC10];
	s30 =	spop (v2sf)  }
0x191: {  	v22 =	vld [tilespmem:s30+$0x4C00]  }
0x192: {  	v24 =	vld [tilespmem:s30+$0x4C10];
	s2 =	spop (v2sf)  }
0x193: {  	s30 =	sand.u32 $0x70, s2  }
0x194: {  	(v2sf) =	vpush v18, $0x1;
	s31 =	spop (v2sf);
	s30 =	sadd.s32 s29, s30  }
0x195: {  	v25 =	vld [tilespmem:s30+$0x8C00];
	s30 =	sand.u32 $0x70, s31  }
0x196: {  	(v2sf) =	vpush v17, $0x1;
	s30 =	sadd.s32 s29, s30  }
0x197: {  	s2 =	sand.u32 $0xF, s2;
	v21 =	vmul.f32 v22, v21;
	v61 =	vmul.f32 v24, v23;
	v62 =	vld [tilespmem:s30+$0xCC00]  }
0x198: {  	v63 =	vmov s2  }
0x199: {  	vm0 =	veq.s32 v63, v0;
	s31 =	sand.u32 $0xF, s31;
	v21 =	vadd.f32 v61, v21  }
0x19a: {  	v29 =	vmov s31;
	v28 =	vnsel vm0, $0x0, v25  }
0x19b: {  	vm9 =	veq.s32 v29, v0;
	v21 =	vadd.f32 v28, v21  }
0x19c: {  	v30 =	vnsel vm9, $0x0, v62  }
0x19d: {  	v21 =	vadd.f32 v30, v21;
	_ =	sdelay $0x1  }
0x19e: {  	(v2sf) =	vpush v19, $0x3;
	[tilespmem:v1+s23+$0x0] =	vst.idx.msk $0xffff, v21  }
0x19f: {  	(v2sf) =	vpush v19, $0x2;
	v21 =	vld [tilespmem:s0+$0xC80]  }
0x1a0: {  	(v2sf) =	vpush v20, $0x3;
	v31 =	vld [tilespmem:s12+$0x4C80]  }
0x1a1: {  	(v2sf) =	vpush v20, $0x2;
	v32 =	vld [tilespmem:s0+$0xC90]  }
0x1a2: {  	v33 =	vld [tilespmem:s12+$0x4C90];
	s0 =	spop (v2sf)  }
0x1a3: {  	s12 =	sand.u32 $0x70, s0  }
0x1a4: {  	(v2sf) =	vpush v18, $0x2;
	s30 =	spop (v2sf);
	s2 =	sadd.s32 s29, s12  }
0x1a5: {  	s31 =	sand.u32 $0x70, s30;
	v34 =	vld [tilespmem:s2+$0x8C80]  }
0x1a6: {  	(v2sf) =	vpush v17, $0x2;
	s2 =	sadd.s32 s29, s31  }
0x1a7: {  	s0 =	sand.u32 $0xF, s0;
	v36 =	vld [tilespmem:s2+$0xCC80];
	v21 =	vmul.f32 v31, v21;
	v35 =	vmul.f32 v33, v32  }
0x1a8: {  	v37 =	vmov s0  }
0x1a9: {  	s30 =	sand.u32 $0xF, s30;
	vm10 =	veq.s32 v37, v0;
	v21 =	vadd.f32 v35, v21  }
0x1aa: {  	v39 =	vmov s30;
	v38 =	vnsel vm10, $0x0, v34  }
0x1ab: {  	vm11 =	veq.s32 v39, v0;
	v21 =	vadd.f32 v38, v21  }
0x1ac: {  	v40 =	vnsel vm11, $0x0, v36  }
0x1ad: {  	s0 =	spop (v2sf);
	v21 =	vadd.f32 v40, v21  }
0x1ae: {  	s2 =	spop (v2sf)  }
0x1af: {  	s12 =	spop (v2sf);
	[tilespmem:v2+s23+$0x0] =	vst.idx.msk $0xffff, v21  }
0x1b0: {  	s31 =	spop (v2sf);
	v21 =	vld [tilespmem:s2+$0xD00]  }
0x1b1: {  	v41 =	vld [tilespmem:s31+$0x4D00]  }
0x1b2: {  	v42 =	vld [tilespmem:s2+$0xD10]  }
0x1b3: {  	v43 =	vld [tilespmem:s31+$0x4D10];
	s2 =	spop (v2sf)  }
0x1b4: {  	s30 =	sand.u32 $0x70, s2  }
0x1b5: {  	(v2sf) =	vpush v18, $0x3;
	s31 =	spop (v2sf);
	s30 =	sadd.s32 s29, s30  }
0x1b6: {  	v44 =	vld [tilespmem:s30+$0x8D00];
	s30 =	sand.u32 $0x70, s31  }
0x1b7: {  	(v2sf) =	vpush v17, $0x3;
	s30 =	sadd.s32 s29, s30  }
0x1b8: {  	s2 =	sand.u32 $0xF, s2;
	v21 =	vmul.f32 v41, v21;
	v45 =	vmul.f32 v43, v42;
	v46 =	vld [tilespmem:s30+$0xCD00]  }
0x1b9: {  	v47 =	vmov s2  }
0x1ba: {  	vm12 =	veq.s32 v47, v0;
	s31 =	sand.u32 $0xF, s31;
	v21 =	vadd.f32 v45, v21  }
0x1bb: {  	v49 =	vmov s31;
	v48 =	vnsel vm12, $0x0, v44  }
0x1bc: {  	vm13 =	veq.s32 v49, v0;
	v21 =	vadd.f32 v48, v21  }
0x1bd: {  	v50 =	vnsel vm13, $0x0, v46  }
0x1be: {  	v21 =	vadd.f32 v50, v21;
	_ =	sdelay $0x1  }
0x1bf: {  	(v2sf) =	vpush v19, $0x5;
	[tilespmem:v3+s23+$0x0] =	vst.idx.msk $0xffff, v21  }
0x1c0: {  	(v2sf) =	vpush v19, $0x4;
	v21 =	vld [tilespmem:s0+$0xD80]  }
0x1c1: {  	(v2sf) =	vpush v20, $0x5;
	v51 =	vld [tilespmem:s12+$0x4D80]  }
0x1c2: {  	(v2sf) =	vpush v20, $0x4;
	v52 =	vld [tilespmem:s0+$0xD90]  }
0x1c3: {  	v53 =	vld [tilespmem:s12+$0x4D90];
	s0 =	spop (v2sf)  }
0x1c4: {  	s12 =	sand.u32 $0x70, s0  }
0x1c5: {  	(v2sf) =	vpush v18, $0x4;
	s30 =	spop (v2sf);
	s2 =	sadd.s32 s29, s12  }
0x1c6: {  	s31 =	sand.u32 $0x70, s30;
	v54 =	vld [tilespmem:s2+$0x8D80]  }
0x1c7: {  	(v2sf) =	vpush v17, $0x4;
	s2 =	sadd.s32 s29, s31  }
0x1c8: {  	s0 =	sand.u32 $0xF, s0;
	v21 =	vmul.f32 v51, v21;
	v55 =	vmul.f32 v53, v52;
	v56 =	vld [tilespmem:s2+$0xCD80]  }
0x1c9: {  	v57 =	vmov s0  }
0x1ca: {  	s30 =	sand.u32 $0xF, s30;
	vm14 =	veq.s32 v57, v0;
	v21 =	vadd.f32 v55, v21  }
0x1cb: {  	v59 =	vmov s30;
	v58 =	vnsel vm14, $0x0, v54  }
0x1cc: {  	vm15 =	veq.s32 v59, v0;
	v21 =	vadd.f32 v58, v21  }
0x1cd: {  	v60 =	vnsel vm15, $0x0, v56  }
0x1ce: {  	s0 =	spop (v2sf);
	v21 =	vadd.f32 v60, v21  }
0x1cf: {  	s2 =	spop (v2sf)  }
0x1d0: {  	s12 =	spop (v2sf);
	[tilespmem:v4+s23+$0x0] =	vst.idx.msk $0xffff, v21  }
0x1d1: {  	s31 =	spop (v2sf);
	v21 =	vld [tilespmem:s2+$0xE00]  }
0x1d2: {  	v61 =	vld [tilespmem:s31+$0x4E00]  }
0x1d3: {  	v62 =	vld [tilespmem:s2+$0xE10]  }
0x1d4: {  	v63 =	vld [tilespmem:s31+$0x4E10];
	s2 =	spop (v2sf)  }
0x1d5: {  	s30 =	sand.u32 $0x70, s2  }
0x1d6: {  	(v2sf) =	vpush v18, $0x5;
	s31 =	spop (v2sf);
	s30 =	sadd.s32 s29, s30  }
0x1d7: {  	v28 =	vld [tilespmem:s30+$0x8E00];
	s30 =	sand.u32 $0x70, s31  }
0x1d8: {  	(v2sf) =	vpush v17, $0x5;
	s30 =	sadd.s32 s29, s30  }
0x1d9: {  	s2 =	sand.u32 $0xF, s2;
	v21 =	vmul.f32 v61, v21;
	v29 =	vmul.f32 v63, v62;
	v30 =	vld [tilespmem:s30+$0xCE00]  }
0x1da: {  	v31 =	vmov s2  }
0x1db: {  	vm4 =	veq.s32 v31, v0;
	s31 =	sand.u32 $0xF, s31;
	v21 =	vadd.f32 v29, v21  }
0x1dc: {  	v33 =	vmov s31;
	v32 =	vnsel vm4, $0x0, v28  }
0x1dd: {  	vm5 =	veq.s32 v33, v0;
	v21 =	vadd.f32 v32, v21  }
0x1de: {  	v34 =	vnsel vm5, $0x0, v30  }
0x1df: {  	v21 =	vadd.f32 v34, v21;
	_ =	sdelay $0x1  }
0x1e0: {  	(v2sf) =	vpush v19, $0x7;
	[tilespmem:v5+s23+$0x0] =	vst.idx.msk $0xffff, v21  }
0x1e1: {  	(v2sf) =	vpush v19, $0x6;
	v21 =	vld [tilespmem:s0+$0xE80]  }
0x1e2: {  	(v2sf) =	vpush v20, $0x7;
	v35 =	vld [tilespmem:s12+$0x4E80]  }
0x1e3: {  	(v2sf) =	vpush v20, $0x6;
	v36 =	vld [tilespmem:s0+$0xE90]  }
0x1e4: {  	v37 =	vld [tilespmem:s12+$0x4E90];
	s0 =	spop (v2sf)  }
0x1e5: {  	s12 =	sand.u32 $0x70, s0  }
0x1e6: {  	(v2sf) =	vpush v18, $0x6;
	s30 =	spop (v2sf);
	s2 =	sadd.s32 s29, s12  }
0x1e7: {  	s31 =	sand.u32 $0x70, s30;
	v38 =	vld [tilespmem:s2+$0x8E80]  }
0x1e8: {  	(v2sf) =	vpush v17, $0x6;
	s2 =	sadd.s32 s29, s31  }
0x1e9: {  	s0 =	sand.u32 $0xF, s0;
	v21 =	vmul.f32 v35, v21;
	v39 =	vmul.f32 v37, v36;
	v40 =	vld [tilespmem:s2+$0xCE80]  }
0x1ea: {  	v41 =	vmov s0  }
0x1eb: {  	s30 =	sand.u32 $0xF, s30;
	vm6 =	veq.s32 v41, v0;
	v21 =	vadd.f32 v39, v21  }
0x1ec: {  	v43 =	vmov s30;
	v42 =	vnsel vm6, $0x0, v38  }
0x1ed: {  	vm7 =	veq.s32 v43, v0;
	v21 =	vadd.f32 v42, v21  }
0x1ee: {  	v44 =	vnsel vm7, $0x0, v40  }
0x1ef: {  	s0 =	spop (v2sf);
	v21 =	vadd.f32 v44, v21  }
0x1f0: {  	s2 =	spop (v2sf)  }
0x1f1: {  	s12 =	spop (v2sf);
	[tilespmem:v6+s23+$0x0] =	vst.idx.msk $0xffff, v21  }
0x1f2: {  	s31 =	spop (v2sf);
	v21 =	vld [tilespmem:s2+$0xF00]  }
0x1f3: {  	v45 =	vld [tilespmem:s31+$0x4F00]  }
0x1f4: {  	v46 =	vld [tilespmem:s2+$0xF10]  }
0x1f5: {  	v47 =	vld [tilespmem:s31+$0x4F10];
	s2 =	spop (v2sf)  }
0x1f6: {  	s30 =	sand.u32 $0x70, s2  }
0x1f7: {  	(v2sf) =	vpush v18, $0x7;
	s31 =	spop (v2sf);
	s30 =	sadd.s32 s29, s30  }
0x1f8: {  	v48 =	vld [tilespmem:s30+$0x8F00];
	s30 =	sand.u32 $0x70, s31  }
0x1f9: {  	(v2sf) =	vpush v17, $0x7;
	s30 =	sadd.s32 s29, s30  }
0x1fa: {  	s2 =	sand.u32 $0xF, s2;
	v21 =	vmul.f32 v45, v21;
	v49 =	vmul.f32 v47, v46;
	v50 =	vld [tilespmem:s30+$0xCF00]  }
0x1fb: {  	v51 =	vmov s2  }
0x1fc: {  	vm8 =	veq.s32 v51, v0;
	s31 =	sand.u32 $0xF, s31;
	v21 =	vadd.f32 v49, v21  }
0x1fd: {  	v53 =	vmov s31;
	v52 =	vnsel vm8, $0x0, v48  }
0x1fe: {  	vm9 =	veq.s32 v53, v0;
	v21 =	vadd.f32 v52, v21  }
0x1ff: {  	v54 =	vnsel vm9, $0x0, v50  }
0x200: {  	v21 =	vadd.f32 v54, v21;
	_ =	sdelay $0x1  }
0x201: {  	(v2sf) =	vpush v19, $0x9;
	[tilespmem:v7+s23+$0x0] =	vst.idx.msk $0xffff, v21  }
0x202: {  	(v2sf) =	vpush v19, $0x8;
	v21 =	vld [tilespmem:s0+$0xF80]  }
0x203: {  	(v2sf) =	vpush v20, $0x9;
	v55 =	vld [tilespmem:s12+$0x4F80]  }
0x204: {  	(v2sf) =	vpush v20, $0x8;
	v56 =	vld [tilespmem:s0+$0xF90]  }
0x205: {  	v57 =	vld [tilespmem:s12+$0x4F90];
	s0 =	spop (v2sf)  }
0x206: {  	s12 =	sand.u32 $0x70, s0  }
0x207: {  	(v2sf) =	vpush v18, $0x8;
	s30 =	spop (v2sf);
	s2 =	sadd.s32 s29, s12  }
0x208: {  	s31 =	sand.u32 $0x70, s30;
	v58 =	vld [tilespmem:s2+$0x8F80]  }
0x209: {  	(v2sf) =	vpush v17, $0x8;
	s2 =	sadd.s32 s29, s31  }
0x20a: {  	s0 =	sand.u32 $0xF, s0;
	v21 =	vmul.f32 v55, v21;
	v59 =	vmul.f32 v57, v56;
	v60 =	vld [tilespmem:s2+$0xCF80]  }
0x20b: {  	v61 =	vmov s0  }
0x20c: {  	s30 =	sand.u32 $0xF, s30;
	vm10 =	veq.s32 v61, v0;
	v21 =	vadd.f32 v59, v21  }
0x20d: {  	v63 =	vmov s30;
	v62 =	vnsel vm10, $0x0, v58  }
0x20e: {  	vm11 =	veq.s32 v63, v0;
	v21 =	vadd.f32 v62, v21  }
0x20f: {  	v27 =	vnsel vm11, $0x0, v60  }
0x210: {  	s0 =	spop (v2sf);
	v21 =	vadd.f32 v27, v21  }
0x211: {  	s2 =	spop (v2sf)  }
0x212: {  	s12 =	spop (v2sf);
	[tilespmem:v8+s23+$0x0] =	vst.idx.msk $0xffff, v21  }
0x213: {  	s31 =	spop (v2sf);
	v21 =	vld [tilespmem:s2+$0x1000]  }
0x214: {  	v28 =	vld [tilespmem:s31+$0x5000]  }
0x215: {  	v29 =	vld [tilespmem:s2+$0x1010]  }
0x216: {  	v30 =	vld [tilespmem:s31+$0x5010];
	s2 =	spop (v2sf)  }
0x217: {  	s30 =	sand.u32 $0x70, s2  }
0x218: {  	(v2sf) =	vpush v18, $0x9;
	s31 =	spop (v2sf);
	s30 =	sadd.s32 s29, s30  }
0x219: {  	v31 =	vld [tilespmem:s30+$0x9000];
	s30 =	sand.u32 $0x70, s31  }
0x21a: {  	(v2sf) =	vpush v17, $0x9;
	s30 =	sadd.s32 s29, s30  }
0x21b: {  	s2 =	sand.u32 $0xF, s2;
	v21 =	vmul.f32 v28, v21;
	v32 =	vmul.f32 v30, v29;
	v33 =	vld [tilespmem:s30+$0xD000]  }
0x21c: {  	v34 =	vmov s2  }
0x21d: {  	vm12 =	veq.s32 v34, v0;
	s31 =	sand.u32 $0xF, s31;
	v21 =	vadd.f32 v32, v21  }
0x21e: {  	v36 =	vmov s31;
	v35 =	vnsel vm12, $0x0, v31  }
0x21f: {  	vm13 =	veq.s32 v36, v0;
	v21 =	vadd.f32 v35, v21  }
0x220: {  	v37 =	vnsel vm13, $0x0, v33  }
0x221: {  	v21 =	vadd.f32 v37, v21;
	_ =	sdelay $0x1  }
0x222: {  	(v2sf) =	vpush v19, $0xB;
	[tilespmem:v9+s23+$0x0] =	vst.idx.msk $0xffff, v21  }
0x223: {  	(v2sf) =	vpush v19, $0xA;
	v21 =	vld [tilespmem:s0+$0x1080]  }
0x224: {  	(v2sf) =	vpush v20, $0xB;
	v38 =	vld [tilespmem:s12+$0x5080]  }
0x225: {  	(v2sf) =	vpush v20, $0xA;
	v39 =	vld [tilespmem:s0+$0x1090]  }
0x226: {  	v40 =	vld [tilespmem:s12+$0x5090];
	s0 =	spop (v2sf)  }
0x227: {  	s12 =	sand.u32 $0x70, s0  }
0x228: {  	(v2sf) =	vpush v18, $0xA;
	s30 =	spop (v2sf);
	s2 =	sadd.s32 s29, s12  }
0x229: {  	s31 =	sand.u32 $0x70, s30;
	v41 =	vld [tilespmem:s2+$0x9080]  }
0x22a: {  	(v2sf) =	vpush v17, $0xA;
	s2 =	sadd.s32 s29, s31  }
0x22b: {  	s0 =	sand.u32 $0xF, s0;
	v21 =	vmul.f32 v38, v21;
	v42 =	vmul.f32 v40, v39;
	v43 =	vld [tilespmem:s2+$0xD080]  }
0x22c: {  	v44 =	vmov s0  }
0x22d: {  	s30 =	sand.u32 $0xF, s30;
	vm14 =	veq.s32 v44, v0;
	v21 =	vadd.f32 v42, v21  }
0x22e: {  	v46 =	vmov s30;
	v45 =	vnsel vm14, $0x0, v41  }
0x22f: {  	vm15 =	veq.s32 v46, v0;
	v21 =	vadd.f32 v45, v21  }
0x230: {  	v47 =	vnsel vm15, $0x0, v43  }
0x231: {  	s0 =	spop (v2sf);
	v21 =	vadd.f32 v47, v21  }
0x232: {  	s2 =	spop (v2sf)  }
0x233: {  	s12 =	spop (v2sf);
	[tilespmem:v10+s23+$0x0] =	vst.idx.msk $0xffff, v21  }
0x234: {  	s31 =	spop (v2sf);
	v21 =	vld [tilespmem:s2+$0x1100]  }
0x235: {  	v48 =	vld [tilespmem:s31+$0x5100]  }
0x236: {  	v49 =	vld [tilespmem:s2+$0x1110]  }
0x237: {  	v50 =	vld [tilespmem:s31+$0x5110];
	s2 =	spop (v2sf)  }
0x238: {  	s30 =	sand.u32 $0x70, s2  }
0x239: {  	(v2sf) =	vpush v18, $0xB;
	s31 =	spop (v2sf);
	s30 =	sadd.s32 s29, s30  }
0x23a: {  	v51 =	vld [tilespmem:s30+$0x9100];
	s30 =	sand.u32 $0x70, s31  }
0x23b: {  	(v2sf) =	vpush v17, $0xB;
	s30 =	sadd.s32 s29, s30  }
0x23c: {  	s2 =	sand.u32 $0xF, s2;
	v21 =	vmul.f32 v48, v21;
	v52 =	vmul.f32 v50, v49;
	v53 =	vld [tilespmem:s30+$0xD100]  }
0x23d: {  	v54 =	vmov s2  }
0x23e: {  	vm4 =	veq.s32 v54, v0;
	s31 =	sand.u32 $0xF, s31;
	v21 =	vadd.f32 v52, v21  }
0x23f: {  	v56 =	vmov s31;
	v55 =	vnsel vm4, $0x0, v51  }
0x240: {  	vm5 =	veq.s32 v56, v0;
	v21 =	vadd.f32 v55, v21  }
0x241: {  	v57 =	vnsel vm5, $0x0, v53  }
0x242: {  	v21 =	vadd.f32 v57, v21;
	_ =	sdelay $0x1  }
0x243: {  	(v2sf) =	vpush v19, $0xD;
	[tilespmem:v11+s23+$0x0] =	vst.idx.msk $0xffff, v21  }
0x244: {  	(v2sf) =	vpush v19, $0xC;
	v21 =	vld [tilespmem:s0+$0x1180]  }
0x245: {  	(v2sf) =	vpush v20, $0xD;
	v58 =	vld [tilespmem:s12+$0x5180]  }
0x246: {  	(v2sf) =	vpush v20, $0xC;
	v59 =	vld [tilespmem:s0+$0x1190]  }
0x247: {  	v60 =	vld [tilespmem:s12+$0x5190];
	s0 =	spop (v2sf)  }
0x248: {  	s12 =	sand.u32 $0x70, s0  }
0x249: {  	(v2sf) =	vpush v18, $0xC;
	s30 =	spop (v2sf);
	s2 =	sadd.s32 s29, s12  }
0x24a: {  	s31 =	sand.u32 $0x70, s30;
	v61 =	vld [tilespmem:s2+$0x9180]  }
0x24b: {  	(v2sf) =	vpush v17, $0xC;
	s2 =	sadd.s32 s29, s31  }
0x24c: {  	s0 =	sand.u32 $0xF, s0;
	v21 =	vmul.f32 v58, v21;
	v62 =	vmul.f32 v60, v59;
	v63 =	vld [tilespmem:s2+$0xD180]  }
0x24d: {  	v28 =	vmov s0  }
0x24e: {  	s30 =	sand.u32 $0xF, s30;
	vm6 =	veq.s32 v28, v0;
	v21 =	vadd.f32 v62, v21  }
0x24f: {  	v30 =	vmov s30;
	v29 =	vnsel vm6, $0x0, v61  }
0x250: {  	vm7 =	veq.s32 v30, v0;
	v21 =	vadd.f32 v29, v21  }
0x251: {  	v31 =	vnsel vm7, $0x0, v63  }
0x252: {  	s0 =	spop (v2sf);
	v21 =	vadd.f32 v31, v21  }
0x253: {  	s2 =	spop (v2sf)  }
0x254: {  	s12 =	spop (v2sf);
	[tilespmem:v12+s23+$0x0] =	vst.idx.msk $0xffff, v21  }
0x255: {  	s31 =	spop (v2sf);
	v21 =	vld [tilespmem:s2+$0x1200]  }
0x256: {  	v32 =	vld [tilespmem:s31+$0x5200]  }
0x257: {  	v33 =	vld [tilespmem:s2+$0x1210]  }
0x258: {  	v34 =	vld [tilespmem:s31+$0x5210];
	s2 =	spop (v2sf)  }
0x259: {  	s30 =	sand.u32 $0x70, s2  }
0x25a: {  	(v2sf) =	vpush v18, $0xD;
	s31 =	spop (v2sf);
	s30 =	sadd.s32 s29, s30  }
0x25b: {  	v35 =	vld [tilespmem:s30+$0x9200];
	s30 =	sand.u32 $0x70, s31  }
0x25c: {  	(v2sf) =	vpush v17, $0xD;
	s30 =	sadd.s32 s29, s30  }
0x25d: {  	s2 =	sand.u32 $0xF, s2;
	v21 =	vmul.f32 v32, v21;
	v36 =	vmul.f32 v34, v33;
	v37 =	vld [tilespmem:s30+$0xD200]  }
0x25e: {  	v38 =	vmov s2  }
0x25f: {  	vm8 =	veq.s32 v38, v0;
	s31 =	sand.u32 $0xF, s31;
	v21 =	vadd.f32 v36, v21  }
0x260: {  	v40 =	vmov s31;
	v39 =	vnsel vm8, $0x0, v35  }
0x261: {  	vm9 =	veq.s32 v40, v0;
	v21 =	vadd.f32 v39, v21  }
0x262: {  	v41 =	vnsel vm9, $0x0, v37  }
0x263: {  	v21 =	vadd.f32 v41, v21;
	_ =	sdelay $0x1  }
0x264: {  	(v2sf) =	vpush v19, $0xF;
	[tilespmem:v13+s23+$0x0] =	vst.idx.msk $0xffff, v21  }
0x265: {  	(v2sf) =	vpush v19, $0xE;
	v21 =	vld [tilespmem:s0+$0x1280]  }
0x266: {  	(v2sf) =	vpush v20, $0xF;
	v19 =	vld [tilespmem:s12+$0x5280]  }
0x267: {  	(v2sf) =	vpush v20, $0xE;
	v42 =	vld [tilespmem:s0+$0x1290]  }
0x268: {  	v43 =	vld [tilespmem:s12+$0x5290];
	s0 =	spop (v2sf)  }
0x269: {  	s12 =	sand.u32 $0x70, s0  }
0x26a: {  	(v2sf) =	vpush v18, $0xE;
	s30 =	spop (v2sf);
	s2 =	sadd.s32 s29, s12  }
0x26b: {  	s31 =	sand.u32 $0x70, s30;
	v44 =	vld [tilespmem:s2+$0x9280]  }
0x26c: {  	(v2sf) =	vpush v17, $0xE;
	s2 =	sadd.s32 s29, s31  }
0x26d: {  	s0 =	sand.u32 $0xF, s0;
	v19 =	vmul.f32 v19, v21;
	v20 =	vmul.f32 v43, v42;
	v45 =	vld [tilespmem:s2+$0xD280]  }
0x26e: {  	v46 =	vmov s0  }
0x26f: {  	s30 =	sand.u32 $0xF, s30;
	vm10 =	veq.s32 v46, v0;
	v19 =	vadd.f32 v20, v19  }
0x270: {  	v48 =	vmov s30;
	v47 =	vnsel vm10, $0x0, v44  }
0x271: {  	vm11 =	veq.s32 v48, v0;
	v19 =	vadd.f32 v47, v19  }
0x272: {  	v49 =	vnsel vm11, $0x0, v45  }
0x273: {  	s0 =	spop (v2sf);
	v19 =	vadd.f32 v49, v19  }
0x274: {  	s2 =	spop (v2sf)  }
0x275: {  	s12 =	spop (v2sf);
	[tilespmem:v14+s23+$0x0] =	vst.idx.msk $0xffff, v19  }
0x276: {  	s31 =	spop (v2sf);
	v19 =	vld [tilespmem:s2+$0x1300]  }
0x277: {  	v50 =	vld [tilespmem:s31+$0x5300]  }
0x278: {  	v51 =	vld [tilespmem:s2+$0x1310]  }
0x279: {  	v52 =	vld [tilespmem:s31+$0x5310];
	s2 =	spop (v2sf)  }
0x27a: {  	s30 =	sand.u32 $0x70, s2  }
0x27b: {  	(v2sf) =	vpush v18, $0xF;
	s31 =	spop (v2sf);
	s30 =	sadd.s32 s29, s30  }
0x27c: {  	v18 =	vld [tilespmem:s30+$0x9300];
	s30 =	sand.u32 $0x70, s31  }
0x27d: {  	(v2sf) =	vpush v17, $0xF;
	s30 =	sadd.s32 s29, s30  }
0x27e: {  	s2 =	sand.u32 $0xF, s2;
	v17 =	vmul.f32 v50, v19;
	v19 =	vmul.f32 v52, v51;
	v53 =	vld [tilespmem:s30+$0xD300]  }
0x27f: {  	v54 =	vmov s2  }
0x280: {  	vm12 =	veq.s32 v54, v0;
	s31 =	sand.u32 $0xF, s31;
	v17 =	vadd.f32 v19, v17  }
0x281: {  	v19 =	vmov s31;
	v18 =	vnsel vm12, $0x0, v18  }
0x282: {  	vm13 =	veq.s32 v19, v0;
	v17 =	vadd.f32 v18, v17  }
0x283: {  	v18 =	vnsel vm13, $0x0, v53  }
0x284: {  	v17 =	vadd.f32 v18, v17;
	_ =	sdelay $0x1  }
0x285: {  	[tilespmem:v15+s23+$0x0] =	vst.idx.msk $0xffff, v17  }
0x286: {  	v17 =	vld [tilespmem:s0+$0x1380]  }
0x287: {  	v18 =	vld [tilespmem:s12+$0x5380]  }
0x288: {  	v19 =	vld [tilespmem:s0+$0x1390]  }
0x289: {  	v55 =	vld [tilespmem:s12+$0x5390];
	s0 =	spop (v2sf)  }
0x28a: {  	s30 =	sand.u32 $0x70, s0  }
0x28b: {  	s31 =	spop (v2sf);
	s2 =	sadd.s32 s29, s30  }
0x28c: {  	s30 =	sand.u32 $0x70, s31;
	v56 =	vld [tilespmem:s2+$0x9380]  }
0x28d: {  	s2 =	sadd.s32 s29, s30  }
0x28e: {  	s0 =	sand.u32 $0xF, s0;
	v17 =	vmul.f32 v18, v17;
	v18 =	vmul.f32 v55, v19;
	v19 =	vld [tilespmem:s2+$0xD380]  }
0x28f: {  	v57 =	vmov s0  }
0x290: {  	s31 =	sand.u32 $0xF, s31;
	vm14 =	veq.s32 v57, v0;
	v17 =	vadd.f32 v18, v17  }
0x291: {  	v58 =	vmov s31;
	v18 =	vnsel vm14, $0x0, v56  }
0x292: {  	vm15 =	veq.s32 v58, v0;
	v17 =	vadd.f32 v18, v17  }
0x293: {  	v18 =	vnsel vm15, $0x0, v19  }
0x294: {  	v17 =	vadd.f32 v18, v17;
	_ =	sdelay $0x1  }
0x295: {  	[tilespmem:v16+s23+$0x0] =	vst.idx.msk $0xffff, v17  }
0x296: {  	v17 =	vld [tilespmem:$0x10C00]  }
0x297: {  	v18 =	vld [tilespmem:$0x10C10];
	_ =	sdelay $0x1  }
0x298: {  	v19 =	vld [tilespmem:$0x10C20];
	_ =	sdelay $0x1  }
0x299: {  	v59 =	vld [tilespmem:$0x10C30]  }
0x29a: {  	v17 =	vadd.f32 v18, v17  }
0x29b: {  	v18 =	vld [tilespmem:$0x10C40]  }
0x29c: {  	v17 =	vadd.f32 v19, v17  }
0x29d: {  	v19 =	vld [tilespmem:$0x10C50]  }
0x29e: {  	v17 =	vadd.f32 v59, v17  }
0x29f: {  	v60 =	vld [tilespmem:$0x10C60]  }
0x2a0: {  	v17 =	vadd.f32 v18, v17  }
0x2a1: {  	v18 =	vld [tilespmem:$0x10C70]  }
0x2a2: {  	v17 =	vadd.f32 v19, v17  }
0x2a3: {  	v19 =	vld [tilespmem:$0x10C80]  }
0x2a4: {  	v17 =	vadd.f32 v60, v17  }
0x2a5: {  	v61 =	vld [tilespmem:$0x10C90]  }
0x2a6: {  	v17 =	vadd.f32 v18, v17  }
0x2a7: {  	v18 =	vld [tilespmem:$0x10CA0]  }
0x2a8: {  	v17 =	vadd.f32 v19, v17  }
0x2a9: {  	v19 =	vld [tilespmem:$0x10CB0]  }
0x2aa: {  	v17 =	vadd.f32 v61, v17  }
0x2ab: {  	v62 =	vld [tilespmem:$0x10CC0]  }
0x2ac: {  	v17 =	vadd.f32 v18, v17  }
0x2ad: {  	v18 =	vld [tilespmem:$0x10CD0]  }
0x2ae: {  	v17 =	vadd.f32 v19, v17  }
0x2af: {  	v19 =	vld [tilespmem:$0x10CE0]  }
0x2b0: {  	v17 =	vadd.f32 v62, v17  }
0x2b1: {  	v63 =	vld [tilespmem:$0x10CF0]  }
0x2b2: {  	v17 =	vadd.f32 v18, v17  }
0x2b3: {  	p0 =	sne.s32 s25, $0xE000  }
.Ltmp2:
0x2b4: {  	v17 =	vadd.f32 v19, v17;
	(pc) =	sbr.rel @p0 .LBB2_6-.Ltmp2, $4  }
0x2b5: {  	_ = 	snop  }
0x2b6: {  	v17 =	vadd.f32 v63, v17  }
0x2b7: {  	s28 =	sadd.s32 $0x10, s28  }
0x2b8: {  	s24 =	sadd.s32 $0x10, s24;
	s25 =	sadd.s32 $0x2000, s25;
	[tilespmem:s26+$0x0] =	vst v17;
	s26 =	sadd.s32 $0x10, s26  }
0x2b9: {  	s0 =	simm.s32 $0x500  }
0x2ba: {  	[tilespmem:s15], [sflag:$0x1] =	stream.indirect.gather [hbm4b:s3+s13], $0x80, s0, s13, $0xb8;
	[tilespmem:$0x10F00] =	vst v63  }
0x2bb: {  	s29 =	simm.s32 $0x700  }
0x2bc: {  	[tilespmem:s17], [sflag:$0x1] =	stream.indirect.gather [hbm4b:s4+s13], $0x80, s29, s13, $0xb8;
	[tilespmem:$0x10F00] =	vst v63  }
0x2bd: {  	s30 =	simm.s32 $0x900  }
0x2be: {  	[tilespmem:s19], [sflag:$0x1] =	stream.indirect.gather [hbm4b:s5+s13], $0x80, s30, s13, $0xb8;
	[tilespmem:$0x10F00] =	vst v63  }
0x2bf: {  	s31 =	simm.s32 $0xB00  }
0x2c0: {  	[tilespmem:s21], [sflag:$0x1] =	stream.indirect.gather [hbm4b:s6+s13], $0x80, s31, s13, $0xb8;
	[tilespmem:$0x10F00] =	vst v63  }
0x2c1: {  	_ =	swait.ge [sflag:s22], $0x4000  }
0x2c2: {  	[sflag:s22] =	ssyncset.done $0x0  }
0x2c3: {  	[sflag:s22] =	ssyncadd.s32 $0xFFFFC000  }
0x2c4: {  	_ =	swait.ge [sflag:s22], $0x4000  }
0x2c5: {  	[sflag:s22] =	ssyncset.done $0x0  }
0x2c6: {  	[sflag:s22] =	ssyncadd.s32 $0xFFFFC000  }
0x2c7: {  	_ =	swait.ge [sflag:s22], $0x4000  }
0x2c8: {  	[sflag:s22] =	ssyncset.done $0x0  }
0x2c9: {  	[sflag:s22] =	ssyncadd.s32 $0xFFFFC000  }
0x2ca: {  	_ =	swait.ge [sflag:s22], $0x4000  }
0x2cb: {  	s24 =	simm.s32 $0x0;
	s25 =	simm.s32 $0x10E00;
	[sflag:s22] =	ssyncset.done $0x0  }
0x2cc: {  	s26 =	simm.s32 $0x300;
	s28 =	simm.s32 $0x100;
	[sflag:s22] =	ssyncadd.s32 $0xFFFFC000  }
.LBB2_8:
0x2cd: {  	v18 =	vld [tilespmem:s28+$0x0];
	_ =	sdelay $0x1  }
0x2ce: {  	v17 =	vld [tilespmem:s26+$0x0];
	_ =	sdelay $0x2  }
0x2cf: {  	v19 =	vshrl.u32 v18, $0x6  }
0x2d0: {  	s29 =	sshra.s32 s24, $0x2;
	v19 =	vand.u32 $0x60, v19  }
0x2d1: {  	v20 =	vshrl.u32 v17, $0x6;
	v19 =	vadd.s32 s29, v19  }
0x2d2: {  	v20 =	vand.u32 $0x60, v20;
	(v2sf) =	vpush v19, $0x1  }
0x2d3: {  	v20 =	vadd.s32 s29, v20;
	(v2sf) =	vpush v19, $0x0  }
0x2d4: {  	(v2sf) =	vpush v20, $0x1  }
0x2d5: {  	(v2sf) =	vpush v20, $0x0;
	_ =	sdelay $0x1  }
0x2d6: {  	(v2sf) =	vpush v18, $0x0;
	_ =	sdelay $0x1  }
0x2d7: {  	(v2sf) =	vpush v17, $0x0;
	_ =	sdelay $0x7  }
0x2d8: {  	s0 =	spop (v2sf)  }
0x2d9: {  	s2 =	spop (v2sf)  }
0x2da: {  	s12 =	spop (v2sf);
	v21 =	vld [tilespmem:s2+$0xC00]  }
0x2db: {  	v23 =	vld [tilespmem:s2+$0xC10];
	s30 =	spop (v2sf)  }
0x2dc: {  	v22 =	vld [tilespmem:s30+$0x4C00]  }
0x2dd: {  	v24 =	vld [tilespmem:s30+$0x4C10];
	s2 =	spop (v2sf)  }
0x2de: {  	s30 =	sand.u32 $0x70, s2  }
0x2df: {  	(v2sf) =	vpush v18, $0x1;
	s31 =	spop (v2sf);
	s30 =	sadd.s32 s29, s30  }
0x2e0: {  	v25 =	vld [tilespmem:s30+$0x8C00];
	s30 =	sand.u32 $0x70, s31  }
0x2e1: {  	(v2sf) =	vpush v17, $0x1;
	s30 =	sadd.s32 s29, s30  }
0x2e2: {  	s2 =	sand.u32 $0xF, s2;
	v21 =	vmul.f32 v22, v21;
	v61 =	vmul.f32 v24, v23;
	v62 =	vld [tilespmem:s30+$0xCC00]  }
0x2e3: {  	v63 =	vmov s2  }
0x2e4: {  	vm0 =	veq.s32 v63, v0;
	s31 =	sand.u32 $0xF, s31;
	v21 =	vadd.f32 v61, v21  }
0x2e5: {  	v29 =	vmov s31;
	v28 =	vnsel vm0, $0x0, v25  }
0x2e6: {  	vm9 =	veq.s32 v29, v0;
	v21 =	vadd.f32 v28, v21  }
0x2e7: {  	v30 =	vnsel vm9, $0x0, v62  }
0x2e8: {  	v21 =	vadd.f32 v30, v21;
	_ =	sdelay $0x1  }
0x2e9: {  	(v2sf) =	vpush v19, $0x3;
	[tilespmem:v1+s23+$0x0] =	vst.idx.msk $0xffff, v21  }
0x2ea: {  	(v2sf) =	vpush v19, $0x2;
	v21 =	vld [tilespmem:s0+$0xC80]  }
0x2eb: {  	(v2sf) =	vpush v20, $0x3;
	v31 =	vld [tilespmem:s12+$0x4C80]  }
0x2ec: {  	(v2sf) =	vpush v20, $0x2;
	v32 =	vld [tilespmem:s0+$0xC90]  }
0x2ed: {  	v33 =	vld [tilespmem:s12+$0x4C90];
	s0 =	spop (v2sf)  }
0x2ee: {  	s12 =	sand.u32 $0x70, s0  }
0x2ef: {  	(v2sf) =	vpush v18, $0x2;
	s30 =	spop (v2sf);
	s2 =	sadd.s32 s29, s12  }
0x2f0: {  	s31 =	sand.u32 $0x70, s30;
	v34 =	vld [tilespmem:s2+$0x8C80]  }
0x2f1: {  	(v2sf) =	vpush v17, $0x2;
	s2 =	sadd.s32 s29, s31  }
0x2f2: {  	s0 =	sand.u32 $0xF, s0;
	v36 =	vld [tilespmem:s2+$0xCC80];
	v21 =	vmul.f32 v31, v21;
	v35 =	vmul.f32 v33, v32  }
0x2f3: {  	v37 =	vmov s0  }
0x2f4: {  	s30 =	sand.u32 $0xF, s30;
	vm10 =	veq.s32 v37, v0;
	v21 =	vadd.f32 v35, v21  }
0x2f5: {  	v39 =	vmov s30;
	v38 =	vnsel vm10, $0x0, v34  }
0x2f6: {  	vm11 =	veq.s32 v39, v0;
	v21 =	vadd.f32 v38, v21  }
0x2f7: {  	v40 =	vnsel vm11, $0x0, v36  }
0x2f8: {  	s0 =	spop (v2sf);
	v21 =	vadd.f32 v40, v21  }
0x2f9: {  	s2 =	spop (v2sf)  }
0x2fa: {  	s12 =	spop (v2sf);
	[tilespmem:v2+s23+$0x0] =	vst.idx.msk $0xffff, v21  }
0x2fb: {  	s31 =	spop (v2sf);
	v21 =	vld [tilespmem:s2+$0xD00]  }
0x2fc: {  	v41 =	vld [tilespmem:s31+$0x4D00]  }
0x2fd: {  	v42 =	vld [tilespmem:s2+$0xD10]  }
0x2fe: {  	v43 =	vld [tilespmem:s31+$0x4D10];
	s2 =	spop (v2sf)  }
0x2ff: {  	s30 =	sand.u32 $0x70, s2  }
0x300: {  	(v2sf) =	vpush v18, $0x3;
	s31 =	spop (v2sf);
	s30 =	sadd.s32 s29, s30  }
0x301: {  	v44 =	vld [tilespmem:s30+$0x8D00];
	s30 =	sand.u32 $0x70, s31  }
0x302: {  	(v2sf) =	vpush v17, $0x3;
	s30 =	sadd.s32 s29, s30  }
0x303: {  	s2 =	sand.u32 $0xF, s2;
	v21 =	vmul.f32 v41, v21;
	v45 =	vmul.f32 v43, v42;
	v46 =	vld [tilespmem:s30+$0xCD00]  }
0x304: {  	v47 =	vmov s2  }
0x305: {  	vm12 =	veq.s32 v47, v0;
	s31 =	sand.u32 $0xF, s31;
	v21 =	vadd.f32 v45, v21  }
0x306: {  	v49 =	vmov s31;
	v48 =	vnsel vm12, $0x0, v44  }
0x307: {  	vm13 =	veq.s32 v49, v0;
	v21 =	vadd.f32 v48, v21  }
0x308: {  	v50 =	vnsel vm13, $0x0, v46  }
0x309: {  	v21 =	vadd.f32 v50, v21;
	_ =	sdelay $0x1  }
0x30a: {  	(v2sf) =	vpush v19, $0x5;
	[tilespmem:v3+s23+$0x0] =	vst.idx.msk $0xffff, v21  }
0x30b: {  	(v2sf) =	vpush v19, $0x4;
	v21 =	vld [tilespmem:s0+$0xD80]  }
0x30c: {  	(v2sf) =	vpush v20, $0x5;
	v51 =	vld [tilespmem:s12+$0x4D80]  }
0x30d: {  	(v2sf) =	vpush v20, $0x4;
	v52 =	vld [tilespmem:s0+$0xD90]  }
0x30e: {  	v53 =	vld [tilespmem:s12+$0x4D90];
	s0 =	spop (v2sf)  }
0x30f: {  	s12 =	sand.u32 $0x70, s0  }
0x310: {  	(v2sf) =	vpush v18, $0x4;
	s30 =	spop (v2sf);
	s2 =	sadd.s32 s29, s12  }
0x311: {  	s31 =	sand.u32 $0x70, s30;
	v54 =	vld [tilespmem:s2+$0x8D80]  }
0x312: {  	(v2sf) =	vpush v17, $0x4;
	s2 =	sadd.s32 s29, s31  }
0x313: {  	s0 =	sand.u32 $0xF, s0;
	v21 =	vmul.f32 v51, v21;
	v55 =	vmul.f32 v53, v52;
	v56 =	vld [tilespmem:s2+$0xCD80]  }
0x314: {  	v57 =	vmov s0  }
0x315: {  	s30 =	sand.u32 $0xF, s30;
	vm14 =	veq.s32 v57, v0;
	v21 =	vadd.f32 v55, v21  }
0x316: {  	v59 =	vmov s30;
	v58 =	vnsel vm14, $0x0, v54  }
0x317: {  	vm15 =	veq.s32 v59, v0;
	v21 =	vadd.f32 v58, v21  }
0x318: {  	v60 =	vnsel vm15, $0x0, v56  }
0x319: {  	s0 =	spop (v2sf);
	v21 =	vadd.f32 v60, v21  }
0x31a: {  	s2 =	spop (v2sf)  }
0x31b: {  	s12 =	spop (v2sf);
	[tilespmem:v4+s23+$0x0] =	vst.idx.msk $0xffff, v21  }
0x31c: {  	s31 =	spop (v2sf);
	v21 =	vld [tilespmem:s2+$0xE00]  }
0x31d: {  	v61 =	vld [tilespmem:s31+$0x4E00]  }
0x31e: {  	v62 =	vld [tilespmem:s2+$0xE10]  }
0x31f: {  	v63 =	vld [tilespmem:s31+$0x4E10];
	s2 =	spop (v2sf)  }
0x320: {  	s30 =	sand.u32 $0x70, s2  }
0x321: {  	(v2sf) =	vpush v18, $0x5;
	s31 =	spop (v2sf);
	s30 =	sadd.s32 s29, s30  }
0x322: {  	v28 =	vld [tilespmem:s30+$0x8E00];
	s30 =	sand.u32 $0x70, s31  }
0x323: {  	(v2sf) =	vpush v17, $0x5;
	s30 =	sadd.s32 s29, s30  }
0x324: {  	s2 =	sand.u32 $0xF, s2;
	v21 =	vmul.f32 v61, v21;
	v29 =	vmul.f32 v63, v62;
	v30 =	vld [tilespmem:s30+$0xCE00]  }
0x325: {  	v31 =	vmov s2  }
0x326: {  	vm4 =	veq.s32 v31, v0;
	s31 =	sand.u32 $0xF, s31;
	v21 =	vadd.f32 v29, v21  }
0x327: {  	v33 =	vmov s31;
	v32 =	vnsel vm4, $0x0, v28  }
0x328: {  	vm5 =	veq.s32 v33, v0;
	v21 =	vadd.f32 v32, v21  }
0x329: {  	v34 =	vnsel vm5, $0x0, v30  }
0x32a: {  	v21 =	vadd.f32 v34, v21;
	_ =	sdelay $0x1  }
0x32b: {  	(v2sf) =	vpush v19, $0x7;
	[tilespmem:v5+s23+$0x0] =	vst.idx.msk $0xffff, v21  }
0x32c: {  	(v2sf) =	vpush v19, $0x6;
	v21 =	vld [tilespmem:s0+$0xE80]  }
0x32d: {  	(v2sf) =	vpush v20, $0x7;
	v35 =	vld [tilespmem:s12+$0x4E80]  }
0x32e: {  	(v2sf) =	vpush v20, $0x6;
	v36 =	vld [tilespmem:s0+$0xE90]  }
0x32f: {  	v37 =	vld [tilespmem:s12+$0x4E90];
	s0 =	spop (v2sf)  }
0x330: {  	s12 =	sand.u32 $0x70, s0  }
0x331: {  	(v2sf) =	vpush v18, $0x6;
	s30 =	spop (v2sf);
	s2 =	sadd.s32 s29, s12  }
0x332: {  	s31 =	sand.u32 $0x70, s30;
	v38 =	vld [tilespmem:s2+$0x8E80]  }
0x333: {  	(v2sf) =	vpush v17, $0x6;
	s2 =	sadd.s32 s29, s31  }
0x334: {  	s0 =	sand.u32 $0xF, s0;
	v21 =	vmul.f32 v35, v21;
	v39 =	vmul.f32 v37, v36;
	v40 =	vld [tilespmem:s2+$0xCE80]  }
0x335: {  	v41 =	vmov s0  }
0x336: {  	s30 =	sand.u32 $0xF, s30;
	vm6 =	veq.s32 v41, v0;
	v21 =	vadd.f32 v39, v21  }
0x337: {  	v43 =	vmov s30;
	v42 =	vnsel vm6, $0x0, v38  }
0x338: {  	vm7 =	veq.s32 v43, v0;
	v21 =	vadd.f32 v42, v21  }
0x339: {  	v44 =	vnsel vm7, $0x0, v40  }
0x33a: {  	s0 =	spop (v2sf);
	v21 =	vadd.f32 v44, v21  }
0x33b: {  	s2 =	spop (v2sf)  }
0x33c: {  	s12 =	spop (v2sf);
	[tilespmem:v6+s23+$0x0] =	vst.idx.msk $0xffff, v21  }
0x33d: {  	s31 =	spop (v2sf);
	v21 =	vld [tilespmem:s2+$0xF00]  }
0x33e: {  	v45 =	vld [tilespmem:s31+$0x4F00]  }
0x33f: {  	v46 =	vld [tilespmem:s2+$0xF10]  }
0x340: {  	v47 =	vld [tilespmem:s31+$0x4F10];
	s2 =	spop (v2sf)  }
0x341: {  	s30 =	sand.u32 $0x70, s2  }
0x342: {  	(v2sf) =	vpush v18, $0x7;
	s31 =	spop (v2sf);
	s30 =	sadd.s32 s29, s30  }
0x343: {  	v48 =	vld [tilespmem:s30+$0x8F00];
	s30 =	sand.u32 $0x70, s31  }
0x344: {  	(v2sf) =	vpush v17, $0x7;
	s30 =	sadd.s32 s29, s30  }
0x345: {  	s2 =	sand.u32 $0xF, s2;
	v21 =	vmul.f32 v45, v21;
	v49 =	vmul.f32 v47, v46;
	v50 =	vld [tilespmem:s30+$0xCF00]  }
0x346: {  	v51 =	vmov s2  }
0x347: {  	vm8 =	veq.s32 v51, v0;
	s31 =	sand.u32 $0xF, s31;
	v21 =	vadd.f32 v49, v21  }
0x348: {  	v53 =	vmov s31;
	v52 =	vnsel vm8, $0x0, v48  }
0x349: {  	vm9 =	veq.s32 v53, v0;
	v21 =	vadd.f32 v52, v21  }
0x34a: {  	v54 =	vnsel vm9, $0x0, v50  }
0x34b: {  	v21 =	vadd.f32 v54, v21;
	_ =	sdelay $0x1  }
0x34c: {  	(v2sf) =	vpush v19, $0x9;
	[tilespmem:v7+s23+$0x0] =	vst.idx.msk $0xffff, v21  }
0x34d: {  	(v2sf) =	vpush v19, $0x8;
	v21 =	vld [tilespmem:s0+$0xF80]  }
0x34e: {  	(v2sf) =	vpush v20, $0x9;
	v55 =	vld [tilespmem:s12+$0x4F80]  }
0x34f: {  	(v2sf) =	vpush v20, $0x8;
	v56 =	vld [tilespmem:s0+$0xF90]  }
0x350: {  	v57 =	vld [tilespmem:s12+$0x4F90];
	s0 =	spop (v2sf)  }
0x351: {  	s12 =	sand.u32 $0x70, s0  }
0x352: {  	(v2sf) =	vpush v18, $0x8;
	s30 =	spop (v2sf);
	s2 =	sadd.s32 s29, s12  }
0x353: {  	s31 =	sand.u32 $0x70, s30;
	v58 =	vld [tilespmem:s2+$0x8F80]  }
0x354: {  	(v2sf) =	vpush v17, $0x8;
	s2 =	sadd.s32 s29, s31  }
0x355: {  	s0 =	sand.u32 $0xF, s0;
	v21 =	vmul.f32 v55, v21;
	v59 =	vmul.f32 v57, v56;
	v60 =	vld [tilespmem:s2+$0xCF80]  }
0x356: {  	v61 =	vmov s0  }
0x357: {  	s30 =	sand.u32 $0xF, s30;
	vm10 =	veq.s32 v61, v0;
	v21 =	vadd.f32 v59, v21  }
0x358: {  	v63 =	vmov s30;
	v62 =	vnsel vm10, $0x0, v58  }
0x359: {  	vm11 =	veq.s32 v63, v0;
	v21 =	vadd.f32 v62, v21  }
0x35a: {  	v27 =	vnsel vm11, $0x0, v60  }
0x35b: {  	s0 =	spop (v2sf);
	v21 =	vadd.f32 v27, v21  }
0x35c: {  	s2 =	spop (v2sf)  }
0x35d: {  	s12 =	spop (v2sf);
	[tilespmem:v8+s23+$0x0] =	vst.idx.msk $0xffff, v21  }
0x35e: {  	s31 =	spop (v2sf);
	v21 =	vld [tilespmem:s2+$0x1000]  }
0x35f: {  	v28 =	vld [tilespmem:s31+$0x5000]  }
0x360: {  	v29 =	vld [tilespmem:s2+$0x1010]  }
0x361: {  	v30 =	vld [tilespmem:s31+$0x5010];
	s2 =	spop (v2sf)  }
0x362: {  	s30 =	sand.u32 $0x70, s2  }
0x363: {  	(v2sf) =	vpush v18, $0x9;
	s31 =	spop (v2sf);
	s30 =	sadd.s32 s29, s30  }
0x364: {  	v31 =	vld [tilespmem:s30+$0x9000];
	s30 =	sand.u32 $0x70, s31  }
0x365: {  	(v2sf) =	vpush v17, $0x9;
	s30 =	sadd.s32 s29, s30  }
0x366: {  	s2 =	sand.u32 $0xF, s2;
	v21 =	vmul.f32 v28, v21;
	v32 =	vmul.f32 v30, v29;
	v33 =	vld [tilespmem:s30+$0xD000]  }
0x367: {  	v34 =	vmov s2  }
0x368: {  	vm12 =	veq.s32 v34, v0;
	s31 =	sand.u32 $0xF, s31;
	v21 =	vadd.f32 v32, v21  }
0x369: {  	v36 =	vmov s31;
	v35 =	vnsel vm12, $0x0, v31  }
0x36a: {  	vm13 =	veq.s32 v36, v0;
	v21 =	vadd.f32 v35, v21  }
0x36b: {  	v37 =	vnsel vm13, $0x0, v33  }
0x36c: {  	v21 =	vadd.f32 v37, v21;
	_ =	sdelay $0x1  }
0x36d: {  	(v2sf) =	vpush v19, $0xB;
	[tilespmem:v9+s23+$0x0] =	vst.idx.msk $0xffff, v21  }
0x36e: {  	(v2sf) =	vpush v19, $0xA;
	v21 =	vld [tilespmem:s0+$0x1080]  }
0x36f: {  	(v2sf) =	vpush v20, $0xB;
	v38 =	vld [tilespmem:s12+$0x5080]  }
0x370: {  	(v2sf) =	vpush v20, $0xA;
	v39 =	vld [tilespmem:s0+$0x1090]  }
0x371: {  	v40 =	vld [tilespmem:s12+$0x5090];
	s0 =	spop (v2sf)  }
0x372: {  	s12 =	sand.u32 $0x70, s0  }
0x373: {  	(v2sf) =	vpush v18, $0xA;
	s30 =	spop (v2sf);
	s2 =	sadd.s32 s29, s12  }
0x374: {  	s31 =	sand.u32 $0x70, s30;
	v41 =	vld [tilespmem:s2+$0x9080]  }
0x375: {  	(v2sf) =	vpush v17, $0xA;
	s2 =	sadd.s32 s29, s31  }
0x376: {  	s0 =	sand.u32 $0xF, s0;
	v21 =	vmul.f32 v38, v21;
	v42 =	vmul.f32 v40, v39;
	v43 =	vld [tilespmem:s2+$0xD080]  }
0x377: {  	v44 =	vmov s0  }
0x378: {  	s30 =	sand.u32 $0xF, s30;
	vm14 =	veq.s32 v44, v0;
	v21 =	vadd.f32 v42, v21  }
0x379: {  	v46 =	vmov s30;
	v45 =	vnsel vm14, $0x0, v41  }
0x37a: {  	vm15 =	veq.s32 v46, v0;
	v21 =	vadd.f32 v45, v21  }
0x37b: {  	v47 =	vnsel vm15, $0x0, v43  }
0x37c: {  	s0 =	spop (v2sf);
	v21 =	vadd.f32 v47, v21  }
0x37d: {  	s2 =	spop (v2sf)  }
0x37e: {  	s12 =	spop (v2sf);
	[tilespmem:v10+s23+$0x0] =	vst.idx.msk $0xffff, v21  }
0x37f: {  	s31 =	spop (v2sf);
	v21 =	vld [tilespmem:s2+$0x1100]  }
0x380: {  	v48 =	vld [tilespmem:s31+$0x5100]  }
0x381: {  	v49 =	vld [tilespmem:s2+$0x1110]  }
0x382: {  	v50 =	vld [tilespmem:s31+$0x5110];
	s2 =	spop (v2sf)  }
0x383: {  	s30 =	sand.u32 $0x70, s2  }
0x384: {  	(v2sf) =	vpush v18, $0xB;
	s31 =	spop (v2sf);
	s30 =	sadd.s32 s29, s30  }
0x385: {  	v51 =	vld [tilespmem:s30+$0x9100];
	s30 =	sand.u32 $0x70, s31  }
0x386: {  	(v2sf) =	vpush v17, $0xB;
	s30 =	sadd.s32 s29, s30  }
0x387: {  	s2 =	sand.u32 $0xF, s2;
	v21 =	vmul.f32 v48, v21;
	v52 =	vmul.f32 v50, v49;
	v53 =	vld [tilespmem:s30+$0xD100]  }
0x388: {  	v54 =	vmov s2  }
0x389: {  	vm4 =	veq.s32 v54, v0;
	s31 =	sand.u32 $0xF, s31;
	v21 =	vadd.f32 v52, v21  }
0x38a: {  	v56 =	vmov s31;
	v55 =	vnsel vm4, $0x0, v51  }
0x38b: {  	vm5 =	veq.s32 v56, v0;
	v21 =	vadd.f32 v55, v21  }
0x38c: {  	v57 =	vnsel vm5, $0x0, v53  }
0x38d: {  	v21 =	vadd.f32 v57, v21;
	_ =	sdelay $0x1  }
0x38e: {  	(v2sf) =	vpush v19, $0xD;
	[tilespmem:v11+s23+$0x0] =	vst.idx.msk $0xffff, v21  }
0x38f: {  	(v2sf) =	vpush v19, $0xC;
	v21 =	vld [tilespmem:s0+$0x1180]  }
0x390: {  	(v2sf) =	vpush v20, $0xD;
	v58 =	vld [tilespmem:s12+$0x5180]  }
0x391: {  	(v2sf) =	vpush v20, $0xC;
	v59 =	vld [tilespmem:s0+$0x1190]  }
0x392: {  	v60 =	vld [tilespmem:s12+$0x5190];
	s0 =	spop (v2sf)  }
0x393: {  	s12 =	sand.u32 $0x70, s0  }
0x394: {  	(v2sf) =	vpush v18, $0xC;
	s30 =	spop (v2sf);
	s2 =	sadd.s32 s29, s12  }
0x395: {  	s31 =	sand.u32 $0x70, s30;
	v61 =	vld [tilespmem:s2+$0x9180]  }
0x396: {  	(v2sf) =	vpush v17, $0xC;
	s2 =	sadd.s32 s29, s31  }
0x397: {  	s0 =	sand.u32 $0xF, s0;
	v21 =	vmul.f32 v58, v21;
	v62 =	vmul.f32 v60, v59;
	v63 =	vld [tilespmem:s2+$0xD180]  }
0x398: {  	v28 =	vmov s0  }
0x399: {  	s30 =	sand.u32 $0xF, s30;
	vm6 =	veq.s32 v28, v0;
	v21 =	vadd.f32 v62, v21  }
0x39a: {  	v30 =	vmov s30;
	v29 =	vnsel vm6, $0x0, v61  }
0x39b: {  	vm7 =	veq.s32 v30, v0;
	v21 =	vadd.f32 v29, v21  }
0x39c: {  	v31 =	vnsel vm7, $0x0, v63  }
0x39d: {  	s0 =	spop (v2sf);
	v21 =	vadd.f32 v31, v21  }
0x39e: {  	s2 =	spop (v2sf)  }
0x39f: {  	s12 =	spop (v2sf);
	[tilespmem:v12+s23+$0x0] =	vst.idx.msk $0xffff, v21  }
0x3a0: {  	s31 =	spop (v2sf);
	v21 =	vld [tilespmem:s2+$0x1200]  }
0x3a1: {  	v32 =	vld [tilespmem:s31+$0x5200]  }
0x3a2: {  	v33 =	vld [tilespmem:s2+$0x1210]  }
0x3a3: {  	v34 =	vld [tilespmem:s31+$0x5210];
	s2 =	spop (v2sf)  }
0x3a4: {  	s30 =	sand.u32 $0x70, s2  }
0x3a5: {  	(v2sf) =	vpush v18, $0xD;
	s31 =	spop (v2sf);
	s30 =	sadd.s32 s29, s30  }
0x3a6: {  	v35 =	vld [tilespmem:s30+$0x9200];
	s30 =	sand.u32 $0x70, s31  }
0x3a7: {  	(v2sf) =	vpush v17, $0xD;
	s30 =	sadd.s32 s29, s30  }
0x3a8: {  	s2 =	sand.u32 $0xF, s2;
	v21 =	vmul.f32 v32, v21;
	v36 =	vmul.f32 v34, v33;
	v37 =	vld [tilespmem:s30+$0xD200]  }
0x3a9: {  	v38 =	vmov s2  }
0x3aa: {  	vm8 =	veq.s32 v38, v0;
	s31 =	sand.u32 $0xF, s31;
	v21 =	vadd.f32 v36, v21  }
0x3ab: {  	v40 =	vmov s31;
	v39 =	vnsel vm8, $0x0, v35  }
0x3ac: {  	vm9 =	veq.s32 v40, v0;
	v21 =	vadd.f32 v39, v21  }
0x3ad: {  	v41 =	vnsel vm9, $0x0, v37  }
0x3ae: {  	v21 =	vadd.f32 v41, v21;
	_ =	sdelay $0x1  }
0x3af: {  	(v2sf) =	vpush v19, $0xF;
	[tilespmem:v13+s23+$0x0] =	vst.idx.msk $0xffff, v21  }
0x3b0: {  	(v2sf) =	vpush v19, $0xE;
	v21 =	vld [tilespmem:s0+$0x1280]  }
0x3b1: {  	(v2sf) =	vpush v20, $0xF;
	v19 =	vld [tilespmem:s12+$0x5280]  }
0x3b2: {  	(v2sf) =	vpush v20, $0xE;
	v42 =	vld [tilespmem:s0+$0x1290]  }
0x3b3: {  	v43 =	vld [tilespmem:s12+$0x5290];
	s0 =	spop (v2sf)  }
0x3b4: {  	s12 =	sand.u32 $0x70, s0  }
0x3b5: {  	(v2sf) =	vpush v18, $0xE;
	s30 =	spop (v2sf);
	s2 =	sadd.s32 s29, s12  }
0x3b6: {  	s31 =	sand.u32 $0x70, s30;
	v44 =	vld [tilespmem:s2+$0x9280]  }
0x3b7: {  	(v2sf) =	vpush v17, $0xE;
	s2 =	sadd.s32 s29, s31  }
0x3b8: {  	s0 =	sand.u32 $0xF, s0;
	v19 =	vmul.f32 v19, v21;
	v20 =	vmul.f32 v43, v42;
	v45 =	vld [tilespmem:s2+$0xD280]  }
0x3b9: {  	v46 =	vmov s0  }
0x3ba: {  	s30 =	sand.u32 $0xF, s30;
	vm10 =	veq.s32 v46, v0;
	v19 =	vadd.f32 v20, v19  }
0x3bb: {  	v48 =	vmov s30;
	v47 =	vnsel vm10, $0x0, v44  }
0x3bc: {  	vm11 =	veq.s32 v48, v0;
	v19 =	vadd.f32 v47, v19  }
0x3bd: {  	v49 =	vnsel vm11, $0x0, v45  }
0x3be: {  	s0 =	spop (v2sf);
	v19 =	vadd.f32 v49, v19  }
0x3bf: {  	s2 =	spop (v2sf)  }
0x3c0: {  	s12 =	spop (v2sf);
	[tilespmem:v14+s23+$0x0] =	vst.idx.msk $0xffff, v19  }
0x3c1: {  	s31 =	spop (v2sf);
	v19 =	vld [tilespmem:s2+$0x1300]  }
0x3c2: {  	v50 =	vld [tilespmem:s31+$0x5300]  }
0x3c3: {  	v51 =	vld [tilespmem:s2+$0x1310]  }
0x3c4: {  	v52 =	vld [tilespmem:s31+$0x5310];
	s2 =	spop (v2sf)  }
0x3c5: {  	s30 =	sand.u32 $0x70, s2  }
0x3c6: {  	(v2sf) =	vpush v18, $0xF;
	s31 =	spop (v2sf);
	s30 =	sadd.s32 s29, s30  }
0x3c7: {  	v18 =	vld [tilespmem:s30+$0x9300];
	s30 =	sand.u32 $0x70, s31  }
0x3c8: {  	(v2sf) =	vpush v17, $0xF;
	s30 =	sadd.s32 s29, s30  }
0x3c9: {  	s2 =	sand.u32 $0xF, s2;
	v17 =	vmul.f32 v50, v19;
	v19 =	vmul.f32 v52, v51;
	v53 =	vld [tilespmem:s30+$0xD300]  }
0x3ca: {  	v54 =	vmov s2  }
0x3cb: {  	vm12 =	veq.s32 v54, v0;
	s31 =	sand.u32 $0xF, s31;
	v17 =	vadd.f32 v19, v17  }
0x3cc: {  	v19 =	vmov s31;
	v18 =	vnsel vm12, $0x0, v18  }
0x3cd: {  	vm13 =	veq.s32 v19, v0;
	v17 =	vadd.f32 v18, v17  }
0x3ce: {  	v18 =	vnsel vm13, $0x0, v53  }
0x3cf: {  	v17 =	vadd.f32 v18, v17;
	_ =	sdelay $0x1  }
0x3d0: {  	[tilespmem:v15+s23+$0x0] =	vst.idx.msk $0xffff, v17  }
0x3d1: {  	v17 =	vld [tilespmem:s0+$0x1380]  }
0x3d2: {  	v18 =	vld [tilespmem:s12+$0x5380]  }
0x3d3: {  	v19 =	vld [tilespmem:s0+$0x1390]  }
0x3d4: {  	v55 =	vld [tilespmem:s12+$0x5390];
	s0 =	spop (v2sf)  }
0x3d5: {  	s30 =	sand.u32 $0x70, s0  }
0x3d6: {  	s31 =	spop (v2sf);
	s2 =	sadd.s32 s29, s30  }
0x3d7: {  	s30 =	sand.u32 $0x70, s31;
	v56 =	vld [tilespmem:s2+$0x9380]  }
0x3d8: {  	s2 =	sadd.s32 s29, s30  }
0x3d9: {  	s0 =	sand.u32 $0xF, s0;
	v17 =	vmul.f32 v18, v17;
	v18 =	vmul.f32 v55, v19;
	v19 =	vld [tilespmem:s2+$0xD380]  }
0x3da: {  	v57 =	vmov s0  }
0x3db: {  	s31 =	sand.u32 $0xF, s31;
	vm14 =	veq.s32 v57, v0;
	v17 =	vadd.f32 v18, v17  }
0x3dc: {  	v58 =	vmov s31;
	v18 =	vnsel vm14, $0x0, v56  }
0x3dd: {  	vm15 =	veq.s32 v58, v0;
	v17 =	vadd.f32 v18, v17  }
0x3de: {  	v18 =	vnsel vm15, $0x0, v19  }
0x3df: {  	v17 =	vadd.f32 v18, v17;
	_ =	sdelay $0x1  }
0x3e0: {  	[tilespmem:v16+s23+$0x0] =	vst.idx.msk $0xffff, v17  }
0x3e1: {  	v17 =	vld [tilespmem:$0x10C00]  }
0x3e2: {  	v18 =	vld [tilespmem:$0x10C10];
	_ =	sdelay $0x1  }
0x3e3: {  	v19 =	vld [tilespmem:$0x10C20];
	_ =	sdelay $0x1  }
0x3e4: {  	v59 =	vld [tilespmem:$0x10C30]  }
0x3e5: {  	v17 =	vadd.f32 v18, v17  }
0x3e6: {  	v18 =	vld [tilespmem:$0x10C40]  }
0x3e7: {  	v17 =	vadd.f32 v19, v17  }
0x3e8: {  	v19 =	vld [tilespmem:$0x10C50]  }
0x3e9: {  	v17 =	vadd.f32 v59, v17  }
0x3ea: {  	v60 =	vld [tilespmem:$0x10C60]  }
0x3eb: {  	v17 =	vadd.f32 v18, v17  }
0x3ec: {  	v18 =	vld [tilespmem:$0x10C70]  }
0x3ed: {  	v17 =	vadd.f32 v19, v17  }
0x3ee: {  	v19 =	vld [tilespmem:$0x10C80]  }
0x3ef: {  	v17 =	vadd.f32 v60, v17  }
0x3f0: {  	v61 =	vld [tilespmem:$0x10C90]  }
0x3f1: {  	v17 =	vadd.f32 v18, v17  }
0x3f2: {  	v18 =	vld [tilespmem:$0x10CA0]  }
0x3f3: {  	v17 =	vadd.f32 v19, v17  }
0x3f4: {  	v19 =	vld [tilespmem:$0x10CB0]  }
0x3f5: {  	v17 =	vadd.f32 v61, v17  }
0x3f6: {  	v62 =	vld [tilespmem:$0x10CC0]  }
0x3f7: {  	v17 =	vadd.f32 v18, v17  }
0x3f8: {  	v18 =	vld [tilespmem:$0x10CD0]  }
0x3f9: {  	v17 =	vadd.f32 v19, v17  }
0x3fa: {  	v19 =	vld [tilespmem:$0x10CE0]  }
0x3fb: {  	v17 =	vadd.f32 v62, v17  }
0x3fc: {  	v63 =	vld [tilespmem:$0x10CF0]  }
0x3fd: {  	v17 =	vadd.f32 v18, v17  }
0x3fe: {  	p0 =	sne.s32 s24, $0xE000  }
.Ltmp3:
0x3ff: {  	v17 =	vadd.f32 v19, v17;
	(pc) =	sbr.rel @p0 .LBB2_8-.Ltmp3, $4  }
0x400: {  	_ = 	snop  }
0x401: {  	v17 =	vadd.f32 v63, v17  }
0x402: {  	s26 =	sadd.s32 $0x10, s26  }
0x403: {  	s28 =	sadd.s32 $0x10, s28;
	s24 =	sadd.s32 $0x2000, s24;
	[tilespmem:s25+$0x0] =	vst v17;
	s25 =	sadd.s32 $0x10, s25  }
0x404: {  	s0 =	simm.s32 $0x580  }
0x405: {  	[tilespmem:s15], [sflag:$0x1] =	stream.indirect.gather [hbm4b:s3+s13], $0x80, s0, s13, $0xb8;
	[tilespmem:$0x10F00] =	vst v63  }
0x406: {  	s31 =	simm.s32 $0x780  }
0x407: {  	[tilespmem:s17], [sflag:$0x1] =	stream.indirect.gather [hbm4b:s4+s13], $0x80, s31, s13, $0xb8;
	[tilespmem:$0x10F00] =	vst v63  }
0x408: {  	_ = 	snop  }
0x409: {  	[tilespmem:s19], [sflag:$0x1] =	stream.indirect.gather [hbm4b:s5+s13], $0x80, s14, s13, $0xb8;
	[tilespmem:$0x10F00] =	vst v63  }
0x40a: {  	_ = 	snop  }
0x40b: {  	[tilespmem:s21], [sflag:$0x1] =	stream.indirect.gather [hbm4b:s6+s13], $0x80, s16, s13, $0xb8;
	[tilespmem:$0x10F00] =	vst v63  }
0x40c: {  	_ =	swait.ge [sflag:s22], $0x4000  }
0x40d: {  	[sflag:s22] =	ssyncset.done $0x0  }
0x40e: {  	[sflag:s22] =	ssyncadd.s32 $0xFFFFC000  }
0x40f: {  	_ =	swait.ge [sflag:s22], $0x4000  }
0x410: {  	[sflag:s22] =	ssyncset.done $0x0  }
0x411: {  	[sflag:s22] =	ssyncadd.s32 $0xFFFFC000  }
0x412: {  	_ =	swait.ge [sflag:s22], $0x4000  }
0x413: {  	[sflag:s22] =	ssyncset.done $0x0  }
0x414: {  	[sflag:s22] =	ssyncadd.s32 $0xFFFFC000  }
0x415: {  	_ =	swait.ge [sflag:s22], $0x4000  }
0x416: {  	s24 =	simm.s32 $0x0;
	s25 =	simm.s32 $0x10E80;
	[sflag:s22] =	ssyncset.done $0x0  }
0x417: {  	s26 =	simm.s32 $0x380;
	s28 =	simm.s32 $0x180;
	[sflag:s22] =	ssyncadd.s32 $0xFFFFC000  }
.LBB2_10:
0x418: {  	v18 =	vld [tilespmem:s28+$0x0];
	_ =	sdelay $0x1  }
0x419: {  	v17 =	vld [tilespmem:s26+$0x0];
	_ =	sdelay $0x2  }
0x41a: {  	v19 =	vshrl.u32 v18, $0x6  }
0x41b: {  	s29 =	sshra.s32 s24, $0x2;
	v19 =	vand.u32 $0x60, v19  }
0x41c: {  	v20 =	vshrl.u32 v17, $0x6;
	v19 =	vadd.s32 s29, v19  }
0x41d: {  	v20 =	vand.u32 $0x60, v20;
	(v2sf) =	vpush v19, $0x1  }
0x41e: {  	v20 =	vadd.s32 s29, v20;
	(v2sf) =	vpush v19, $0x0  }
0x41f: {  	(v2sf) =	vpush v20, $0x1  }
0x420: {  	(v2sf) =	vpush v20, $0x0;
	_ =	sdelay $0x1  }
0x421: {  	(v2sf) =	vpush v18, $0x0;
	_ =	sdelay $0x1  }
0x422: {  	(v2sf) =	vpush v17, $0x0;
	_ =	sdelay $0x7  }
0x423: {  	s0 =	spop (v2sf)  }
0x424: {  	s2 =	spop (v2sf)  }
0x425: {  	s12 =	spop (v2sf);
	v21 =	vld [tilespmem:s2+$0xC00]  }
0x426: {  	v23 =	vld [tilespmem:s2+$0xC10];
	s30 =	spop (v2sf)  }
0x427: {  	v22 =	vld [tilespmem:s30+$0x4C00]  }
0x428: {  	v24 =	vld [tilespmem:s30+$0x4C10];
	s2 =	spop (v2sf)  }
0x429: {  	s30 =	sand.u32 $0x70, s2  }
0x42a: {  	(v2sf) =	vpush v18, $0x1;
	s31 =	spop (v2sf);
	s30 =	sadd.s32 s29, s30  }
0x42b: {  	v25 =	vld [tilespmem:s30+$0x8C00];
	s30 =	sand.u32 $0x70, s31  }
0x42c: {  	(v2sf) =	vpush v17, $0x1;
	s30 =	sadd.s32 s29, s30  }
0x42d: {  	s2 =	sand.u32 $0xF, s2;
	v21 =	vmul.f32 v22, v21;
	v61 =	vmul.f32 v24, v23;
	v62 =	vld [tilespmem:s30+$0xCC00]  }
0x42e: {  	v63 =	vmov s2  }
0x42f: {  	vm0 =	veq.s32 v63, v0;
	s31 =	sand.u32 $0xF, s31;
	v21 =	vadd.f32 v61, v21  }
0x430: {  	v29 =	vmov s31;
	v28 =	vnsel vm0, $0x0, v25  }
0x431: {  	vm9 =	veq.s32 v29, v0;
	v21 =	vadd.f32 v28, v21  }
0x432: {  	v30 =	vnsel vm9, $0x0, v62  }
0x433: {  	v21 =	vadd.f32 v30, v21;
	_ =	sdelay $0x1  }
0x434: {  	(v2sf) =	vpush v19, $0x3;
	[tilespmem:v1+s23+$0x0] =	vst.idx.msk $0xffff, v21  }
0x435: {  	(v2sf) =	vpush v19, $0x2;
	v21 =	vld [tilespmem:s0+$0xC80]  }
0x436: {  	(v2sf) =	vpush v20, $0x3;
	v31 =	vld [tilespmem:s12+$0x4C80]  }
0x437: {  	(v2sf) =	vpush v20, $0x2;
	v32 =	vld [tilespmem:s0+$0xC90]  }
0x438: {  	v33 =	vld [tilespmem:s12+$0x4C90];
	s0 =	spop (v2sf)  }
0x439: {  	s12 =	sand.u32 $0x70, s0  }
0x43a: {  	(v2sf) =	vpush v18, $0x2;
	s30 =	spop (v2sf);
	s2 =	sadd.s32 s29, s12  }
0x43b: {  	s31 =	sand.u32 $0x70, s30;
	v34 =	vld [tilespmem:s2+$0x8C80]  }
0x43c: {  	(v2sf) =	vpush v17, $0x2;
	s2 =	sadd.s32 s29, s31  }
0x43d: {  	s0 =	sand.u32 $0xF, s0;
	v36 =	vld [tilespmem:s2+$0xCC80];
	v21 =	vmul.f32 v31, v21;
	v35 =	vmul.f32 v33, v32  }
0x43e: {  	v37 =	vmov s0  }
0x43f: {  	s30 =	sand.u32 $0xF, s30;
	vm10 =	veq.s32 v37, v0;
	v21 =	vadd.f32 v35, v21  }
0x440: {  	v39 =	vmov s30;
	v38 =	vnsel vm10, $0x0, v34  }
0x441: {  	vm11 =	veq.s32 v39, v0;
	v21 =	vadd.f32 v38, v21  }
0x442: {  	v40 =	vnsel vm11, $0x0, v36  }
0x443: {  	s0 =	spop (v2sf);
	v21 =	vadd.f32 v40, v21  }
0x444: {  	s2 =	spop (v2sf)  }
0x445: {  	s12 =	spop (v2sf);
	[tilespmem:v2+s23+$0x0] =	vst.idx.msk $0xffff, v21  }
0x446: {  	s31 =	spop (v2sf);
	v21 =	vld [tilespmem:s2+$0xD00]  }
0x447: {  	v41 =	vld [tilespmem:s31+$0x4D00]  }
0x448: {  	v42 =	vld [tilespmem:s2+$0xD10]  }
0x449: {  	v43 =	vld [tilespmem:s31+$0x4D10];
	s2 =	spop (v2sf)  }
0x44a: {  	s30 =	sand.u32 $0x70, s2  }
0x44b: {  	(v2sf) =	vpush v18, $0x3;
	s31 =	spop (v2sf);
	s30 =	sadd.s32 s29, s30  }
0x44c: {  	v44 =	vld [tilespmem:s30+$0x8D00];
	s30 =	sand.u32 $0x70, s31  }
0x44d: {  	(v2sf) =	vpush v17, $0x3;
	s30 =	sadd.s32 s29, s30  }
0x44e: {  	s2 =	sand.u32 $0xF, s2;
	v21 =	vmul.f32 v41, v21;
	v45 =	vmul.f32 v43, v42;
	v46 =	vld [tilespmem:s30+$0xCD00]  }
0x44f: {  	v47 =	vmov s2  }
0x450: {  	vm12 =	veq.s32 v47, v0;
	s31 =	sand.u32 $0xF, s31;
	v21 =	vadd.f32 v45, v21  }
0x451: {  	v49 =	vmov s31;
	v48 =	vnsel vm12, $0x0, v44  }
0x452: {  	vm13 =	veq.s32 v49, v0;
	v21 =	vadd.f32 v48, v21  }
0x453: {  	v50 =	vnsel vm13, $0x0, v46  }
0x454: {  	v21 =	vadd.f32 v50, v21;
	_ =	sdelay $0x1  }
0x455: {  	(v2sf) =	vpush v19, $0x5;
	[tilespmem:v3+s23+$0x0] =	vst.idx.msk $0xffff, v21  }
0x456: {  	(v2sf) =	vpush v19, $0x4;
	v21 =	vld [tilespmem:s0+$0xD80]  }
0x457: {  	(v2sf) =	vpush v20, $0x5;
	v51 =	vld [tilespmem:s12+$0x4D80]  }
0x458: {  	(v2sf) =	vpush v20, $0x4;
	v52 =	vld [tilespmem:s0+$0xD90]  }
0x459: {  	v53 =	vld [tilespmem:s12+$0x4D90];
	s0 =	spop (v2sf)  }
0x45a: {  	s12 =	sand.u32 $0x70, s0  }
0x45b: {  	(v2sf) =	vpush v18, $0x4;
	s30 =	spop (v2sf);
	s2 =	sadd.s32 s29, s12  }
0x45c: {  	s31 =	sand.u32 $0x70, s30;
	v54 =	vld [tilespmem:s2+$0x8D80]  }
0x45d: {  	(v2sf) =	vpush v17, $0x4;
	s2 =	sadd.s32 s29, s31  }
0x45e: {  	s0 =	sand.u32 $0xF, s0;
	v21 =	vmul.f32 v51, v21;
	v55 =	vmul.f32 v53, v52;
	v56 =	vld [tilespmem:s2+$0xCD80]  }
0x45f: {  	v57 =	vmov s0  }
0x460: {  	s30 =	sand.u32 $0xF, s30;
	vm14 =	veq.s32 v57, v0;
	v21 =	vadd.f32 v55, v21  }
0x461: {  	v59 =	vmov s30;
	v58 =	vnsel vm14, $0x0, v54  }
0x462: {  	vm15 =	veq.s32 v59, v0;
	v21 =	vadd.f32 v58, v21  }
0x463: {  	v60 =	vnsel vm15, $0x0, v56  }
0x464: {  	s0 =	spop (v2sf);
	v21 =	vadd.f32 v60, v21  }
0x465: {  	s2 =	spop (v2sf)  }
0x466: {  	s12 =	spop (v2sf);
	[tilespmem:v4+s23+$0x0] =	vst.idx.msk $0xffff, v21  }
0x467: {  	s31 =	spop (v2sf);
	v21 =	vld [tilespmem:s2+$0xE00]  }
0x468: {  	v61 =	vld [tilespmem:s31+$0x4E00]  }
0x469: {  	v62 =	vld [tilespmem:s2+$0xE10]  }
0x46a: {  	v63 =	vld [tilespmem:s31+$0x4E10];
	s2 =	spop (v2sf)  }
0x46b: {  	s30 =	sand.u32 $0x70, s2  }
0x46c: {  	(v2sf) =	vpush v18, $0x5;
	s31 =	spop (v2sf);
	s30 =	sadd.s32 s29, s30  }
0x46d: {  	v28 =	vld [tilespmem:s30+$0x8E00];
	s30 =	sand.u32 $0x70, s31  }
0x46e: {  	(v2sf) =	vpush v17, $0x5;
	s30 =	sadd.s32 s29, s30  }
0x46f: {  	s2 =	sand.u32 $0xF, s2;
	v21 =	vmul.f32 v61, v21;
	v29 =	vmul.f32 v63, v62;
	v30 =	vld [tilespmem:s30+$0xCE00]  }
0x470: {  	v31 =	vmov s2  }
0x471: {  	vm4 =	veq.s32 v31, v0;
	s31 =	sand.u32 $0xF, s31;
	v21 =	vadd.f32 v29, v21  }
0x472: {  	v33 =	vmov s31;
	v32 =	vnsel vm4, $0x0, v28  }
0x473: {  	vm5 =	veq.s32 v33, v0;
	v21 =	vadd.f32 v32, v21  }
0x474: {  	v34 =	vnsel vm5, $0x0, v30  }
0x475: {  	v21 =	vadd.f32 v34, v21;
	_ =	sdelay $0x1  }
0x476: {  	(v2sf) =	vpush v19, $0x7;
	[tilespmem:v5+s23+$0x0] =	vst.idx.msk $0xffff, v21  }
0x477: {  	(v2sf) =	vpush v19, $0x6;
	v21 =	vld [tilespmem:s0+$0xE80]  }
0x478: {  	(v2sf) =	vpush v20, $0x7;
	v35 =	vld [tilespmem:s12+$0x4E80]  }
0x479: {  	(v2sf) =	vpush v20, $0x6;
	v36 =	vld [tilespmem:s0+$0xE90]  }
0x47a: {  	v37 =	vld [tilespmem:s12+$0x4E90];
	s0 =	spop (v2sf)  }
0x47b: {  	s12 =	sand.u32 $0x70, s0  }
0x47c: {  	(v2sf) =	vpush v18, $0x6;
	s30 =	spop (v2sf);
	s2 =	sadd.s32 s29, s12  }
0x47d: {  	s31 =	sand.u32 $0x70, s30;
	v38 =	vld [tilespmem:s2+$0x8E80]  }
0x47e: {  	(v2sf) =	vpush v17, $0x6;
	s2 =	sadd.s32 s29, s31  }
0x47f: {  	s0 =	sand.u32 $0xF, s0;
	v21 =	vmul.f32 v35, v21;
	v39 =	vmul.f32 v37, v36;
	v40 =	vld [tilespmem:s2+$0xCE80]  }
0x480: {  	v41 =	vmov s0  }
0x481: {  	s30 =	sand.u32 $0xF, s30;
	vm6 =	veq.s32 v41, v0;
	v21 =	vadd.f32 v39, v21  }
0x482: {  	v43 =	vmov s30;
	v42 =	vnsel vm6, $0x0, v38  }
0x483: {  	vm7 =	veq.s32 v43, v0;
	v21 =	vadd.f32 v42, v21  }
0x484: {  	v44 =	vnsel vm7, $0x0, v40  }
0x485: {  	s0 =	spop (v2sf);
	v21 =	vadd.f32 v44, v21  }
0x486: {  	s2 =	spop (v2sf)  }
0x487: {  	s12 =	spop (v2sf);
	[tilespmem:v6+s23+$0x0] =	vst.idx.msk $0xffff, v21  }
0x488: {  	s31 =	spop (v2sf);
	v21 =	vld [tilespmem:s2+$0xF00]  }
0x489: {  	v45 =	vld [tilespmem:s31+$0x4F00]  }
0x48a: {  	v46 =	vld [tilespmem:s2+$0xF10]  }
0x48b: {  	v47 =	vld [tilespmem:s31+$0x4F10];
	s2 =	spop (v2sf)  }
0x48c: {  	s30 =	sand.u32 $0x70, s2  }
0x48d: {  	(v2sf) =	vpush v18, $0x7;
	s31 =	spop (v2sf);
	s30 =	sadd.s32 s29, s30  }
0x48e: {  	v48 =	vld [tilespmem:s30+$0x8F00];
	s30 =	sand.u32 $0x70, s31  }
0x48f: {  	(v2sf) =	vpush v17, $0x7;
	s30 =	sadd.s32 s29, s30  }
0x490: {  	s2 =	sand.u32 $0xF, s2;
	v21 =	vmul.f32 v45, v21;
	v49 =	vmul.f32 v47, v46;
	v50 =	vld [tilespmem:s30+$0xCF00]  }
0x491: {  	v51 =	vmov s2  }
0x492: {  	vm8 =	veq.s32 v51, v0;
	s31 =	sand.u32 $0xF, s31;
	v21 =	vadd.f32 v49, v21  }
0x493: {  	v53 =	vmov s31;
	v52 =	vnsel vm8, $0x0, v48  }
0x494: {  	vm9 =	veq.s32 v53, v0;
	v21 =	vadd.f32 v52, v21  }
0x495: {  	v54 =	vnsel vm9, $0x0, v50  }
0x496: {  	v21 =	vadd.f32 v54, v21;
	_ =	sdelay $0x1  }
0x497: {  	(v2sf) =	vpush v19, $0x9;
	[tilespmem:v7+s23+$0x0] =	vst.idx.msk $0xffff, v21  }
0x498: {  	(v2sf) =	vpush v19, $0x8;
	v21 =	vld [tilespmem:s0+$0xF80]  }
0x499: {  	(v2sf) =	vpush v20, $0x9;
	v55 =	vld [tilespmem:s12+$0x4F80]  }
0x49a: {  	(v2sf) =	vpush v20, $0x8;
	v56 =	vld [tilespmem:s0+$0xF90]  }
0x49b: {  	v57 =	vld [tilespmem:s12+$0x4F90];
	s0 =	spop (v2sf)  }
0x49c: {  	s12 =	sand.u32 $0x70, s0  }
0x49d: {  	(v2sf) =	vpush v18, $0x8;
	s30 =	spop (v2sf);
	s2 =	sadd.s32 s29, s12  }
0x49e: {  	s31 =	sand.u32 $0x70, s30;
	v58 =	vld [tilespmem:s2+$0x8F80]  }
0x49f: {  	(v2sf) =	vpush v17, $0x8;
	s2 =	sadd.s32 s29, s31  }
0x4a0: {  	s0 =	sand.u32 $0xF, s0;
	v21 =	vmul.f32 v55, v21;
	v59 =	vmul.f32 v57, v56;
	v60 =	vld [tilespmem:s2+$0xCF80]  }
0x4a1: {  	v61 =	vmov s0  }
0x4a2: {  	s30 =	sand.u32 $0xF, s30;
	vm10 =	veq.s32 v61, v0;
	v21 =	vadd.f32 v59, v21  }
0x4a3: {  	v63 =	vmov s30;
	v62 =	vnsel vm10, $0x0, v58  }
0x4a4: {  	vm11 =	veq.s32 v63, v0;
	v21 =	vadd.f32 v62, v21  }
0x4a5: {  	v27 =	vnsel vm11, $0x0, v60  }
0x4a6: {  	s0 =	spop (v2sf);
	v21 =	vadd.f32 v27, v21  }
0x4a7: {  	s2 =	spop (v2sf)  }
0x4a8: {  	s12 =	spop (v2sf);
	[tilespmem:v8+s23+$0x0] =	vst.idx.msk $0xffff, v21  }
0x4a9: {  	s31 =	spop (v2sf);
	v21 =	vld [tilespmem:s2+$0x1000]  }
0x4aa: {  	v28 =	vld [tilespmem:s31+$0x5000]  }
0x4ab: {  	v29 =	vld [tilespmem:s2+$0x1010]  }
0x4ac: {  	v30 =	vld [tilespmem:s31+$0x5010];
	s2 =	spop (v2sf)  }
0x4ad: {  	s30 =	sand.u32 $0x70, s2  }
0x4ae: {  	(v2sf) =	vpush v18, $0x9;
	s31 =	spop (v2sf);
	s30 =	sadd.s32 s29, s30  }
0x4af: {  	v31 =	vld [tilespmem:s30+$0x9000];
	s30 =	sand.u32 $0x70, s31  }
0x4b0: {  	(v2sf) =	vpush v17, $0x9;
	s30 =	sadd.s32 s29, s30  }
0x4b1: {  	s2 =	sand.u32 $0xF, s2;
	v21 =	vmul.f32 v28, v21;
	v32 =	vmul.f32 v30, v29;
	v33 =	vld [tilespmem:s30+$0xD000]  }
0x4b2: {  	v34 =	vmov s2  }
0x4b3: {  	vm12 =	veq.s32 v34, v0;
	s31 =	sand.u32 $0xF, s31;
	v21 =	vadd.f32 v32, v21  }
0x4b4: {  	v36 =	vmov s31;
	v35 =	vnsel vm12, $0x0, v31  }
0x4b5: {  	vm13 =	veq.s32 v36, v0;
	v21 =	vadd.f32 v35, v21  }
0x4b6: {  	v37 =	vnsel vm13, $0x0, v33  }
0x4b7: {  	v21 =	vadd.f32 v37, v21;
	_ =	sdelay $0x1  }
0x4b8: {  	(v2sf) =	vpush v19, $0xB;
	[tilespmem:v9+s23+$0x0] =	vst.idx.msk $0xffff, v21  }
0x4b9: {  	(v2sf) =	vpush v19, $0xA;
	v21 =	vld [tilespmem:s0+$0x1080]  }
0x4ba: {  	(v2sf) =	vpush v20, $0xB;
	v38 =	vld [tilespmem:s12+$0x5080]  }
0x4bb: {  	(v2sf) =	vpush v20, $0xA;
	v39 =	vld [tilespmem:s0+$0x1090]  }
0x4bc: {  	v40 =	vld [tilespmem:s12+$0x5090];
	s0 =	spop (v2sf)  }
0x4bd: {  	s12 =	sand.u32 $0x70, s0  }
0x4be: {  	(v2sf) =	vpush v18, $0xA;
	s30 =	spop (v2sf);
	s2 =	sadd.s32 s29, s12  }
0x4bf: {  	s31 =	sand.u32 $0x70, s30;
	v41 =	vld [tilespmem:s2+$0x9080]  }
0x4c0: {  	(v2sf) =	vpush v17, $0xA;
	s2 =	sadd.s32 s29, s31  }
0x4c1: {  	s0 =	sand.u32 $0xF, s0;
	v21 =	vmul.f32 v38, v21;
	v42 =	vmul.f32 v40, v39;
	v43 =	vld [tilespmem:s2+$0xD080]  }
0x4c2: {  	v44 =	vmov s0  }
0x4c3: {  	s30 =	sand.u32 $0xF, s30;
	vm14 =	veq.s32 v44, v0;
	v21 =	vadd.f32 v42, v21  }
0x4c4: {  	v46 =	vmov s30;
	v45 =	vnsel vm14, $0x0, v41  }
0x4c5: {  	vm15 =	veq.s32 v46, v0;
	v21 =	vadd.f32 v45, v21  }
0x4c6: {  	v47 =	vnsel vm15, $0x0, v43  }
0x4c7: {  	s0 =	spop (v2sf);
	v21 =	vadd.f32 v47, v21  }
0x4c8: {  	s2 =	spop (v2sf)  }
0x4c9: {  	s12 =	spop (v2sf);
	[tilespmem:v10+s23+$0x0] =	vst.idx.msk $0xffff, v21  }
0x4ca: {  	s31 =	spop (v2sf);
	v21 =	vld [tilespmem:s2+$0x1100]  }
0x4cb: {  	v48 =	vld [tilespmem:s31+$0x5100]  }
0x4cc: {  	v49 =	vld [tilespmem:s2+$0x1110]  }
0x4cd: {  	v50 =	vld [tilespmem:s31+$0x5110];
	s2 =	spop (v2sf)  }
0x4ce: {  	s30 =	sand.u32 $0x70, s2  }
0x4cf: {  	(v2sf) =	vpush v18, $0xB;
	s31 =	spop (v2sf);
	s30 =	sadd.s32 s29, s30  }
0x4d0: {  	v51 =	vld [tilespmem:s30+$0x9100];
	s30 =	sand.u32 $0x70, s31  }
0x4d1: {  	(v2sf) =	vpush v17, $0xB;
	s30 =	sadd.s32 s29, s30  }
0x4d2: {  	s2 =	sand.u32 $0xF, s2;
	v21 =	vmul.f32 v48, v21;
	v52 =	vmul.f32 v50, v49;
	v53 =	vld [tilespmem:s30+$0xD100]  }
0x4d3: {  	v54 =	vmov s2  }
0x4d4: {  	vm4 =	veq.s32 v54, v0;
	s31 =	sand.u32 $0xF, s31;
	v21 =	vadd.f32 v52, v21  }
0x4d5: {  	v56 =	vmov s31;
	v55 =	vnsel vm4, $0x0, v51  }
0x4d6: {  	vm5 =	veq.s32 v56, v0;
	v21 =	vadd.f32 v55, v21  }
0x4d7: {  	v57 =	vnsel vm5, $0x0, v53  }
0x4d8: {  	v21 =	vadd.f32 v57, v21;
	_ =	sdelay $0x1  }
0x4d9: {  	(v2sf) =	vpush v19, $0xD;
	[tilespmem:v11+s23+$0x0] =	vst.idx.msk $0xffff, v21  }
0x4da: {  	(v2sf) =	vpush v19, $0xC;
	v21 =	vld [tilespmem:s0+$0x1180]  }
0x4db: {  	(v2sf) =	vpush v20, $0xD;
	v58 =	vld [tilespmem:s12+$0x5180]  }
0x4dc: {  	(v2sf) =	vpush v20, $0xC;
	v59 =	vld [tilespmem:s0+$0x1190]  }
0x4dd: {  	v60 =	vld [tilespmem:s12+$0x5190];
	s0 =	spop (v2sf)  }
0x4de: {  	s12 =	sand.u32 $0x70, s0  }
0x4df: {  	(v2sf) =	vpush v18, $0xC;
	s30 =	spop (v2sf);
	s2 =	sadd.s32 s29, s12  }
0x4e0: {  	s31 =	sand.u32 $0x70, s30;
	v61 =	vld [tilespmem:s2+$0x9180]  }
0x4e1: {  	(v2sf) =	vpush v17, $0xC;
	s2 =	sadd.s32 s29, s31  }
0x4e2: {  	s0 =	sand.u32 $0xF, s0;
	v21 =	vmul.f32 v58, v21;
	v62 =	vmul.f32 v60, v59;
	v63 =	vld [tilespmem:s2+$0xD180]  }
0x4e3: {  	v28 =	vmov s0  }
0x4e4: {  	s30 =	sand.u32 $0xF, s30;
	vm6 =	veq.s32 v28, v0;
	v21 =	vadd.f32 v62, v21  }
0x4e5: {  	v30 =	vmov s30;
	v29 =	vnsel vm6, $0x0, v61  }
0x4e6: {  	vm7 =	veq.s32 v30, v0;
	v21 =	vadd.f32 v29, v21  }
0x4e7: {  	v31 =	vnsel vm7, $0x0, v63  }
0x4e8: {  	s0 =	spop (v2sf);
	v21 =	vadd.f32 v31, v21  }
0x4e9: {  	s2 =	spop (v2sf)  }
0x4ea: {  	s12 =	spop (v2sf);
	[tilespmem:v12+s23+$0x0] =	vst.idx.msk $0xffff, v21  }
0x4eb: {  	s31 =	spop (v2sf);
	v21 =	vld [tilespmem:s2+$0x1200]  }
0x4ec: {  	v32 =	vld [tilespmem:s31+$0x5200]  }
0x4ed: {  	v33 =	vld [tilespmem:s2+$0x1210]  }
0x4ee: {  	v34 =	vld [tilespmem:s31+$0x5210];
	s2 =	spop (v2sf)  }
0x4ef: {  	s30 =	sand.u32 $0x70, s2  }
0x4f0: {  	(v2sf) =	vpush v18, $0xD;
	s31 =	spop (v2sf);
	s30 =	sadd.s32 s29, s30  }
0x4f1: {  	v35 =	vld [tilespmem:s30+$0x9200];
	s30 =	sand.u32 $0x70, s31  }
0x4f2: {  	(v2sf) =	vpush v17, $0xD;
	s30 =	sadd.s32 s29, s30  }
0x4f3: {  	s2 =	sand.u32 $0xF, s2;
	v21 =	vmul.f32 v32, v21;
	v36 =	vmul.f32 v34, v33;
	v37 =	vld [tilespmem:s30+$0xD200]  }
0x4f4: {  	v38 =	vmov s2  }
0x4f5: {  	vm8 =	veq.s32 v38, v0;
	s31 =	sand.u32 $0xF, s31;
	v21 =	vadd.f32 v36, v21  }
0x4f6: {  	v40 =	vmov s31;
	v39 =	vnsel vm8, $0x0, v35  }
0x4f7: {  	vm9 =	veq.s32 v40, v0;
	v21 =	vadd.f32 v39, v21  }
0x4f8: {  	v41 =	vnsel vm9, $0x0, v37  }
0x4f9: {  	v21 =	vadd.f32 v41, v21;
	_ =	sdelay $0x1  }
0x4fa: {  	(v2sf) =	vpush v19, $0xF;
	[tilespmem:v13+s23+$0x0] =	vst.idx.msk $0xffff, v21  }
0x4fb: {  	(v2sf) =	vpush v19, $0xE;
	v21 =	vld [tilespmem:s0+$0x1280]  }
0x4fc: {  	(v2sf) =	vpush v20, $0xF;
	v19 =	vld [tilespmem:s12+$0x5280]  }
0x4fd: {  	(v2sf) =	vpush v20, $0xE;
	v42 =	vld [tilespmem:s0+$0x1290]  }
0x4fe: {  	v43 =	vld [tilespmem:s12+$0x5290];
	s0 =	spop (v2sf)  }
0x4ff: {  	s12 =	sand.u32 $0x70, s0  }
0x500: {  	(v2sf) =	vpush v18, $0xE;
	s30 =	spop (v2sf);
	s2 =	sadd.s32 s29, s12  }
0x501: {  	s31 =	sand.u32 $0x70, s30;
	v44 =	vld [tilespmem:s2+$0x9280]  }
0x502: {  	(v2sf) =	vpush v17, $0xE;
	s2 =	sadd.s32 s29, s31  }
0x503: {  	s0 =	sand.u32 $0xF, s0;
	v19 =	vmul.f32 v19, v21;
	v20 =	vmul.f32 v43, v42;
	v45 =	vld [tilespmem:s2+$0xD280]  }
0x504: {  	v46 =	vmov s0  }
0x505: {  	s30 =	sand.u32 $0xF, s30;
	vm10 =	veq.s32 v46, v0;
	v19 =	vadd.f32 v20, v19  }
0x506: {  	v48 =	vmov s30;
	v47 =	vnsel vm10, $0x0, v44  }
0x507: {  	vm11 =	veq.s32 v48, v0;
	v19 =	vadd.f32 v47, v19  }
0x508: {  	v49 =	vnsel vm11, $0x0, v45  }
0x509: {  	s0 =	spop (v2sf);
	v19 =	vadd.f32 v49, v19  }
0x50a: {  	s2 =	spop (v2sf)  }
0x50b: {  	s12 =	spop (v2sf);
	[tilespmem:v14+s23+$0x0] =	vst.idx.msk $0xffff, v19  }
0x50c: {  	s31 =	spop (v2sf);
	v19 =	vld [tilespmem:s2+$0x1300]  }
0x50d: {  	v50 =	vld [tilespmem:s31+$0x5300]  }
0x50e: {  	v51 =	vld [tilespmem:s2+$0x1310]  }
0x50f: {  	v52 =	vld [tilespmem:s31+$0x5310];
	s2 =	spop (v2sf)  }
0x510: {  	s30 =	sand.u32 $0x70, s2  }
0x511: {  	(v2sf) =	vpush v18, $0xF;
	s31 =	spop (v2sf);
	s30 =	sadd.s32 s29, s30  }
0x512: {  	v18 =	vld [tilespmem:s30+$0x9300];
	s30 =	sand.u32 $0x70, s31  }
0x513: {  	(v2sf) =	vpush v17, $0xF;
	s30 =	sadd.s32 s29, s30  }
0x514: {  	s2 =	sand.u32 $0xF, s2;
	v17 =	vmul.f32 v50, v19;
	v19 =	vmul.f32 v52, v51;
	v53 =	vld [tilespmem:s30+$0xD300]  }
0x515: {  	v54 =	vmov s2  }
0x516: {  	vm12 =	veq.s32 v54, v0;
	s31 =	sand.u32 $0xF, s31;
	v17 =	vadd.f32 v19, v17  }
0x517: {  	v19 =	vmov s31;
	v18 =	vnsel vm12, $0x0, v18  }
0x518: {  	vm13 =	veq.s32 v19, v0;
	v17 =	vadd.f32 v18, v17  }
0x519: {  	v18 =	vnsel vm13, $0x0, v53  }
0x51a: {  	v17 =	vadd.f32 v18, v17;
	_ =	sdelay $0x1  }
0x51b: {  	[tilespmem:v15+s23+$0x0] =	vst.idx.msk $0xffff, v17  }
0x51c: {  	v17 =	vld [tilespmem:s0+$0x1380]  }
0x51d: {  	v18 =	vld [tilespmem:s12+$0x5380]  }
0x51e: {  	v19 =	vld [tilespmem:s0+$0x1390]  }
0x51f: {  	v55 =	vld [tilespmem:s12+$0x5390];
	s0 =	spop (v2sf)  }
0x520: {  	s30 =	sand.u32 $0x70, s0  }
0x521: {  	s31 =	spop (v2sf);
	s2 =	sadd.s32 s29, s30  }
0x522: {  	s30 =	sand.u32 $0x70, s31;
	v56 =	vld [tilespmem:s2+$0x9380]  }
0x523: {  	s2 =	sadd.s32 s29, s30  }
0x524: {  	s0 =	sand.u32 $0xF, s0;
	v17 =	vmul.f32 v18, v17;
	v18 =	vmul.f32 v55, v19;
	v19 =	vld [tilespmem:s2+$0xD380]  }
0x525: {  	v57 =	vmov s0  }
0x526: {  	s31 =	sand.u32 $0xF, s31;
	vm14 =	veq.s32 v57, v0;
	v17 =	vadd.f32 v18, v17  }
0x527: {  	v58 =	vmov s31;
	v18 =	vnsel vm14, $0x0, v56  }
0x528: {  	vm15 =	veq.s32 v58, v0;
	v17 =	vadd.f32 v18, v17  }
0x529: {  	v18 =	vnsel vm15, $0x0, v19  }
0x52a: {  	v17 =	vadd.f32 v18, v17;
	_ =	sdelay $0x1  }
0x52b: {  	[tilespmem:v16+s23+$0x0] =	vst.idx.msk $0xffff, v17  }
0x52c: {  	v17 =	vld [tilespmem:$0x10C00]  }
0x52d: {  	v18 =	vld [tilespmem:$0x10C10];
	_ =	sdelay $0x1  }
0x52e: {  	v19 =	vld [tilespmem:$0x10C20];
	_ =	sdelay $0x1  }
0x52f: {  	v59 =	vld [tilespmem:$0x10C30]  }
0x530: {  	v17 =	vadd.f32 v18, v17  }
0x531: {  	v18 =	vld [tilespmem:$0x10C40]  }
0x532: {  	v17 =	vadd.f32 v19, v17  }
0x533: {  	v19 =	vld [tilespmem:$0x10C50]  }
0x534: {  	v17 =	vadd.f32 v59, v17  }
0x535: {  	v60 =	vld [tilespmem:$0x10C60]  }
0x536: {  	v17 =	vadd.f32 v18, v17  }
0x537: {  	v18 =	vld [tilespmem:$0x10C70]  }
0x538: {  	v17 =	vadd.f32 v19, v17  }
0x539: {  	v19 =	vld [tilespmem:$0x10C80]  }
0x53a: {  	v17 =	vadd.f32 v60, v17  }
0x53b: {  	v61 =	vld [tilespmem:$0x10C90]  }
0x53c: {  	v17 =	vadd.f32 v18, v17  }
0x53d: {  	v18 =	vld [tilespmem:$0x10CA0]  }
0x53e: {  	v17 =	vadd.f32 v19, v17  }
0x53f: {  	v19 =	vld [tilespmem:$0x10CB0]  }
0x540: {  	v17 =	vadd.f32 v61, v17  }
0x541: {  	v62 =	vld [tilespmem:$0x10CC0]  }
0x542: {  	v17 =	vadd.f32 v18, v17  }
0x543: {  	v18 =	vld [tilespmem:$0x10CD0]  }
0x544: {  	v17 =	vadd.f32 v19, v17  }
0x545: {  	v19 =	vld [tilespmem:$0x10CE0]  }
0x546: {  	v17 =	vadd.f32 v62, v17  }
0x547: {  	v63 =	vld [tilespmem:$0x10CF0]  }
0x548: {  	v17 =	vadd.f32 v18, v17  }
0x549: {  	p0 =	sne.s32 s24, $0xE000  }
.Ltmp4:
0x54a: {  	v17 =	vadd.f32 v19, v17;
	(pc) =	sbr.rel @p0 .LBB2_10-.Ltmp4, $4  }
0x54b: {  	_ = 	snop  }
0x54c: {  	v17 =	vadd.f32 v63, v17  }
0x54d: {  	s26 =	sadd.s32 $0x10, s26  }
0x54e: {  	s28 =	sadd.s32 $0x10, s28;
	s24 =	sadd.s32 $0x2000, s24;
	[tilespmem:s25+$0x0] =	vst v17;
	s25 =	sadd.s32 $0x10, s25  }
0x54f: {  	s20 =	sadd.s32 $0x1, s20  }
0x550: {  	p0 =	sne.s32 s20, s10  }
.Ltmp5:
0x551: {  	_ = 	snop;
	(pc) =	sbr.rel @p0 .LBB2_1-.Ltmp5, $4  }
0x552: {  	[hbm4b:s9+s1] =	stream.linear.scatter [tilespmem:s18], [sflag:$0x2], $0x200, $0x38;
	[tilespmem:$0x10F00] =	vst v63  }
0x553: {  	_ =	swait.ge [sflag:s11], $0x200  }
0x554: {  	[sflag:s11] =	ssyncset.done $0x0  }
0x555: {  	[sflag:s11] =	ssyncadd.s32 $0xFFFFFE00  }
0x556: {  	_ =	sfence.sel $0x180000  }
0x557: {  	[bflag:$0x0] =	sbarrier.arrive $0xFFFF  }
0x558: {  	_ =	strace $0x90000047  }
0x559: {  	s0 =	stileid.u32;
	[bflag:$0x2] =	sbarrier.arrive $0xFFFF  }
0x55a: {  	p0 =	sne.s32 s0, $0x0;
	s0 =	rddreg [dreg:$0x2]  }
0x55b: {  	s0 =	sadd.s32 @!p0 $0x100000, s0  }
0x55c: {  	[sflag:s0] =	ssyncadd.tile.s32 @!p0 $0x1;
	_ =	shalt  }
.Lfunc_end2:
_tile_overlayer_lowered:
.L_overlay_start_2:
0x55d: {  	(tag) =	ssettag $0x2  }
0x55e: {  	s0 =	rddreg [dreg:$0x0];
	s2 =	stileid.u32  }
0x55f: {  	s1 =	rddreg [dreg:$0x1];
	p0 =	sne.s32 s2, $0x0  }
0x560: {  	s3 =	rddreg [dreg:$0x2];
	[bflag:$0x3] =	sbarrier.arrive $0xFFFF;
	s2 =	simm.s32 @!p0 $0x1C02  }
0x561: {  	[timem:s3], [sflag:s2] =	dma.local @!p0 [hbm:s0], s1  }
0x562: {  	s0 =	simm.s32 @!p0 $0x2  }
0x563: {  	_ =	swait.ge @!p0 [sflag:s0], s1  }
0x564: {  	s1 =	ssub.s32 @!p0 $0x0, s1;
	[sflag:s0] =	ssyncset.done @!p0 $0x0  }
0x565: {  	[sflag:s0] =	ssyncadd.s32 @!p0 s1  }
0x566: {  	[bflag:$0x3] =	sbarrier.arrive $0xFFFF  }
0x567: {  	_ =	shalt  }

</sc_bundles>
